<compile_context>
chip_gen: v7x
topology: tpu7x:2x2x1
jax: 0.10.2.dev20260603
libtpu: 0.0.44.dev20260713+nightly
codegen_flags: <defaults>
</compile_context>

<pallas_src>
import functools

import jax
import jax.numpy as jnp
from jax import lax
from jax.experimental import pallas as pl
from jax.experimental.pallas import tpu as pltpu
from jax.experimental.pallas import tpu_sc as plsc

ATOM_FEA = 128
NBR_FEA = 16
N_NODES = 10000
N_EDGES = 320000
OUT_DIM = 2 * ATOM_FEA
EPS = 1e-5

NC, NS = 2, 16
NW = NC * NS
E_HALF = N_EDGES // 2
EPW = E_HALF // NW

GB = 40
N_GCHUNK = EPW // GB
SB = 40
N_SCHUNK = EPW // SB

NODE_BLK = 1000
EB = 2000
N_EBLK_H = E_HALF // EB


def _mesh():
    return plsc.VectorSubcoreMesh(core_axis_name="c", subcore_axis_name="s",
                                  num_cores=NC, num_subcores=NS)


def _bf16_bits(x):
    u = lax.bitcast_convert_type(x, jnp.uint32)
    r = u + jnp.uint32(0x7FFF) + ((u >> jnp.uint32(16)) & jnp.uint32(1))
    return r >> jnp.uint32(16)


def _prep_body(a_ref, wse_ref, wso_ref, wde_ref, wdo_ref, ps_ref, pd_ref):
    a = a_ref[...]
    dn = (((1,), (1,)), ((), ()))

    def proj_pack(we, wo):
        e = lax.dot_general(a, we, dn, preferred_element_type=jnp.float32)
        o = lax.dot_general(a, wo, dn, preferred_element_type=jnp.float32)
        packed = _bf16_bits(e) | (_bf16_bits(o) << jnp.uint32(16))
        return lax.bitcast_convert_type(packed, jnp.int32)

    ps_ref[...] = proj_pack(wse_ref[...], wso_ref[...])
    pd_ref[...] = proj_pack(wde_ref[...], wdo_ref[...])


def _prep(atom_in_fea, wse, wso, wde, wdo):
    return pl.pallas_call(
        _prep_body,
        grid=(N_NODES // NODE_BLK,),
        in_specs=[
            pl.BlockSpec((NODE_BLK, ATOM_FEA), lambda i: (i, 0)),
            pl.BlockSpec((ATOM_FEA, ATOM_FEA), lambda i: (0, 0)),
            pl.BlockSpec((ATOM_FEA, ATOM_FEA), lambda i: (0, 0)),
            pl.BlockSpec((ATOM_FEA, ATOM_FEA), lambda i: (0, 0)),
            pl.BlockSpec((ATOM_FEA, ATOM_FEA), lambda i: (0, 0)),
        ],
        out_specs=[
            pl.BlockSpec((NODE_BLK, OUT_DIM // 2), lambda i: (i, 0)),
            pl.BlockSpec((NODE_BLK, OUT_DIM // 2), lambda i: (i, 0)),
        ],
        out_shape=[jax.ShapeDtypeStruct((N_NODES, OUT_DIM // 2),
                                        jnp.int32)] * 2,
    )(atom_in_fea, wse, wso, wde, wdo)


def _gather_body(base, ps_hbm, pd_hbm, src_hbm, dst_hbm, gs_hbm, gd_hbm,
                 si_v, di_v, rs, rd, sem_s, sem_d, sem_ws, sem_wd):
    wid = lax.axis_index("s") * NC + lax.axis_index("c")
    base0 = base + wid * EPW
    obase = wid * EPW
    pltpu.sync_copy(src_hbm.at[pl.ds(base0, EPW)], si_v)
    pltpu.sync_copy(dst_hbm.at[pl.ds(base0, EPW)], di_v)

    def issue(j, p):
        off = j * GB
        pltpu.async_copy(ps_hbm.at[si_v.at[pl.ds(off, GB)]], rs.at[p], sem_s[p])
        pltpu.async_copy(pd_hbm.at[di_v.at[pl.ds(off, GB)]], rd.at[p], sem_d[p])

    def wait_writes(q):
        pltpu.make_async_copy(rs.at[q], gs_hbm.at[pl.ds(0, GB)],
                              sem_ws[q]).wait()
        pltpu.make_async_copy(rd.at[q], gd_hbm.at[pl.ds(0, GB)],
                              sem_wd[q]).wait()

    issue(0, 0)
    issue(1, 1)

    def step(j, p):
        pltpu.make_async_copy(ps_hbm.at[si_v.at[pl.ds(0, GB)]],
                              rs.at[p], sem_s[p]).wait()
        pltpu.make_async_copy(pd_hbm.at[di_v.at[pl.ds(0, GB)]],
                              rd.at[p], sem_d[p]).wait()
        pltpu.async_copy(rs.at[p], gs_hbm.at[pl.ds(obase + j * GB, GB)],
                         sem_ws[p])
        pltpu.async_copy(rd.at[p], gd_hbm.at[pl.ds(obase + j * GB, GB)],
                         sem_wd[p])
        q = (p + 2) % 4

        @pl.when(j >= 2)
        def _():
            wait_writes(q)

        @pl.when(j + 2 < N_GCHUNK)
        def _():
            issue(j + 2, q)

    def quad(k, carry):
        for p in range(4):
            step(4 * k + p, p)
        return carry

    lax.fori_loop(0, N_GCHUNK // 4, quad, 0)
    step(N_GCHUNK - 1, (N_GCHUNK - 1) % 4)
    wait_writes((N_GCHUNK - 1) % 4)
    wait_writes((N_GCHUNK - 2) % 4)


def _sc_gather(base, ps, pd, src_i, dst_i):
    f = pl.kernel(
        functools.partial(_gather_body, base),
        out_type=[jax.ShapeDtypeStruct((E_HALF, OUT_DIM // 2), jnp.int32)] * 2,
        mesh=_mesh(),
        scratch_types=[
            pltpu.VMEM((EPW,), jnp.int32),
            pltpu.VMEM((EPW,), jnp.int32),
            pltpu.VMEM((4, GB, OUT_DIM // 2), jnp.int32),
            pltpu.VMEM((4, GB, OUT_DIM // 2), jnp.int32),
            [pltpu.SemaphoreType.DMA] * 4,
            [pltpu.SemaphoreType.DMA] * 4,
            [pltpu.SemaphoreType.DMA] * 4,
            [pltpu.SemaphoreType.DMA] * 4,
        ],
    )
    return f(ps, pd, src_i, dst_i)


def _unpack_xp(xp_i32):
    u = lax.bitcast_convert_type(xp_i32, jnp.uint32)
    xe = lax.bitcast_convert_type(u << jnp.uint32(16), jnp.float32)
    xo = lax.bitcast_convert_type(u & jnp.uint32(0xFFFF0000), jnp.float32)
    return jnp.concatenate([xe, xo], axis=1)


def _stats_body(xs_ref, xd_ref, nbr_ref, wn_ref, b_ref, s_ref):
    i = pl.program_id(0)
    dn = (((1,), (1,)), ((), ()))
    nproj = lax.dot_general(nbr_ref[...], wn_ref[...], dn,
                            preferred_element_type=jnp.float32)
    x = (_unpack_xp(xs_ref[...]) + _unpack_xp(xd_ref[...])
         + nproj + b_ref[...])
    blk = jnp.concatenate(
        [jnp.sum(x, axis=0, keepdims=True),
         jnp.sum(x * x, axis=0, keepdims=True)], axis=0)

    @pl.when(i == 0)
    def _():
        s_ref[...] = blk

    @pl.when(i > 0)
    def _():
        s_ref[...] = s_ref[...] + blk


def _stats(g_h, nbr, wn, b2d, off_blk):
    return pl.pallas_call(
        _stats_body,
        grid=(N_EBLK_H,),
        in_specs=[
            pl.BlockSpec((EB, OUT_DIM // 2), lambda i: (i, 0)),
            pl.BlockSpec((EB, OUT_DIM // 2), lambda i: (i, 0)),
            pl.BlockSpec((EB, NBR_FEA), lambda i, o=off_blk: (i + o, 0)),
            pl.BlockSpec((OUT_DIM, NBR_FEA), lambda i: (0, 0)),
            pl.BlockSpec((1, OUT_DIM), lambda i: (0, 0)),
        ],
        out_specs=pl.BlockSpec((2, OUT_DIM), lambda i: (0, 0)),
        out_shape=jax.ShapeDtypeStruct((2, OUT_DIM), jnp.float32),
    )(g_h[0], g_h[1], nbr, wn, b2d)


def _normact_body(xs_ref, xd_ref, nbr_ref, wn_ref, a1_ref, c1_ref, msg_ref):
    dn = (((1,), (1,)), ((), ()))
    nproj = lax.dot_general(nbr_ref[...], wn_ref[...], dn,
                            preferred_element_type=jnp.float32)
    y = ((_unpack_xp(xs_ref[...]) + _unpack_xp(xd_ref[...]) + nproj)
         * a1_ref[...] + c1_ref[...])
    f = jnp.concatenate([y[:, :64], y[:, 128:192]], axis=1)
    c = jnp.concatenate([y[:, 64:128], y[:, 192:]], axis=1)
    tf = jnp.exp(-jnp.abs(f))
    sig = jnp.where(f >= 0, 1.0 / (1.0 + tf), tf / (1.0 + tf))
    sp = jnp.maximum(c, 0.0) + jnp.log(1.0 + jnp.exp(-jnp.abs(c)))
    msg_ref[...] = sig * sp


def _normact(g_h, nbr, wn, a1, c1, off_blk):
    return pl.pallas_call(
        _normact_body,
        grid=(N_EBLK_H,),
        in_specs=[
            pl.BlockSpec((EB, OUT_DIM // 2), lambda i: (i, 0)),
            pl.BlockSpec((EB, OUT_DIM // 2), lambda i: (i, 0)),
            pl.BlockSpec((EB, NBR_FEA), lambda i, o=off_blk: (i + o, 0)),
            pl.BlockSpec((OUT_DIM, NBR_FEA), lambda i: (0, 0)),
            pl.BlockSpec((1, OUT_DIM), lambda i: (0, 0)),
            pl.BlockSpec((1, OUT_DIM), lambda i: (0, 0)),
        ],
        out_specs=pl.BlockSpec((EB, ATOM_FEA), lambda i: (i, 0)),
        out_shape=jax.ShapeDtypeStruct((E_HALF, ATOM_FEA), jnp.float32),
    )(g_h[0], g_h[1], nbr, wn, a1, c1)


def _scatter_body(base, msg_hbm, dst_hbm, out_hbm, di2_v, rows_v, zbuf_v,
                  acc_sp, sem_m, sem_i):
    cid = lax.axis_index("c")
    tid = lax.axis_index("s")
    wid = tid * NC + cid
    mbase0 = wid * EPW
    dbase0 = base + wid * EPW

    def zrow(r, c2):
        for c in range(ATOM_FEA // 16):
            zbuf_v[r, pl.ds(c * 16, 16)] = jnp.zeros((16,), jnp.float32)
        return c2
    lax.fori_loop(0, 200, zrow, 0)

    @pl.when(tid < 10)
    def _():
        def zc(j, c2):
            pltpu.sync_copy(zbuf_v, acc_sp.at[pl.ds(tid * 1000 + j * 200, 200)])
            return c2
        lax.fori_loop(0, 5, zc, 0)

    plsc.subcore_barrier()

    def issue(j, p):
        pltpu.async_copy(msg_hbm.at[pl.ds(mbase0 + j * SB, SB)],
                         rows_v.at[p], sem_m[p])
        pltpu.async_copy(dst_hbm.at[pl.ds(dbase0 + j * SB, SB)],
                         di2_v.at[p], sem_i[p])

    issue(0, 0)
    issue(1, 1)

    def half(k, p):
        j = 2 * k + p
        pltpu.make_async_copy(msg_hbm.at[pl.ds(0, SB)], rows_v.at[p],
                              sem_m[p]).wait()
        pltpu.make_async_copy(dst_hbm.at[pl.ds(0, SB)], di2_v.at[p],
                              sem_i[p]).wait()
        pltpu.sync_copy(rows_v.at[p], acc_sp.at[di2_v.at[p]], add=True)

        @pl.when(j + 2 < N_SCHUNK)
        def _():
            issue(j + 2, p)

    def pair(k, carry):
        half(k, 0)
        half(k, 1)
        return carry
    lax.fori_loop(0, N_SCHUNK // 2, pair, 0)
    half(N_SCHUNK // 2, 0)

    plsc.subcore_barrier()

    @pl.when(tid < 10)
    def _():
        def dc(j, c2):
            row = tid * 1000 + j * 200
            pltpu.sync_copy(acc_sp.at[pl.ds(row, 200)], zbuf_v)
            pltpu.sync_copy(zbuf_v, out_hbm.at[cid].at[pl.ds(row, 200)])
            return c2
        lax.fori_loop(0, 5, dc, 0)


def _sc_scatter(base, msg_h, dst_i):
    f = pl.kernel(
        functools.partial(_scatter_body, base),
        out_type=jax.ShapeDtypeStruct((NC, N_NODES, ATOM_FEA), jnp.float32),
        mesh=_mesh(),
        scratch_types=[
            pltpu.VMEM((2, SB), jnp.int32),
            pltpu.VMEM((2, SB, ATOM_FEA), jnp.float32),
            pltpu.VMEM((200, ATOM_FEA), jnp.float32),
            pltpu.VMEM_SHARED((N_NODES, ATOM_FEA), jnp.float32),
            [pltpu.SemaphoreType.DMA, pltpu.SemaphoreType.DMA],
            [pltpu.SemaphoreType.DMA, pltpu.SemaphoreType.DMA],
        ],
    )
    return f(msg_h, dst_i)


def _final_body(u1_ref, u2_ref, a_ref, g2_ref, b2_ref, pm_ref, out_ref):
    u = (u1_ref[0] + u1_ref[1]) + (u2_ref[0] + u2_ref[1])
    n = jnp.float32(N_NODES)
    m = jnp.sum(u, axis=0, keepdims=True) / n
    v = jnp.sum(u * u, axis=0, keepdims=True) / n - m * m
    un = (u - m) * lax.rsqrt(v + EPS) * g2_ref[...] + b2_ref[...]
    ul = jnp.dot(un, pm_ref[...], preferred_element_type=jnp.float32)
    z = a_ref[...] + ul
    out_ref[...] = jnp.maximum(z, 0.0) + jnp.log(1.0 + jnp.exp(-jnp.abs(z)))


def _final(u1, u2, atom_in_fea, g2, b2, pm):
    return pl.pallas_call(
        _final_body,
        grid=(1,),
        in_specs=[
            pl.BlockSpec((NC, N_NODES, ATOM_FEA), lambda i: (0, 0, 0)),
            pl.BlockSpec((NC, N_NODES, ATOM_FEA), lambda i: (0, 0, 0)),
            pl.BlockSpec((N_NODES, ATOM_FEA), lambda i: (0, 0)),
            pl.BlockSpec((1, ATOM_FEA), lambda i: (0, 0)),
            pl.BlockSpec((1, ATOM_FEA), lambda i: (0, 0)),
            pl.BlockSpec((ATOM_FEA, ATOM_FEA), lambda i: (0, 0)),
        ],
        out_specs=pl.BlockSpec((N_NODES, ATOM_FEA), lambda i: (0, 0)),
        out_shape=jax.ShapeDtypeStruct((N_NODES, ATOM_FEA), jnp.float32),
    )(u1, u2, atom_in_fea, g2, b2, pm)


def kernel(atom_in_fea, nbr_fea, edge_src, edge_dst, W, b,
           gamma1, beta1, gamma2, beta2):
    import numpy as np
    src_i = edge_src.astype(jnp.int32)
    dst_i = edge_dst.astype(jnp.int32)

    pi = np.concatenate([np.arange(0, OUT_DIM, 2), np.arange(1, OUT_DIM, 2)])
    pi_m = np.concatenate([np.arange(0, ATOM_FEA, 2), np.arange(1, ATOM_FEA, 2)])
    pm_np = np.zeros((ATOM_FEA, ATOM_FEA), np.float32)
    pm_np[np.arange(ATOM_FEA), pi_m] = 1.0
    pm = jnp.asarray(pm_np)

    ws = W[:, :ATOM_FEA]
    wd = W[:, ATOM_FEA:2 * ATOM_FEA]
    wse, wso = ws[0::2], ws[1::2]
    wde, wdo = wd[0::2], wd[1::2]
    wn = W[:, 2 * ATOM_FEA:][pi]
    b_p = b[pi]
    g1_p = gamma1[pi]
    be1_p = beta1[pi]
    g2_p = gamma2[pi_m].reshape(1, ATOM_FEA)
    be2_p = beta2[pi_m].reshape(1, ATOM_FEA)
    b2d = b_p.reshape(1, OUT_DIM)
    off2 = E_HALF // EB

    ps, pd = _prep(atom_in_fea, wse, wso, wde, wdo)
    xp1 = _sc_gather(0, ps, pd, src_i, dst_i)
    xp2 = _sc_gather(E_HALF, ps, pd, src_i, dst_i)
    st1 = _stats(xp1, nbr_fea, wn, b2d, 0)
    st2 = _stats(xp2, nbr_fea, wn, b2d, off2)
    sums = st1 + st2

    e = jnp.float32(N_EDGES)
    mean = sums[0] / e
    var = sums[1] / e - mean * mean
    a1 = g1_p * lax.rsqrt(var + EPS)
    c1 = be1_p + (b_p - mean) * a1
    a1r = a1.reshape(1, OUT_DIM)
    c1r = c1.reshape(1, OUT_DIM)

    m1 = _normact(xp1, nbr_fea, wn, a1r, c1r, 0)
    u1 = _sc_scatter(0, m1, dst_i)
    m2 = _normact(xp2, nbr_fea, wn, a1r, c1r, off2)
    u2 = _sc_scatter(E_HALF, m2, dst_i)
    return _final(u1, u2, atom_in_fea, g2_p, be2_p, pm)

# --- scband reference (transcript-rebuilt; emitter-appended) ---
"""Pipeline reference for scband-cgcnnlayer-40965398069685 (READ-ONLY COPY).

The authoritative reference and input builder live on the scoring server;
editing this copy changes nothing except your own understanding.
"""

import jax, jax.numpy as jnp
import numpy as np

ATOM_FEA = 128
NBR_FEA = 16
N_NODES = 10000
N_EDGES = 320000
EPS = 1e-5


def setup_inputs(seed: int = 0) -> dict:
    key = jax.random.key(seed)
    ks = jax.random.split(key, 10)
    atom_in_fea = jax.random.normal(ks[0], (N_NODES, ATOM_FEA), dtype=jnp.float32)
    nbr_fea = jax.random.normal(ks[1], (N_EDGES, NBR_FEA), dtype=jnp.float32)
    edge_src = jax.random.randint(ks[2], (N_EDGES,), 0, N_NODES, dtype=jnp.int64 if jax.config.jax_enable_x64 else jnp.int32)
    edge_dst = jax.random.randint(ks[3], (N_EDGES,), 0, N_NODES, dtype=jnp.int64 if jax.config.jax_enable_x64 else jnp.int32)
    in_dim = 2 * ATOM_FEA + NBR_FEA
    out_dim = 2 * ATOM_FEA
    bound = 1.0 / np.sqrt(in_dim)
    W = jax.random.uniform(ks[4], (out_dim, in_dim), dtype=jnp.float32, minval=-bound, maxval=bound)
    b = jax.random.uniform(ks[5], (out_dim,), dtype=jnp.float32, minval=-bound, maxval=bound)
    gamma1 = jnp.ones((out_dim,), dtype=jnp.float32)
    beta1 = jnp.zeros((out_dim,), dtype=jnp.float32)
    gamma2 = jnp.ones((ATOM_FEA,), dtype=jnp.float32)
    beta2 = jnp.zeros((ATOM_FEA,), dtype=jnp.float32)
    return {
        "atom_in_fea": atom_in_fea,
        "nbr_fea": nbr_fea,
        "edge_src": edge_src,
        "edge_dst": edge_dst,
        "W": W,
        "b": b,
        "gamma1": gamma1,
        "beta1": beta1,
        "gamma2": gamma2,
        "beta2": beta2,
    }


def _batchnorm(x, gamma, beta):
    # training-mode BatchNorm1d: biased batch statistics over dim 0
    mean = jnp.mean(x, axis=0)
    var = jnp.var(x, axis=0)
    return (x - mean) / jnp.sqrt(var + EPS) * gamma + beta


def reference(atom_in_fea, nbr_fea, edge_src, edge_dst, W, b, gamma1, beta1, gamma2, beta2):
    atom_src = jnp.take(atom_in_fea, edge_src, axis=0)
    atom_dst = jnp.take(atom_in_fea, edge_dst, axis=0)
    total_fea = jnp.concatenate([atom_src, atom_dst, nbr_fea], axis=1) @ W.T + b
    total_fea = _batchnorm(total_fea, gamma1, beta1)
    filter_fea, core_fea = jnp.split(total_fea, 2, axis=1)
    nbr_msg = jax.nn.sigmoid(filter_fea) * jax.nn.softplus(core_fea)
    atom_update = jnp.zeros_like(atom_in_fea).at[edge_dst].add(nbr_msg)
    atom_update = _batchnorm(atom_update, gamma2, beta2)
    return jax.nn.softplus(atom_in_fea + atom_update)

if __name__ == "__main__":
    import jax
    _d = setup_inputs()
    print(jax.jit(kernel)(*tuple(_d.values())))

</pallas_src>

<mosaic_0001>
#map = affine_map<(d0, d1) -> (0, 0)>
#map1 = affine_map<(d0, d1) -> (0)>
module attributes {stable_mosaic.version = 14 : i64} {
  func.func @_gather_body(%arg0: i32, %arg1: i32, %arg2: memref<10000x128xi32, #tpu.memory_space<hbm>>, %arg3: memref<10000x128xi32, #tpu.memory_space<hbm>>, %arg4: memref<320000xi32, #tpu.memory_space<hbm>>, %arg5: memref<320000xi32, #tpu.memory_space<hbm>>, %arg6: memref<160000x128xi32, #tpu.memory_space<hbm>>, %arg7: memref<160000x128xi32, #tpu.memory_space<hbm>>, %arg8: memref<5000xi32, #tpu.memory_space<vmem>>, %arg9: memref<5000xi32, #tpu.memory_space<vmem>>, %arg10: memref<4x40x128xi32, #tpu.memory_space<vmem>>, %arg11: memref<4x40x128xi32, #tpu.memory_space<vmem>>, %arg12: memref<!tpu.dma_semaphore, #tpu.memory_space<semaphore_mem>>, %arg13: memref<!tpu.dma_semaphore, #tpu.memory_space<semaphore_mem>>, %arg14: memref<!tpu.dma_semaphore, #tpu.memory_space<semaphore_mem>>, %arg15: memref<!tpu.dma_semaphore, #tpu.memory_space<semaphore_mem>>, %arg16: memref<!tpu.dma_semaphore, #tpu.memory_space<semaphore_mem>>, %arg17: memref<!tpu.dma_semaphore, #tpu.memory_space<semaphore_mem>>, %arg18: memref<!tpu.dma_semaphore, #tpu.memory_space<semaphore_mem>>, %arg19: memref<!tpu.dma_semaphore, #tpu.memory_space<semaphore_mem>>, %arg20: memref<!tpu.dma_semaphore, #tpu.memory_space<semaphore_mem>>, %arg21: memref<!tpu.dma_semaphore, #tpu.memory_space<semaphore_mem>>, %arg22: memref<!tpu.dma_semaphore, #tpu.memory_space<semaphore_mem>>, %arg23: memref<!tpu.dma_semaphore, #tpu.memory_space<semaphore_mem>>, %arg24: memref<!tpu.dma_semaphore, #tpu.memory_space<semaphore_mem>>, %arg25: memref<!tpu.dma_semaphore, #tpu.memory_space<semaphore_mem>>, %arg26: memref<!tpu.dma_semaphore, #tpu.memory_space<semaphore_mem>>, %arg27: memref<!tpu.dma_semaphore, #tpu.memory_space<semaphore_mem>>) attributes {dimension_semantics = [#tpu.dimension_semantics<core_parallel>, #tpu.dimension_semantics<subcore_parallel>], iteration_bounds = array<i64: 2, 16>, scalar_prefetch = 0 : i64, scratch_operands = 20 : i64, tpu.core_type = #tpu.core_type<sc_vector_subcore>, window_params = [{transform_indices = #map}, {transform_indices = #map}, {transform_indices = #map1}, {transform_indices = #map1}, {transform_indices = #map}, {transform_indices = #map}]} {
    %mul3A = arith.constant 2 : i32
    %mul3A_0 = arith.muli %arg1, %mul3A : i32
    %add3A = arith.addi %mul3A_0, %arg0 : i32
    %mul3A_1 = arith.constant 5000 : i32
    %mul3A_2 = arith.muli %add3A, %mul3A_1 : i32
    %add3A_3 = arith.constant 0 : i32
    %add3A_4 = arith.addi %add3A_3, %mul3A_2 : i32
    %mul3A_5 = arith.constant 5000 : i32
    %mul3A_6 = arith.muli %add3A, %mul3A_5 : i32
    "tpu.region"() ({
      %run_scoped3A = tpu.sem_alloc : memref<!tpu.dma_semaphore, #tpu.memory_space<semaphore_mem>>
      %dma_start3A_190 = tpu.memref_slice %arg4[%add3A_4] : memref<320000xi32, #tpu.memory_space<hbm>> -> memref<5000xi32, #tpu.memory_space<hbm>>
      %dma_start3A_191 = tpu.memref_slice %arg4[%add3A_4] : memref<320000xi32, #tpu.memory_space<hbm>> -> memref<5000xi32, #tpu.memory_space<hbm>>
      tpu.enqueue_dma source(%dma_start3A_191 : memref<5000xi32, #tpu.memory_space<hbm>>) target(%arg8 : memref<5000xi32, #tpu.memory_space<vmem>>) target_semaphore(%run_scoped3A : memref<!tpu.dma_semaphore, #tpu.memory_space<semaphore_mem>>)
      %dma_wait3A_192 = tpu.memref_slice %arg4[%add3A_4] : memref<320000xi32, #tpu.memory_space<hbm>> -> memref<5000xi32, #tpu.memory_space<hbm>>
      %dma_wait3A_193 = tpu.memref_slice %arg4[%add3A_4] : memref<320000xi32, #tpu.memory_space<hbm>> -> memref<5000xi32, #tpu.memory_space<hbm>>
      tpu.wait_dma2 semaphore(%run_scoped3A : memref<!tpu.dma_semaphore, #tpu.memory_space<semaphore_mem>>) src(%dma_wait3A_193 : memref<5000xi32, #tpu.memory_space<hbm>>) dst(%arg8 : memref<5000xi32, #tpu.memory_space<vmem>>)
      tpu.yield
    }) : () -> ()
    "tpu.region"() ({
      %run_scoped3A = tpu.sem_alloc : memref<!tpu.dma_semaphore, #tpu.memory_space<semaphore_mem>>
      %dma_start3A_190 = tpu.memref_slice %arg5[%add3A_4] : memref<320000xi32, #tpu.memory_space<hbm>> -> memref<5000xi32, #tpu.memory_space<hbm>>
      %dma_start3A_191 = tpu.memref_slice %arg5[%add3A_4] : memref<320000xi32, #tpu.memory_space<hbm>> -> memref<5000xi32, #tpu.memory_space<hbm>>
      tpu.enqueue_dma source(%dma_start3A_191 : memref<5000xi32, #tpu.memory_space<hbm>>) target(%arg9 : memref<5000xi32, #tpu.memory_space<vmem>>) target_semaphore(%run_scoped3A : memref<!tpu.dma_semaphore, #tpu.memory_space<semaphore_mem>>)
      %dma_wait3A_192 = tpu.memref_slice %arg5[%add3A_4] : memref<320000xi32, #tpu.memory_space<hbm>> -> memref<5000xi32, #tpu.memory_space<hbm>>
      %dma_wait3A_193 = tpu.memref_slice %arg5[%add3A_4] : memref<320000xi32, #tpu.memory_space<hbm>> -> memref<5000xi32, #tpu.memory_space<hbm>>
      tpu.wait_dma2 semaphore(%run_scoped3A : memref<!tpu.dma_semaphore, #tpu.memory_space<semaphore_mem>>) src(%dma_wait3A_193 : memref<5000xi32, #tpu.memory_space<hbm>>) dst(%arg9 : memref<5000xi32, #tpu.memory_space<vmem>>)
      tpu.yield
    }) : () -> ()
    %dma_start3A = arith.constant 0 : i32
    %dma_start3A_7 = arith.constant 0 : i32
    %dma_start3A_8 = arith.constant 0 : i32
    %dma_start3A_9 = tpu.memref_slice %arg10[%dma_start3A, %dma_start3A_7, %dma_start3A_8] : memref<4x40x128xi32, #tpu.memory_space<vmem>> -> memref<1x40x128xi32, #tpu.memory_space<vmem>>
    %dma_start3A_10 = tpu.memref_squeeze %dma_start3A_9 : memref<1x40x128xi32, #tpu.memory_space<vmem>> -> memref<40x128xi32, #tpu.memory_space<vmem>>
    %dma_start3A_11 = arith.constant 0 : i32
    %dma_start3A_12 = tpu.memref_slice %arg8[%dma_start3A_11] : memref<5000xi32, #tpu.memory_space<vmem>> -> memref<40xi32, #tpu.memory_space<vmem>>
    %dma_start3A_13 = arith.constant 0 : i32
    %dma_start3A_14 = arith.constant 0 : i32
    %dma_start3A_15 = tpu.memref_slice %arg2[%dma_start3A_13, %dma_start3A_14] : memref<10000x128xi32, #tpu.memory_space<hbm>> -> memref<10000x128xi32, #tpu.memory_space<hbm>>
    tpu.enqueue_indirect_dma source(%dma_start3A_15 : memref<10000x128xi32, #tpu.memory_space<hbm>>) target(%dma_start3A_10 : memref<40x128xi32, #tpu.memory_space<vmem>>) offsets(%dma_start3A_12 : memref<40xi32, #tpu.memory_space<vmem>>) semaphore(%arg12 : memref<!tpu.dma_semaphore, #tpu.memory_space<semaphore_mem>>)
    %dma_start3A_16 = arith.constant 0 : i32
    %dma_start3A_17 = arith.constant 0 : i32
    %dma_start3A_18 = arith.constant 0 : i32
    %dma_start3A_19 = tpu.memref_slice %arg11[%dma_start3A_16, %dma_start3A_17, %dma_start3A_18] : memref<4x40x128xi32, #tpu.memory_space<vmem>> -> memref<1x40x128xi32, #tpu.memory_space<vmem>>
    %dma_start3A_20 = tpu.memref_squeeze %dma_start3A_19 : memref<1x40x128xi32, #tpu.memory_space<vmem>> -> memref<40x128xi32, #tpu.memory_space<vmem>>
    %dma_start3A_21 = arith.constant 0 : i32
    %dma_start3A_22 = tpu.memref_slice %arg9[%dma_start3A_21] : memref<5000xi32, #tpu.memory_space<vmem>> -> memref<40xi32, #tpu.memory_space<vmem>>
    %dma_start3A_23 = arith.constant 0 : i32
    %dma_start3A_24 = arith.constant 0 : i32
    %dma_start3A_25 = tpu.memref_slice %arg3[%dma_start3A_23, %dma_start3A_24] : memref<10000x128xi32, #tpu.memory_space<hbm>> -> memref<10000x128xi32, #tpu.memory_space<hbm>>
    tpu.enqueue_indirect_dma source(%dma_start3A_25 : memref<10000x128xi32, #tpu.memory_space<hbm>>) target(%dma_start3A_20 : memref<40x128xi32, #tpu.memory_space<vmem>>) offsets(%dma_start3A_22 : memref<40xi32, #tpu.memory_space<vmem>>) semaphore(%arg16 : memref<!tpu.dma_semaphore, #tpu.memory_space<semaphore_mem>>)
    %dma_start3A_26 = arith.constant 1 : i32
    %dma_start3A_27 = arith.constant 0 : i32
    %dma_start3A_28 = arith.constant 0 : i32
    %dma_start3A_29 = tpu.memref_slice %arg10[%dma_start3A_26, %dma_start3A_27, %dma_start3A_28] : memref<4x40x128xi32, #tpu.memory_space<vmem>> -> memref<1x40x128xi32, #tpu.memory_space<vmem>>
    %dma_start3A_30 = tpu.memref_squeeze %dma_start3A_29 : memref<1x40x128xi32, #tpu.memory_space<vmem>> -> memref<40x128xi32, #tpu.memory_space<vmem>>
    %dma_start3A_31 = arith.constant 40 : i32
    %dma_start3A_32 = tpu.memref_slice %arg8[%dma_start3A_31] : memref<5000xi32, #tpu.memory_space<vmem>> -> memref<40xi32, #tpu.memory_space<vmem>>
    %dma_start3A_33 = arith.constant 0 : i32
    %dma_start3A_34 = arith.constant 0 : i32
    %dma_start3A_35 = tpu.memref_slice %arg2[%dma_start3A_33, %dma_start3A_34] : memref<10000x128xi32, #tpu.memory_space<hbm>> -> memref<10000x128xi32, #tpu.memory_space<hbm>>
    tpu.enqueue_indirect_dma source(%dma_start3A_35 : memref<10000x128xi32, #tpu.memory_space<hbm>>) target(%dma_start3A_30 : memref<40x128xi32, #tpu.memory_space<vmem>>) offsets(%dma_start3A_32 : memref<40xi32, #tpu.memory_space<vmem>>) semaphore(%arg13 : memref<!tpu.dma_semaphore, #tpu.memory_space<semaphore_mem>>)
    %dma_start3A_36 = arith.constant 1 : i32
    %dma_start3A_37 = arith.constant 0 : i32
    %dma_start3A_38 = arith.constant 0 : i32
    %dma_start3A_39 = tpu.memref_slice %arg11[%dma_start3A_36, %dma_start3A_37, %dma_start3A_38] : memref<4x40x128xi32, #tpu.memory_space<vmem>> -> memref<1x40x128xi32, #tpu.memory_space<vmem>>
    %dma_start3A_40 = tpu.memref_squeeze %dma_start3A_39 : memref<1x40x128xi32, #tpu.memory_space<vmem>> -> memref<40x128xi32, #tpu.memory_space<vmem>>
    %dma_start3A_41 = arith.constant 40 : i32
    %dma_start3A_42 = tpu.memref_slice %arg9[%dma_start3A_41] : memref<5000xi32, #tpu.memory_space<vmem>> -> memref<40xi32, #tpu.memory_space<vmem>>
    %dma_start3A_43 = arith.constant 0 : i32
    %dma_start3A_44 = arith.constant 0 : i32
    %dma_start3A_45 = tpu.memref_slice %arg3[%dma_start3A_43, %dma_start3A_44] : memref<10000x128xi32, #tpu.memory_space<hbm>> -> memref<10000x128xi32, #tpu.memory_space<hbm>>
    tpu.enqueue_indirect_dma source(%dma_start3A_45 : memref<10000x128xi32, #tpu.memory_space<hbm>>) target(%dma_start3A_40 : memref<40x128xi32, #tpu.memory_space<vmem>>) offsets(%dma_start3A_42 : memref<40xi32, #tpu.memory_space<vmem>>) semaphore(%arg17 : memref<!tpu.dma_semaphore, #tpu.memory_space<semaphore_mem>>)
    %scan3A = arith.constant 0 : i32
    %scan3A_46 = arith.constant 0 : i32
    %scan3A_47 = arith.constant 31 : i32
    %scan3A_48 = arith.addi %scan3A_46, %scan3A_47 : i32
    %scan3A_49 = arith.constant 1 : i32
    scf.for %scan3A_190 = %scan3A_46 to %scan3A_48 step %scan3A_49  : i32 {
      %mul3A_191 = arith.constant 4 : i32
      %mul3A_192 = arith.muli %mul3A_191, %scan3A_190 : i32
      %add3A_193 = arith.constant 0 : i32
      %add3A_194 = arith.addi %mul3A_192, %add3A_193 : i32
      %dma_wait3A_195 = arith.constant 0 : i32
      %dma_wait3A_196 = arith.constant 0 : i32
      %dma_wait3A_197 = arith.constant 0 : i32
      %dma_wait3A_198 = tpu.memref_slice %arg10[%dma_wait3A_195, %dma_wait3A_196, %dma_wait3A_197] : memref<4x40x128xi32, #tpu.memory_space<vmem>> -> memref<1x40x128xi32, #tpu.memory_space<vmem>>
      %dma_wait3A_199 = tpu.memref_squeeze %dma_wait3A_198 : memref<1x40x128xi32, #tpu.memory_space<vmem>> -> memref<40x128xi32, #tpu.memory_space<vmem>>
      %dma_wait3A_200 = arith.constant 0 : i32
      %dma_wait3A_201 = tpu.memref_slice %arg8[%dma_wait3A_200] : memref<5000xi32, #tpu.memory_space<vmem>> -> memref<40xi32, #tpu.memory_space<vmem>>
      %dma_wait3A_202 = arith.constant 0 : i32
      %dma_wait3A_203 = arith.constant 0 : i32
      %dma_wait3A_204 = tpu.memref_slice %arg2[%dma_wait3A_202, %dma_wait3A_203] : memref<10000x128xi32, #tpu.memory_space<hbm>> -> memref<10000x128xi32, #tpu.memory_space<hbm>>
      tpu.wait_indirect_dma semaphore(%arg12 : memref<!tpu.dma_semaphore, #tpu.memory_space<semaphore_mem>>) src(%dma_wait3A_204 : memref<10000x128xi32, #tpu.memory_space<hbm>>) dst(%dma_wait3A_199 : memref<40x128xi32, #tpu.memory_space<vmem>>)
      %dma_wait3A_205 = arith.constant 0 : i32
      %dma_wait3A_206 = arith.constant 0 : i32
      %dma_wait3A_207 = arith.constant 0 : i32
      %dma_wait3A_208 = tpu.memref_slice %arg11[%dma_wait3A_205, %dma_wait3A_206, %dma_wait3A_207] : memref<4x40x128xi32, #tpu.memory_space<vmem>> -> memref<1x40x128xi32, #tpu.memory_space<vmem>>
      %dma_wait3A_209 = tpu.memref_squeeze %dma_wait3A_208 : memref<1x40x128xi32, #tpu.memory_space<vmem>> -> memref<40x128xi32, #tpu.memory_space<vmem>>
      %dma_wait3A_210 = arith.constant 0 : i32
      %dma_wait3A_211 = tpu.memref_slice %arg9[%dma_wait3A_210] : memref<5000xi32, #tpu.memory_space<vmem>> -> memref<40xi32, #tpu.memory_space<vmem>>
      %dma_wait3A_212 = arith.constant 0 : i32
      %dma_wait3A_213 = arith.constant 0 : i32
      %dma_wait3A_214 = tpu.memref_slice %arg3[%dma_wait3A_212, %dma_wait3A_213] : memref<10000x128xi32, #tpu.memory_space<hbm>> -> memref<10000x128xi32, #tpu.memory_space<hbm>>
      tpu.wait_indirect_dma semaphore(%arg16 : memref<!tpu.dma_semaphore, #tpu.memory_space<semaphore_mem>>) src(%dma_wait3A_214 : memref<10000x128xi32, #tpu.memory_space<hbm>>) dst(%dma_wait3A_209 : memref<40x128xi32, #tpu.memory_space<vmem>>)
      %mul3A_215 = arith.constant 40 : i32
      %mul3A_216 = arith.muli %add3A_194, %mul3A_215 : i32
      %add3A_217 = arith.addi %mul3A_6, %mul3A_216 : i32
      %dma_start3A_218 = arith.constant 0 : i32
      %dma_start3A_219 = arith.constant 0 : i32
      %dma_start3A_220 = arith.constant 0 : i32
      %dma_start3A_221 = tpu.memref_slice %arg10[%dma_start3A_218, %dma_start3A_219, %dma_start3A_220] : memref<4x40x128xi32, #tpu.memory_space<vmem>> -> memref<1x40x128xi32, #tpu.memory_space<vmem>>
      %dma_start3A_222 = tpu.memref_squeeze %dma_start3A_221 : memref<1x40x128xi32, #tpu.memory_space<vmem>> -> memref<40x128xi32, #tpu.memory_space<vmem>>
      %dma_start3A_223 = arith.constant 0 : i32
      %dma_start3A_224 = tpu.memref_slice %arg6[%add3A_217, %dma_start3A_223] : memref<160000x128xi32, #tpu.memory_space<hbm>> -> memref<40x128xi32, #tpu.memory_space<hbm>>
      %dma_start3A_225 = arith.constant 0 : i32
      %dma_start3A_226 = tpu.memref_slice %arg6[%add3A_217, %dma_start3A_225] : memref<160000x128xi32, #tpu.memory_space<hbm>> -> memref<40x128xi32, #tpu.memory_space<hbm>>
      %dma_start3A_227 = arith.constant 0 : i32
      %dma_start3A_228 = arith.constant 0 : i32
      %dma_start3A_229 = tpu.memref_slice %arg10[%dma_start3A_218, %dma_start3A_227, %dma_start3A_228] : memref<4x40x128xi32, #tpu.memory_space<vmem>> -> memref<1x40x128xi32, #tpu.memory_space<vmem>>
      %dma_start3A_230 = tpu.memref_squeeze %dma_start3A_229 : memref<1x40x128xi32, #tpu.memory_space<vmem>> -> memref<40x128xi32, #tpu.memory_space<vmem>>
      tpu.enqueue_dma source(%dma_start3A_230 : memref<40x128xi32, #tpu.memory_space<vmem>>) target(%dma_start3A_226 : memref<40x128xi32, #tpu.memory_space<hbm>>) target_semaphore(%arg20 : memref<!tpu.dma_semaphore, #tpu.memory_space<semaphore_mem>>)
      %mul3A_231 = arith.constant 40 : i32
      %mul3A_232 = arith.muli %add3A_194, %mul3A_231 : i32
      %add3A_233 = arith.addi %mul3A_6, %mul3A_232 : i32
      %dma_start3A_234 = arith.constant 0 : i32
      %dma_start3A_235 = arith.constant 0 : i32
      %dma_start3A_236 = arith.constant 0 : i32
      %dma_start3A_237 = tpu.memref_slice %arg11[%dma_start3A_234, %dma_start3A_235, %dma_start3A_236] : memref<4x40x128xi32, #tpu.memory_space<vmem>> -> memref<1x40x128xi32, #tpu.memory_space<vmem>>
      %dma_start3A_238 = tpu.memref_squeeze %dma_start3A_237 : memref<1x40x128xi32, #tpu.memory_space<vmem>> -> memref<40x128xi32, #tpu.memory_space<vmem>>
      %dma_start3A_239 = arith.constant 0 : i32
      %dma_start3A_240 = tpu.memref_slice %arg7[%add3A_233, %dma_start3A_239] : memref<160000x128xi32, #tpu.memory_space<hbm>> -> memref<40x128xi32, #tpu.memory_space<hbm>>
      %dma_start3A_241 = arith.constant 0 : i32
      %dma_start3A_242 = tpu.memref_slice %arg7[%add3A_233, %dma_start3A_241] : memref<160000x128xi32, #tpu.memory_space<hbm>> -> memref<40x128xi32, #tpu.memory_space<hbm>>
      %dma_start3A_243 = arith.constant 0 : i32
      %dma_start3A_244 = arith.constant 0 : i32
      %dma_start3A_245 = tpu.memref_slice %arg11[%dma_start3A_234, %dma_start3A_243, %dma_start3A_244] : memref<4x40x128xi32, #tpu.memory_space<vmem>> -> memref<1x40x128xi32, #tpu.memory_space<vmem>>
      %dma_start3A_246 = tpu.memref_squeeze %dma_start3A_245 : memref<1x40x128xi32, #tpu.memory_space<vmem>> -> memref<40x128xi32, #tpu.memory_space<vmem>>
      tpu.enqueue_dma source(%dma_start3A_246 : memref<40x128xi32, #tpu.memory_space<vmem>>) target(%dma_start3A_242 : memref<40x128xi32, #tpu.memory_space<hbm>>) target_semaphore(%arg24 : memref<!tpu.dma_semaphore, #tpu.memory_space<semaphore_mem>>)
      %ge3A = arith.constant 2 : i32
      %ge3A_247 = arith.cmpi sge, %add3A_194, %ge3A : i32
      %convert_element_type3A = arith.extui %ge3A_247 : i1 to i32
      %cond3A = arith.constant 0 : i32
      %cond3A_248 = arith.cmpi ne, %convert_element_type3A, %cond3A : i32
      scf.if %cond3A_248 {
        %dma_wait3A_459 = arith.constant 2 : i32
        %dma_wait3A_460 = arith.constant 0 : i32
        %dma_wait3A_461 = arith.constant 0 : i32
        %dma_wait3A_462 = tpu.memref_slice %arg10[%dma_wait3A_459, %dma_wait3A_460, %dma_wait3A_461] : memref<4x40x128xi32, #tpu.memory_space<vmem>> -> memref<1x40x128xi32, #tpu.memory_space<vmem>>
        %dma_wait3A_463 = tpu.memref_squeeze %dma_wait3A_462 : memref<1x40x128xi32, #tpu.memory_space<vmem>> -> memref<40x128xi32, #tpu.memory_space<vmem>>
        %dma_wait3A_464 = arith.constant 0 : i32
        %dma_wait3A_465 = arith.constant 0 : i32
        %dma_wait3A_466 = tpu.memref_slice %arg6[%dma_wait3A_464, %dma_wait3A_465] : memref<160000x128xi32, #tpu.memory_space<hbm>> -> memref<40x128xi32, #tpu.memory_space<hbm>>
        %dma_wait3A_467 = arith.constant 0 : i32
        %dma_wait3A_468 = arith.constant 0 : i32
        %dma_wait3A_469 = tpu.memref_slice %arg6[%dma_wait3A_467, %dma_wait3A_468] : memref<160000x128xi32, #tpu.memory_space<hbm>> -> memref<40x128xi32, #tpu.memory_space<hbm>>
        %dma_wait3A_470 = arith.constant 0 : i32
        %dma_wait3A_471 = arith.constant 0 : i32
        %dma_wait3A_472 = tpu.memref_slice %arg10[%dma_wait3A_459, %dma_wait3A_470, %dma_wait3A_471] : memref<4x40x128xi32, #tpu.memory_space<vmem>> -> memref<1x40x128xi32, #tpu.memory_space<vmem>>
        %dma_wait3A_473 = tpu.memref_squeeze %dma_wait3A_472 : memref<1x40x128xi32, #tpu.memory_space<vmem>> -> memref<40x128xi32, #tpu.memory_space<vmem>>
        tpu.wait_dma2 semaphore(%arg22 : memref<!tpu.dma_semaphore, #tpu.memory_space<semaphore_mem>>) src(%dma_wait3A_473 : memref<40x128xi32, #tpu.memory_space<vmem>>) dst(%dma_wait3A_469 : memref<40x128xi32, #tpu.memory_space<hbm>>)
        %dma_wait3A_474 = arith.constant 2 : i32
        %dma_wait3A_475 = arith.constant 0 : i32
        %dma_wait3A_476 = arith.constant 0 : i32
        %dma_wait3A_477 = tpu.memref_slice %arg11[%dma_wait3A_474, %dma_wait3A_475, %dma_wait3A_476] : memref<4x40x128xi32, #tpu.memory_space<vmem>> -> memref<1x40x128xi32, #tpu.memory_space<vmem>>
        %dma_wait3A_478 = tpu.memref_squeeze %dma_wait3A_477 : memref<1x40x128xi32, #tpu.memory_space<vmem>> -> memref<40x128xi32, #tpu.memory_space<vmem>>
        %dma_wait3A_479 = arith.constant 0 : i32
        %dma_wait3A_480 = arith.constant 0 : i32
        %dma_wait3A_481 = tpu.memref_slice %arg7[%dma_wait3A_479, %dma_wait3A_480] : memref<160000x128xi32, #tpu.memory_space<hbm>> -> memref<40x128xi32, #tpu.memory_space<hbm>>
        %dma_wait3A_482 = arith.constant 0 : i32
        %dma_wait3A_483 = arith.constant 0 : i32
        %dma_wait3A_484 = tpu.memref_slice %arg7[%dma_wait3A_482, %dma_wait3A_483] : memref<160000x128xi32, #tpu.memory_space<hbm>> -> memref<40x128xi32, #tpu.memory_space<hbm>>
        %dma_wait3A_485 = arith.constant 0 : i32
        %dma_wait3A_486 = arith.constant 0 : i32
        %dma_wait3A_487 = tpu.memref_slice %arg11[%dma_wait3A_474, %dma_wait3A_485, %dma_wait3A_486] : memref<4x40x128xi32, #tpu.memory_space<vmem>> -> memref<1x40x128xi32, #tpu.memory_space<vmem>>
        %dma_wait3A_488 = tpu.memref_squeeze %dma_wait3A_487 : memref<1x40x128xi32, #tpu.memory_space<vmem>> -> memref<40x128xi32, #tpu.memory_space<vmem>>
        tpu.wait_dma2 semaphore(%arg26 : memref<!tpu.dma_semaphore, #tpu.memory_space<semaphore_mem>>) src(%dma_wait3A_488 : memref<40x128xi32, #tpu.memory_space<vmem>>) dst(%dma_wait3A_484 : memref<40x128xi32, #tpu.memory_space<hbm>>)
      } else {
      }
      %add3A_249 = arith.constant 2 : i32
      %add3A_250 = arith.addi %add3A_194, %add3A_249 : i32
      %lt3A = arith.constant 125 : i32
      %lt3A_251 = arith.cmpi slt, %add3A_250, %lt3A : i32
      %convert_element_type3A_252 = arith.extui %lt3A_251 : i1 to i32
      %cond3A_253 = arith.constant 0 : i32
      %cond3A_254 = arith.cmpi ne, %convert_element_type3A_252, %cond3A_253 : i32
      scf.if %cond3A_254 {
        %add3A_459 = arith.constant 2 : i32
        %add3A_460 = arith.addi %add3A_194, %add3A_459 : i32
        %mul3A_461 = arith.constant 40 : i32
        %mul3A_462 = arith.muli %add3A_460, %mul3A_461 : i32
        %dma_start3A_463 = arith.constant 2 : i32
        %dma_start3A_464 = arith.constant 0 : i32
        %dma_start3A_465 = arith.constant 0 : i32
        %dma_start3A_466 = tpu.memref_slice %arg10[%dma_start3A_463, %dma_start3A_464, %dma_start3A_465] : memref<4x40x128xi32, #tpu.memory_space<vmem>> -> memref<1x40x128xi32, #tpu.memory_space<vmem>>
        %dma_start3A_467 = tpu.memref_squeeze %dma_start3A_466 : memref<1x40x128xi32, #tpu.memory_space<vmem>> -> memref<40x128xi32, #tpu.memory_space<vmem>>
        %dma_start3A_468 = tpu.memref_slice %arg8[%mul3A_462] : memref<5000xi32, #tpu.memory_space<vmem>> -> memref<40xi32, #tpu.memory_space<vmem>>
        %dma_start3A_469 = arith.constant 0 : i32
        %dma_start3A_470 = arith.constant 0 : i32
        %dma_start3A_471 = tpu.memref_slice %arg2[%dma_start3A_469, %dma_start3A_470] : memref<10000x128xi32, #tpu.memory_space<hbm>> -> memref<10000x128xi32, #tpu.memory_space<hbm>>
        tpu.enqueue_indirect_dma source(%dma_start3A_471 : memref<10000x128xi32, #tpu.memory_space<hbm>>) target(%dma_start3A_467 : memref<40x128xi32, #tpu.memory_space<vmem>>) offsets(%dma_start3A_468 : memref<40xi32, #tpu.memory_space<vmem>>) semaphore(%arg14 : memref<!tpu.dma_semaphore, #tpu.memory_space<semaphore_mem>>)
        %dma_start3A_472 = arith.constant 2 : i32
        %dma_start3A_473 = arith.constant 0 : i32
        %dma_start3A_474 = arith.constant 0 : i32
        %dma_start3A_475 = tpu.memref_slice %arg11[%dma_start3A_472, %dma_start3A_473, %dma_start3A_474] : memref<4x40x128xi32, #tpu.memory_space<vmem>> -> memref<1x40x128xi32, #tpu.memory_space<vmem>>
        %dma_start3A_476 = tpu.memref_squeeze %dma_start3A_475 : memref<1x40x128xi32, #tpu.memory_space<vmem>> -> memref<40x128xi32, #tpu.memory_space<vmem>>
        %dma_start3A_477 = tpu.memref_slice %arg9[%mul3A_462] : memref<5000xi32, #tpu.memory_space<vmem>> -> memref<40xi32, #tpu.memory_space<vmem>>
        %dma_start3A_478 = arith.constant 0 : i32
        %dma_start3A_479 = arith.constant 0 : i32
        %dma_start3A_480 = tpu.memref_slice %arg3[%dma_start3A_478, %dma_start3A_479] : memref<10000x128xi32, #tpu.memory_space<hbm>> -> memref<10000x128xi32, #tpu.memory_space<hbm>>
        tpu.enqueue_indirect_dma source(%dma_start3A_480 : memref<10000x128xi32, #tpu.memory_space<hbm>>) target(%dma_start3A_476 : memref<40x128xi32, #tpu.memory_space<vmem>>) offsets(%dma_start3A_477 : memref<40xi32, #tpu.memory_space<vmem>>) semaphore(%arg18 : memref<!tpu.dma_semaphore, #tpu.memory_space<semaphore_mem>>)
      } else {
      }
      %mul3A_255 = arith.constant 4 : i32
      %mul3A_256 = arith.muli %mul3A_255, %scan3A_190 : i32
      %add3A_257 = arith.constant 1 : i32
      %add3A_258 = arith.addi %mul3A_256, %add3A_257 : i32
      %dma_wait3A_259 = arith.constant 1 : i32
      %dma_wait3A_260 = arith.constant 0 : i32
      %dma_wait3A_261 = arith.constant 0 : i32
      %dma_wait3A_262 = tpu.memref_slice %arg10[%dma_wait3A_259, %dma_wait3A_260, %dma_wait3A_261] : memref<4x40x128xi32, #tpu.memory_space<vmem>> -> memref<1x40x128xi32, #tpu.memory_space<vmem>>
      %dma_wait3A_263 = tpu.memref_squeeze %dma_wait3A_262 : memref<1x40x128xi32, #tpu.memory_space<vmem>> -> memref<40x128xi32, #tpu.memory_space<vmem>>
      %dma_wait3A_264 = arith.constant 0 : i32
      %dma_wait3A_265 = tpu.memref_slice %arg8[%dma_wait3A_264] : memref<5000xi32, #tpu.memory_space<vmem>> -> memref<40xi32, #tpu.memory_space<vmem>>
      %dma_wait3A_266 = arith.constant 0 : i32
      %dma_wait3A_267 = arith.constant 0 : i32
      %dma_wait3A_268 = tpu.memref_slice %arg2[%dma_wait3A_266, %dma_wait3A_267] : memref<10000x128xi32, #tpu.memory_space<hbm>> -> memref<10000x128xi32, #tpu.memory_space<hbm>>
      tpu.wait_indirect_dma semaphore(%arg13 : memref<!tpu.dma_semaphore, #tpu.memory_space<semaphore_mem>>) src(%dma_wait3A_268 : memref<10000x128xi32, #tpu.memory_space<hbm>>) dst(%dma_wait3A_263 : memref<40x128xi32, #tpu.memory_space<vmem>>)
      %dma_wait3A_269 = arith.constant 1 : i32
      %dma_wait3A_270 = arith.constant 0 : i32
      %dma_wait3A_271 = arith.constant 0 : i32
      %dma_wait3A_272 = tpu.memref_slice %arg11[%dma_wait3A_269, %dma_wait3A_270, %dma_wait3A_271] : memref<4x40x128xi32, #tpu.memory_space<vmem>> -> memref<1x40x128xi32, #tpu.memory_space<vmem>>
      %dma_wait3A_273 = tpu.memref_squeeze %dma_wait3A_272 : memref<1x40x128xi32, #tpu.memory_space<vmem>> -> memref<40x128xi32, #tpu.memory_space<vmem>>
      %dma_wait3A_274 = arith.constant 0 : i32
      %dma_wait3A_275 = tpu.memref_slice %arg9[%dma_wait3A_274] : memref<5000xi32, #tpu.memory_space<vmem>> -> memref<40xi32, #tpu.memory_space<vmem>>
      %dma_wait3A_276 = arith.constant 0 : i32
      %dma_wait3A_277 = arith.constant 0 : i32
      %dma_wait3A_278 = tpu.memref_slice %arg3[%dma_wait3A_276, %dma_wait3A_277] : memref<10000x128xi32, #tpu.memory_space<hbm>> -> memref<10000x128xi32, #tpu.memory_space<hbm>>
      tpu.wait_indirect_dma semaphore(%arg17 : memref<!tpu.dma_semaphore, #tpu.memory_space<semaphore_mem>>) src(%dma_wait3A_278 : memref<10000x128xi32, #tpu.memory_space<hbm>>) dst(%dma_wait3A_273 : memref<40x128xi32, #tpu.memory_space<vmem>>)
      %mul3A_279 = arith.constant 40 : i32
      %mul3A_280 = arith.muli %add3A_258, %mul3A_279 : i32
      %add3A_281 = arith.addi %mul3A_6, %mul3A_280 : i32
      %dma_start3A_282 = arith.constant 1 : i32
      %dma_start3A_283 = arith.constant 0 : i32
      %dma_start3A_284 = arith.constant 0 : i32
      %dma_start3A_285 = tpu.memref_slice %arg10[%dma_start3A_282, %dma_start3A_283, %dma_start3A_284] : memref<4x40x128xi32, #tpu.memory_space<vmem>> -> memref<1x40x128xi32, #tpu.memory_space<vmem>>
      %dma_start3A_286 = tpu.memref_squeeze %dma_start3A_285 : memref<1x40x128xi32, #tpu.memory_space<vmem>> -> memref<40x128xi32, #tpu.memory_space<vmem>>
      %dma_start3A_287 = arith.constant 0 : i32
      %dma_start3A_288 = tpu.memref_slice %arg6[%add3A_281, %dma_start3A_287] : memref<160000x128xi32, #tpu.memory_space<hbm>> -> memref<40x128xi32, #tpu.memory_space<hbm>>
      %dma_start3A_289 = arith.constant 0 : i32
      %dma_start3A_290 = tpu.memref_slice %arg6[%add3A_281, %dma_start3A_289] : memref<160000x128xi32, #tpu.memory_space<hbm>> -> memref<40x128xi32, #tpu.memory_space<hbm>>
      %dma_start3A_291 = arith.constant 0 : i32
      %dma_start3A_292 = arith.constant 0 : i32
      %dma_start3A_293 = tpu.memref_slice %arg10[%dma_start3A_282, %dma_start3A_291, %dma_start3A_292] : memref<4x40x128xi32, #tpu.memory_space<vmem>> -> memref<1x40x128xi32, #tpu.memory_space<vmem>>
      %dma_start3A_294 = tpu.memref_squeeze %dma_start3A_293 : memref<1x40x128xi32, #tpu.memory_space<vmem>> -> memref<40x128xi32, #tpu.memory_space<vmem>>
      tpu.enqueue_dma source(%dma_start3A_294 : memref<40x128xi32, #tpu.memory_space<vmem>>) target(%dma_start3A_290 : memref<40x128xi32, #tpu.memory_space<hbm>>) target_semaphore(%arg21 : memref<!tpu.dma_semaphore, #tpu.memory_space<semaphore_mem>>)
      %mul3A_295 = arith.constant 40 : i32
      %mul3A_296 = arith.muli %add3A_258, %mul3A_295 : i32
      %add3A_297 = arith.addi %mul3A_6, %mul3A_296 : i32
      %dma_start3A_298 = arith.constant 1 : i32
      %dma_start3A_299 = arith.constant 0 : i32
      %dma_start3A_300 = arith.constant 0 : i32
      %dma_start3A_301 = tpu.memref_slice %arg11[%dma_start3A_298, %dma_start3A_299, %dma_start3A_300] : memref<4x40x128xi32, #tpu.memory_space<vmem>> -> memref<1x40x128xi32, #tpu.memory_space<vmem>>
      %dma_start3A_302 = tpu.memref_squeeze %dma_start3A_301 : memref<1x40x128xi32, #tpu.memory_space<vmem>> -> memref<40x128xi32, #tpu.memory_space<vmem>>
      %dma_start3A_303 = arith.constant 0 : i32
      %dma_start3A_304 = tpu.memref_slice %arg7[%add3A_297, %dma_start3A_303] : memref<160000x128xi32, #tpu.memory_space<hbm>> -> memref<40x128xi32, #tpu.memory_space<hbm>>
      %dma_start3A_305 = arith.constant 0 : i32
      %dma_start3A_306 = tpu.memref_slice %arg7[%add3A_297, %dma_start3A_305] : memref<160000x128xi32, #tpu.memory_space<hbm>> -> memref<40x128xi32, #tpu.memory_space<hbm>>
      %dma_start3A_307 = arith.constant 0 : i32
      %dma_start3A_308 = arith.constant 0 : i32
      %dma_start3A_309 = tpu.memref_slice %arg11[%dma_start3A_298, %dma_start3A_307, %dma_start3A_308] : memref<4x40x128xi32, #tpu.memory_space<vmem>> -> memref<1x40x128xi32, #tpu.memory_space<vmem>>
      %dma_start3A_310 = tpu.memref_squeeze %dma_start3A_309 : memref<1x40x128xi32, #tpu.memory_space<vmem>> -> memref<40x128xi32, #tpu.memory_space<vmem>>
      tpu.enqueue_dma source(%dma_start3A_310 : memref<40x128xi32, #tpu.memory_space<vmem>>) target(%dma_start3A_306 : memref<40x128xi32, #tpu.memory_space<hbm>>) target_semaphore(%arg25 : memref<!tpu.dma_semaphore, #tpu.memory_space<semaphore_mem>>)
      %ge3A_311 = arith.constant 2 : i32
      %ge3A_312 = arith.cmpi sge, %add3A_258, %ge3A_311 : i32
      %convert_element_type3A_313 = arith.extui %ge3A_312 : i1 to i32
      %cond3A_314 = arith.constant 0 : i32
      %cond3A_315 = arith.cmpi ne, %convert_element_type3A_313, %cond3A_314 : i32
      scf.if %cond3A_315 {
        %dma_wait3A_459 = arith.constant 3 : i32
        %dma_wait3A_460 = arith.constant 0 : i32
        %dma_wait3A_461 = arith.constant 0 : i32
        %dma_wait3A_462 = tpu.memref_slice %arg10[%dma_wait3A_459, %dma_wait3A_460, %dma_wait3A_461] : memref<4x40x128xi32, #tpu.memory_space<vmem>> -> memref<1x40x128xi32, #tpu.memory_space<vmem>>
        %dma_wait3A_463 = tpu.memref_squeeze %dma_wait3A_462 : memref<1x40x128xi32, #tpu.memory_space<vmem>> -> memref<40x128xi32, #tpu.memory_space<vmem>>
        %dma_wait3A_464 = arith.constant 0 : i32
        %dma_wait3A_465 = arith.constant 0 : i32
        %dma_wait3A_466 = tpu.memref_slice %arg6[%dma_wait3A_464, %dma_wait3A_465] : memref<160000x128xi32, #tpu.memory_space<hbm>> -> memref<40x128xi32, #tpu.memory_space<hbm>>
        %dma_wait3A_467 = arith.constant 0 : i32
        %dma_wait3A_468 = arith.constant 0 : i32
        %dma_wait3A_469 = tpu.memref_slice %arg6[%dma_wait3A_467, %dma_wait3A_468] : memref<160000x128xi32, #tpu.memory_space<hbm>> -> memref<40x128xi32, #tpu.memory_space<hbm>>
        %dma_wait3A_470 = arith.constant 0 : i32
        %dma_wait3A_471 = arith.constant 0 : i32
        %dma_wait3A_472 = tpu.memref_slice %arg10[%dma_wait3A_459, %dma_wait3A_470, %dma_wait3A_471] : memref<4x40x128xi32, #tpu.memory_space<vmem>> -> memref<1x40x128xi32, #tpu.memory_space<vmem>>
        %dma_wait3A_473 = tpu.memref_squeeze %dma_wait3A_472 : memref<1x40x128xi32, #tpu.memory_space<vmem>> -> memref<40x128xi32, #tpu.memory_space<vmem>>
        tpu.wait_dma2 semaphore(%arg23 : memref<!tpu.dma_semaphore, #tpu.memory_space<semaphore_mem>>) src(%dma_wait3A_473 : memref<40x128xi32, #tpu.memory_space<vmem>>) dst(%dma_wait3A_469 : memref<40x128xi32, #tpu.memory_space<hbm>>)
        %dma_wait3A_474 = arith.constant 3 : i32
        %dma_wait3A_475 = arith.constant 0 : i32
        %dma_wait3A_476 = arith.constant 0 : i32
        %dma_wait3A_477 = tpu.memref_slice %arg11[%dma_wait3A_474, %dma_wait3A_475, %dma_wait3A_476] : memref<4x40x128xi32, #tpu.memory_space<vmem>> -> memref<1x40x128xi32, #tpu.memory_space<vmem>>
        %dma_wait3A_478 = tpu.memref_squeeze %dma_wait3A_477 : memref<1x40x128xi32, #tpu.memory_space<vmem>> -> memref<40x128xi32, #tpu.memory_space<vmem>>
        %dma_wait3A_479 = arith.constant 0 : i32
        %dma_wait3A_480 = arith.constant 0 : i32
        %dma_wait3A_481 = tpu.memref_slice %arg7[%dma_wait3A_479, %dma_wait3A_480] : memref<160000x128xi32, #tpu.memory_space<hbm>> -> memref<40x128xi32, #tpu.memory_space<hbm>>
        %dma_wait3A_482 = arith.constant 0 : i32
        %dma_wait3A_483 = arith.constant 0 : i32
        %dma_wait3A_484 = tpu.memref_slice %arg7[%dma_wait3A_482, %dma_wait3A_483] : memref<160000x128xi32, #tpu.memory_space<hbm>> -> memref<40x128xi32, #tpu.memory_space<hbm>>
        %dma_wait3A_485 = arith.constant 0 : i32
        %dma_wait3A_486 = arith.constant 0 : i32
        %dma_wait3A_487 = tpu.memref_slice %arg11[%dma_wait3A_474, %dma_wait3A_485, %dma_wait3A_486] : memref<4x40x128xi32, #tpu.memory_space<vmem>> -> memref<1x40x128xi32, #tpu.memory_space<vmem>>
        %dma_wait3A_488 = tpu.memref_squeeze %dma_wait3A_487 : memref<1x40x128xi32, #tpu.memory_space<vmem>> -> memref<40x128xi32, #tpu.memory_space<vmem>>
        tpu.wait_dma2 semaphore(%arg27 : memref<!tpu.dma_semaphore, #tpu.memory_space<semaphore_mem>>) src(%dma_wait3A_488 : memref<40x128xi32, #tpu.memory_space<vmem>>) dst(%dma_wait3A_484 : memref<40x128xi32, #tpu.memory_space<hbm>>)
      } else {
      }
      %add3A_316 = arith.constant 2 : i32
      %add3A_317 = arith.addi %add3A_258, %add3A_316 : i32
      %lt3A_318 = arith.constant 125 : i32
      %lt3A_319 = arith.cmpi slt, %add3A_317, %lt3A_318 : i32
      %convert_element_type3A_320 = arith.extui %lt3A_319 : i1 to i32
      %cond3A_321 = arith.constant 0 : i32
      %cond3A_322 = arith.cmpi ne, %convert_element_type3A_320, %cond3A_321 : i32
      scf.if %cond3A_322 {
        %add3A_459 = arith.constant 2 : i32
        %add3A_460 = arith.addi %add3A_258, %add3A_459 : i32
        %mul3A_461 = arith.constant 40 : i32
        %mul3A_462 = arith.muli %add3A_460, %mul3A_461 : i32
        %dma_start3A_463 = arith.constant 3 : i32
        %dma_start3A_464 = arith.constant 0 : i32
        %dma_start3A_465 = arith.constant 0 : i32
        %dma_start3A_466 = tpu.memref_slice %arg10[%dma_start3A_463, %dma_start3A_464, %dma_start3A_465] : memref<4x40x128xi32, #tpu.memory_space<vmem>> -> memref<1x40x128xi32, #tpu.memory_space<vmem>>
        %dma_start3A_467 = tpu.memref_squeeze %dma_start3A_466 : memref<1x40x128xi32, #tpu.memory_space<vmem>> -> memref<40x128xi32, #tpu.memory_space<vmem>>
        %dma_start3A_468 = tpu.memref_slice %arg8[%mul3A_462] : memref<5000xi32, #tpu.memory_space<vmem>> -> memref<40xi32, #tpu.memory_space<vmem>>
        %dma_start3A_469 = arith.constant 0 : i32
        %dma_start3A_470 = arith.constant 0 : i32
        %dma_start3A_471 = tpu.memref_slice %arg2[%dma_start3A_469, %dma_start3A_470] : memref<10000x128xi32, #tpu.memory_space<hbm>> -> memref<10000x128xi32, #tpu.memory_space<hbm>>
        tpu.enqueue_indirect_dma source(%dma_start3A_471 : memref<10000x128xi32, #tpu.memory_space<hbm>>) target(%dma_start3A_467 : memref<40x128xi32, #tpu.memory_space<vmem>>) offsets(%dma_start3A_468 : memref<40xi32, #tpu.memory_space<vmem>>) semaphore(%arg15 : memref<!tpu.dma_semaphore, #tpu.memory_space<semaphore_mem>>)
        %dma_start3A_472 = arith.constant 3 : i32
        %dma_start3A_473 = arith.constant 0 : i32
        %dma_start3A_474 = arith.constant 0 : i32
        %dma_start3A_475 = tpu.memref_slice %arg11[%dma_start3A_472, %dma_start3A_473, %dma_start3A_474] : memref<4x40x128xi32, #tpu.memory_space<vmem>> -> memref<1x40x128xi32, #tpu.memory_space<vmem>>
        %dma_start3A_476 = tpu.memref_squeeze %dma_start3A_475 : memref<1x40x128xi32, #tpu.memory_space<vmem>> -> memref<40x128xi32, #tpu.memory_space<vmem>>
        %dma_start3A_477 = tpu.memref_slice %arg9[%mul3A_462] : memref<5000xi32, #tpu.memory_space<vmem>> -> memref<40xi32, #tpu.memory_space<vmem>>
        %dma_start3A_478 = arith.constant 0 : i32
        %dma_start3A_479 = arith.constant 0 : i32
        %dma_start3A_480 = tpu.memref_slice %arg3[%dma_start3A_478, %dma_start3A_479] : memref<10000x128xi32, #tpu.memory_space<hbm>> -> memref<10000x128xi32, #tpu.memory_space<hbm>>
        tpu.enqueue_indirect_dma source(%dma_start3A_480 : memref<10000x128xi32, #tpu.memory_space<hbm>>) target(%dma_start3A_476 : memref<40x128xi32, #tpu.memory_space<vmem>>) offsets(%dma_start3A_477 : memref<40xi32, #tpu.memory_space<vmem>>) semaphore(%arg19 : memref<!tpu.dma_semaphore, #tpu.memory_space<semaphore_mem>>)
      } else {
      }
      %mul3A_323 = arith.constant 4 : i32
      %mul3A_324 = arith.muli %mul3A_323, %scan3A_190 : i32
      %add3A_325 = arith.constant 2 : i32
      %add3A_326 = arith.addi %mul3A_324, %add3A_325 : i32
      %dma_wait3A_327 = arith.constant 2 : i32
      %dma_wait3A_328 = arith.constant 0 : i32
      %dma_wait3A_329 = arith.constant 0 : i32
      %dma_wait3A_330 = tpu.memref_slice %arg10[%dma_wait3A_327, %dma_wait3A_328, %dma_wait3A_329] : memref<4x40x128xi32, #tpu.memory_space<vmem>> -> memref<1x40x128xi32, #tpu.memory_space<vmem>>
      %dma_wait3A_331 = tpu.memref_squeeze %dma_wait3A_330 : memref<1x40x128xi32, #tpu.memory_space<vmem>> -> memref<40x128xi32, #tpu.memory_space<vmem>>
      %dma_wait3A_332 = arith.constant 0 : i32
      %dma_wait3A_333 = tpu.memref_slice %arg8[%dma_wait3A_332] : memref<5000xi32, #tpu.memory_space<vmem>> -> memref<40xi32, #tpu.memory_space<vmem>>
      %dma_wait3A_334 = arith.constant 0 : i32
      %dma_wait3A_335 = arith.constant 0 : i32
      %dma_wait3A_336 = tpu.memref_slice %arg2[%dma_wait3A_334, %dma_wait3A_335] : memref<10000x128xi32, #tpu.memory_space<hbm>> -> memref<10000x128xi32, #tpu.memory_space<hbm>>
      tpu.wait_indirect_dma semaphore(%arg14 : memref<!tpu.dma_semaphore, #tpu.memory_space<semaphore_mem>>) src(%dma_wait3A_336 : memref<10000x128xi32, #tpu.memory_space<hbm>>) dst(%dma_wait3A_331 : memref<40x128xi32, #tpu.memory_space<vmem>>)
      %dma_wait3A_337 = arith.constant 2 : i32
      %dma_wait3A_338 = arith.constant 0 : i32
      %dma_wait3A_339 = arith.constant 0 : i32
      %dma_wait3A_340 = tpu.memref_slice %arg11[%dma_wait3A_337, %dma_wait3A_338, %dma_wait3A_339] : memref<4x40x128xi32, #tpu.memory_space<vmem>> -> memref<1x40x128xi32, #tpu.memory_space<vmem>>
      %dma_wait3A_341 = tpu.memref_squeeze %dma_wait3A_340 : memref<1x40x128xi32, #tpu.memory_space<vmem>> -> memref<40x128xi32, #tpu.memory_space<vmem>>
      %dma_wait3A_342 = arith.constant 0 : i32
      %dma_wait3A_343 = tpu.memref_slice %arg9[%dma_wait3A_342] : memref<5000xi32, #tpu.memory_space<vmem>> -> memref<40xi32, #tpu.memory_space<vmem>>
      %dma_wait3A_344 = arith.constant 0 : i32
      %dma_wait3A_345 = arith.constant 0 : i32
      %dma_wait3A_346 = tpu.memref_slice %arg3[%dma_wait3A_344, %dma_wait3A_345] : memref<10000x128xi32, #tpu.memory_space<hbm>> -> memref<10000x128xi32, #tpu.memory_space<hbm>>
      tpu.wait_indirect_dma semaphore(%arg18 : memref<!tpu.dma_semaphore, #tpu.memory_space<semaphore_mem>>) src(%dma_wait3A_346 : memref<10000x128xi32, #tpu.memory_space<hbm>>) dst(%dma_wait3A_341 : memref<40x128xi32, #tpu.memory_space<vmem>>)
      %mul3A_347 = arith.constant 40 : i32
      %mul3A_348 = arith.muli %add3A_326, %mul3A_347 : i32
      %add3A_349 = arith.addi %mul3A_6, %mul3A_348 : i32
      %dma_start3A_350 = arith.constant 2 : i32
      %dma_start3A_351 = arith.constant 0 : i32
      %dma_start3A_352 = arith.constant 0 : i32
      %dma_start3A_353 = tpu.memref_slice %arg10[%dma_start3A_350, %dma_start3A_351, %dma_start3A_352] : memref<4x40x128xi32, #tpu.memory_space<vmem>> -> memref<1x40x128xi32, #tpu.memory_space<vmem>>
      %dma_start3A_354 = tpu.memref_squeeze %dma_start3A_353 : memref<1x40x128xi32, #tpu.memory_space<vmem>> -> memref<40x128xi32, #tpu.memory_space<vmem>>
      %dma_start3A_355 = arith.constant 0 : i32
      %dma_start3A_356 = tpu.memref_slice %arg6[%add3A_349, %dma_start3A_355] : memref<160000x128xi32, #tpu.memory_space<hbm>> -> memref<40x128xi32, #tpu.memory_space<hbm>>
      %dma_start3A_357 = arith.constant 0 : i32
      %dma_start3A_358 = tpu.memref_slice %arg6[%add3A_349, %dma_start3A_357] : memref<160000x128xi32, #tpu.memory_space<hbm>> -> memref<40x128xi32, #tpu.memory_space<hbm>>
      %dma_start3A_359 = arith.constant 0 : i32
      %dma_start3A_360 = arith.constant 0 : i32
      %dma_start3A_361 = tpu.memref_slice %arg10[%dma_start3A_350, %dma_start3A_359, %dma_start3A_360] : memref<4x40x128xi32, #tpu.memory_space<vmem>> -> memref<1x40x128xi32, #tpu.memory_space<vmem>>
      %dma_start3A_362 = tpu.memref_squeeze %dma_start3A_361 : memref<1x40x128xi32, #tpu.memory_space<vmem>> -> memref<40x128xi32, #tpu.memory_space<vmem>>
      tpu.enqueue_dma source(%dma_start3A_362 : memref<40x128xi32, #tpu.memory_space<vmem>>) target(%dma_start3A_358 : memref<40x128xi32, #tpu.memory_space<hbm>>) target_semaphore(%arg22 : memref<!tpu.dma_semaphore, #tpu.memory_space<semaphore_mem>>)
      %mul3A_363 = arith.constant 40 : i32
      %mul3A_364 = arith.muli %add3A_326, %mul3A_363 : i32
      %add3A_365 = arith.addi %mul3A_6, %mul3A_364 : i32
      %dma_start3A_366 = arith.constant 2 : i32
      %dma_start3A_367 = arith.constant 0 : i32
      %dma_start3A_368 = arith.constant 0 : i32
      %dma_start3A_369 = tpu.memref_slice %arg11[%dma_start3A_366, %dma_start3A_367, %dma_start3A_368] : memref<4x40x128xi32, #tpu.memory_space<vmem>> -> memref<1x40x128xi32, #tpu.memory_space<vmem>>
      %dma_start3A_370 = tpu.memref_squeeze %dma_start3A_369 : memref<1x40x128xi32, #tpu.memory_space<vmem>> -> memref<40x128xi32, #tpu.memory_space<vmem>>
      %dma_start3A_371 = arith.constant 0 : i32
      %dma_start3A_372 = tpu.memref_slice %arg7[%add3A_365, %dma_start3A_371] : memref<160000x128xi32, #tpu.memory_space<hbm>> -> memref<40x128xi32, #tpu.memory_space<hbm>>
      %dma_start3A_373 = arith.constant 0 : i32
      %dma_start3A_374 = tpu.memref_slice %arg7[%add3A_365, %dma_start3A_373] : memref<160000x128xi32, #tpu.memory_space<hbm>> -> memref<40x128xi32, #tpu.memory_space<hbm>>
      %dma_start3A_375 = arith.constant 0 : i32
      %dma_start3A_376 = arith.constant 0 : i32
      %dma_start3A_377 = tpu.memref_slice %arg11[%dma_start3A_366, %dma_start3A_375, %dma_start3A_376] : memref<4x40x128xi32, #tpu.memory_space<vmem>> -> memref<1x40x128xi32, #tpu.memory_space<vmem>>
      %dma_start3A_378 = tpu.memref_squeeze %dma_start3A_377 : memref<1x40x128xi32, #tpu.memory_space<vmem>> -> memref<40x128xi32, #tpu.memory_space<vmem>>
      tpu.enqueue_dma source(%dma_start3A_378 : memref<40x128xi32, #tpu.memory_space<vmem>>) target(%dma_start3A_374 : memref<40x128xi32, #tpu.memory_space<hbm>>) target_semaphore(%arg26 : memref<!tpu.dma_semaphore, #tpu.memory_space<semaphore_mem>>)
      %ge3A_379 = arith.constant 2 : i32
      %ge3A_380 = arith.cmpi sge, %add3A_326, %ge3A_379 : i32
      %convert_element_type3A_381 = arith.extui %ge3A_380 : i1 to i32
      %cond3A_382 = arith.constant 0 : i32
      %cond3A_383 = arith.cmpi ne, %convert_element_type3A_381, %cond3A_382 : i32
      scf.if %cond3A_383 {
        %dma_wait3A_459 = arith.constant 0 : i32
        %dma_wait3A_460 = arith.constant 0 : i32
        %dma_wait3A_461 = arith.constant 0 : i32
        %dma_wait3A_462 = tpu.memref_slice %arg10[%dma_wait3A_459, %dma_wait3A_460, %dma_wait3A_461] : memref<4x40x128xi32, #tpu.memory_space<vmem>> -> memref<1x40x128xi32, #tpu.memory_space<vmem>>
        %dma_wait3A_463 = tpu.memref_squeeze %dma_wait3A_462 : memref<1x40x128xi32, #tpu.memory_space<vmem>> -> memref<40x128xi32, #tpu.memory_space<vmem>>
        %dma_wait3A_464 = arith.constant 0 : i32
        %dma_wait3A_465 = arith.constant 0 : i32
        %dma_wait3A_466 = tpu.memref_slice %arg6[%dma_wait3A_464, %dma_wait3A_465] : memref<160000x128xi32, #tpu.memory_space<hbm>> -> memref<40x128xi32, #tpu.memory_space<hbm>>
        %dma_wait3A_467 = arith.constant 0 : i32
        %dma_wait3A_468 = arith.constant 0 : i32
        %dma_wait3A_469 = tpu.memref_slice %arg6[%dma_wait3A_467, %dma_wait3A_468] : memref<160000x128xi32, #tpu.memory_space<hbm>> -> memref<40x128xi32, #tpu.memory_space<hbm>>
        %dma_wait3A_470 = arith.constant 0 : i32
        %dma_wait3A_471 = arith.constant 0 : i32
        %dma_wait3A_472 = tpu.memref_slice %arg10[%dma_wait3A_459, %dma_wait3A_470, %dma_wait3A_471] : memref<4x40x128xi32, #tpu.memory_space<vmem>> -> memref<1x40x128xi32, #tpu.memory_space<vmem>>
        %dma_wait3A_473 = tpu.memref_squeeze %dma_wait3A_472 : memref<1x40x128xi32, #tpu.memory_space<vmem>> -> memref<40x128xi32, #tpu.memory_space<vmem>>
        tpu.wait_dma2 semaphore(%arg20 : memref<!tpu.dma_semaphore, #tpu.memory_space<semaphore_mem>>) src(%dma_wait3A_473 : memref<40x128xi32, #tpu.memory_space<vmem>>) dst(%dma_wait3A_469 : memref<40x128xi32, #tpu.memory_space<hbm>>)
        %dma_wait3A_474 = arith.constant 0 : i32
        %dma_wait3A_475 = arith.constant 0 : i32
        %dma_wait3A_476 = arith.constant 0 : i32
        %dma_wait3A_477 = tpu.memref_slice %arg11[%dma_wait3A_474, %dma_wait3A_475, %dma_wait3A_476] : memref<4x40x128xi32, #tpu.memory_space<vmem>> -> memref<1x40x128xi32, #tpu.memory_space<vmem>>
        %dma_wait3A_478 = tpu.memref_squeeze %dma_wait3A_477 : memref<1x40x128xi32, #tpu.memory_space<vmem>> -> memref<40x128xi32, #tpu.memory_space<vmem>>
        %dma_wait3A_479 = arith.constant 0 : i32
        %dma_wait3A_480 = arith.constant 0 : i32
        %dma_wait3A_481 = tpu.memref_slice %arg7[%dma_wait3A_479, %dma_wait3A_480] : memref<160000x128xi32, #tpu.memory_space<hbm>> -> memref<40x128xi32, #tpu.memory_space<hbm>>
        %dma_wait3A_482 = arith.constant 0 : i32
        %dma_wait3A_483 = arith.constant 0 : i32
        %dma_wait3A_484 = tpu.memref_slice %arg7[%dma_wait3A_482, %dma_wait3A_483] : memref<160000x128xi32, #tpu.memory_space<hbm>> -> memref<40x128xi32, #tpu.memory_space<hbm>>
        %dma_wait3A_485 = arith.constant 0 : i32
        %dma_wait3A_486 = arith.constant 0 : i32
        %dma_wait3A_487 = tpu.memref_slice %arg11[%dma_wait3A_474, %dma_wait3A_485, %dma_wait3A_486] : memref<4x40x128xi32, #tpu.memory_space<vmem>> -> memref<1x40x128xi32, #tpu.memory_space<vmem>>
        %dma_wait3A_488 = tpu.memref_squeeze %dma_wait3A_487 : memref<1x40x128xi32, #tpu.memory_space<vmem>> -> memref<40x128xi32, #tpu.memory_space<vmem>>
        tpu.wait_dma2 semaphore(%arg24 : memref<!tpu.dma_semaphore, #tpu.memory_space<semaphore_mem>>) src(%dma_wait3A_488 : memref<40x128xi32, #tpu.memory_space<vmem>>) dst(%dma_wait3A_484 : memref<40x128xi32, #tpu.memory_space<hbm>>)
      } else {
      }
      %add3A_384 = arith.constant 2 : i32
      %add3A_385 = arith.addi %add3A_326, %add3A_384 : i32
      %lt3A_386 = arith.constant 125 : i32
      %lt3A_387 = arith.cmpi slt, %add3A_385, %lt3A_386 : i32
      %convert_element_type3A_388 = arith.extui %lt3A_387 : i1 to i32
      %cond3A_389 = arith.constant 0 : i32
      %cond3A_390 = arith.cmpi ne, %convert_element_type3A_388, %cond3A_389 : i32
      scf.if %cond3A_390 {
        %add3A_459 = arith.constant 2 : i32
        %add3A_460 = arith.addi %add3A_326, %add3A_459 : i32
        %mul3A_461 = arith.constant 40 : i32
        %mul3A_462 = arith.muli %add3A_460, %mul3A_461 : i32
        %dma_start3A_463 = arith.constant 0 : i32
        %dma_start3A_464 = arith.constant 0 : i32
        %dma_start3A_465 = arith.constant 0 : i32
        %dma_start3A_466 = tpu.memref_slice %arg10[%dma_start3A_463, %dma_start3A_464, %dma_start3A_465] : memref<4x40x128xi32, #tpu.memory_space<vmem>> -> memref<1x40x128xi32, #tpu.memory_space<vmem>>
        %dma_start3A_467 = tpu.memref_squeeze %dma_start3A_466 : memref<1x40x128xi32, #tpu.memory_space<vmem>> -> memref<40x128xi32, #tpu.memory_space<vmem>>
        %dma_start3A_468 = tpu.memref_slice %arg8[%mul3A_462] : memref<5000xi32, #tpu.memory_space<vmem>> -> memref<40xi32, #tpu.memory_space<vmem>>
        %dma_start3A_469 = arith.constant 0 : i32
        %dma_start3A_470 = arith.constant 0 : i32
        %dma_start3A_471 = tpu.memref_slice %arg2[%dma_start3A_469, %dma_start3A_470] : memref<10000x128xi32, #tpu.memory_space<hbm>> -> memref<10000x128xi32, #tpu.memory_space<hbm>>
        tpu.enqueue_indirect_dma source(%dma_start3A_471 : memref<10000x128xi32, #tpu.memory_space<hbm>>) target(%dma_start3A_467 : memref<40x128xi32, #tpu.memory_space<vmem>>) offsets(%dma_start3A_468 : memref<40xi32, #tpu.memory_space<vmem>>) semaphore(%arg12 : memref<!tpu.dma_semaphore, #tpu.memory_space<semaphore_mem>>)
        %dma_start3A_472 = arith.constant 0 : i32
        %dma_start3A_473 = arith.constant 0 : i32
        %dma_start3A_474 = arith.constant 0 : i32
        %dma_start3A_475 = tpu.memref_slice %arg11[%dma_start3A_472, %dma_start3A_473, %dma_start3A_474] : memref<4x40x128xi32, #tpu.memory_space<vmem>> -> memref<1x40x128xi32, #tpu.memory_space<vmem>>
        %dma_start3A_476 = tpu.memref_squeeze %dma_start3A_475 : memref<1x40x128xi32, #tpu.memory_space<vmem>> -> memref<40x128xi32, #tpu.memory_space<vmem>>
        %dma_start3A_477 = tpu.memref_slice %arg9[%mul3A_462] : memref<5000xi32, #tpu.memory_space<vmem>> -> memref<40xi32, #tpu.memory_space<vmem>>
        %dma_start3A_478 = arith.constant 0 : i32
        %dma_start3A_479 = arith.constant 0 : i32
        %dma_start3A_480 = tpu.memref_slice %arg3[%dma_start3A_478, %dma_start3A_479] : memref<10000x128xi32, #tpu.memory_space<hbm>> -> memref<10000x128xi32, #tpu.memory_space<hbm>>
        tpu.enqueue_indirect_dma source(%dma_start3A_480 : memref<10000x128xi32, #tpu.memory_space<hbm>>) target(%dma_start3A_476 : memref<40x128xi32, #tpu.memory_space<vmem>>) offsets(%dma_start3A_477 : memref<40xi32, #tpu.memory_space<vmem>>) semaphore(%arg16 : memref<!tpu.dma_semaphore, #tpu.memory_space<semaphore_mem>>)
      } else {
      }
      %mul3A_391 = arith.constant 4 : i32
      %mul3A_392 = arith.muli %mul3A_391, %scan3A_190 : i32
      %add3A_393 = arith.constant 3 : i32
      %add3A_394 = arith.addi %mul3A_392, %add3A_393 : i32
      %dma_wait3A_395 = arith.constant 3 : i32
      %dma_wait3A_396 = arith.constant 0 : i32
      %dma_wait3A_397 = arith.constant 0 : i32
      %dma_wait3A_398 = tpu.memref_slice %arg10[%dma_wait3A_395, %dma_wait3A_396, %dma_wait3A_397] : memref<4x40x128xi32, #tpu.memory_space<vmem>> -> memref<1x40x128xi32, #tpu.memory_space<vmem>>
      %dma_wait3A_399 = tpu.memref_squeeze %dma_wait3A_398 : memref<1x40x128xi32, #tpu.memory_space<vmem>> -> memref<40x128xi32, #tpu.memory_space<vmem>>
      %dma_wait3A_400 = arith.constant 0 : i32
      %dma_wait3A_401 = tpu.memref_slice %arg8[%dma_wait3A_400] : memref<5000xi32, #tpu.memory_space<vmem>> -> memref<40xi32, #tpu.memory_space<vmem>>
      %dma_wait3A_402 = arith.constant 0 : i32
      %dma_wait3A_403 = arith.constant 0 : i32
      %dma_wait3A_404 = tpu.memref_slice %arg2[%dma_wait3A_402, %dma_wait3A_403] : memref<10000x128xi32, #tpu.memory_space<hbm>> -> memref<10000x128xi32, #tpu.memory_space<hbm>>
      tpu.wait_indirect_dma semaphore(%arg15 : memref<!tpu.dma_semaphore, #tpu.memory_space<semaphore_mem>>) src(%dma_wait3A_404 : memref<10000x128xi32, #tpu.memory_space<hbm>>) dst(%dma_wait3A_399 : memref<40x128xi32, #tpu.memory_space<vmem>>)
      %dma_wait3A_405 = arith.constant 3 : i32
      %dma_wait3A_406 = arith.constant 0 : i32
      %dma_wait3A_407 = arith.constant 0 : i32
      %dma_wait3A_408 = tpu.memref_slice %arg11[%dma_wait3A_405, %dma_wait3A_406, %dma_wait3A_407] : memref<4x40x128xi32, #tpu.memory_space<vmem>> -> memref<1x40x128xi32, #tpu.memory_space<vmem>>
      %dma_wait3A_409 = tpu.memref_squeeze %dma_wait3A_408 : memref<1x40x128xi32, #tpu.memory_space<vmem>> -> memref<40x128xi32, #tpu.memory_space<vmem>>
      %dma_wait3A_410 = arith.constant 0 : i32
      %dma_wait3A_411 = tpu.memref_slice %arg9[%dma_wait3A_410] : memref<5000xi32, #tpu.memory_space<vmem>> -> memref<40xi32, #tpu.memory_space<vmem>>
      %dma_wait3A_412 = arith.constant 0 : i32
      %dma_wait3A_413 = arith.constant 0 : i32
      %dma_wait3A_414 = tpu.memref_slice %arg3[%dma_wait3A_412, %dma_wait3A_413] : memref<10000x128xi32, #tpu.memory_space<hbm>> -> memref<10000x128xi32, #tpu.memory_space<hbm>>
      tpu.wait_indirect_dma semaphore(%arg19 : memref<!tpu.dma_semaphore, #tpu.memory_space<semaphore_mem>>) src(%dma_wait3A_414 : memref<10000x128xi32, #tpu.memory_space<hbm>>) dst(%dma_wait3A_409 : memref<40x128xi32, #tpu.memory_space<vmem>>)
      %mul3A_415 = arith.constant 40 : i32
      %mul3A_416 = arith.muli %add3A_394, %mul3A_415 : i32
      %add3A_417 = arith.addi %mul3A_6, %mul3A_416 : i32
      %dma_start3A_418 = arith.constant 3 : i32
      %dma_start3A_419 = arith.constant 0 : i32
      %dma_start3A_420 = arith.constant 0 : i32
      %dma_start3A_421 = tpu.memref_slice %arg10[%dma_start3A_418, %dma_start3A_419, %dma_start3A_420] : memref<4x40x128xi32, #tpu.memory_space<vmem>> -> memref<1x40x128xi32, #tpu.memory_space<vmem>>
      %dma_start3A_422 = tpu.memref_squeeze %dma_start3A_421 : memref<1x40x128xi32, #tpu.memory_space<vmem>> -> memref<40x128xi32, #tpu.memory_space<vmem>>
      %dma_start3A_423 = arith.constant 0 : i32
      %dma_start3A_424 = tpu.memref_slice %arg6[%add3A_417, %dma_start3A_423] : memref<160000x128xi32, #tpu.memory_space<hbm>> -> memref<40x128xi32, #tpu.memory_space<hbm>>
      %dma_start3A_425 = arith.constant 0 : i32
      %dma_start3A_426 = tpu.memref_slice %arg6[%add3A_417, %dma_start3A_425] : memref<160000x128xi32, #tpu.memory_space<hbm>> -> memref<40x128xi32, #tpu.memory_space<hbm>>
      %dma_start3A_427 = arith.constant 0 : i32
      %dma_start3A_428 = arith.constant 0 : i32
      %dma_start3A_429 = tpu.memref_slice %arg10[%dma_start3A_418, %dma_start3A_427, %dma_start3A_428] : memref<4x40x128xi32, #tpu.memory_space<vmem>> -> memref<1x40x128xi32, #tpu.memory_space<vmem>>
      %dma_start3A_430 = tpu.memref_squeeze %dma_start3A_429 : memref<1x40x128xi32, #tpu.memory_space<vmem>> -> memref<40x128xi32, #tpu.memory_space<vmem>>
      tpu.enqueue_dma source(%dma_start3A_430 : memref<40x128xi32, #tpu.memory_space<vmem>>) target(%dma_start3A_426 : memref<40x128xi32, #tpu.memory_space<hbm>>) target_semaphore(%arg23 : memref<!tpu.dma_semaphore, #tpu.memory_space<semaphore_mem>>)
      %mul3A_431 = arith.constant 40 : i32
      %mul3A_432 = arith.muli %add3A_394, %mul3A_431 : i32
      %add3A_433 = arith.addi %mul3A_6, %mul3A_432 : i32
      %dma_start3A_434 = arith.constant 3 : i32
      %dma_start3A_435 = arith.constant 0 : i32
      %dma_start3A_436 = arith.constant 0 : i32
      %dma_start3A_437 = tpu.memref_slice %arg11[%dma_start3A_434, %dma_start3A_435, %dma_start3A_436] : memref<4x40x128xi32, #tpu.memory_space<vmem>> -> memref<1x40x128xi32, #tpu.memory_space<vmem>>
      %dma_start3A_438 = tpu.memref_squeeze %dma_start3A_437 : memref<1x40x128xi32, #tpu.memory_space<vmem>> -> memref<40x128xi32, #tpu.memory_space<vmem>>
      %dma_start3A_439 = arith.constant 0 : i32
      %dma_start3A_440 = tpu.memref_slice %arg7[%add3A_433, %dma_start3A_439] : memref<160000x128xi32, #tpu.memory_space<hbm>> -> memref<40x128xi32, #tpu.memory_space<hbm>>
      %dma_start3A_441 = arith.constant 0 : i32
      %dma_start3A_442 = tpu.memref_slice %arg7[%add3A_433, %dma_start3A_441] : memref<160000x128xi32, #tpu.memory_space<hbm>> -> memref<40x128xi32, #tpu.memory_space<hbm>>
      %dma_start3A_443 = arith.constant 0 : i32
      %dma_start3A_444 = arith.constant 0 : i32
      %dma_start3A_445 = tpu.memref_slice %arg11[%dma_start3A_434, %dma_start3A_443, %dma_start3A_444] : memref<4x40x128xi32, #tpu.memory_space<vmem>> -> memref<1x40x128xi32, #tpu.memory_space<vmem>>
      %dma_start3A_446 = tpu.memref_squeeze %dma_start3A_445 : memref<1x40x128xi32, #tpu.memory_space<vmem>> -> memref<40x128xi32, #tpu.memory_space<vmem>>
      tpu.enqueue_dma source(%dma_start3A_446 : memref<40x128xi32, #tpu.memory_space<vmem>>) target(%dma_start3A_442 : memref<40x128xi32, #tpu.memory_space<hbm>>) target_semaphore(%arg27 : memref<!tpu.dma_semaphore, #tpu.memory_space<semaphore_mem>>)
      %ge3A_447 = arith.constant 2 : i32
      %ge3A_448 = arith.cmpi sge, %add3A_394, %ge3A_447 : i32
      %convert_element_type3A_449 = arith.extui %ge3A_448 : i1 to i32
      %cond3A_450 = arith.constant 0 : i32
      %cond3A_451 = arith.cmpi ne, %convert_element_type3A_449, %cond3A_450 : i32
      scf.if %cond3A_451 {
        %dma_wait3A_459 = arith.constant 1 : i32
        %dma_wait3A_460 = arith.constant 0 : i32
        %dma_wait3A_461 = arith.constant 0 : i32
        %dma_wait3A_462 = tpu.memref_slice %arg10[%dma_wait3A_459, %dma_wait3A_460, %dma_wait3A_461] : memref<4x40x128xi32, #tpu.memory_space<vmem>> -> memref<1x40x128xi32, #tpu.memory_space<vmem>>
        %dma_wait3A_463 = tpu.memref_squeeze %dma_wait3A_462 : memref<1x40x128xi32, #tpu.memory_space<vmem>> -> memref<40x128xi32, #tpu.memory_space<vmem>>
        %dma_wait3A_464 = arith.constant 0 : i32
        %dma_wait3A_465 = arith.constant 0 : i32
        %dma_wait3A_466 = tpu.memref_slice %arg6[%dma_wait3A_464, %dma_wait3A_465] : memref<160000x128xi32, #tpu.memory_space<hbm>> -> memref<40x128xi32, #tpu.memory_space<hbm>>
        %dma_wait3A_467 = arith.constant 0 : i32
        %dma_wait3A_468 = arith.constant 0 : i32
        %dma_wait3A_469 = tpu.memref_slice %arg6[%dma_wait3A_467, %dma_wait3A_468] : memref<160000x128xi32, #tpu.memory_space<hbm>> -> memref<40x128xi32, #tpu.memory_space<hbm>>
        %dma_wait3A_470 = arith.constant 0 : i32
        %dma_wait3A_471 = arith.constant 0 : i32
        %dma_wait3A_472 = tpu.memref_slice %arg10[%dma_wait3A_459, %dma_wait3A_470, %dma_wait3A_471] : memref<4x40x128xi32, #tpu.memory_space<vmem>> -> memref<1x40x128xi32, #tpu.memory_space<vmem>>
        %dma_wait3A_473 = tpu.memref_squeeze %dma_wait3A_472 : memref<1x40x128xi32, #tpu.memory_space<vmem>> -> memref<40x128xi32, #tpu.memory_space<vmem>>
        tpu.wait_dma2 semaphore(%arg21 : memref<!tpu.dma_semaphore, #tpu.memory_space<semaphore_mem>>) src(%dma_wait3A_473 : memref<40x128xi32, #tpu.memory_space<vmem>>) dst(%dma_wait3A_469 : memref<40x128xi32, #tpu.memory_space<hbm>>)
        %dma_wait3A_474 = arith.constant 1 : i32
        %dma_wait3A_475 = arith.constant 0 : i32
        %dma_wait3A_476 = arith.constant 0 : i32
        %dma_wait3A_477 = tpu.memref_slice %arg11[%dma_wait3A_474, %dma_wait3A_475, %dma_wait3A_476] : memref<4x40x128xi32, #tpu.memory_space<vmem>> -> memref<1x40x128xi32, #tpu.memory_space<vmem>>
        %dma_wait3A_478 = tpu.memref_squeeze %dma_wait3A_477 : memref<1x40x128xi32, #tpu.memory_space<vmem>> -> memref<40x128xi32, #tpu.memory_space<vmem>>
        %dma_wait3A_479 = arith.constant 0 : i32
        %dma_wait3A_480 = arith.constant 0 : i32
        %dma_wait3A_481 = tpu.memref_slice %arg7[%dma_wait3A_479, %dma_wait3A_480] : memref<160000x128xi32, #tpu.memory_space<hbm>> -> memref<40x128xi32, #tpu.memory_space<hbm>>
        %dma_wait3A_482 = arith.constant 0 : i32
        %dma_wait3A_483 = arith.constant 0 : i32
        %dma_wait3A_484 = tpu.memref_slice %arg7[%dma_wait3A_482, %dma_wait3A_483] : memref<160000x128xi32, #tpu.memory_space<hbm>> -> memref<40x128xi32, #tpu.memory_space<hbm>>
        %dma_wait3A_485 = arith.constant 0 : i32
        %dma_wait3A_486 = arith.constant 0 : i32
        %dma_wait3A_487 = tpu.memref_slice %arg11[%dma_wait3A_474, %dma_wait3A_485, %dma_wait3A_486] : memref<4x40x128xi32, #tpu.memory_space<vmem>> -> memref<1x40x128xi32, #tpu.memory_space<vmem>>
        %dma_wait3A_488 = tpu.memref_squeeze %dma_wait3A_487 : memref<1x40x128xi32, #tpu.memory_space<vmem>> -> memref<40x128xi32, #tpu.memory_space<vmem>>
        tpu.wait_dma2 semaphore(%arg25 : memref<!tpu.dma_semaphore, #tpu.memory_space<semaphore_mem>>) src(%dma_wait3A_488 : memref<40x128xi32, #tpu.memory_space<vmem>>) dst(%dma_wait3A_484 : memref<40x128xi32, #tpu.memory_space<hbm>>)
      } else {
      }
      %add3A_452 = arith.constant 2 : i32
      %add3A_453 = arith.addi %add3A_394, %add3A_452 : i32
      %lt3A_454 = arith.constant 125 : i32
      %lt3A_455 = arith.cmpi slt, %add3A_453, %lt3A_454 : i32
      %convert_element_type3A_456 = arith.extui %lt3A_455 : i1 to i32
      %cond3A_457 = arith.constant 0 : i32
      %cond3A_458 = arith.cmpi ne, %convert_element_type3A_456, %cond3A_457 : i32
      scf.if %cond3A_458 {
        %add3A_459 = arith.constant 2 : i32
        %add3A_460 = arith.addi %add3A_394, %add3A_459 : i32
        %mul3A_461 = arith.constant 40 : i32
        %mul3A_462 = arith.muli %add3A_460, %mul3A_461 : i32
        %dma_start3A_463 = arith.constant 1 : i32
        %dma_start3A_464 = arith.constant 0 : i32
        %dma_start3A_465 = arith.constant 0 : i32
        %dma_start3A_466 = tpu.memref_slice %arg10[%dma_start3A_463, %dma_start3A_464, %dma_start3A_465] : memref<4x40x128xi32, #tpu.memory_space<vmem>> -> memref<1x40x128xi32, #tpu.memory_space<vmem>>
        %dma_start3A_467 = tpu.memref_squeeze %dma_start3A_466 : memref<1x40x128xi32, #tpu.memory_space<vmem>> -> memref<40x128xi32, #tpu.memory_space<vmem>>
        %dma_start3A_468 = tpu.memref_slice %arg8[%mul3A_462] : memref<5000xi32, #tpu.memory_space<vmem>> -> memref<40xi32, #tpu.memory_space<vmem>>
        %dma_start3A_469 = arith.constant 0 : i32
        %dma_start3A_470 = arith.constant 0 : i32
        %dma_start3A_471 = tpu.memref_slice %arg2[%dma_start3A_469, %dma_start3A_470] : memref<10000x128xi32, #tpu.memory_space<hbm>> -> memref<10000x128xi32, #tpu.memory_space<hbm>>
        tpu.enqueue_indirect_dma source(%dma_start3A_471 : memref<10000x128xi32, #tpu.memory_space<hbm>>) target(%dma_start3A_467 : memref<40x128xi32, #tpu.memory_space<vmem>>) offsets(%dma_start3A_468 : memref<40xi32, #tpu.memory_space<vmem>>) semaphore(%arg13 : memref<!tpu.dma_semaphore, #tpu.memory_space<semaphore_mem>>)
        %dma_start3A_472 = arith.constant 1 : i32
        %dma_start3A_473 = arith.constant 0 : i32
        %dma_start3A_474 = arith.constant 0 : i32
        %dma_start3A_475 = tpu.memref_slice %arg11[%dma_start3A_472, %dma_start3A_473, %dma_start3A_474] : memref<4x40x128xi32, #tpu.memory_space<vmem>> -> memref<1x40x128xi32, #tpu.memory_space<vmem>>
        %dma_start3A_476 = tpu.memref_squeeze %dma_start3A_475 : memref<1x40x128xi32, #tpu.memory_space<vmem>> -> memref<40x128xi32, #tpu.memory_space<vmem>>
        %dma_start3A_477 = tpu.memref_slice %arg9[%mul3A_462] : memref<5000xi32, #tpu.memory_space<vmem>> -> memref<40xi32, #tpu.memory_space<vmem>>
        %dma_start3A_478 = arith.constant 0 : i32
        %dma_start3A_479 = arith.constant 0 : i32
        %dma_start3A_480 = tpu.memref_slice %arg3[%dma_start3A_478, %dma_start3A_479] : memref<10000x128xi32, #tpu.memory_space<hbm>> -> memref<10000x128xi32, #tpu.memory_space<hbm>>
        tpu.enqueue_indirect_dma source(%dma_start3A_480 : memref<10000x128xi32, #tpu.memory_space<hbm>>) target(%dma_start3A_476 : memref<40x128xi32, #tpu.memory_space<vmem>>) offsets(%dma_start3A_477 : memref<40xi32, #tpu.memory_space<vmem>>) semaphore(%arg17 : memref<!tpu.dma_semaphore, #tpu.memory_space<semaphore_mem>>)
      } else {
      }
    }
    %scan3A_50 = arith.constant 31 : i32
    %dma_wait3A = arith.constant 0 : i32
    %dma_wait3A_51 = arith.constant 0 : i32
    %dma_wait3A_52 = arith.constant 0 : i32
    %dma_wait3A_53 = tpu.memref_slice %arg10[%dma_wait3A, %dma_wait3A_51, %dma_wait3A_52] : memref<4x40x128xi32, #tpu.memory_space<vmem>> -> memref<1x40x128xi32, #tpu.memory_space<vmem>>
    %dma_wait3A_54 = tpu.memref_squeeze %dma_wait3A_53 : memref<1x40x128xi32, #tpu.memory_space<vmem>> -> memref<40x128xi32, #tpu.memory_space<vmem>>
    %dma_wait3A_55 = arith.constant 0 : i32
    %dma_wait3A_56 = tpu.memref_slice %arg8[%dma_wait3A_55] : memref<5000xi32, #tpu.memory_space<vmem>> -> memref<40xi32, #tpu.memory_space<vmem>>
    %dma_wait3A_57 = arith.constant 0 : i32
    %dma_wait3A_58 = arith.constant 0 : i32
    %dma_wait3A_59 = tpu.memref_slice %arg2[%dma_wait3A_57, %dma_wait3A_58] : memref<10000x128xi32, #tpu.memory_space<hbm>> -> memref<10000x128xi32, #tpu.memory_space<hbm>>
    tpu.wait_indirect_dma semaphore(%arg12 : memref<!tpu.dma_semaphore, #tpu.memory_space<semaphore_mem>>) src(%dma_wait3A_59 : memref<10000x128xi32, #tpu.memory_space<hbm>>) dst(%dma_wait3A_54 : memref<40x128xi32, #tpu.memory_space<vmem>>)
    %dma_wait3A_60 = arith.constant 0 : i32
    %dma_wait3A_61 = arith.constant 0 : i32
    %dma_wait3A_62 = arith.constant 0 : i32
    %dma_wait3A_63 = tpu.memref_slice %arg11[%dma_wait3A_60, %dma_wait3A_61, %dma_wait3A_62] : memref<4x40x128xi32, #tpu.memory_space<vmem>> -> memref<1x40x128xi32, #tpu.memory_space<vmem>>
    %dma_wait3A_64 = tpu.memref_squeeze %dma_wait3A_63 : memref<1x40x128xi32, #tpu.memory_space<vmem>> -> memref<40x128xi32, #tpu.memory_space<vmem>>
    %dma_wait3A_65 = arith.constant 0 : i32
    %dma_wait3A_66 = tpu.memref_slice %arg9[%dma_wait3A_65] : memref<5000xi32, #tpu.memory_space<vmem>> -> memref<40xi32, #tpu.memory_space<vmem>>
    %dma_wait3A_67 = arith.constant 0 : i32
    %dma_wait3A_68 = arith.constant 0 : i32
    %dma_wait3A_69 = tpu.memref_slice %arg3[%dma_wait3A_67, %dma_wait3A_68] : memref<10000x128xi32, #tpu.memory_space<hbm>> -> memref<10000x128xi32, #tpu.memory_space<hbm>>
    tpu.wait_indirect_dma semaphore(%arg16 : memref<!tpu.dma_semaphore, #tpu.memory_space<semaphore_mem>>) src(%dma_wait3A_69 : memref<10000x128xi32, #tpu.memory_space<hbm>>) dst(%dma_wait3A_64 : memref<40x128xi32, #tpu.memory_space<vmem>>)
    %add3A_70 = arith.constant 4960 : i32
    %add3A_71 = arith.addi %mul3A_6, %add3A_70 : i32
    %dma_start3A_72 = arith.constant 0 : i32
    %dma_start3A_73 = arith.constant 0 : i32
    %dma_start3A_74 = arith.constant 0 : i32
    %dma_start3A_75 = tpu.memref_slice %arg10[%dma_start3A_72, %dma_start3A_73, %dma_start3A_74] : memref<4x40x128xi32, #tpu.memory_space<vmem>> -> memref<1x40x128xi32, #tpu.memory_space<vmem>>
    %dma_start3A_76 = tpu.memref_squeeze %dma_start3A_75 : memref<1x40x128xi32, #tpu.memory_space<vmem>> -> memref<40x128xi32, #tpu.memory_space<vmem>>
    %dma_start3A_77 = arith.constant 0 : i32
    %dma_start3A_78 = tpu.memref_slice %arg6[%add3A_71, %dma_start3A_77] : memref<160000x128xi32, #tpu.memory_space<hbm>> -> memref<40x128xi32, #tpu.memory_space<hbm>>
    %dma_start3A_79 = arith.constant 0 : i32
    %dma_start3A_80 = tpu.memref_slice %arg6[%add3A_71, %dma_start3A_79] : memref<160000x128xi32, #tpu.memory_space<hbm>> -> memref<40x128xi32, #tpu.memory_space<hbm>>
    %dma_start3A_81 = arith.constant 0 : i32
    %dma_start3A_82 = arith.constant 0 : i32
    %dma_start3A_83 = tpu.memref_slice %arg10[%dma_start3A_72, %dma_start3A_81, %dma_start3A_82] : memref<4x40x128xi32, #tpu.memory_space<vmem>> -> memref<1x40x128xi32, #tpu.memory_space<vmem>>
    %dma_start3A_84 = tpu.memref_squeeze %dma_start3A_83 : memref<1x40x128xi32, #tpu.memory_space<vmem>> -> memref<40x128xi32, #tpu.memory_space<vmem>>
    tpu.enqueue_dma source(%dma_start3A_84 : memref<40x128xi32, #tpu.memory_space<vmem>>) target(%dma_start3A_80 : memref<40x128xi32, #tpu.memory_space<hbm>>) target_semaphore(%arg20 : memref<!tpu.dma_semaphore, #tpu.memory_space<semaphore_mem>>)
    %add3A_85 = arith.constant 4960 : i32
    %add3A_86 = arith.addi %mul3A_6, %add3A_85 : i32
    %dma_start3A_87 = arith.constant 0 : i32
    %dma_start3A_88 = arith.constant 0 : i32
    %dma_start3A_89 = arith.constant 0 : i32
    %dma_start3A_90 = tpu.memref_slice %arg11[%dma_start3A_87, %dma_start3A_88, %dma_start3A_89] : memref<4x40x128xi32, #tpu.memory_space<vmem>> -> memref<1x40x128xi32, #tpu.memory_space<vmem>>
    %dma_start3A_91 = tpu.memref_squeeze %dma_start3A_90 : memref<1x40x128xi32, #tpu.memory_space<vmem>> -> memref<40x128xi32, #tpu.memory_space<vmem>>
    %dma_start3A_92 = arith.constant 0 : i32
    %dma_start3A_93 = tpu.memref_slice %arg7[%add3A_86, %dma_start3A_92] : memref<160000x128xi32, #tpu.memory_space<hbm>> -> memref<40x128xi32, #tpu.memory_space<hbm>>
    %dma_start3A_94 = arith.constant 0 : i32
    %dma_start3A_95 = tpu.memref_slice %arg7[%add3A_86, %dma_start3A_94] : memref<160000x128xi32, #tpu.memory_space<hbm>> -> memref<40x128xi32, #tpu.memory_space<hbm>>
    %dma_start3A_96 = arith.constant 0 : i32
    %dma_start3A_97 = arith.constant 0 : i32
    %dma_start3A_98 = tpu.memref_slice %arg11[%dma_start3A_87, %dma_start3A_96, %dma_start3A_97] : memref<4x40x128xi32, #tpu.memory_space<vmem>> -> memref<1x40x128xi32, #tpu.memory_space<vmem>>
    %dma_start3A_99 = tpu.memref_squeeze %dma_start3A_98 : memref<1x40x128xi32, #tpu.memory_space<vmem>> -> memref<40x128xi32, #tpu.memory_space<vmem>>
    tpu.enqueue_dma source(%dma_start3A_99 : memref<40x128xi32, #tpu.memory_space<vmem>>) target(%dma_start3A_95 : memref<40x128xi32, #tpu.memory_space<hbm>>) target_semaphore(%arg24 : memref<!tpu.dma_semaphore, #tpu.memory_space<semaphore_mem>>)
    %dma_wait3A_100 = arith.constant 2 : i32
    %dma_wait3A_101 = arith.constant 0 : i32
    %dma_wait3A_102 = arith.constant 0 : i32
    %dma_wait3A_103 = tpu.memref_slice %arg10[%dma_wait3A_100, %dma_wait3A_101, %dma_wait3A_102] : memref<4x40x128xi32, #tpu.memory_space<vmem>> -> memref<1x40x128xi32, #tpu.memory_space<vmem>>
    %dma_wait3A_104 = tpu.memref_squeeze %dma_wait3A_103 : memref<1x40x128xi32, #tpu.memory_space<vmem>> -> memref<40x128xi32, #tpu.memory_space<vmem>>
    %dma_wait3A_105 = arith.constant 0 : i32
    %dma_wait3A_106 = arith.constant 0 : i32
    %dma_wait3A_107 = tpu.memref_slice %arg6[%dma_wait3A_105, %dma_wait3A_106] : memref<160000x128xi32, #tpu.memory_space<hbm>> -> memref<40x128xi32, #tpu.memory_space<hbm>>
    %dma_wait3A_108 = arith.constant 0 : i32
    %dma_wait3A_109 = arith.constant 0 : i32
    %dma_wait3A_110 = tpu.memref_slice %arg6[%dma_wait3A_108, %dma_wait3A_109] : memref<160000x128xi32, #tpu.memory_space<hbm>> -> memref<40x128xi32, #tpu.memory_space<hbm>>
    %dma_wait3A_111 = arith.constant 0 : i32
    %dma_wait3A_112 = arith.constant 0 : i32
    %dma_wait3A_113 = tpu.memref_slice %arg10[%dma_wait3A_100, %dma_wait3A_111, %dma_wait3A_112] : memref<4x40x128xi32, #tpu.memory_space<vmem>> -> memref<1x40x128xi32, #tpu.memory_space<vmem>>
    %dma_wait3A_114 = tpu.memref_squeeze %dma_wait3A_113 : memref<1x40x128xi32, #tpu.memory_space<vmem>> -> memref<40x128xi32, #tpu.memory_space<vmem>>
    tpu.wait_dma2 semaphore(%arg22 : memref<!tpu.dma_semaphore, #tpu.memory_space<semaphore_mem>>) src(%dma_wait3A_114 : memref<40x128xi32, #tpu.memory_space<vmem>>) dst(%dma_wait3A_110 : memref<40x128xi32, #tpu.memory_space<hbm>>)
    %dma_wait3A_115 = arith.constant 2 : i32
    %dma_wait3A_116 = arith.constant 0 : i32
    %dma_wait3A_117 = arith.constant 0 : i32
    %dma_wait3A_118 = tpu.memref_slice %arg11[%dma_wait3A_115, %dma_wait3A_116, %dma_wait3A_117] : memref<4x40x128xi32, #tpu.memory_space<vmem>> -> memref<1x40x128xi32, #tpu.memory_space<vmem>>
    %dma_wait3A_119 = tpu.memref_squeeze %dma_wait3A_118 : memref<1x40x128xi32, #tpu.memory_space<vmem>> -> memref<40x128xi32, #tpu.memory_space<vmem>>
    %dma_wait3A_120 = arith.constant 0 : i32
    %dma_wait3A_121 = arith.constant 0 : i32
    %dma_wait3A_122 = tpu.memref_slice %arg7[%dma_wait3A_120, %dma_wait3A_121] : memref<160000x128xi32, #tpu.memory_space<hbm>> -> memref<40x128xi32, #tpu.memory_space<hbm>>
    %dma_wait3A_123 = arith.constant 0 : i32
    %dma_wait3A_124 = arith.constant 0 : i32
    %dma_wait3A_125 = tpu.memref_slice %arg7[%dma_wait3A_123, %dma_wait3A_124] : memref<160000x128xi32, #tpu.memory_space<hbm>> -> memref<40x128xi32, #tpu.memory_space<hbm>>
    %dma_wait3A_126 = arith.constant 0 : i32
    %dma_wait3A_127 = arith.constant 0 : i32
    %dma_wait3A_128 = tpu.memref_slice %arg11[%dma_wait3A_115, %dma_wait3A_126, %dma_wait3A_127] : memref<4x40x128xi32, #tpu.memory_space<vmem>> -> memref<1x40x128xi32, #tpu.memory_space<vmem>>
    %dma_wait3A_129 = tpu.memref_squeeze %dma_wait3A_128 : memref<1x40x128xi32, #tpu.memory_space<vmem>> -> memref<40x128xi32, #tpu.memory_space<vmem>>
    tpu.wait_dma2 semaphore(%arg26 : memref<!tpu.dma_semaphore, #tpu.memory_space<semaphore_mem>>) src(%dma_wait3A_129 : memref<40x128xi32, #tpu.memory_space<vmem>>) dst(%dma_wait3A_125 : memref<40x128xi32, #tpu.memory_space<hbm>>)
    %dma_wait3A_130 = arith.constant 0 : i32
    %dma_wait3A_131 = arith.constant 0 : i32
    %dma_wait3A_132 = arith.constant 0 : i32
    %dma_wait3A_133 = tpu.memref_slice %arg10[%dma_wait3A_130, %dma_wait3A_131, %dma_wait3A_132] : memref<4x40x128xi32, #tpu.memory_space<vmem>> -> memref<1x40x128xi32, #tpu.memory_space<vmem>>
    %dma_wait3A_134 = tpu.memref_squeeze %dma_wait3A_133 : memref<1x40x128xi32, #tpu.memory_space<vmem>> -> memref<40x128xi32, #tpu.memory_space<vmem>>
    %dma_wait3A_135 = arith.constant 0 : i32
    %dma_wait3A_136 = arith.constant 0 : i32
    %dma_wait3A_137 = tpu.memref_slice %arg6[%dma_wait3A_135, %dma_wait3A_136] : memref<160000x128xi32, #tpu.memory_space<hbm>> -> memref<40x128xi32, #tpu.memory_space<hbm>>
    %dma_wait3A_138 = arith.constant 0 : i32
    %dma_wait3A_139 = arith.constant 0 : i32
    %dma_wait3A_140 = tpu.memref_slice %arg6[%dma_wait3A_138, %dma_wait3A_139] : memref<160000x128xi32, #tpu.memory_space<hbm>> -> memref<40x128xi32, #tpu.memory_space<hbm>>
    %dma_wait3A_141 = arith.constant 0 : i32
    %dma_wait3A_142 = arith.constant 0 : i32
    %dma_wait3A_143 = tpu.memref_slice %arg10[%dma_wait3A_130, %dma_wait3A_141, %dma_wait3A_142] : memref<4x40x128xi32, #tpu.memory_space<vmem>> -> memref<1x40x128xi32, #tpu.memory_space<vmem>>
    %dma_wait3A_144 = tpu.memref_squeeze %dma_wait3A_143 : memref<1x40x128xi32, #tpu.memory_space<vmem>> -> memref<40x128xi32, #tpu.memory_space<vmem>>
    tpu.wait_dma2 semaphore(%arg20 : memref<!tpu.dma_semaphore, #tpu.memory_space<semaphore_mem>>) src(%dma_wait3A_144 : memref<40x128xi32, #tpu.memory_space<vmem>>) dst(%dma_wait3A_140 : memref<40x128xi32, #tpu.memory_space<hbm>>)
    %dma_wait3A_145 = arith.constant 0 : i32
    %dma_wait3A_146 = arith.constant 0 : i32
    %dma_wait3A_147 = arith.constant 0 : i32
    %dma_wait3A_148 = tpu.memref_slice %arg11[%dma_wait3A_145, %dma_wait3A_146, %dma_wait3A_147] : memref<4x40x128xi32, #tpu.memory_space<vmem>> -> memref<1x40x128xi32, #tpu.memory_space<vmem>>
    %dma_wait3A_149 = tpu.memref_squeeze %dma_wait3A_148 : memref<1x40x128xi32, #tpu.memory_space<vmem>> -> memref<40x128xi32, #tpu.memory_space<vmem>>
    %dma_wait3A_150 = arith.constant 0 : i32
    %dma_wait3A_151 = arith.constant 0 : i32
    %dma_wait3A_152 = tpu.memref_slice %arg7[%dma_wait3A_150, %dma_wait3A_151] : memref<160000x128xi32, #tpu.memory_space<hbm>> -> memref<40x128xi32, #tpu.memory_space<hbm>>
    %dma_wait3A_153 = arith.constant 0 : i32
    %dma_wait3A_154 = arith.constant 0 : i32
    %dma_wait3A_155 = tpu.memref_slice %arg7[%dma_wait3A_153, %dma_wait3A_154] : memref<160000x128xi32, #tpu.memory_space<hbm>> -> memref<40x128xi32, #tpu.memory_space<hbm>>
    %dma_wait3A_156 = arith.constant 0 : i32
    %dma_wait3A_157 = arith.constant 0 : i32
    %dma_wait3A_158 = tpu.memref_slice %arg11[%dma_wait3A_145, %dma_wait3A_156, %dma_wait3A_157] : memref<4x40x128xi32, #tpu.memory_space<vmem>> -> memref<1x40x128xi32, #tpu.memory_space<vmem>>
    %dma_wait3A_159 = tpu.memref_squeeze %dma_wait3A_158 : memref<1x40x128xi32, #tpu.memory_space<vmem>> -> memref<40x128xi32, #tpu.memory_space<vmem>>
    tpu.wait_dma2 semaphore(%arg24 : memref<!tpu.dma_semaphore, #tpu.memory_space<semaphore_mem>>) src(%dma_wait3A_159 : memref<40x128xi32, #tpu.memory_space<vmem>>) dst(%dma_wait3A_155 : memref<40x128xi32, #tpu.memory_space<hbm>>)
    %dma_wait3A_160 = arith.constant 3 : i32
    %dma_wait3A_161 = arith.constant 0 : i32
    %dma_wait3A_162 = arith.constant 0 : i32
    %dma_wait3A_163 = tpu.memref_slice %arg10[%dma_wait3A_160, %dma_wait3A_161, %dma_wait3A_162] : memref<4x40x128xi32, #tpu.memory_space<vmem>> -> memref<1x40x128xi32, #tpu.memory_space<vmem>>
    %dma_wait3A_164 = tpu.memref_squeeze %dma_wait3A_163 : memref<1x40x128xi32, #tpu.memory_space<vmem>> -> memref<40x128xi32, #tpu.memory_space<vmem>>
    %dma_wait3A_165 = arith.constant 0 : i32
    %dma_wait3A_166 = arith.constant 0 : i32
    %dma_wait3A_167 = tpu.memref_slice %arg6[%dma_wait3A_165, %dma_wait3A_166] : memref<160000x128xi32, #tpu.memory_space<hbm>> -> memref<40x128xi32, #tpu.memory_space<hbm>>
    %dma_wait3A_168 = arith.constant 0 : i32
    %dma_wait3A_169 = arith.constant 0 : i32
    %dma_wait3A_170 = tpu.memref_slice %arg6[%dma_wait3A_168, %dma_wait3A_169] : memref<160000x128xi32, #tpu.memory_space<hbm>> -> memref<40x128xi32, #tpu.memory_space<hbm>>
    %dma_wait3A_171 = arith.constant 0 : i32
    %dma_wait3A_172 = arith.constant 0 : i32
    %dma_wait3A_173 = tpu.memref_slice %arg10[%dma_wait3A_160, %dma_wait3A_171, %dma_wait3A_172] : memref<4x40x128xi32, #tpu.memory_space<vmem>> -> memref<1x40x128xi32, #tpu.memory_space<vmem>>
    %dma_wait3A_174 = tpu.memref_squeeze %dma_wait3A_173 : memref<1x40x128xi32, #tpu.memory_space<vmem>> -> memref<40x128xi32, #tpu.memory_space<vmem>>
    tpu.wait_dma2 semaphore(%arg23 : memref<!tpu.dma_semaphore, #tpu.memory_space<semaphore_mem>>) src(%dma_wait3A_174 : memref<40x128xi32, #tpu.memory_space<vmem>>) dst(%dma_wait3A_170 : memref<40x128xi32, #tpu.memory_space<hbm>>)
    %dma_wait3A_175 = arith.constant 3 : i32
    %dma_wait3A_176 = arith.constant 0 : i32
    %dma_wait3A_177 = arith.constant 0 : i32
    %dma_wait3A_178 = tpu.memref_slice %arg11[%dma_wait3A_175, %dma_wait3A_176, %dma_wait3A_177] : memref<4x40x128xi32, #tpu.memory_space<vmem>> -> memref<1x40x128xi32, #tpu.memory_space<vmem>>
    %dma_wait3A_179 = tpu.memref_squeeze %dma_wait3A_178 : memref<1x40x128xi32, #tpu.memory_space<vmem>> -> memref<40x128xi32, #tpu.memory_space<vmem>>
    %dma_wait3A_180 = arith.constant 0 : i32
    %dma_wait3A_181 = arith.constant 0 : i32
    %dma_wait3A_182 = tpu.memref_slice %arg7[%dma_wait3A_180, %dma_wait3A_181] : memref<160000x128xi32, #tpu.memory_space<hbm>> -> memref<40x128xi32, #tpu.memory_space<hbm>>
    %dma_wait3A_183 = arith.constant 0 : i32
    %dma_wait3A_184 = arith.constant 0 : i32
    %dma_wait3A_185 = tpu.memref_slice %arg7[%dma_wait3A_183, %dma_wait3A_184] : memref<160000x128xi32, #tpu.memory_space<hbm>> -> memref<40x128xi32, #tpu.memory_space<hbm>>
    %dma_wait3A_186 = arith.constant 0 : i32
    %dma_wait3A_187 = arith.constant 0 : i32
    %dma_wait3A_188 = tpu.memref_slice %arg11[%dma_wait3A_175, %dma_wait3A_186, %dma_wait3A_187] : memref<4x40x128xi32, #tpu.memory_space<vmem>> -> memref<1x40x128xi32, #tpu.memory_space<vmem>>
    %dma_wait3A_189 = tpu.memref_squeeze %dma_wait3A_188 : memref<1x40x128xi32, #tpu.memory_space<vmem>> -> memref<40x128xi32, #tpu.memory_space<vmem>>
    tpu.wait_dma2 semaphore(%arg27 : memref<!tpu.dma_semaphore, #tpu.memory_space<semaphore_mem>>) src(%dma_wait3A_189 : memref<40x128xi32, #tpu.memory_space<vmem>>) dst(%dma_wait3A_185 : memref<40x128xi32, #tpu.memory_space<hbm>>)
    return
  }
}

#map = affine_map<(d0, d1) -> (0, 0)>
#map1 = affine_map<(d0, d1) -> (0)>
#map2 = affine_map<(d0, d1) -> (0, 0, 0)>
module attributes {stable_mosaic.version = 14 : i64} {
  func.func @_scatter_body(%arg0: i32, %arg1: i32, %arg2: memref<160000x128xf32, #tpu.memory_space<hbm>>, %arg3: memref<320000xi32, #tpu.memory_space<hbm>>, %arg4: memref<2x10000x128xf32, #tpu.memory_space<hbm>>, %arg5: memref<2x40xi32, #tpu.memory_space<vmem>>, %arg6: memref<2x40x128xf32, #tpu.memory_space<vmem>>, %arg7: memref<200x128xf32, #tpu.memory_space<vmem>>, %arg8: memref<10000x128xf32, #tpu.memory_space<vmem_shared>>, %arg9: memref<!tpu.dma_semaphore, #tpu.memory_space<semaphore_mem>>, %arg10: memref<!tpu.dma_semaphore, #tpu.memory_space<semaphore_mem>>, %arg11: memref<!tpu.dma_semaphore, #tpu.memory_space<semaphore_mem>>, %arg12: memref<!tpu.dma_semaphore, #tpu.memory_space<semaphore_mem>>) attributes {dimension_semantics = [#tpu.dimension_semantics<core_parallel>, #tpu.dimension_semantics<subcore_parallel>], iteration_bounds = array<i64: 2, 16>, scalar_prefetch = 0 : i64, scratch_operands = 8 : i64, tpu.core_type = #tpu.core_type<sc_vector_subcore>, window_params = [{transform_indices = #map}, {transform_indices = #map1}, {transform_indices = #map2}]} {
    %mul3A = arith.constant 2 : i32
    %mul3A_0 = arith.muli %arg1, %mul3A : i32
    %add3A = arith.addi %mul3A_0, %arg0 : i32
    %mul3A_1 = arith.constant 5000 : i32
    %mul3A_2 = arith.muli %add3A, %mul3A_1 : i32
    %mul3A_3 = arith.constant 5000 : i32
    %mul3A_4 = arith.muli %add3A, %mul3A_3 : i32
    %add3A_5 = arith.constant 160000 : i32
    %add3A_6 = arith.addi %add3A_5, %mul3A_4 : i32
    %scan3A = arith.constant 0 : i32
    %scan3A_7 = arith.constant 0 : i32
    %scan3A_8 = arith.constant 200 : i32
    %scan3A_9 = arith.addi %scan3A_7, %scan3A_8 : i32
    %scan3A_10 = arith.constant 1 : i32
    scf.for %scan3A_103 = %scan3A_7 to %scan3A_9 step %scan3A_10  : i32 {
      %broadcast_in_dim3A = arith.constant 0.000000e+00 : f32
      %broadcast_in_dim3A_104 = vector.broadcast %broadcast_in_dim3A : f32 to vector<16xf32>
      %swap3A = arith.index_cast %scan3A_103 : i32 to index
      %swap3A_105 = arith.constant 0 : index
      %swap3A_106 = tpu.vector_load %arg7[%swap3A, %swap3A_105] {strides = array<i32>} : memref<200x128xf32, #tpu.memory_space<vmem>>, vector<1x16xf32>,
      %swap3A_107 = vector.shape_cast %swap3A_106 : vector<1x16xf32> to vector<16xf32>
      %swap3A_108 = vector.shape_cast %broadcast_in_dim3A_104 : vector<16xf32> to vector<1x16xf32>
      tpu.vector_store %arg7[%swap3A, %swap3A_105], %swap3A_108 {strides = array<i32>} : memref<200x128xf32, #tpu.memory_space<vmem>>, vector<1x16xf32>,
      %broadcast_in_dim3A_109 = arith.constant 0.000000e+00 : f32
      %broadcast_in_dim3A_110 = vector.broadcast %broadcast_in_dim3A_109 : f32 to vector<16xf32>
      %swap3A_111 = arith.index_cast %scan3A_103 : i32 to index
      %swap3A_112 = arith.constant 16 : index
      %swap3A_113 = tpu.vector_load %arg7[%swap3A_111, %swap3A_112] {strides = array<i32>} : memref<200x128xf32, #tpu.memory_space<vmem>>, vector<1x16xf32>,
      %swap3A_114 = vector.shape_cast %swap3A_113 : vector<1x16xf32> to vector<16xf32>
      %swap3A_115 = vector.shape_cast %broadcast_in_dim3A_110 : vector<16xf32> to vector<1x16xf32>
      tpu.vector_store %arg7[%swap3A_111, %swap3A_112], %swap3A_115 {strides = array<i32>} : memref<200x128xf32, #tpu.memory_space<vmem>>, vector<1x16xf32>,
      %broadcast_in_dim3A_116 = arith.constant 0.000000e+00 : f32
      %broadcast_in_dim3A_117 = vector.broadcast %broadcast_in_dim3A_116 : f32 to vector<16xf32>
      %swap3A_118 = arith.index_cast %scan3A_103 : i32 to index
      %swap3A_119 = arith.constant 32 : index
      %swap3A_120 = tpu.vector_load %arg7[%swap3A_118, %swap3A_119] {strides = array<i32>} : memref<200x128xf32, #tpu.memory_space<vmem>>, vector<1x16xf32>,
      %swap3A_121 = vector.shape_cast %swap3A_120 : vector<1x16xf32> to vector<16xf32>
      %swap3A_122 = vector.shape_cast %broadcast_in_dim3A_117 : vector<16xf32> to vector<1x16xf32>
      tpu.vector_store %arg7[%swap3A_118, %swap3A_119], %swap3A_122 {strides = array<i32>} : memref<200x128xf32, #tpu.memory_space<vmem>>, vector<1x16xf32>,
      %broadcast_in_dim3A_123 = arith.constant 0.000000e+00 : f32
      %broadcast_in_dim3A_124 = vector.broadcast %broadcast_in_dim3A_123 : f32 to vector<16xf32>
      %swap3A_125 = arith.index_cast %scan3A_103 : i32 to index
      %swap3A_126 = arith.constant 48 : index
      %swap3A_127 = tpu.vector_load %arg7[%swap3A_125, %swap3A_126] {strides = array<i32>} : memref<200x128xf32, #tpu.memory_space<vmem>>, vector<1x16xf32>,
      %swap3A_128 = vector.shape_cast %swap3A_127 : vector<1x16xf32> to vector<16xf32>
      %swap3A_129 = vector.shape_cast %broadcast_in_dim3A_124 : vector<16xf32> to vector<1x16xf32>
      tpu.vector_store %arg7[%swap3A_125, %swap3A_126], %swap3A_129 {strides = array<i32>} : memref<200x128xf32, #tpu.memory_space<vmem>>, vector<1x16xf32>,
      %broadcast_in_dim3A_130 = arith.constant 0.000000e+00 : f32
      %broadcast_in_dim3A_131 = vector.broadcast %broadcast_in_dim3A_130 : f32 to vector<16xf32>
      %swap3A_132 = arith.index_cast %scan3A_103 : i32 to index
      %swap3A_133 = arith.constant 64 : index
      %swap3A_134 = tpu.vector_load %arg7[%swap3A_132, %swap3A_133] {strides = array<i32>} : memref<200x128xf32, #tpu.memory_space<vmem>>, vector<1x16xf32>,
      %swap3A_135 = vector.shape_cast %swap3A_134 : vector<1x16xf32> to vector<16xf32>
      %swap3A_136 = vector.shape_cast %broadcast_in_dim3A_131 : vector<16xf32> to vector<1x16xf32>
      tpu.vector_store %arg7[%swap3A_132, %swap3A_133], %swap3A_136 {strides = array<i32>} : memref<200x128xf32, #tpu.memory_space<vmem>>, vector<1x16xf32>,
      %broadcast_in_dim3A_137 = arith.constant 0.000000e+00 : f32
      %broadcast_in_dim3A_138 = vector.broadcast %broadcast_in_dim3A_137 : f32 to vector<16xf32>
      %swap3A_139 = arith.index_cast %scan3A_103 : i32 to index
      %swap3A_140 = arith.constant 80 : index
      %swap3A_141 = tpu.vector_load %arg7[%swap3A_139, %swap3A_140] {strides = array<i32>} : memref<200x128xf32, #tpu.memory_space<vmem>>, vector<1x16xf32>,
      %swap3A_142 = vector.shape_cast %swap3A_141 : vector<1x16xf32> to vector<16xf32>
      %swap3A_143 = vector.shape_cast %broadcast_in_dim3A_138 : vector<16xf32> to vector<1x16xf32>
      tpu.vector_store %arg7[%swap3A_139, %swap3A_140], %swap3A_143 {strides = array<i32>} : memref<200x128xf32, #tpu.memory_space<vmem>>, vector<1x16xf32>,
      %broadcast_in_dim3A_144 = arith.constant 0.000000e+00 : f32
      %broadcast_in_dim3A_145 = vector.broadcast %broadcast_in_dim3A_144 : f32 to vector<16xf32>
      %swap3A_146 = arith.index_cast %scan3A_103 : i32 to index
      %swap3A_147 = arith.constant 96 : index
      %swap3A_148 = tpu.vector_load %arg7[%swap3A_146, %swap3A_147] {strides = array<i32>} : memref<200x128xf32, #tpu.memory_space<vmem>>, vector<1x16xf32>,
      %swap3A_149 = vector.shape_cast %swap3A_148 : vector<1x16xf32> to vector<16xf32>
      %swap3A_150 = vector.shape_cast %broadcast_in_dim3A_145 : vector<16xf32> to vector<1x16xf32>
      tpu.vector_store %arg7[%swap3A_146, %swap3A_147], %swap3A_150 {strides = array<i32>} : memref<200x128xf32, #tpu.memory_space<vmem>>, vector<1x16xf32>,
      %broadcast_in_dim3A_151 = arith.constant 0.000000e+00 : f32
      %broadcast_in_dim3A_152 = vector.broadcast %broadcast_in_dim3A_151 : f32 to vector<16xf32>
      %swap3A_153 = arith.index_cast %scan3A_103 : i32 to index
      %swap3A_154 = arith.constant 112 : index
      %swap3A_155 = tpu.vector_load %arg7[%swap3A_153, %swap3A_154] {strides = array<i32>} : memref<200x128xf32, #tpu.memory_space<vmem>>, vector<1x16xf32>,
      %swap3A_156 = vector.shape_cast %swap3A_155 : vector<1x16xf32> to vector<16xf32>
      %swap3A_157 = vector.shape_cast %broadcast_in_dim3A_152 : vector<16xf32> to vector<1x16xf32>
      tpu.vector_store %arg7[%swap3A_153, %swap3A_154], %swap3A_157 {strides = array<i32>} : memref<200x128xf32, #tpu.memory_space<vmem>>, vector<1x16xf32>,
    }
    %scan3A_11 = arith.constant 200 : i32
    %lt3A = arith.constant 10 : i32
    %lt3A_12 = arith.cmpi slt, %arg1, %lt3A : i32
    %convert_element_type3A = arith.extui %lt3A_12 : i1 to i32
    %cond3A = arith.constant 0 : i32
    %cond3A_13 = arith.cmpi ne, %convert_element_type3A, %cond3A : i32
    scf.if %cond3A_13 {
      %scan3A_103 = arith.constant 0 : i32
      %scan3A_104 = arith.constant 0 : i32
      %scan3A_105 = arith.constant 5 : i32
      %scan3A_106 = arith.addi %scan3A_104, %scan3A_105 : i32
      %scan3A_107 = arith.constant 1 : i32
      scf.for %scan3A_109 = %scan3A_104 to %scan3A_106 step %scan3A_107  : i32 {
        %mul3A_110 = arith.constant 1000 : i32
        %mul3A_111 = arith.muli %arg1, %mul3A_110 : i32
        %mul3A_112 = arith.constant 200 : i32
        %mul3A_113 = arith.muli %scan3A_109, %mul3A_112 : i32
        %add3A_114 = arith.addi %mul3A_111, %mul3A_113 : i32
        "tpu.region"() ({
          %run_scoped3A_115 = tpu.sem_alloc : memref<!tpu.dma_semaphore, #tpu.memory_space<semaphore_mem>>
          %dma_start3A_116 = arith.constant 0 : i32
          %dma_start3A_117 = tpu.memref_slice %arg8[%add3A_114, %dma_start3A_116] : memref<10000x128xf32, #tpu.memory_space<vmem_shared>> -> memref<200x128xf32, #tpu.memory_space<vmem_shared>>
          %dma_start3A_118 = arith.constant 0 : i32
          %dma_start3A_119 = tpu.memref_slice %arg8[%add3A_114, %dma_start3A_118] : memref<10000x128xf32, #tpu.memory_space<vmem_shared>> -> memref<200x128xf32, #tpu.memory_space<vmem_shared>>
          tpu.enqueue_dma source(%arg7 : memref<200x128xf32, #tpu.memory_space<vmem>>) target(%dma_start3A_119 : memref<200x128xf32, #tpu.memory_space<vmem_shared>>) target_semaphore(%run_scoped3A_115 : memref<!tpu.dma_semaphore, #tpu.memory_space<semaphore_mem>>)
          %dma_wait3A_120 = arith.constant 0 : i32
          %dma_wait3A_121 = tpu.memref_slice %arg8[%add3A_114, %dma_wait3A_120] : memref<10000x128xf32, #tpu.memory_space<vmem_shared>> -> memref<200x128xf32, #tpu.memory_space<vmem_shared>>
          %dma_wait3A_122 = arith.constant 0 : i32
          %dma_wait3A_123 = tpu.memref_slice %arg8[%add3A_114, %dma_wait3A_122] : memref<10000x128xf32, #tpu.memory_space<vmem_shared>> -> memref<200x128xf32, #tpu.memory_space<vmem_shared>>
          tpu.wait_dma2 semaphore(%run_scoped3A_115 : memref<!tpu.dma_semaphore, #tpu.memory_space<semaphore_mem>>) src(%arg7 : memref<200x128xf32, #tpu.memory_space<vmem>>) dst(%dma_wait3A_123 : memref<200x128xf32, #tpu.memory_space<vmem_shared>>)
          tpu.yield
        }) : () -> ()
      }
      %scan3A_108 = arith.constant 5 : i32
    } else {
    }
    %barrier3A = arith.constant 0 : index
    tpu.barrier barrier_id(%barrier3A)
    %add3A_14 = arith.constant 0 : i32
    %add3A_15 = arith.addi %mul3A_2, %add3A_14 : i32
    %dma_start3A = arith.constant 0 : i32
    %dma_start3A_16 = arith.constant 0 : i32
    %dma_start3A_17 = arith.constant 0 : i32
    %dma_start3A_18 = tpu.memref_slice %arg6[%dma_start3A, %dma_start3A_16, %dma_start3A_17] : memref<2x40x128xf32, #tpu.memory_space<vmem>> -> memref<1x40x128xf32, #tpu.memory_space<vmem>>
    %dma_start3A_19 = tpu.memref_squeeze %dma_start3A_18 : memref<1x40x128xf32, #tpu.memory_space<vmem>> -> memref<40x128xf32, #tpu.memory_space<vmem>>
    %dma_start3A_20 = arith.constant 0 : i32
    %dma_start3A_21 = tpu.memref_slice %arg2[%add3A_15, %dma_start3A_20] : memref<160000x128xf32, #tpu.memory_space<hbm>> -> memref<40x128xf32, #tpu.memory_space<hbm>>
    %dma_start3A_22 = arith.constant 0 : i32
    %dma_start3A_23 = arith.constant 0 : i32
    %dma_start3A_24 = tpu.memref_slice %arg6[%dma_start3A, %dma_start3A_22, %dma_start3A_23] : memref<2x40x128xf32, #tpu.memory_space<vmem>> -> memref<1x40x128xf32, #tpu.memory_space<vmem>>
    %dma_start3A_25 = tpu.memref_squeeze %dma_start3A_24 : memref<1x40x128xf32, #tpu.memory_space<vmem>> -> memref<40x128xf32, #tpu.memory_space<vmem>>
    %dma_start3A_26 = arith.constant 0 : i32
    %dma_start3A_27 = tpu.memref_slice %arg2[%add3A_15, %dma_start3A_26] : memref<160000x128xf32, #tpu.memory_space<hbm>> -> memref<40x128xf32, #tpu.memory_space<hbm>>
    tpu.enqueue_dma source(%dma_start3A_27 : memref<40x128xf32, #tpu.memory_space<hbm>>) target(%dma_start3A_25 : memref<40x128xf32, #tpu.memory_space<vmem>>) target_semaphore(%arg9 : memref<!tpu.dma_semaphore, #tpu.memory_space<semaphore_mem>>)
    %add3A_28 = arith.constant 0 : i32
    %add3A_29 = arith.addi %add3A_6, %add3A_28 : i32
    %dma_start3A_30 = arith.constant 0 : i32
    %dma_start3A_31 = arith.constant 0 : i32
    %dma_start3A_32 = tpu.memref_slice %arg5[%dma_start3A_30, %dma_start3A_31] : memref<2x40xi32, #tpu.memory_space<vmem>> -> memref<1x40xi32, #tpu.memory_space<vmem>>
    %dma_start3A_33 = tpu.memref_squeeze %dma_start3A_32 : memref<1x40xi32, #tpu.memory_space<vmem>> -> memref<40xi32, #tpu.memory_space<vmem>>
    %dma_start3A_34 = tpu.memref_slice %arg3[%add3A_29] : memref<320000xi32, #tpu.memory_space<hbm>> -> memref<40xi32, #tpu.memory_space<hbm>>
    %dma_start3A_35 = arith.constant 0 : i32
    %dma_start3A_36 = tpu.memref_slice %arg5[%dma_start3A_30, %dma_start3A_35] : memref<2x40xi32, #tpu.memory_space<vmem>> -> memref<1x40xi32, #tpu.memory_space<vmem>>
    %dma_start3A_37 = tpu.memref_squeeze %dma_start3A_36 : memref<1x40xi32, #tpu.memory_space<vmem>> -> memref<40xi32, #tpu.memory_space<vmem>>
    %dma_start3A_38 = tpu.memref_slice %arg3[%add3A_29] : memref<320000xi32, #tpu.memory_space<hbm>> -> memref<40xi32, #tpu.memory_space<hbm>>
    tpu.enqueue_dma source(%dma_start3A_38 : memref<40xi32, #tpu.memory_space<hbm>>) target(%dma_start3A_37 : memref<40xi32, #tpu.memory_space<vmem>>) target_semaphore(%arg11 : memref<!tpu.dma_semaphore, #tpu.memory_space<semaphore_mem>>)
    %add3A_39 = arith.constant 40 : i32
    %add3A_40 = arith.addi %mul3A_2, %add3A_39 : i32
    %dma_start3A_41 = arith.constant 1 : i32
    %dma_start3A_42 = arith.constant 0 : i32
    %dma_start3A_43 = arith.constant 0 : i32
    %dma_start3A_44 = tpu.memref_slice %arg6[%dma_start3A_41, %dma_start3A_42, %dma_start3A_43] : memref<2x40x128xf32, #tpu.memory_space<vmem>> -> memref<1x40x128xf32, #tpu.memory_space<vmem>>
    %dma_start3A_45 = tpu.memref_squeeze %dma_start3A_44 : memref<1x40x128xf32, #tpu.memory_space<vmem>> -> memref<40x128xf32, #tpu.memory_space<vmem>>
    %dma_start3A_46 = arith.constant 0 : i32
    %dma_start3A_47 = tpu.memref_slice %arg2[%add3A_40, %dma_start3A_46] : memref<160000x128xf32, #tpu.memory_space<hbm>> -> memref<40x128xf32, #tpu.memory_space<hbm>>
    %dma_start3A_48 = arith.constant 0 : i32
    %dma_start3A_49 = arith.constant 0 : i32
    %dma_start3A_50 = tpu.memref_slice %arg6[%dma_start3A_41, %dma_start3A_48, %dma_start3A_49] : memref<2x40x128xf32, #tpu.memory_space<vmem>> -> memref<1x40x128xf32, #tpu.memory_space<vmem>>
    %dma_start3A_51 = tpu.memref_squeeze %dma_start3A_50 : memref<1x40x128xf32, #tpu.memory_space<vmem>> -> memref<40x128xf32, #tpu.memory_space<vmem>>
    %dma_start3A_52 = arith.constant 0 : i32
    %dma_start3A_53 = tpu.memref_slice %arg2[%add3A_40, %dma_start3A_52] : memref<160000x128xf32, #tpu.memory_space<hbm>> -> memref<40x128xf32, #tpu.memory_space<hbm>>
    tpu.enqueue_dma source(%dma_start3A_53 : memref<40x128xf32, #tpu.memory_space<hbm>>) target(%dma_start3A_51 : memref<40x128xf32, #tpu.memory_space<vmem>>) target_semaphore(%arg10 : memref<!tpu.dma_semaphore, #tpu.memory_space<semaphore_mem>>)
    %add3A_54 = arith.constant 40 : i32
    %add3A_55 = arith.addi %add3A_6, %add3A_54 : i32
    %dma_start3A_56 = arith.constant 1 : i32
    %dma_start3A_57 = arith.constant 0 : i32
    %dma_start3A_58 = tpu.memref_slice %arg5[%dma_start3A_56, %dma_start3A_57] : memref<2x40xi32, #tpu.memory_space<vmem>> -> memref<1x40xi32, #tpu.memory_space<vmem>>
    %dma_start3A_59 = tpu.memref_squeeze %dma_start3A_58 : memref<1x40xi32, #tpu.memory_space<vmem>> -> memref<40xi32, #tpu.memory_space<vmem>>
    %dma_start3A_60 = tpu.memref_slice %arg3[%add3A_55] : memref<320000xi32, #tpu.memory_space<hbm>> -> memref<40xi32, #tpu.memory_space<hbm>>
    %dma_start3A_61 = arith.constant 0 : i32
    %dma_start3A_62 = tpu.memref_slice %arg5[%dma_start3A_56, %dma_start3A_61] : memref<2x40xi32, #tpu.memory_space<vmem>> -> memref<1x40xi32, #tpu.memory_space<vmem>>
    %dma_start3A_63 = tpu.memref_squeeze %dma_start3A_62 : memref<1x40xi32, #tpu.memory_space<vmem>> -> memref<40xi32, #tpu.memory_space<vmem>>
    %dma_start3A_64 = tpu.memref_slice %arg3[%add3A_55] : memref<320000xi32, #tpu.memory_space<hbm>> -> memref<40xi32, #tpu.memory_space<hbm>>
    tpu.enqueue_dma source(%dma_start3A_64 : memref<40xi32, #tpu.memory_space<hbm>>) target(%dma_start3A_63 : memref<40xi32, #tpu.memory_space<vmem>>) target_semaphore(%arg12 : memref<!tpu.dma_semaphore, #tpu.memory_space<semaphore_mem>>)
    %scan3A_65 = arith.constant 0 : i32
    %scan3A_66 = arith.constant 0 : i32
    %scan3A_67 = arith.constant 62 : i32
    %scan3A_68 = arith.addi %scan3A_66, %scan3A_67 : i32
    %scan3A_69 = arith.constant 1 : i32
    scf.for %scan3A_103 = %scan3A_66 to %scan3A_68 step %scan3A_69  : i32 {
      %mul3A_104 = arith.constant 2 : i32
      %mul3A_105 = arith.muli %mul3A_104, %scan3A_103 : i32
      %add3A_106 = arith.constant 0 : i32
      %add3A_107 = arith.addi %mul3A_105, %add3A_106 : i32
      %dma_wait3A_108 = arith.constant 0 : i32
      %dma_wait3A_109 = arith.constant 0 : i32
      %dma_wait3A_110 = arith.constant 0 : i32
      %dma_wait3A_111 = tpu.memref_slice %arg6[%dma_wait3A_108, %dma_wait3A_109, %dma_wait3A_110] : memref<2x40x128xf32, #tpu.memory_space<vmem>> -> memref<1x40x128xf32, #tpu.memory_space<vmem>>
      %dma_wait3A_112 = tpu.memref_squeeze %dma_wait3A_111 : memref<1x40x128xf32, #tpu.memory_space<vmem>> -> memref<40x128xf32, #tpu.memory_space<vmem>>
      %dma_wait3A_113 = arith.constant 0 : i32
      %dma_wait3A_114 = arith.constant 0 : i32
      %dma_wait3A_115 = tpu.memref_slice %arg2[%dma_wait3A_113, %dma_wait3A_114] : memref<160000x128xf32, #tpu.memory_space<hbm>> -> memref<40x128xf32, #tpu.memory_space<hbm>>
      %dma_wait3A_116 = arith.constant 0 : i32
      %dma_wait3A_117 = arith.constant 0 : i32
      %dma_wait3A_118 = tpu.memref_slice %arg6[%dma_wait3A_108, %dma_wait3A_116, %dma_wait3A_117] : memref<2x40x128xf32, #tpu.memory_space<vmem>> -> memref<1x40x128xf32, #tpu.memory_space<vmem>>
      %dma_wait3A_119 = tpu.memref_squeeze %dma_wait3A_118 : memref<1x40x128xf32, #tpu.memory_space<vmem>> -> memref<40x128xf32, #tpu.memory_space<vmem>>
      %dma_wait3A_120 = arith.constant 0 : i32
      %dma_wait3A_121 = arith.constant 0 : i32
      %dma_wait3A_122 = tpu.memref_slice %arg2[%dma_wait3A_120, %dma_wait3A_121] : memref<160000x128xf32, #tpu.memory_space<hbm>> -> memref<40x128xf32, #tpu.memory_space<hbm>>
      tpu.wait_dma2 semaphore(%arg9 : memref<!tpu.dma_semaphore, #tpu.memory_space<semaphore_mem>>) src(%dma_wait3A_122 : memref<40x128xf32, #tpu.memory_space<hbm>>) dst(%dma_wait3A_119 : memref<40x128xf32, #tpu.memory_space<vmem>>)
      %dma_wait3A_123 = arith.constant 0 : i32
      %dma_wait3A_124 = arith.constant 0 : i32
      %dma_wait3A_125 = tpu.memref_slice %arg5[%dma_wait3A_123, %dma_wait3A_124] : memref<2x40xi32, #tpu.memory_space<vmem>> -> memref<1x40xi32, #tpu.memory_space<vmem>>
      %dma_wait3A_126 = tpu.memref_squeeze %dma_wait3A_125 : memref<1x40xi32, #tpu.memory_space<vmem>> -> memref<40xi32, #tpu.memory_space<vmem>>
      %dma_wait3A_127 = arith.constant 0 : i32
      %dma_wait3A_128 = tpu.memref_slice %arg3[%dma_wait3A_127] : memref<320000xi32, #tpu.memory_space<hbm>> -> memref<40xi32, #tpu.memory_space<hbm>>
      %dma_wait3A_129 = arith.constant 0 : i32
      %dma_wait3A_130 = tpu.memref_slice %arg5[%dma_wait3A_123, %dma_wait3A_129] : memref<2x40xi32, #tpu.memory_space<vmem>> -> memref<1x40xi32, #tpu.memory_space<vmem>>
      %dma_wait3A_131 = tpu.memref_squeeze %dma_wait3A_130 : memref<1x40xi32, #tpu.memory_space<vmem>> -> memref<40xi32, #tpu.memory_space<vmem>>
      %dma_wait3A_132 = arith.constant 0 : i32
      %dma_wait3A_133 = tpu.memref_slice %arg3[%dma_wait3A_132] : memref<320000xi32, #tpu.memory_space<hbm>> -> memref<40xi32, #tpu.memory_space<hbm>>
      tpu.wait_dma2 semaphore(%arg11 : memref<!tpu.dma_semaphore, #tpu.memory_space<semaphore_mem>>) src(%dma_wait3A_133 : memref<40xi32, #tpu.memory_space<hbm>>) dst(%dma_wait3A_131 : memref<40xi32, #tpu.memory_space<vmem>>)
      %run_scoped3A_134 = arith.constant 0 : i32
      %run_scoped3A_135 = arith.constant 0 : i32
      "tpu.region"() ({
        %run_scoped3A_182 = tpu.sem_alloc : memref<!tpu.dma_semaphore, #tpu.memory_space<semaphore_mem>>
        %dma_start3A_183 = arith.constant 0 : i32
        %dma_start3A_184 = arith.constant 0 : i32
        %dma_start3A_185 = tpu.memref_slice %arg6[%run_scoped3A_134, %dma_start3A_183, %dma_start3A_184] : memref<2x40x128xf32, #tpu.memory_space<vmem>> -> memref<1x40x128xf32, #tpu.memory_space<vmem>>
        %dma_start3A_186 = tpu.memref_squeeze %dma_start3A_185 : memref<1x40x128xf32, #tpu.memory_space<vmem>> -> memref<40x128xf32, #tpu.memory_space<vmem>>
        %dma_start3A_187 = arith.constant 0 : i32
        %dma_start3A_188 = tpu.memref_slice %arg5[%run_scoped3A_135, %dma_start3A_187] : memref<2x40xi32, #tpu.memory_space<vmem>> -> memref<1x40xi32, #tpu.memory_space<vmem>>
        %dma_start3A_189 = tpu.memref_squeeze %dma_start3A_188 : memref<1x40xi32, #tpu.memory_space<vmem>> -> memref<40xi32, #tpu.memory_space<vmem>>
        %dma_start3A_190 = arith.constant 0 : i32
        %dma_start3A_191 = arith.constant 0 : i32
        %dma_start3A_192 = tpu.memref_slice %arg8[%dma_start3A_190, %dma_start3A_191] : memref<10000x128xf32, #tpu.memory_space<vmem_shared>> -> memref<10000x128xf32, #tpu.memory_space<vmem_shared>>
        tpu.enqueue_indirect_dma source(%dma_start3A_186 : memref<40x128xf32, #tpu.memory_space<vmem>>) target(%dma_start3A_192 : memref<10000x128xf32, #tpu.memory_space<vmem_shared>>) offsets(%dma_start3A_189 : memref<40xi32, #tpu.memory_space<vmem>>) semaphore(%run_scoped3A_182 : memref<!tpu.dma_semaphore, #tpu.memory_space<semaphore_mem>>) {add = true}
        %dma_wait3A_193 = arith.constant 0 : i32
        %dma_wait3A_194 = arith.constant 0 : i32
        %dma_wait3A_195 = tpu.memref_slice %arg6[%run_scoped3A_134, %dma_wait3A_193, %dma_wait3A_194] : memref<2x40x128xf32, #tpu.memory_space<vmem>> -> memref<1x40x128xf32, #tpu.memory_space<vmem>>
        %dma_wait3A_196 = tpu.memref_squeeze %dma_wait3A_195 : memref<1x40x128xf32, #tpu.memory_space<vmem>> -> memref<40x128xf32, #tpu.memory_space<vmem>>
        %dma_wait3A_197 = arith.constant 0 : i32
        %dma_wait3A_198 = tpu.memref_slice %arg5[%run_scoped3A_135, %dma_wait3A_197] : memref<2x40xi32, #tpu.memory_space<vmem>> -> memref<1x40xi32, #tpu.memory_space<vmem>>
        %dma_wait3A_199 = tpu.memref_squeeze %dma_wait3A_198 : memref<1x40xi32, #tpu.memory_space<vmem>> -> memref<40xi32, #tpu.memory_space<vmem>>
        %dma_wait3A_200 = arith.constant 0 : i32
        %dma_wait3A_201 = arith.constant 0 : i32
        %dma_wait3A_202 = tpu.memref_slice %arg8[%dma_wait3A_200, %dma_wait3A_201] : memref<10000x128xf32, #tpu.memory_space<vmem_shared>> -> memref<10000x128xf32, #tpu.memory_space<vmem_shared>>
        tpu.wait_indirect_dma semaphore(%run_scoped3A_182 : memref<!tpu.dma_semaphore, #tpu.memory_space<semaphore_mem>>) src(%dma_wait3A_196 : memref<40x128xf32, #tpu.memory_space<vmem>>) dst(%dma_wait3A_202 : memref<10000x128xf32, #tpu.memory_space<vmem_shared>>)
        tpu.yield
      }) : () -> ()
      %add3A_136 = arith.constant 2 : i32
      %add3A_137 = arith.addi %add3A_107, %add3A_136 : i32
      %lt3A_138 = arith.constant 125 : i32
      %lt3A_139 = arith.cmpi slt, %add3A_137, %lt3A_138 : i32
      %convert_element_type3A_140 = arith.extui %lt3A_139 : i1 to i32
      %cond3A_141 = arith.constant 0 : i32
      %cond3A_142 = arith.cmpi ne, %convert_element_type3A_140, %cond3A_141 : i32
      scf.if %cond3A_142 {
        %add3A_182 = arith.constant 2 : i32
        %add3A_183 = arith.addi %add3A_107, %add3A_182 : i32
        %mul3A_184 = arith.constant 40 : i32
        %mul3A_185 = arith.muli %add3A_183, %mul3A_184 : i32
        %add3A_186 = arith.addi %mul3A_2, %mul3A_185 : i32
        %dma_start3A_187 = arith.constant 0 : i32
        %dma_start3A_188 = arith.constant 0 : i32
        %dma_start3A_189 = arith.constant 0 : i32
        %dma_start3A_190 = tpu.memref_slice %arg6[%dma_start3A_187, %dma_start3A_188, %dma_start3A_189] : memref<2x40x128xf32, #tpu.memory_space<vmem>> -> memref<1x40x128xf32, #tpu.memory_space<vmem>>
        %dma_start3A_191 = tpu.memref_squeeze %dma_start3A_190 : memref<1x40x128xf32, #tpu.memory_space<vmem>> -> memref<40x128xf32, #tpu.memory_space<vmem>>
        %dma_start3A_192 = arith.constant 0 : i32
        %dma_start3A_193 = tpu.memref_slice %arg2[%add3A_186, %dma_start3A_192] : memref<160000x128xf32, #tpu.memory_space<hbm>> -> memref<40x128xf32, #tpu.memory_space<hbm>>
        %dma_start3A_194 = arith.constant 0 : i32
        %dma_start3A_195 = arith.constant 0 : i32
        %dma_start3A_196 = tpu.memref_slice %arg6[%dma_start3A_187, %dma_start3A_194, %dma_start3A_195] : memref<2x40x128xf32, #tpu.memory_space<vmem>> -> memref<1x40x128xf32, #tpu.memory_space<vmem>>
        %dma_start3A_197 = tpu.memref_squeeze %dma_start3A_196 : memref<1x40x128xf32, #tpu.memory_space<vmem>> -> memref<40x128xf32, #tpu.memory_space<vmem>>
        %dma_start3A_198 = arith.constant 0 : i32
        %dma_start3A_199 = tpu.memref_slice %arg2[%add3A_186, %dma_start3A_198] : memref<160000x128xf32, #tpu.memory_space<hbm>> -> memref<40x128xf32, #tpu.memory_space<hbm>>
        tpu.enqueue_dma source(%dma_start3A_199 : memref<40x128xf32, #tpu.memory_space<hbm>>) target(%dma_start3A_197 : memref<40x128xf32, #tpu.memory_space<vmem>>) target_semaphore(%arg9 : memref<!tpu.dma_semaphore, #tpu.memory_space<semaphore_mem>>)
        %mul3A_200 = arith.constant 40 : i32
        %mul3A_201 = arith.muli %add3A_183, %mul3A_200 : i32
        %add3A_202 = arith.addi %add3A_6, %mul3A_201 : i32
        %dma_start3A_203 = arith.constant 0 : i32
        %dma_start3A_204 = arith.constant 0 : i32
        %dma_start3A_205 = tpu.memref_slice %arg5[%dma_start3A_203, %dma_start3A_204] : memref<2x40xi32, #tpu.memory_space<vmem>> -> memref<1x40xi32, #tpu.memory_space<vmem>>
        %dma_start3A_206 = tpu.memref_squeeze %dma_start3A_205 : memref<1x40xi32, #tpu.memory_space<vmem>> -> memref<40xi32, #tpu.memory_space<vmem>>
        %dma_start3A_207 = tpu.memref_slice %arg3[%add3A_202] : memref<320000xi32, #tpu.memory_space<hbm>> -> memref<40xi32, #tpu.memory_space<hbm>>
        %dma_start3A_208 = arith.constant 0 : i32
        %dma_start3A_209 = tpu.memref_slice %arg5[%dma_start3A_203, %dma_start3A_208] : memref<2x40xi32, #tpu.memory_space<vmem>> -> memref<1x40xi32, #tpu.memory_space<vmem>>
        %dma_start3A_210 = tpu.memref_squeeze %dma_start3A_209 : memref<1x40xi32, #tpu.memory_space<vmem>> -> memref<40xi32, #tpu.memory_space<vmem>>
        %dma_start3A_211 = tpu.memref_slice %arg3[%add3A_202] : memref<320000xi32, #tpu.memory_space<hbm>> -> memref<40xi32, #tpu.memory_space<hbm>>
        tpu.enqueue_dma source(%dma_start3A_211 : memref<40xi32, #tpu.memory_space<hbm>>) target(%dma_start3A_210 : memref<40xi32, #tpu.memory_space<vmem>>) target_semaphore(%arg11 : memref<!tpu.dma_semaphore, #tpu.memory_space<semaphore_mem>>)
      } else {
      }
      %mul3A_143 = arith.constant 2 : i32
      %mul3A_144 = arith.muli %mul3A_143, %scan3A_103 : i32
      %add3A_145 = arith.constant 1 : i32
      %add3A_146 = arith.addi %mul3A_144, %add3A_145 : i32
      %dma_wait3A_147 = arith.constant 1 : i32
      %dma_wait3A_148 = arith.constant 0 : i32
      %dma_wait3A_149 = arith.constant 0 : i32
      %dma_wait3A_150 = tpu.memref_slice %arg6[%dma_wait3A_147, %dma_wait3A_148, %dma_wait3A_149] : memref<2x40x128xf32, #tpu.memory_space<vmem>> -> memref<1x40x128xf32, #tpu.memory_space<vmem>>
      %dma_wait3A_151 = tpu.memref_squeeze %dma_wait3A_150 : memref<1x40x128xf32, #tpu.memory_space<vmem>> -> memref<40x128xf32, #tpu.memory_space<vmem>>
      %dma_wait3A_152 = arith.constant 0 : i32
      %dma_wait3A_153 = arith.constant 0 : i32
      %dma_wait3A_154 = tpu.memref_slice %arg2[%dma_wait3A_152, %dma_wait3A_153] : memref<160000x128xf32, #tpu.memory_space<hbm>> -> memref<40x128xf32, #tpu.memory_space<hbm>>
      %dma_wait3A_155 = arith.constant 0 : i32
      %dma_wait3A_156 = arith.constant 0 : i32
      %dma_wait3A_157 = tpu.memref_slice %arg6[%dma_wait3A_147, %dma_wait3A_155, %dma_wait3A_156] : memref<2x40x128xf32, #tpu.memory_space<vmem>> -> memref<1x40x128xf32, #tpu.memory_space<vmem>>
      %dma_wait3A_158 = tpu.memref_squeeze %dma_wait3A_157 : memref<1x40x128xf32, #tpu.memory_space<vmem>> -> memref<40x128xf32, #tpu.memory_space<vmem>>
      %dma_wait3A_159 = arith.constant 0 : i32
      %dma_wait3A_160 = arith.constant 0 : i32
      %dma_wait3A_161 = tpu.memref_slice %arg2[%dma_wait3A_159, %dma_wait3A_160] : memref<160000x128xf32, #tpu.memory_space<hbm>> -> memref<40x128xf32, #tpu.memory_space<hbm>>
      tpu.wait_dma2 semaphore(%arg10 : memref<!tpu.dma_semaphore, #tpu.memory_space<semaphore_mem>>) src(%dma_wait3A_161 : memref<40x128xf32, #tpu.memory_space<hbm>>) dst(%dma_wait3A_158 : memref<40x128xf32, #tpu.memory_space<vmem>>)
      %dma_wait3A_162 = arith.constant 1 : i32
      %dma_wait3A_163 = arith.constant 0 : i32
      %dma_wait3A_164 = tpu.memref_slice %arg5[%dma_wait3A_162, %dma_wait3A_163] : memref<2x40xi32, #tpu.memory_space<vmem>> -> memref<1x40xi32, #tpu.memory_space<vmem>>
      %dma_wait3A_165 = tpu.memref_squeeze %dma_wait3A_164 : memref<1x40xi32, #tpu.memory_space<vmem>> -> memref<40xi32, #tpu.memory_space<vmem>>
      %dma_wait3A_166 = arith.constant 0 : i32
      %dma_wait3A_167 = tpu.memref_slice %arg3[%dma_wait3A_166] : memref<320000xi32, #tpu.memory_space<hbm>> -> memref<40xi32, #tpu.memory_space<hbm>>
      %dma_wait3A_168 = arith.constant 0 : i32
      %dma_wait3A_169 = tpu.memref_slice %arg5[%dma_wait3A_162, %dma_wait3A_168] : memref<2x40xi32, #tpu.memory_space<vmem>> -> memref<1x40xi32, #tpu.memory_space<vmem>>
      %dma_wait3A_170 = tpu.memref_squeeze %dma_wait3A_169 : memref<1x40xi32, #tpu.memory_space<vmem>> -> memref<40xi32, #tpu.memory_space<vmem>>
      %dma_wait3A_171 = arith.constant 0 : i32
      %dma_wait3A_172 = tpu.memref_slice %arg3[%dma_wait3A_171] : memref<320000xi32, #tpu.memory_space<hbm>> -> memref<40xi32, #tpu.memory_space<hbm>>
      tpu.wait_dma2 semaphore(%arg12 : memref<!tpu.dma_semaphore, #tpu.memory_space<semaphore_mem>>) src(%dma_wait3A_172 : memref<40xi32, #tpu.memory_space<hbm>>) dst(%dma_wait3A_170 : memref<40xi32, #tpu.memory_space<vmem>>)
      %run_scoped3A_173 = arith.constant 1 : i32
      %run_scoped3A_174 = arith.constant 1 : i32
      "tpu.region"() ({
        %run_scoped3A_182 = tpu.sem_alloc : memref<!tpu.dma_semaphore, #tpu.memory_space<semaphore_mem>>
        %dma_start3A_183 = arith.constant 0 : i32
        %dma_start3A_184 = arith.constant 0 : i32
        %dma_start3A_185 = tpu.memref_slice %arg6[%run_scoped3A_173, %dma_start3A_183, %dma_start3A_184] : memref<2x40x128xf32, #tpu.memory_space<vmem>> -> memref<1x40x128xf32, #tpu.memory_space<vmem>>
        %dma_start3A_186 = tpu.memref_squeeze %dma_start3A_185 : memref<1x40x128xf32, #tpu.memory_space<vmem>> -> memref<40x128xf32, #tpu.memory_space<vmem>>
        %dma_start3A_187 = arith.constant 0 : i32
        %dma_start3A_188 = tpu.memref_slice %arg5[%run_scoped3A_174, %dma_start3A_187] : memref<2x40xi32, #tpu.memory_space<vmem>> -> memref<1x40xi32, #tpu.memory_space<vmem>>
        %dma_start3A_189 = tpu.memref_squeeze %dma_start3A_188 : memref<1x40xi32, #tpu.memory_space<vmem>> -> memref<40xi32, #tpu.memory_space<vmem>>
        %dma_start3A_190 = arith.constant 0 : i32
        %dma_start3A_191 = arith.constant 0 : i32
        %dma_start3A_192 = tpu.memref_slice %arg8[%dma_start3A_190, %dma_start3A_191] : memref<10000x128xf32, #tpu.memory_space<vmem_shared>> -> memref<10000x128xf32, #tpu.memory_space<vmem_shared>>
        tpu.enqueue_indirect_dma source(%dma_start3A_186 : memref<40x128xf32, #tpu.memory_space<vmem>>) target(%dma_start3A_192 : memref<10000x128xf32, #tpu.memory_space<vmem_shared>>) offsets(%dma_start3A_189 : memref<40xi32, #tpu.memory_space<vmem>>) semaphore(%run_scoped3A_182 : memref<!tpu.dma_semaphore, #tpu.memory_space<semaphore_mem>>) {add = true}
        %dma_wait3A_193 = arith.constant 0 : i32
        %dma_wait3A_194 = arith.constant 0 : i32
        %dma_wait3A_195 = tpu.memref_slice %arg6[%run_scoped3A_173, %dma_wait3A_193, %dma_wait3A_194] : memref<2x40x128xf32, #tpu.memory_space<vmem>> -> memref<1x40x128xf32, #tpu.memory_space<vmem>>
        %dma_wait3A_196 = tpu.memref_squeeze %dma_wait3A_195 : memref<1x40x128xf32, #tpu.memory_space<vmem>> -> memref<40x128xf32, #tpu.memory_space<vmem>>
        %dma_wait3A_197 = arith.constant 0 : i32
        %dma_wait3A_198 = tpu.memref_slice %arg5[%run_scoped3A_174, %dma_wait3A_197] : memref<2x40xi32, #tpu.memory_space<vmem>> -> memref<1x40xi32, #tpu.memory_space<vmem>>
        %dma_wait3A_199 = tpu.memref_squeeze %dma_wait3A_198 : memref<1x40xi32, #tpu.memory_space<vmem>> -> memref<40xi32, #tpu.memory_space<vmem>>
        %dma_wait3A_200 = arith.constant 0 : i32
        %dma_wait3A_201 = arith.constant 0 : i32
        %dma_wait3A_202 = tpu.memref_slice %arg8[%dma_wait3A_200, %dma_wait3A_201] : memref<10000x128xf32, #tpu.memory_space<vmem_shared>> -> memref<10000x128xf32, #tpu.memory_space<vmem_shared>>
        tpu.wait_indirect_dma semaphore(%run_scoped3A_182 : memref<!tpu.dma_semaphore, #tpu.memory_space<semaphore_mem>>) src(%dma_wait3A_196 : memref<40x128xf32, #tpu.memory_space<vmem>>) dst(%dma_wait3A_202 : memref<10000x128xf32, #tpu.memory_space<vmem_shared>>)
        tpu.yield
      }) : () -> ()
      %add3A_175 = arith.constant 2 : i32
      %add3A_176 = arith.addi %add3A_146, %add3A_175 : i32
      %lt3A_177 = arith.constant 125 : i32
      %lt3A_178 = arith.cmpi slt, %add3A_176, %lt3A_177 : i32
      %convert_element_type3A_179 = arith.extui %lt3A_178 : i1 to i32
      %cond3A_180 = arith.constant 0 : i32
      %cond3A_181 = arith.cmpi ne, %convert_element_type3A_179, %cond3A_180 : i32
      scf.if %cond3A_181 {
        %add3A_182 = arith.constant 2 : i32
        %add3A_183 = arith.addi %add3A_146, %add3A_182 : i32
        %mul3A_184 = arith.constant 40 : i32
        %mul3A_185 = arith.muli %add3A_183, %mul3A_184 : i32
        %add3A_186 = arith.addi %mul3A_2, %mul3A_185 : i32
        %dma_start3A_187 = arith.constant 1 : i32
        %dma_start3A_188 = arith.constant 0 : i32
        %dma_start3A_189 = arith.constant 0 : i32
        %dma_start3A_190 = tpu.memref_slice %arg6[%dma_start3A_187, %dma_start3A_188, %dma_start3A_189] : memref<2x40x128xf32, #tpu.memory_space<vmem>> -> memref<1x40x128xf32, #tpu.memory_space<vmem>>
        %dma_start3A_191 = tpu.memref_squeeze %dma_start3A_190 : memref<1x40x128xf32, #tpu.memory_space<vmem>> -> memref<40x128xf32, #tpu.memory_space<vmem>>
        %dma_start3A_192 = arith.constant 0 : i32
        %dma_start3A_193 = tpu.memref_slice %arg2[%add3A_186, %dma_start3A_192] : memref<160000x128xf32, #tpu.memory_space<hbm>> -> memref<40x128xf32, #tpu.memory_space<hbm>>
        %dma_start3A_194 = arith.constant 0 : i32
        %dma_start3A_195 = arith.constant 0 : i32
        %dma_start3A_196 = tpu.memref_slice %arg6[%dma_start3A_187, %dma_start3A_194, %dma_start3A_195] : memref<2x40x128xf32, #tpu.memory_space<vmem>> -> memref<1x40x128xf32, #tpu.memory_space<vmem>>
        %dma_start3A_197 = tpu.memref_squeeze %dma_start3A_196 : memref<1x40x128xf32, #tpu.memory_space<vmem>> -> memref<40x128xf32, #tpu.memory_space<vmem>>
        %dma_start3A_198 = arith.constant 0 : i32
        %dma_start3A_199 = tpu.memref_slice %arg2[%add3A_186, %dma_start3A_198] : memref<160000x128xf32, #tpu.memory_space<hbm>> -> memref<40x128xf32, #tpu.memory_space<hbm>>
        tpu.enqueue_dma source(%dma_start3A_199 : memref<40x128xf32, #tpu.memory_space<hbm>>) target(%dma_start3A_197 : memref<40x128xf32, #tpu.memory_space<vmem>>) target_semaphore(%arg10 : memref<!tpu.dma_semaphore, #tpu.memory_space<semaphore_mem>>)
        %mul3A_200 = arith.constant 40 : i32
        %mul3A_201 = arith.muli %add3A_183, %mul3A_200 : i32
        %add3A_202 = arith.addi %add3A_6, %mul3A_201 : i32
        %dma_start3A_203 = arith.constant 1 : i32
        %dma_start3A_204 = arith.constant 0 : i32
        %dma_start3A_205 = tpu.memref_slice %arg5[%dma_start3A_203, %dma_start3A_204] : memref<2x40xi32, #tpu.memory_space<vmem>> -> memref<1x40xi32, #tpu.memory_space<vmem>>
        %dma_start3A_206 = tpu.memref_squeeze %dma_start3A_205 : memref<1x40xi32, #tpu.memory_space<vmem>> -> memref<40xi32, #tpu.memory_space<vmem>>
        %dma_start3A_207 = tpu.memref_slice %arg3[%add3A_202] : memref<320000xi32, #tpu.memory_space<hbm>> -> memref<40xi32, #tpu.memory_space<hbm>>
        %dma_start3A_208 = arith.constant 0 : i32
        %dma_start3A_209 = tpu.memref_slice %arg5[%dma_start3A_203, %dma_start3A_208] : memref<2x40xi32, #tpu.memory_space<vmem>> -> memref<1x40xi32, #tpu.memory_space<vmem>>
        %dma_start3A_210 = tpu.memref_squeeze %dma_start3A_209 : memref<1x40xi32, #tpu.memory_space<vmem>> -> memref<40xi32, #tpu.memory_space<vmem>>
        %dma_start3A_211 = tpu.memref_slice %arg3[%add3A_202] : memref<320000xi32, #tpu.memory_space<hbm>> -> memref<40xi32, #tpu.memory_space<hbm>>
        tpu.enqueue_dma source(%dma_start3A_211 : memref<40xi32, #tpu.memory_space<hbm>>) target(%dma_start3A_210 : memref<40xi32, #tpu.memory_space<vmem>>) target_semaphore(%arg12 : memref<!tpu.dma_semaphore, #tpu.memory_space<semaphore_mem>>)
      } else {
      }
    }
    %scan3A_70 = arith.constant 62 : i32
    %dma_wait3A = arith.constant 0 : i32
    %dma_wait3A_71 = arith.constant 0 : i32
    %dma_wait3A_72 = arith.constant 0 : i32
    %dma_wait3A_73 = tpu.memref_slice %arg6[%dma_wait3A, %dma_wait3A_71, %dma_wait3A_72] : memref<2x40x128xf32, #tpu.memory_space<vmem>> -> memref<1x40x128xf32, #tpu.memory_space<vmem>>
    %dma_wait3A_74 = tpu.memref_squeeze %dma_wait3A_73 : memref<1x40x128xf32, #tpu.memory_space<vmem>> -> memref<40x128xf32, #tpu.memory_space<vmem>>
    %dma_wait3A_75 = arith.constant 0 : i32
    %dma_wait3A_76 = arith.constant 0 : i32
    %dma_wait3A_77 = tpu.memref_slice %arg2[%dma_wait3A_75, %dma_wait3A_76] : memref<160000x128xf32, #tpu.memory_space<hbm>> -> memref<40x128xf32, #tpu.memory_space<hbm>>
    %dma_wait3A_78 = arith.constant 0 : i32
    %dma_wait3A_79 = arith.constant 0 : i32
    %dma_wait3A_80 = tpu.memref_slice %arg6[%dma_wait3A, %dma_wait3A_78, %dma_wait3A_79] : memref<2x40x128xf32, #tpu.memory_space<vmem>> -> memref<1x40x128xf32, #tpu.memory_space<vmem>>
    %dma_wait3A_81 = tpu.memref_squeeze %dma_wait3A_80 : memref<1x40x128xf32, #tpu.memory_space<vmem>> -> memref<40x128xf32, #tpu.memory_space<vmem>>
    %dma_wait3A_82 = arith.constant 0 : i32
    %dma_wait3A_83 = arith.constant 0 : i32
    %dma_wait3A_84 = tpu.memref_slice %arg2[%dma_wait3A_82, %dma_wait3A_83] : memref<160000x128xf32, #tpu.memory_space<hbm>> -> memref<40x128xf32, #tpu.memory_space<hbm>>
    tpu.wait_dma2 semaphore(%arg9 : memref<!tpu.dma_semaphore, #tpu.memory_space<semaphore_mem>>) src(%dma_wait3A_84 : memref<40x128xf32, #tpu.memory_space<hbm>>) dst(%dma_wait3A_81 : memref<40x128xf32, #tpu.memory_space<vmem>>)
    %dma_wait3A_85 = arith.constant 0 : i32
    %dma_wait3A_86 = arith.constant 0 : i32
    %dma_wait3A_87 = tpu.memref_slice %arg5[%dma_wait3A_85, %dma_wait3A_86] : memref<2x40xi32, #tpu.memory_space<vmem>> -> memref<1x40xi32, #tpu.memory_space<vmem>>
    %dma_wait3A_88 = tpu.memref_squeeze %dma_wait3A_87 : memref<1x40xi32, #tpu.memory_space<vmem>> -> memref<40xi32, #tpu.memory_space<vmem>>
    %dma_wait3A_89 = arith.constant 0 : i32
    %dma_wait3A_90 = tpu.memref_slice %arg3[%dma_wait3A_89] : memref<320000xi32, #tpu.memory_space<hbm>> -> memref<40xi32, #tpu.memory_space<hbm>>
    %dma_wait3A_91 = arith.constant 0 : i32
    %dma_wait3A_92 = tpu.memref_slice %arg5[%dma_wait3A_85, %dma_wait3A_91] : memref<2x40xi32, #tpu.memory_space<vmem>> -> memref<1x40xi32, #tpu.memory_space<vmem>>
    %dma_wait3A_93 = tpu.memref_squeeze %dma_wait3A_92 : memref<1x40xi32, #tpu.memory_space<vmem>> -> memref<40xi32, #tpu.memory_space<vmem>>
    %dma_wait3A_94 = arith.constant 0 : i32
    %dma_wait3A_95 = tpu.memref_slice %arg3[%dma_wait3A_94] : memref<320000xi32, #tpu.memory_space<hbm>> -> memref<40xi32, #tpu.memory_space<hbm>>
    tpu.wait_dma2 semaphore(%arg11 : memref<!tpu.dma_semaphore, #tpu.memory_space<semaphore_mem>>) src(%dma_wait3A_95 : memref<40xi32, #tpu.memory_space<hbm>>) dst(%dma_wait3A_93 : memref<40xi32, #tpu.memory_space<vmem>>)
    %run_scoped3A = arith.constant 0 : i32
    %run_scoped3A_96 = arith.constant 0 : i32
    "tpu.region"() ({
      %run_scoped3A_103 = tpu.sem_alloc : memref<!tpu.dma_semaphore, #tpu.memory_space<semaphore_mem>>
      %dma_start3A_104 = arith.constant 0 : i32
      %dma_start3A_105 = arith.constant 0 : i32
      %dma_start3A_106 = tpu.memref_slice %arg6[%run_scoped3A, %dma_start3A_104, %dma_start3A_105] : memref<2x40x128xf32, #tpu.memory_space<vmem>> -> memref<1x40x128xf32, #tpu.memory_space<vmem>>
      %dma_start3A_107 = tpu.memref_squeeze %dma_start3A_106 : memref<1x40x128xf32, #tpu.memory_space<vmem>> -> memref<40x128xf32, #tpu.memory_space<vmem>>
      %dma_start3A_108 = arith.constant 0 : i32
      %dma_start3A_109 = tpu.memref_slice %arg5[%run_scoped3A_96, %dma_start3A_108] : memref<2x40xi32, #tpu.memory_space<vmem>> -> memref<1x40xi32, #tpu.memory_space<vmem>>
      %dma_start3A_110 = tpu.memref_squeeze %dma_start3A_109 : memref<1x40xi32, #tpu.memory_space<vmem>> -> memref<40xi32, #tpu.memory_space<vmem>>
      %dma_start3A_111 = arith.constant 0 : i32
      %dma_start3A_112 = arith.constant 0 : i32
      %dma_start3A_113 = tpu.memref_slice %arg8[%dma_start3A_111, %dma_start3A_112] : memref<10000x128xf32, #tpu.memory_space<vmem_shared>> -> memref<10000x128xf32, #tpu.memory_space<vmem_shared>>
      tpu.enqueue_indirect_dma source(%dma_start3A_107 : memref<40x128xf32, #tpu.memory_space<vmem>>) target(%dma_start3A_113 : memref<10000x128xf32, #tpu.memory_space<vmem_shared>>) offsets(%dma_start3A_110 : memref<40xi32, #tpu.memory_space<vmem>>) semaphore(%run_scoped3A_103 : memref<!tpu.dma_semaphore, #tpu.memory_space<semaphore_mem>>) {add = true}
      %dma_wait3A_114 = arith.constant 0 : i32
      %dma_wait3A_115 = arith.constant 0 : i32
      %dma_wait3A_116 = tpu.memref_slice %arg6[%run_scoped3A, %dma_wait3A_114, %dma_wait3A_115] : memref<2x40x128xf32, #tpu.memory_space<vmem>> -> memref<1x40x128xf32, #tpu.memory_space<vmem>>
      %dma_wait3A_117 = tpu.memref_squeeze %dma_wait3A_116 : memref<1x40x128xf32, #tpu.memory_space<vmem>> -> memref<40x128xf32, #tpu.memory_space<vmem>>
      %dma_wait3A_118 = arith.constant 0 : i32
      %dma_wait3A_119 = tpu.memref_slice %arg5[%run_scoped3A_96, %dma_wait3A_118] : memref<2x40xi32, #tpu.memory_space<vmem>> -> memref<1x40xi32, #tpu.memory_space<vmem>>
      %dma_wait3A_120 = tpu.memref_squeeze %dma_wait3A_119 : memref<1x40xi32, #tpu.memory_space<vmem>> -> memref<40xi32, #tpu.memory_space<vmem>>
      %dma_wait3A_121 = arith.constant 0 : i32
      %dma_wait3A_122 = arith.constant 0 : i32
      %dma_wait3A_123 = tpu.memref_slice %arg8[%dma_wait3A_121, %dma_wait3A_122] : memref<10000x128xf32, #tpu.memory_space<vmem_shared>> -> memref<10000x128xf32, #tpu.memory_space<vmem_shared>>
      tpu.wait_indirect_dma semaphore(%run_scoped3A_103 : memref<!tpu.dma_semaphore, #tpu.memory_space<semaphore_mem>>) src(%dma_wait3A_117 : memref<40x128xf32, #tpu.memory_space<vmem>>) dst(%dma_wait3A_123 : memref<10000x128xf32, #tpu.memory_space<vmem_shared>>)
      tpu.yield
    }) : () -> ()
    %barrier3A_97 = arith.constant 0 : index
    tpu.barrier barrier_id(%barrier3A_97)
    %lt3A_98 = arith.constant 10 : i32
    %lt3A_99 = arith.cmpi slt, %arg1, %lt3A_98 : i32
    %convert_element_type3A_100 = arith.extui %lt3A_99 : i1 to i32
    %cond3A_101 = arith.constant 0 : i32
    %cond3A_102 = arith.cmpi ne, %convert_element_type3A_100, %cond3A_101 : i32
    scf.if %cond3A_102 {
      %scan3A_103 = arith.constant 0 : i32
      %scan3A_104 = arith.constant 0 : i32
      %scan3A_105 = arith.constant 5 : i32
      %scan3A_106 = arith.addi %scan3A_104, %scan3A_105 : i32
      %scan3A_107 = arith.constant 1 : i32
      scf.for %scan3A_109 = %scan3A_104 to %scan3A_106 step %scan3A_107  : i32 {
        %mul3A_110 = arith.constant 1000 : i32
        %mul3A_111 = arith.muli %arg1, %mul3A_110 : i32
        %mul3A_112 = arith.constant 200 : i32
        %mul3A_113 = arith.muli %scan3A_109, %mul3A_112 : i32
        %add3A_114 = arith.addi %mul3A_111, %mul3A_113 : i32
        "tpu.region"() ({
          %run_scoped3A_115 = tpu.sem_alloc : memref<!tpu.dma_semaphore, #tpu.memory_space<semaphore_mem>>
          %dma_start3A_116 = arith.constant 0 : i32
          %dma_start3A_117 = tpu.memref_slice %arg8[%add3A_114, %dma_start3A_116] : memref<10000x128xf32, #tpu.memory_space<vmem_shared>> -> memref<200x128xf32, #tpu.memory_space<vmem_shared>>
          %dma_start3A_118 = arith.constant 0 : i32
          %dma_start3A_119 = tpu.memref_slice %arg8[%add3A_114, %dma_start3A_118] : memref<10000x128xf32, #tpu.memory_space<vmem_shared>> -> memref<200x128xf32, #tpu.memory_space<vmem_shared>>
          tpu.enqueue_dma source(%dma_start3A_119 : memref<200x128xf32, #tpu.memory_space<vmem_shared>>) target(%arg7 : memref<200x128xf32, #tpu.memory_space<vmem>>) target_semaphore(%run_scoped3A_115 : memref<!tpu.dma_semaphore, #tpu.memory_space<semaphore_mem>>)
          %dma_wait3A_120 = arith.constant 0 : i32
          %dma_wait3A_121 = tpu.memref_slice %arg8[%add3A_114, %dma_wait3A_120] : memref<10000x128xf32, #tpu.memory_space<vmem_shared>> -> memref<200x128xf32, #tpu.memory_space<vmem_shared>>
          %dma_wait3A_122 = arith.constant 0 : i32
          %dma_wait3A_123 = tpu.memref_slice %arg8[%add3A_114, %dma_wait3A_122] : memref<10000x128xf32, #tpu.memory_space<vmem_shared>> -> memref<200x128xf32, #tpu.memory_space<vmem_shared>>
          tpu.wait_dma2 semaphore(%run_scoped3A_115 : memref<!tpu.dma_semaphore, #tpu.memory_space<semaphore_mem>>) src(%dma_wait3A_123 : memref<200x128xf32, #tpu.memory_space<vmem_shared>>) dst(%arg7 : memref<200x128xf32, #tpu.memory_space<vmem>>)
          tpu.yield
        }) : () -> ()
        "tpu.region"() ({
          %run_scoped3A_115 = tpu.sem_alloc : memref<!tpu.dma_semaphore, #tpu.memory_space<semaphore_mem>>
          %dma_start3A_116 = arith.constant 0 : i32
          %dma_start3A_117 = arith.constant 0 : i32
          %dma_start3A_118 = tpu.memref_slice %arg4[%arg0, %dma_start3A_116, %dma_start3A_117] : memref<2x10000x128xf32, #tpu.memory_space<hbm>> -> memref<1x10000x128xf32, #tpu.memory_space<hbm>>
          %dma_start3A_119 = tpu.memref_squeeze %dma_start3A_118 : memref<1x10000x128xf32, #tpu.memory_space<hbm>> -> memref<10000x128xf32, #tpu.memory_space<hbm>>
          %dma_start3A_120 = arith.constant 0 : i32
          %dma_start3A_121 = tpu.memref_slice %dma_start3A_119[%add3A_114, %dma_start3A_120] : memref<10000x128xf32, #tpu.memory_space<hbm>> -> memref<200x128xf32, #tpu.memory_space<hbm>>
          %dma_start3A_122 = arith.constant 0 : i32
          %dma_start3A_123 = arith.constant 0 : i32
          %dma_start3A_124 = tpu.memref_slice %arg4[%arg0, %dma_start3A_122, %dma_start3A_123] : memref<2x10000x128xf32, #tpu.memory_space<hbm>> -> memref<1x10000x128xf32, #tpu.memory_space<hbm>>
          %dma_start3A_125 = tpu.memref_squeeze %dma_start3A_124 : memref<1x10000x128xf32, #tpu.memory_space<hbm>> -> memref<10000x128xf32, #tpu.memory_space<hbm>>
          %dma_start3A_126 = arith.constant 0 : i32
          %dma_start3A_127 = tpu.memref_slice %dma_start3A_125[%add3A_114, %dma_start3A_126] : memref<10000x128xf32, #tpu.memory_space<hbm>> -> memref<200x128xf32, #tpu.memory_space<hbm>>
          tpu.enqueue_dma source(%arg7 : memref<200x128xf32, #tpu.memory_space<vmem>>) target(%dma_start3A_127 : memref<200x128xf32, #tpu.memory_space<hbm>>) target_semaphore(%run_scoped3A_115 : memref<!tpu.dma_semaphore, #tpu.memory_space<semaphore_mem>>)
          %dma_wait3A_128 = arith.constant 0 : i32
          %dma_wait3A_129 = arith.constant 0 : i32
          %dma_wait3A_130 = tpu.memref_slice %arg4[%arg0, %dma_wait3A_128, %dma_wait3A_129] : memref<2x10000x128xf32, #tpu.memory_space<hbm>> -> memref<1x10000x128xf32, #tpu.memory_space<hbm>>
          %dma_wait3A_131 = tpu.memref_squeeze %dma_wait3A_130 : memref<1x10000x128xf32, #tpu.memory_space<hbm>> -> memref<10000x128xf32, #tpu.memory_space<hbm>>
          %dma_wait3A_132 = arith.constant 0 : i32
          %dma_wait3A_133 = tpu.memref_slice %dma_wait3A_131[%add3A_114, %dma_wait3A_132] : memref<10000x128xf32, #tpu.memory_space<hbm>> -> memref<200x128xf32, #tpu.memory_space<hbm>>
          %dma_wait3A_134 = arith.constant 0 : i32
          %dma_wait3A_135 = arith.constant 0 : i32
          %dma_wait3A_136 = tpu.memref_slice %arg4[%arg0, %dma_wait3A_134, %dma_wait3A_135] : memref<2x10000x128xf32, #tpu.memory_space<hbm>> -> memref<1x10000x128xf32, #tpu.memory_space<hbm>>
          %dma_wait3A_137 = tpu.memref_squeeze %dma_wait3A_136 : memref<1x10000x128xf32, #tpu.memory_space<hbm>> -> memref<10000x128xf32, #tpu.memory_space<hbm>>
          %dma_wait3A_138 = arith.constant 0 : i32
          %dma_wait3A_139 = tpu.memref_slice %dma_wait3A_137[%add3A_114, %dma_wait3A_138] : memref<10000x128xf32, #tpu.memory_space<hbm>> -> memref<200x128xf32, #tpu.memory_space<hbm>>
          tpu.wait_dma2 semaphore(%run_scoped3A_115 : memref<!tpu.dma_semaphore, #tpu.memory_space<semaphore_mem>>) src(%arg7 : memref<200x128xf32, #tpu.memory_space<vmem>>) dst(%dma_wait3A_139 : memref<200x128xf32, #tpu.memory_space<hbm>>)
          tpu.yield
        }) : () -> ()
      }
      %scan3A_108 = arith.constant 5 : i32
    } else {
    }
    return
  }
}

#map = affine_map<(d0, d1) -> (0, 0)>
#map1 = affine_map<(d0, d1) -> (0)>
module attributes {stable_mosaic.version = 14 : i64} {
  func.func @_gather_body(%arg0: i32, %arg1: i32, %arg2: memref<10000x128xi32, #tpu.memory_space<hbm>>, %arg3: memref<10000x128xi32, #tpu.memory_space<hbm>>, %arg4: memref<320000xi32, #tpu.memory_space<hbm>>, %arg5: memref<320000xi32, #tpu.memory_space<hbm>>, %arg6: memref<160000x128xi32, #tpu.memory_space<hbm>>, %arg7: memref<160000x128xi32, #tpu.memory_space<hbm>>, %arg8: memref<5000xi32, #tpu.memory_space<vmem>>, %arg9: memref<5000xi32, #tpu.memory_space<vmem>>, %arg10: memref<4x40x128xi32, #tpu.memory_space<vmem>>, %arg11: memref<4x40x128xi32, #tpu.memory_space<vmem>>, %arg12: memref<!tpu.dma_semaphore, #tpu.memory_space<semaphore_mem>>, %arg13: memref<!tpu.dma_semaphore, #tpu.memory_space<semaphore_mem>>, %arg14: memref<!tpu.dma_semaphore, #tpu.memory_space<semaphore_mem>>, %arg15: memref<!tpu.dma_semaphore, #tpu.memory_space<semaphore_mem>>, %arg16: memref<!tpu.dma_semaphore, #tpu.memory_space<semaphore_mem>>, %arg17: memref<!tpu.dma_semaphore, #tpu.memory_space<semaphore_mem>>, %arg18: memref<!tpu.dma_semaphore, #tpu.memory_space<semaphore_mem>>, %arg19: memref<!tpu.dma_semaphore, #tpu.memory_space<semaphore_mem>>, %arg20: memref<!tpu.dma_semaphore, #tpu.memory_space<semaphore_mem>>, %arg21: memref<!tpu.dma_semaphore, #tpu.memory_space<semaphore_mem>>, %arg22: memref<!tpu.dma_semaphore, #tpu.memory_space<semaphore_mem>>, %arg23: memref<!tpu.dma_semaphore, #tpu.memory_space<semaphore_mem>>, %arg24: memref<!tpu.dma_semaphore, #tpu.memory_space<semaphore_mem>>, %arg25: memref<!tpu.dma_semaphore, #tpu.memory_space<semaphore_mem>>, %arg26: memref<!tpu.dma_semaphore, #tpu.memory_space<semaphore_mem>>, %arg27: memref<!tpu.dma_semaphore, #tpu.memory_space<semaphore_mem>>) attributes {dimension_semantics = [#tpu.dimension_semantics<core_parallel>, #tpu.dimension_semantics<subcore_parallel>], iteration_bounds = array<i64: 2, 16>, scalar_prefetch = 0 : i64, scratch_operands = 20 : i64, tpu.core_type = #tpu.core_type<sc_vector_subcore>, window_params = [{transform_indices = #map}, {transform_indices = #map}, {transform_indices = #map1}, {transform_indices = #map1}, {transform_indices = #map}, {transform_indices = #map}]} {
    %mul3A = arith.constant 2 : i32
    %mul3A_0 = arith.muli %arg1, %mul3A : i32
    %add3A = arith.addi %mul3A_0, %arg0 : i32
    %mul3A_1 = arith.constant 5000 : i32
    %mul3A_2 = arith.muli %add3A, %mul3A_1 : i32
    %add3A_3 = arith.constant 160000 : i32
    %add3A_4 = arith.addi %add3A_3, %mul3A_2 : i32
    %mul3A_5 = arith.constant 5000 : i32
    %mul3A_6 = arith.muli %add3A, %mul3A_5 : i32
    "tpu.region"() ({
      %run_scoped3A = tpu.sem_alloc : memref<!tpu.dma_semaphore, #tpu.memory_space<semaphore_mem>>
      %dma_start3A_190 = tpu.memref_slice %arg4[%add3A_4] : memref<320000xi32, #tpu.memory_space<hbm>> -> memref<5000xi32, #tpu.memory_space<hbm>>
      %dma_start3A_191 = tpu.memref_slice %arg4[%add3A_4] : memref<320000xi32, #tpu.memory_space<hbm>> -> memref<5000xi32, #tpu.memory_space<hbm>>
      tpu.enqueue_dma source(%dma_start3A_191 : memref<5000xi32, #tpu.memory_space<hbm>>) target(%arg8 : memref<5000xi32, #tpu.memory_space<vmem>>) target_semaphore(%run_scoped3A : memref<!tpu.dma_semaphore, #tpu.memory_space<semaphore_mem>>)
      %dma_wait3A_192 = tpu.memref_slice %arg4[%add3A_4] : memref<320000xi32, #tpu.memory_space<hbm>> -> memref<5000xi32, #tpu.memory_space<hbm>>
      %dma_wait3A_193 = tpu.memref_slice %arg4[%add3A_4] : memref<320000xi32, #tpu.memory_space<hbm>> -> memref<5000xi32, #tpu.memory_space<hbm>>
      tpu.wait_dma2 semaphore(%run_scoped3A : memref<!tpu.dma_semaphore, #tpu.memory_space<semaphore_mem>>) src(%dma_wait3A_193 : memref<5000xi32, #tpu.memory_space<hbm>>) dst(%arg8 : memref<5000xi32, #tpu.memory_space<vmem>>)
      tpu.yield
    }) : () -> ()
    "tpu.region"() ({
      %run_scoped3A = tpu.sem_alloc : memref<!tpu.dma_semaphore, #tpu.memory_space<semaphore_mem>>
      %dma_start3A_190 = tpu.memref_slice %arg5[%add3A_4] : memref<320000xi32, #tpu.memory_space<hbm>> -> memref<5000xi32, #tpu.memory_space<hbm>>
      %dma_start3A_191 = tpu.memref_slice %arg5[%add3A_4] : memref<320000xi32, #tpu.memory_space<hbm>> -> memref<5000xi32, #tpu.memory_space<hbm>>
      tpu.enqueue_dma source(%dma_start3A_191 : memref<5000xi32, #tpu.memory_space<hbm>>) target(%arg9 : memref<5000xi32, #tpu.memory_space<vmem>>) target_semaphore(%run_scoped3A : memref<!tpu.dma_semaphore, #tpu.memory_space<semaphore_mem>>)
      %dma_wait3A_192 = tpu.memref_slice %arg5[%add3A_4] : memref<320000xi32, #tpu.memory_space<hbm>> -> memref<5000xi32, #tpu.memory_space<hbm>>
      %dma_wait3A_193 = tpu.memref_slice %arg5[%add3A_4] : memref<320000xi32, #tpu.memory_space<hbm>> -> memref<5000xi32, #tpu.memory_space<hbm>>
      tpu.wait_dma2 semaphore(%run_scoped3A : memref<!tpu.dma_semaphore, #tpu.memory_space<semaphore_mem>>) src(%dma_wait3A_193 : memref<5000xi32, #tpu.memory_space<hbm>>) dst(%arg9 : memref<5000xi32, #tpu.memory_space<vmem>>)
      tpu.yield
    }) : () -> ()
    %dma_start3A = arith.constant 0 : i32
    %dma_start3A_7 = arith.constant 0 : i32
    %dma_start3A_8 = arith.constant 0 : i32
    %dma_start3A_9 = tpu.memref_slice %arg10[%dma_start3A, %dma_start3A_7, %dma_start3A_8] : memref<4x40x128xi32, #tpu.memory_space<vmem>> -> memref<1x40x128xi32, #tpu.memory_space<vmem>>
    %dma_start3A_10 = tpu.memref_squeeze %dma_start3A_9 : memref<1x40x128xi32, #tpu.memory_space<vmem>> -> memref<40x128xi32, #tpu.memory_space<vmem>>
    %dma_start3A_11 = arith.constant 0 : i32
    %dma_start3A_12 = tpu.memref_slice %arg8[%dma_start3A_11] : memref<5000xi32, #tpu.memory_space<vmem>> -> memref<40xi32, #tpu.memory_space<vmem>>
    %dma_start3A_13 = arith.constant 0 : i32
    %dma_start3A_14 = arith.constant 0 : i32
    %dma_start3A_15 = tpu.memref_slice %arg2[%dma_start3A_13, %dma_start3A_14] : memref<10000x128xi32, #tpu.memory_space<hbm>> -> memref<10000x128xi32, #tpu.memory_space<hbm>>
    tpu.enqueue_indirect_dma source(%dma_start3A_15 : memref<10000x128xi32, #tpu.memory_space<hbm>>) target(%dma_start3A_10 : memref<40x128xi32, #tpu.memory_space<vmem>>) offsets(%dma_start3A_12 : memref<40xi32, #tpu.memory_space<vmem>>) semaphore(%arg12 : memref<!tpu.dma_semaphore, #tpu.memory_space<semaphore_mem>>)
    %dma_start3A_16 = arith.constant 0 : i32
    %dma_start3A_17 = arith.constant 0 : i32
    %dma_start3A_18 = arith.constant 0 : i32
    %dma_start3A_19 = tpu.memref_slice %arg11[%dma_start3A_16, %dma_start3A_17, %dma_start3A_18] : memref<4x40x128xi32, #tpu.memory_space<vmem>> -> memref<1x40x128xi32, #tpu.memory_space<vmem>>
    %dma_start3A_20 = tpu.memref_squeeze %dma_start3A_19 : memref<1x40x128xi32, #tpu.memory_space<vmem>> -> memref<40x128xi32, #tpu.memory_space<vmem>>
    %dma_start3A_21 = arith.constant 0 : i32
    %dma_start3A_22 = tpu.memref_slice %arg9[%dma_start3A_21] : memref<5000xi32, #tpu.memory_space<vmem>> -> memref<40xi32, #tpu.memory_space<vmem>>
    %dma_start3A_23 = arith.constant 0 : i32
    %dma_start3A_24 = arith.constant 0 : i32
    %dma_start3A_25 = tpu.memref_slice %arg3[%dma_start3A_23, %dma_start3A_24] : memref<10000x128xi32, #tpu.memory_space<hbm>> -> memref<10000x128xi32, #tpu.memory_space<hbm>>
    tpu.enqueue_indirect_dma source(%dma_start3A_25 : memref<10000x128xi32, #tpu.memory_space<hbm>>) target(%dma_start3A_20 : memref<40x128xi32, #tpu.memory_space<vmem>>) offsets(%dma_start3A_22 : memref<40xi32, #tpu.memory_space<vmem>>) semaphore(%arg16 : memref<!tpu.dma_semaphore, #tpu.memory_space<semaphore_mem>>)
    %dma_start3A_26 = arith.constant 1 : i32
    %dma_start3A_27 = arith.constant 0 : i32
    %dma_start3A_28 = arith.constant 0 : i32
    %dma_start3A_29 = tpu.memref_slice %arg10[%dma_start3A_26, %dma_start3A_27, %dma_start3A_28] : memref<4x40x128xi32, #tpu.memory_space<vmem>> -> memref<1x40x128xi32, #tpu.memory_space<vmem>>
    %dma_start3A_30 = tpu.memref_squeeze %dma_start3A_29 : memref<1x40x128xi32, #tpu.memory_space<vmem>> -> memref<40x128xi32, #tpu.memory_space<vmem>>
    %dma_start3A_31 = arith.constant 40 : i32
    %dma_start3A_32 = tpu.memref_slice %arg8[%dma_start3A_31] : memref<5000xi32, #tpu.memory_space<vmem>> -> memref<40xi32, #tpu.memory_space<vmem>>
    %dma_start3A_33 = arith.constant 0 : i32
    %dma_start3A_34 = arith.constant 0 : i32
    %dma_start3A_35 = tpu.memref_slice %arg2[%dma_start3A_33, %dma_start3A_34] : memref<10000x128xi32, #tpu.memory_space<hbm>> -> memref<10000x128xi32, #tpu.memory_space<hbm>>
    tpu.enqueue_indirect_dma source(%dma_start3A_35 : memref<10000x128xi32, #tpu.memory_space<hbm>>) target(%dma_start3A_30 : memref<40x128xi32, #tpu.memory_space<vmem>>) offsets(%dma_start3A_32 : memref<40xi32, #tpu.memory_space<vmem>>) semaphore(%arg13 : memref<!tpu.dma_semaphore, #tpu.memory_space<semaphore_mem>>)
    %dma_start3A_36 = arith.constant 1 : i32
    %dma_start3A_37 = arith.constant 0 : i32
    %dma_start3A_38 = arith.constant 0 : i32
    %dma_start3A_39 = tpu.memref_slice %arg11[%dma_start3A_36, %dma_start3A_37, %dma_start3A_38] : memref<4x40x128xi32, #tpu.memory_space<vmem>> -> memref<1x40x128xi32, #tpu.memory_space<vmem>>
    %dma_start3A_40 = tpu.memref_squeeze %dma_start3A_39 : memref<1x40x128xi32, #tpu.memory_space<vmem>> -> memref<40x128xi32, #tpu.memory_space<vmem>>
    %dma_start3A_41 = arith.constant 40 : i32
    %dma_start3A_42 = tpu.memref_slice %arg9[%dma_start3A_41] : memref<5000xi32, #tpu.memory_space<vmem>> -> memref<40xi32, #tpu.memory_space<vmem>>
    %dma_start3A_43 = arith.constant 0 : i32
    %dma_start3A_44 = arith.constant 0 : i32
    %dma_start3A_45 = tpu.memref_slice %arg3[%dma_start3A_43, %dma_start3A_44] : memref<10000x128xi32, #tpu.memory_space<hbm>> -> memref<10000x128xi32, #tpu.memory_space<hbm>>
    tpu.enqueue_indirect_dma source(%dma_start3A_45 : memref<10000x128xi32, #tpu.memory_space<hbm>>) target(%dma_start3A_40 : memref<40x128xi32, #tpu.memory_space<vmem>>) offsets(%dma_start3A_42 : memref<40xi32, #tpu.memory_space<vmem>>) semaphore(%arg17 : memref<!tpu.dma_semaphore, #tpu.memory_space<semaphore_mem>>)
    %scan3A = arith.constant 0 : i32
    %scan3A_46 = arith.constant 0 : i32
    %scan3A_47 = arith.constant 31 : i32
    %scan3A_48 = arith.addi %scan3A_46, %scan3A_47 : i32
    %scan3A_49 = arith.constant 1 : i32
    scf.for %scan3A_190 = %scan3A_46 to %scan3A_48 step %scan3A_49  : i32 {
      %mul3A_191 = arith.constant 4 : i32
      %mul3A_192 = arith.muli %mul3A_191, %scan3A_190 : i32
      %add3A_193 = arith.constant 0 : i32
      %add3A_194 = arith.addi %mul3A_192, %add3A_193 : i32
      %dma_wait3A_195 = arith.constant 0 : i32
      %dma_wait3A_196 = arith.constant 0 : i32
      %dma_wait3A_197 = arith.constant 0 : i32
      %dma_wait3A_198 = tpu.memref_slice %arg10[%dma_wait3A_195, %dma_wait3A_196, %dma_wait3A_197] : memref<4x40x128xi32, #tpu.memory_space<vmem>> -> memref<1x40x128xi32, #tpu.memory_space<vmem>>
      %dma_wait3A_199 = tpu.memref_squeeze %dma_wait3A_198 : memref<1x40x128xi32, #tpu.memory_space<vmem>> -> memref<40x128xi32, #tpu.memory_space<vmem>>
      %dma_wait3A_200 = arith.constant 0 : i32
      %dma_wait3A_201 = tpu.memref_slice %arg8[%dma_wait3A_200] : memref<5000xi32, #tpu.memory_space<vmem>> -> memref<40xi32, #tpu.memory_space<vmem>>
      %dma_wait3A_202 = arith.constant 0 : i32
      %dma_wait3A_203 = arith.constant 0 : i32
      %dma_wait3A_204 = tpu.memref_slice %arg2[%dma_wait3A_202, %dma_wait3A_203] : memref<10000x128xi32, #tpu.memory_space<hbm>> -> memref<10000x128xi32, #tpu.memory_space<hbm>>
      tpu.wait_indirect_dma semaphore(%arg12 : memref<!tpu.dma_semaphore, #tpu.memory_space<semaphore_mem>>) src(%dma_wait3A_204 : memref<10000x128xi32, #tpu.memory_space<hbm>>) dst(%dma_wait3A_199 : memref<40x128xi32, #tpu.memory_space<vmem>>)
      %dma_wait3A_205 = arith.constant 0 : i32
      %dma_wait3A_206 = arith.constant 0 : i32
      %dma_wait3A_207 = arith.constant 0 : i32
      %dma_wait3A_208 = tpu.memref_slice %arg11[%dma_wait3A_205, %dma_wait3A_206, %dma_wait3A_207] : memref<4x40x128xi32, #tpu.memory_space<vmem>> -> memref<1x40x128xi32, #tpu.memory_space<vmem>>
      %dma_wait3A_209 = tpu.memref_squeeze %dma_wait3A_208 : memref<1x40x128xi32, #tpu.memory_space<vmem>> -> memref<40x128xi32, #tpu.memory_space<vmem>>
      %dma_wait3A_210 = arith.constant 0 : i32
      %dma_wait3A_211 = tpu.memref_slice %arg9[%dma_wait3A_210] : memref<5000xi32, #tpu.memory_space<vmem>> -> memref<40xi32, #tpu.memory_space<vmem>>
      %dma_wait3A_212 = arith.constant 0 : i32
      %dma_wait3A_213 = arith.constant 0 : i32
      %dma_wait3A_214 = tpu.memref_slice %arg3[%dma_wait3A_212, %dma_wait3A_213] : memref<10000x128xi32, #tpu.memory_space<hbm>> -> memref<10000x128xi32, #tpu.memory_space<hbm>>
      tpu.wait_indirect_dma semaphore(%arg16 : memref<!tpu.dma_semaphore, #tpu.memory_space<semaphore_mem>>) src(%dma_wait3A_214 : memref<10000x128xi32, #tpu.memory_space<hbm>>) dst(%dma_wait3A_209 : memref<40x128xi32, #tpu.memory_space<vmem>>)
      %mul3A_215 = arith.constant 40 : i32
      %mul3A_216 = arith.muli %add3A_194, %mul3A_215 : i32
      %add3A_217 = arith.addi %mul3A_6, %mul3A_216 : i32
      %dma_start3A_218 = arith.constant 0 : i32
      %dma_start3A_219 = arith.constant 0 : i32
      %dma_start3A_220 = arith.constant 0 : i32
      %dma_start3A_221 = tpu.memref_slice %arg10[%dma_start3A_218, %dma_start3A_219, %dma_start3A_220] : memref<4x40x128xi32, #tpu.memory_space<vmem>> -> memref<1x40x128xi32, #tpu.memory_space<vmem>>
      %dma_start3A_222 = tpu.memref_squeeze %dma_start3A_221 : memref<1x40x128xi32, #tpu.memory_space<vmem>> -> memref<40x128xi32, #tpu.memory_space<vmem>>
      %dma_start3A_223 = arith.constant 0 : i32
      %dma_start3A_224 = tpu.memref_slice %arg6[%add3A_217, %dma_start3A_223] : memref<160000x128xi32, #tpu.memory_space<hbm>> -> memref<40x128xi32, #tpu.memory_space<hbm>>
      %dma_start3A_225 = arith.constant 0 : i32
      %dma_start3A_226 = tpu.memref_slice %arg6[%add3A_217, %dma_start3A_225] : memref<160000x128xi32, #tpu.memory_space<hbm>> -> memref<40x128xi32, #tpu.memory_space<hbm>>
      %dma_start3A_227 = arith.constant 0 : i32
      %dma_start3A_228 = arith.constant 0 : i32
      %dma_start3A_229 = tpu.memref_slice %arg10[%dma_start3A_218, %dma_start3A_227, %dma_start3A_228] : memref<4x40x128xi32, #tpu.memory_space<vmem>> -> memref<1x40x128xi32, #tpu.memory_space<vmem>>
      %dma_start3A_230 = tpu.memref_squeeze %dma_start3A_229 : memref<1x40x128xi32, #tpu.memory_space<vmem>> -> memref<40x128xi32, #tpu.memory_space<vmem>>
      tpu.enqueue_dma source(%dma_start3A_230 : memref<40x128xi32, #tpu.memory_space<vmem>>) target(%dma_start3A_226 : memref<40x128xi32, #tpu.memory_space<hbm>>) target_semaphore(%arg20 : memref<!tpu.dma_semaphore, #tpu.memory_space<semaphore_mem>>)
      %mul3A_231 = arith.constant 40 : i32
      %mul3A_232 = arith.muli %add3A_194, %mul3A_231 : i32
      %add3A_233 = arith.addi %mul3A_6, %mul3A_232 : i32
      %dma_start3A_234 = arith.constant 0 : i32
      %dma_start3A_235 = arith.constant 0 : i32
      %dma_start3A_236 = arith.constant 0 : i32
      %dma_start3A_237 = tpu.memref_slice %arg11[%dma_start3A_234, %dma_start3A_235, %dma_start3A_236] : memref<4x40x128xi32, #tpu.memory_space<vmem>> -> memref<1x40x128xi32, #tpu.memory_space<vmem>>
      %dma_start3A_238 = tpu.memref_squeeze %dma_start3A_237 : memref<1x40x128xi32, #tpu.memory_space<vmem>> -> memref<40x128xi32, #tpu.memory_space<vmem>>
      %dma_start3A_239 = arith.constant 0 : i32
      %dma_start3A_240 = tpu.memref_slice %arg7[%add3A_233, %dma_start3A_239] : memref<160000x128xi32, #tpu.memory_space<hbm>> -> memref<40x128xi32, #tpu.memory_space<hbm>>
      %dma_start3A_241 = arith.constant 0 : i32
      %dma_start3A_242 = tpu.memref_slice %arg7[%add3A_233, %dma_start3A_241] : memref<160000x128xi32, #tpu.memory_space<hbm>> -> memref<40x128xi32, #tpu.memory_space<hbm>>
      %dma_start3A_243 = arith.constant 0 : i32
      %dma_start3A_244 = arith.constant 0 : i32
      %dma_start3A_245 = tpu.memref_slice %arg11[%dma_start3A_234, %dma_start3A_243, %dma_start3A_244] : memref<4x40x128xi32, #tpu.memory_space<vmem>> -> memref<1x40x128xi32, #tpu.memory_space<vmem>>
      %dma_start3A_246 = tpu.memref_squeeze %dma_start3A_245 : memref<1x40x128xi32, #tpu.memory_space<vmem>> -> memref<40x128xi32, #tpu.memory_space<vmem>>
      tpu.enqueue_dma source(%dma_start3A_246 : memref<40x128xi32, #tpu.memory_space<vmem>>) target(%dma_start3A_242 : memref<40x128xi32, #tpu.memory_space<hbm>>) target_semaphore(%arg24 : memref<!tpu.dma_semaphore, #tpu.memory_space<semaphore_mem>>)
      %ge3A = arith.constant 2 : i32
      %ge3A_247 = arith.cmpi sge, %add3A_194, %ge3A : i32
      %convert_element_type3A = arith.extui %ge3A_247 : i1 to i32
      %cond3A = arith.constant 0 : i32
      %cond3A_248 = arith.cmpi ne, %convert_element_type3A, %cond3A : i32
      scf.if %cond3A_248 {
        %dma_wait3A_459 = arith.constant 2 : i32
        %dma_wait3A_460 = arith.constant 0 : i32
        %dma_wait3A_461 = arith.constant 0 : i32
        %dma_wait3A_462 = tpu.memref_slice %arg10[%dma_wait3A_459, %dma_wait3A_460, %dma_wait3A_461] : memref<4x40x128xi32, #tpu.memory_space<vmem>> -> memref<1x40x128xi32, #tpu.memory_space<vmem>>
        %dma_wait3A_463 = tpu.memref_squeeze %dma_wait3A_462 : memref<1x40x128xi32, #tpu.memory_space<vmem>> -> memref<40x128xi32, #tpu.memory_space<vmem>>
        %dma_wait3A_464 = arith.constant 0 : i32
        %dma_wait3A_465 = arith.constant 0 : i32
        %dma_wait3A_466 = tpu.memref_slice %arg6[%dma_wait3A_464, %dma_wait3A_465] : memref<160000x128xi32, #tpu.memory_space<hbm>> -> memref<40x128xi32, #tpu.memory_space<hbm>>
        %dma_wait3A_467 = arith.constant 0 : i32
        %dma_wait3A_468 = arith.constant 0 : i32
        %dma_wait3A_469 = tpu.memref_slice %arg6[%dma_wait3A_467, %dma_wait3A_468] : memref<160000x128xi32, #tpu.memory_space<hbm>> -> memref<40x128xi32, #tpu.memory_space<hbm>>
        %dma_wait3A_470 = arith.constant 0 : i32
        %dma_wait3A_471 = arith.constant 0 : i32
        %dma_wait3A_472 = tpu.memref_slice %arg10[%dma_wait3A_459, %dma_wait3A_470, %dma_wait3A_471] : memref<4x40x128xi32, #tpu.memory_space<vmem>> -> memref<1x40x128xi32, #tpu.memory_space<vmem>>
        %dma_wait3A_473 = tpu.memref_squeeze %dma_wait3A_472 : memref<1x40x128xi32, #tpu.memory_space<vmem>> -> memref<40x128xi32, #tpu.memory_space<vmem>>
        tpu.wait_dma2 semaphore(%arg22 : memref<!tpu.dma_semaphore, #tpu.memory_space<semaphore_mem>>) src(%dma_wait3A_473 : memref<40x128xi32, #tpu.memory_space<vmem>>) dst(%dma_wait3A_469 : memref<40x128xi32, #tpu.memory_space<hbm>>)
        %dma_wait3A_474 = arith.constant 2 : i32
        %dma_wait3A_475 = arith.constant 0 : i32
        %dma_wait3A_476 = arith.constant 0 : i32
        %dma_wait3A_477 = tpu.memref_slice %arg11[%dma_wait3A_474, %dma_wait3A_475, %dma_wait3A_476] : memref<4x40x128xi32, #tpu.memory_space<vmem>> -> memref<1x40x128xi32, #tpu.memory_space<vmem>>
        %dma_wait3A_478 = tpu.memref_squeeze %dma_wait3A_477 : memref<1x40x128xi32, #tpu.memory_space<vmem>> -> memref<40x128xi32, #tpu.memory_space<vmem>>
        %dma_wait3A_479 = arith.constant 0 : i32
        %dma_wait3A_480 = arith.constant 0 : i32
        %dma_wait3A_481 = tpu.memref_slice %arg7[%dma_wait3A_479, %dma_wait3A_480] : memref<160000x128xi32, #tpu.memory_space<hbm>> -> memref<40x128xi32, #tpu.memory_space<hbm>>
        %dma_wait3A_482 = arith.constant 0 : i32
        %dma_wait3A_483 = arith.constant 0 : i32
        %dma_wait3A_484 = tpu.memref_slice %arg7[%dma_wait3A_482, %dma_wait3A_483] : memref<160000x128xi32, #tpu.memory_space<hbm>> -> memref<40x128xi32, #tpu.memory_space<hbm>>
        %dma_wait3A_485 = arith.constant 0 : i32
        %dma_wait3A_486 = arith.constant 0 : i32
        %dma_wait3A_487 = tpu.memref_slice %arg11[%dma_wait3A_474, %dma_wait3A_485, %dma_wait3A_486] : memref<4x40x128xi32, #tpu.memory_space<vmem>> -> memref<1x40x128xi32, #tpu.memory_space<vmem>>
        %dma_wait3A_488 = tpu.memref_squeeze %dma_wait3A_487 : memref<1x40x128xi32, #tpu.memory_space<vmem>> -> memref<40x128xi32, #tpu.memory_space<vmem>>
        tpu.wait_dma2 semaphore(%arg26 : memref<!tpu.dma_semaphore, #tpu.memory_space<semaphore_mem>>) src(%dma_wait3A_488 : memref<40x128xi32, #tpu.memory_space<vmem>>) dst(%dma_wait3A_484 : memref<40x128xi32, #tpu.memory_space<hbm>>)
      } else {
      }
      %add3A_249 = arith.constant 2 : i32
      %add3A_250 = arith.addi %add3A_194, %add3A_249 : i32
      %lt3A = arith.constant 125 : i32
      %lt3A_251 = arith.cmpi slt, %add3A_250, %lt3A : i32
      %convert_element_type3A_252 = arith.extui %lt3A_251 : i1 to i32
      %cond3A_253 = arith.constant 0 : i32
      %cond3A_254 = arith.cmpi ne, %convert_element_type3A_252, %cond3A_253 : i32
      scf.if %cond3A_254 {
        %add3A_459 = arith.constant 2 : i32
        %add3A_460 = arith.addi %add3A_194, %add3A_459 : i32
        %mul3A_461 = arith.constant 40 : i32
        %mul3A_462 = arith.muli %add3A_460, %mul3A_461 : i32
        %dma_start3A_463 = arith.constant 2 : i32
        %dma_start3A_464 = arith.constant 0 : i32
        %dma_start3A_465 = arith.constant 0 : i32
        %dma_start3A_466 = tpu.memref_slice %arg10[%dma_start3A_463, %dma_start3A_464, %dma_start3A_465] : memref<4x40x128xi32, #tpu.memory_space<vmem>> -> memref<1x40x128xi32, #tpu.memory_space<vmem>>
        %dma_start3A_467 = tpu.memref_squeeze %dma_start3A_466 : memref<1x40x128xi32, #tpu.memory_space<vmem>> -> memref<40x128xi32, #tpu.memory_space<vmem>>
        %dma_start3A_468 = tpu.memref_slice %arg8[%mul3A_462] : memref<5000xi32, #tpu.memory_space<vmem>> -> memref<40xi32, #tpu.memory_space<vmem>>
        %dma_start3A_469 = arith.constant 0 : i32
        %dma_start3A_470 = arith.constant 0 : i32
        %dma_start3A_471 = tpu.memref_slice %arg2[%dma_start3A_469, %dma_start3A_470] : memref<10000x128xi32, #tpu.memory_space<hbm>> -> memref<10000x128xi32, #tpu.memory_space<hbm>>
        tpu.enqueue_indirect_dma source(%dma_start3A_471 : memref<10000x128xi32, #tpu.memory_space<hbm>>) target(%dma_start3A_467 : memref<40x128xi32, #tpu.memory_space<vmem>>) offsets(%dma_start3A_468 : memref<40xi32, #tpu.memory_space<vmem>>) semaphore(%arg14 : memref<!tpu.dma_semaphore, #tpu.memory_space<semaphore_mem>>)
        %dma_start3A_472 = arith.constant 2 : i32
        %dma_start3A_473 = arith.constant 0 : i32
        %dma_start3A_474 = arith.constant 0 : i32
        %dma_start3A_475 = tpu.memref_slice %arg11[%dma_start3A_472, %dma_start3A_473, %dma_start3A_474] : memref<4x40x128xi32, #tpu.memory_space<vmem>> -> memref<1x40x128xi32, #tpu.memory_space<vmem>>
        %dma_start3A_476 = tpu.memref_squeeze %dma_start3A_475 : memref<1x40x128xi32, #tpu.memory_space<vmem>> -> memref<40x128xi32, #tpu.memory_space<vmem>>
        %dma_start3A_477 = tpu.memref_slice %arg9[%mul3A_462] : memref<5000xi32, #tpu.memory_space<vmem>> -> memref<40xi32, #tpu.memory_space<vmem>>
        %dma_start3A_478 = arith.constant 0 : i32
        %dma_start3A_479 = arith.constant 0 : i32
        %dma_start3A_480 = tpu.memref_slice %arg3[%dma_start3A_478, %dma_start3A_479] : memref<10000x128xi32, #tpu.memory_space<hbm>> -> memref<10000x128xi32, #tpu.memory_space<hbm>>
        tpu.enqueue_indirect_dma source(%dma_start3A_480 : memref<10000x128xi32, #tpu.memory_space<hbm>>) target(%dma_start3A_476 : memref<40x128xi32, #tpu.memory_space<vmem>>) offsets(%dma_start3A_477 : memref<40xi32, #tpu.memory_space<vmem>>) semaphore(%arg18 : memref<!tpu.dma_semaphore, #tpu.memory_space<semaphore_mem>>)
      } else {
      }
      %mul3A_255 = arith.constant 4 : i32
      %mul3A_256 = arith.muli %mul3A_255, %scan3A_190 : i32
      %add3A_257 = arith.constant 1 : i32
      %add3A_258 = arith.addi %mul3A_256, %add3A_257 : i32
      %dma_wait3A_259 = arith.constant 1 : i32
      %dma_wait3A_260 = arith.constant 0 : i32
      %dma_wait3A_261 = arith.constant 0 : i32
      %dma_wait3A_262 = tpu.memref_slice %arg10[%dma_wait3A_259, %dma_wait3A_260, %dma_wait3A_261] : memref<4x40x128xi32, #tpu.memory_space<vmem>> -> memref<1x40x128xi32, #tpu.memory_space<vmem>>
      %dma_wait3A_263 = tpu.memref_squeeze %dma_wait3A_262 : memref<1x40x128xi32, #tpu.memory_space<vmem>> -> memref<40x128xi32, #tpu.memory_space<vmem>>
      %dma_wait3A_264 = arith.constant 0 : i32
      %dma_wait3A_265 = tpu.memref_slice %arg8[%dma_wait3A_264] : memref<5000xi32, #tpu.memory_space<vmem>> -> memref<40xi32, #tpu.memory_space<vmem>>
      %dma_wait3A_266 = arith.constant 0 : i32
      %dma_wait3A_267 = arith.constant 0 : i32
      %dma_wait3A_268 = tpu.memref_slice %arg2[%dma_wait3A_266, %dma_wait3A_267] : memref<10000x128xi32, #tpu.memory_space<hbm>> -> memref<10000x128xi32, #tpu.memory_space<hbm>>
      tpu.wait_indirect_dma semaphore(%arg13 : memref<!tpu.dma_semaphore, #tpu.memory_space<semaphore_mem>>) src(%dma_wait3A_268 : memref<10000x128xi32, #tpu.memory_space<hbm>>) dst(%dma_wait3A_263 : memref<40x128xi32, #tpu.memory_space<vmem>>)
      %dma_wait3A_269 = arith.constant 1 : i32
      %dma_wait3A_270 = arith.constant 0 : i32
      %dma_wait3A_271 = arith.constant 0 : i32
      %dma_wait3A_272 = tpu.memref_slice %arg11[%dma_wait3A_269, %dma_wait3A_270, %dma_wait3A_271] : memref<4x40x128xi32, #tpu.memory_space<vmem>> -> memref<1x40x128xi32, #tpu.memory_space<vmem>>
      %dma_wait3A_273 = tpu.memref_squeeze %dma_wait3A_272 : memref<1x40x128xi32, #tpu.memory_space<vmem>> -> memref<40x128xi32, #tpu.memory_space<vmem>>
      %dma_wait3A_274 = arith.constant 0 : i32
      %dma_wait3A_275 = tpu.memref_slice %arg9[%dma_wait3A_274] : memref<5000xi32, #tpu.memory_space<vmem>> -> memref<40xi32, #tpu.memory_space<vmem>>
      %dma_wait3A_276 = arith.constant 0 : i32
      %dma_wait3A_277 = arith.constant 0 : i32
      %dma_wait3A_278 = tpu.memref_slice %arg3[%dma_wait3A_276, %dma_wait3A_277] : memref<10000x128xi32, #tpu.memory_space<hbm>> -> memref<10000x128xi32, #tpu.memory_space<hbm>>
      tpu.wait_indirect_dma semaphore(%arg17 : memref<!tpu.dma_semaphore, #tpu.memory_space<semaphore_mem>>) src(%dma_wait3A_278 : memref<10000x128xi32, #tpu.memory_space<hbm>>) dst(%dma_wait3A_273 : memref<40x128xi32, #tpu.memory_space<vmem>>)
      %mul3A_279 = arith.constant 40 : i32
      %mul3A_280 = arith.muli %add3A_258, %mul3A_279 : i32
      %add3A_281 = arith.addi %mul3A_6, %mul3A_280 : i32
      %dma_start3A_282 = arith.constant 1 : i32
      %dma_start3A_283 = arith.constant 0 : i32
      %dma_start3A_284 = arith.constant 0 : i32
      %dma_start3A_285 = tpu.memref_slice %arg10[%dma_start3A_282, %dma_start3A_283, %dma_start3A_284] : memref<4x40x128xi32, #tpu.memory_space<vmem>> -> memref<1x40x128xi32, #tpu.memory_space<vmem>>
      %dma_start3A_286 = tpu.memref_squeeze %dma_start3A_285 : memref<1x40x128xi32, #tpu.memory_space<vmem>> -> memref<40x128xi32, #tpu.memory_space<vmem>>
      %dma_start3A_287 = arith.constant 0 : i32
      %dma_start3A_288 = tpu.memref_slice %arg6[%add3A_281, %dma_start3A_287] : memref<160000x128xi32, #tpu.memory_space<hbm>> -> memref<40x128xi32, #tpu.memory_space<hbm>>
      %dma_start3A_289 = arith.constant 0 : i32
      %dma_start3A_290 = tpu.memref_slice %arg6[%add3A_281, %dma_start3A_289] : memref<160000x128xi32, #tpu.memory_space<hbm>> -> memref<40x128xi32, #tpu.memory_space<hbm>>
      %dma_start3A_291 = arith.constant 0 : i32
      %dma_start3A_292 = arith.constant 0 : i32
      %dma_start3A_293 = tpu.memref_slice %arg10[%dma_start3A_282, %dma_start3A_291, %dma_start3A_292] : memref<4x40x128xi32, #tpu.memory_space<vmem>> -> memref<1x40x128xi32, #tpu.memory_space<vmem>>
      %dma_start3A_294 = tpu.memref_squeeze %dma_start3A_293 : memref<1x40x128xi32, #tpu.memory_space<vmem>> -> memref<40x128xi32, #tpu.memory_space<vmem>>
      tpu.enqueue_dma source(%dma_start3A_294 : memref<40x128xi32, #tpu.memory_space<vmem>>) target(%dma_start3A_290 : memref<40x128xi32, #tpu.memory_space<hbm>>) target_semaphore(%arg21 : memref<!tpu.dma_semaphore, #tpu.memory_space<semaphore_mem>>)
      %mul3A_295 = arith.constant 40 : i32
      %mul3A_296 = arith.muli %add3A_258, %mul3A_295 : i32
      %add3A_297 = arith.addi %mul3A_6, %mul3A_296 : i32
      %dma_start3A_298 = arith.constant 1 : i32
      %dma_start3A_299 = arith.constant 0 : i32
      %dma_start3A_300 = arith.constant 0 : i32
      %dma_start3A_301 = tpu.memref_slice %arg11[%dma_start3A_298, %dma_start3A_299, %dma_start3A_300] : memref<4x40x128xi32, #tpu.memory_space<vmem>> -> memref<1x40x128xi32, #tpu.memory_space<vmem>>
      %dma_start3A_302 = tpu.memref_squeeze %dma_start3A_301 : memref<1x40x128xi32, #tpu.memory_space<vmem>> -> memref<40x128xi32, #tpu.memory_space<vmem>>
      %dma_start3A_303 = arith.constant 0 : i32
      %dma_start3A_304 = tpu.memref_slice %arg7[%add3A_297, %dma_start3A_303] : memref<160000x128xi32, #tpu.memory_space<hbm>> -> memref<40x128xi32, #tpu.memory_space<hbm>>
      %dma_start3A_305 = arith.constant 0 : i32
      %dma_start3A_306 = tpu.memref_slice %arg7[%add3A_297, %dma_start3A_305] : memref<160000x128xi32, #tpu.memory_space<hbm>> -> memref<40x128xi32, #tpu.memory_space<hbm>>
      %dma_start3A_307 = arith.constant 0 : i32
      %dma_start3A_308 = arith.constant 0 : i32
      %dma_start3A_309 = tpu.memref_slice %arg11[%dma_start3A_298, %dma_start3A_307, %dma_start3A_308] : memref<4x40x128xi32, #tpu.memory_space<vmem>> -> memref<1x40x128xi32, #tpu.memory_space<vmem>>
      %dma_start3A_310 = tpu.memref_squeeze %dma_start3A_309 : memref<1x40x128xi32, #tpu.memory_space<vmem>> -> memref<40x128xi32, #tpu.memory_space<vmem>>
      tpu.enqueue_dma source(%dma_start3A_310 : memref<40x128xi32, #tpu.memory_space<vmem>>) target(%dma_start3A_306 : memref<40x128xi32, #tpu.memory_space<hbm>>) target_semaphore(%arg25 : memref<!tpu.dma_semaphore, #tpu.memory_space<semaphore_mem>>)
      %ge3A_311 = arith.constant 2 : i32
      %ge3A_312 = arith.cmpi sge, %add3A_258, %ge3A_311 : i32
      %convert_element_type3A_313 = arith.extui %ge3A_312 : i1 to i32
      %cond3A_314 = arith.constant 0 : i32
      %cond3A_315 = arith.cmpi ne, %convert_element_type3A_313, %cond3A_314 : i32
      scf.if %cond3A_315 {
        %dma_wait3A_459 = arith.constant 3 : i32
        %dma_wait3A_460 = arith.constant 0 : i32
        %dma_wait3A_461 = arith.constant 0 : i32
        %dma_wait3A_462 = tpu.memref_slice %arg10[%dma_wait3A_459, %dma_wait3A_460, %dma_wait3A_461] : memref<4x40x128xi32, #tpu.memory_space<vmem>> -> memref<1x40x128xi32, #tpu.memory_space<vmem>>
        %dma_wait3A_463 = tpu.memref_squeeze %dma_wait3A_462 : memref<1x40x128xi32, #tpu.memory_space<vmem>> -> memref<40x128xi32, #tpu.memory_space<vmem>>
        %dma_wait3A_464 = arith.constant 0 : i32
        %dma_wait3A_465 = arith.constant 0 : i32
        %dma_wait3A_466 = tpu.memref_slice %arg6[%dma_wait3A_464, %dma_wait3A_465] : memref<160000x128xi32, #tpu.memory_space<hbm>> -> memref<40x128xi32, #tpu.memory_space<hbm>>
        %dma_wait3A_467 = arith.constant 0 : i32
        %dma_wait3A_468 = arith.constant 0 : i32
        %dma_wait3A_469 = tpu.memref_slice %arg6[%dma_wait3A_467, %dma_wait3A_468] : memref<160000x128xi32, #tpu.memory_space<hbm>> -> memref<40x128xi32, #tpu.memory_space<hbm>>
        %dma_wait3A_470 = arith.constant 0 : i32
        %dma_wait3A_471 = arith.constant 0 : i32
        %dma_wait3A_472 = tpu.memref_slice %arg10[%dma_wait3A_459, %dma_wait3A_470, %dma_wait3A_471] : memref<4x40x128xi32, #tpu.memory_space<vmem>> -> memref<1x40x128xi32, #tpu.memory_space<vmem>>
        %dma_wait3A_473 = tpu.memref_squeeze %dma_wait3A_472 : memref<1x40x128xi32, #tpu.memory_space<vmem>> -> memref<40x128xi32, #tpu.memory_space<vmem>>
        tpu.wait_dma2 semaphore(%arg23 : memref<!tpu.dma_semaphore, #tpu.memory_space<semaphore_mem>>) src(%dma_wait3A_473 : memref<40x128xi32, #tpu.memory_space<vmem>>) dst(%dma_wait3A_469 : memref<40x128xi32, #tpu.memory_space<hbm>>)
        %dma_wait3A_474 = arith.constant 3 : i32
        %dma_wait3A_475 = arith.constant 0 : i32
        %dma_wait3A_476 = arith.constant 0 : i32
        %dma_wait3A_477 = tpu.memref_slice %arg11[%dma_wait3A_474, %dma_wait3A_475, %dma_wait3A_476] : memref<4x40x128xi32, #tpu.memory_space<vmem>> -> memref<1x40x128xi32, #tpu.memory_space<vmem>>
        %dma_wait3A_478 = tpu.memref_squeeze %dma_wait3A_477 : memref<1x40x128xi32, #tpu.memory_space<vmem>> -> memref<40x128xi32, #tpu.memory_space<vmem>>
        %dma_wait3A_479 = arith.constant 0 : i32
        %dma_wait3A_480 = arith.constant 0 : i32
        %dma_wait3A_481 = tpu.memref_slice %arg7[%dma_wait3A_479, %dma_wait3A_480] : memref<160000x128xi32, #tpu.memory_space<hbm>> -> memref<40x128xi32, #tpu.memory_space<hbm>>
        %dma_wait3A_482 = arith.constant 0 : i32
        %dma_wait3A_483 = arith.constant 0 : i32
        %dma_wait3A_484 = tpu.memref_slice %arg7[%dma_wait3A_482, %dma_wait3A_483] : memref<160000x128xi32, #tpu.memory_space<hbm>> -> memref<40x128xi32, #tpu.memory_space<hbm>>
        %dma_wait3A_485 = arith.constant 0 : i32
        %dma_wait3A_486 = arith.constant 0 : i32
        %dma_wait3A_487 = tpu.memref_slice %arg11[%dma_wait3A_474, %dma_wait3A_485, %dma_wait3A_486] : memref<4x40x128xi32, #tpu.memory_space<vmem>> -> memref<1x40x128xi32, #tpu.memory_space<vmem>>
        %dma_wait3A_488 = tpu.memref_squeeze %dma_wait3A_487 : memref<1x40x128xi32, #tpu.memory_space<vmem>> -> memref<40x128xi32, #tpu.memory_space<vmem>>
        tpu.wait_dma2 semaphore(%arg27 : memref<!tpu.dma_semaphore, #tpu.memory_space<semaphore_mem>>) src(%dma_wait3A_488 : memref<40x128xi32, #tpu.memory_space<vmem>>) dst(%dma_wait3A_484 : memref<40x128xi32, #tpu.memory_space<hbm>>)
      } else {
      }
      %add3A_316 = arith.constant 2 : i32
      %add3A_317 = arith.addi %add3A_258, %add3A_316 : i32
      %lt3A_318 = arith.constant 125 : i32
      %lt3A_319 = arith.cmpi slt, %add3A_317, %lt3A_318 : i32
      %convert_element_type3A_320 = arith.extui %lt3A_319 : i1 to i32
      %cond3A_321 = arith.constant 0 : i32
      %cond3A_322 = arith.cmpi ne, %convert_element_type3A_320, %cond3A_321 : i32
      scf.if %cond3A_322 {
        %add3A_459 = arith.constant 2 : i32
        %add3A_460 = arith.addi %add3A_258, %add3A_459 : i32
        %mul3A_461 = arith.constant 40 : i32
        %mul3A_462 = arith.muli %add3A_460, %mul3A_461 : i32
        %dma_start3A_463 = arith.constant 3 : i32
        %dma_start3A_464 = arith.constant 0 : i32
        %dma_start3A_465 = arith.constant 0 : i32
        %dma_start3A_466 = tpu.memref_slice %arg10[%dma_start3A_463, %dma_start3A_464, %dma_start3A_465] : memref<4x40x128xi32, #tpu.memory_space<vmem>> -> memref<1x40x128xi32, #tpu.memory_space<vmem>>
        %dma_start3A_467 = tpu.memref_squeeze %dma_start3A_466 : memref<1x40x128xi32, #tpu.memory_space<vmem>> -> memref<40x128xi32, #tpu.memory_space<vmem>>
        %dma_start3A_468 = tpu.memref_slice %arg8[%mul3A_462] : memref<5000xi32, #tpu.memory_space<vmem>> -> memref<40xi32, #tpu.memory_space<vmem>>
        %dma_start3A_469 = arith.constant 0 : i32
        %dma_start3A_470 = arith.constant 0 : i32
        %dma_start3A_471 = tpu.memref_slice %arg2[%dma_start3A_469, %dma_start3A_470] : memref<10000x128xi32, #tpu.memory_space<hbm>> -> memref<10000x128xi32, #tpu.memory_space<hbm>>
        tpu.enqueue_indirect_dma source(%dma_start3A_471 : memref<10000x128xi32, #tpu.memory_space<hbm>>) target(%dma_start3A_467 : memref<40x128xi32, #tpu.memory_space<vmem>>) offsets(%dma_start3A_468 : memref<40xi32, #tpu.memory_space<vmem>>) semaphore(%arg15 : memref<!tpu.dma_semaphore, #tpu.memory_space<semaphore_mem>>)
        %dma_start3A_472 = arith.constant 3 : i32
        %dma_start3A_473 = arith.constant 0 : i32
        %dma_start3A_474 = arith.constant 0 : i32
        %dma_start3A_475 = tpu.memref_slice %arg11[%dma_start3A_472, %dma_start3A_473, %dma_start3A_474] : memref<4x40x128xi32, #tpu.memory_space<vmem>> -> memref<1x40x128xi32, #tpu.memory_space<vmem>>
        %dma_start3A_476 = tpu.memref_squeeze %dma_start3A_475 : memref<1x40x128xi32, #tpu.memory_space<vmem>> -> memref<40x128xi32, #tpu.memory_space<vmem>>
        %dma_start3A_477 = tpu.memref_slice %arg9[%mul3A_462] : memref<5000xi32, #tpu.memory_space<vmem>> -> memref<40xi32, #tpu.memory_space<vmem>>
        %dma_start3A_478 = arith.constant 0 : i32
        %dma_start3A_479 = arith.constant 0 : i32
        %dma_start3A_480 = tpu.memref_slice %arg3[%dma_start3A_478, %dma_start3A_479] : memref<10000x128xi32, #tpu.memory_space<hbm>> -> memref<10000x128xi32, #tpu.memory_space<hbm>>
        tpu.enqueue_indirect_dma source(%dma_start3A_480 : memref<10000x128xi32, #tpu.memory_space<hbm>>) target(%dma_start3A_476 : memref<40x128xi32, #tpu.memory_space<vmem>>) offsets(%dma_start3A_477 : memref<40xi32, #tpu.memory_space<vmem>>) semaphore(%arg19 : memref<!tpu.dma_semaphore, #tpu.memory_space<semaphore_mem>>)
      } else {
      }
      %mul3A_323 = arith.constant 4 : i32
      %mul3A_324 = arith.muli %mul3A_323, %scan3A_190 : i32
      %add3A_325 = arith.constant 2 : i32
      %add3A_326 = arith.addi %mul3A_324, %add3A_325 : i32
      %dma_wait3A_327 = arith.constant 2 : i32
      %dma_wait3A_328 = arith.constant 0 : i32
      %dma_wait3A_329 = arith.constant 0 : i32
      %dma_wait3A_330 = tpu.memref_slice %arg10[%dma_wait3A_327, %dma_wait3A_328, %dma_wait3A_329] : memref<4x40x128xi32, #tpu.memory_space<vmem>> -> memref<1x40x128xi32, #tpu.memory_space<vmem>>
      %dma_wait3A_331 = tpu.memref_squeeze %dma_wait3A_330 : memref<1x40x128xi32, #tpu.memory_space<vmem>> -> memref<40x128xi32, #tpu.memory_space<vmem>>
      %dma_wait3A_332 = arith.constant 0 : i32
      %dma_wait3A_333 = tpu.memref_slice %arg8[%dma_wait3A_332] : memref<5000xi32, #tpu.memory_space<vmem>> -> memref<40xi32, #tpu.memory_space<vmem>>
      %dma_wait3A_334 = arith.constant 0 : i32
      %dma_wait3A_335 = arith.constant 0 : i32
      %dma_wait3A_336 = tpu.memref_slice %arg2[%dma_wait3A_334, %dma_wait3A_335] : memref<10000x128xi32, #tpu.memory_space<hbm>> -> memref<10000x128xi32, #tpu.memory_space<hbm>>
      tpu.wait_indirect_dma semaphore(%arg14 : memref<!tpu.dma_semaphore, #tpu.memory_space<semaphore_mem>>) src(%dma_wait3A_336 : memref<10000x128xi32, #tpu.memory_space<hbm>>) dst(%dma_wait3A_331 : memref<40x128xi32, #tpu.memory_space<vmem>>)
      %dma_wait3A_337 = arith.constant 2 : i32
      %dma_wait3A_338 = arith.constant 0 : i32
      %dma_wait3A_339 = arith.constant 0 : i32
      %dma_wait3A_340 = tpu.memref_slice %arg11[%dma_wait3A_337, %dma_wait3A_338, %dma_wait3A_339] : memref<4x40x128xi32, #tpu.memory_space<vmem>> -> memref<1x40x128xi32, #tpu.memory_space<vmem>>
      %dma_wait3A_341 = tpu.memref_squeeze %dma_wait3A_340 : memref<1x40x128xi32, #tpu.memory_space<vmem>> -> memref<40x128xi32, #tpu.memory_space<vmem>>
      %dma_wait3A_342 = arith.constant 0 : i32
      %dma_wait3A_343 = tpu.memref_slice %arg9[%dma_wait3A_342] : memref<5000xi32, #tpu.memory_space<vmem>> -> memref<40xi32, #tpu.memory_space<vmem>>
      %dma_wait3A_344 = arith.constant 0 : i32
      %dma_wait3A_345 = arith.constant 0 : i32
      %dma_wait3A_346 = tpu.memref_slice %arg3[%dma_wait3A_344, %dma_wait3A_345] : memref<10000x128xi32, #tpu.memory_space<hbm>> -> memref<10000x128xi32, #tpu.memory_space<hbm>>
      tpu.wait_indirect_dma semaphore(%arg18 : memref<!tpu.dma_semaphore, #tpu.memory_space<semaphore_mem>>) src(%dma_wait3A_346 : memref<10000x128xi32, #tpu.memory_space<hbm>>) dst(%dma_wait3A_341 : memref<40x128xi32, #tpu.memory_space<vmem>>)
      %mul3A_347 = arith.constant 40 : i32
      %mul3A_348 = arith.muli %add3A_326, %mul3A_347 : i32
      %add3A_349 = arith.addi %mul3A_6, %mul3A_348 : i32
      %dma_start3A_350 = arith.constant 2 : i32
      %dma_start3A_351 = arith.constant 0 : i32
      %dma_start3A_352 = arith.constant 0 : i32
      %dma_start3A_353 = tpu.memref_slice %arg10[%dma_start3A_350, %dma_start3A_351, %dma_start3A_352] : memref<4x40x128xi32, #tpu.memory_space<vmem>> -> memref<1x40x128xi32, #tpu.memory_space<vmem>>
      %dma_start3A_354 = tpu.memref_squeeze %dma_start3A_353 : memref<1x40x128xi32, #tpu.memory_space<vmem>> -> memref<40x128xi32, #tpu.memory_space<vmem>>
      %dma_start3A_355 = arith.constant 0 : i32
      %dma_start3A_356 = tpu.memref_slice %arg6[%add3A_349, %dma_start3A_355] : memref<160000x128xi32, #tpu.memory_space<hbm>> -> memref<40x128xi32, #tpu.memory_space<hbm>>
      %dma_start3A_357 = arith.constant 0 : i32
      %dma_start3A_358 = tpu.memref_slice %arg6[%add3A_349, %dma_start3A_357] : memref<160000x128xi32, #tpu.memory_space<hbm>> -> memref<40x128xi32, #tpu.memory_space<hbm>>
      %dma_start3A_359 = arith.constant 0 : i32
      %dma_start3A_360 = arith.constant 0 : i32
      %dma_start3A_361 = tpu.memref_slice %arg10[%dma_start3A_350, %dma_start3A_359, %dma_start3A_360] : memref<4x40x128xi32, #tpu.memory_space<vmem>> -> memref<1x40x128xi32, #tpu.memory_space<vmem>>
      %dma_start3A_362 = tpu.memref_squeeze %dma_start3A_361 : memref<1x40x128xi32, #tpu.memory_space<vmem>> -> memref<40x128xi32, #tpu.memory_space<vmem>>
      tpu.enqueue_dma source(%dma_start3A_362 : memref<40x128xi32, #tpu.memory_space<vmem>>) target(%dma_start3A_358 : memref<40x128xi32, #tpu.memory_space<hbm>>) target_semaphore(%arg22 : memref<!tpu.dma_semaphore, #tpu.memory_space<semaphore_mem>>)
      %mul3A_363 = arith.constant 40 : i32
      %mul3A_364 = arith.muli %add3A_326, %mul3A_363 : i32
      %add3A_365 = arith.addi %mul3A_6, %mul3A_364 : i32
      %dma_start3A_366 = arith.constant 2 : i32
      %dma_start3A_367 = arith.constant 0 : i32
      %dma_start3A_368 = arith.constant 0 : i32
      %dma_start3A_369 = tpu.memref_slice %arg11[%dma_start3A_366, %dma_start3A_367, %dma_start3A_368] : memref<4x40x128xi32, #tpu.memory_space<vmem>> -> memref<1x40x128xi32, #tpu.memory_space<vmem>>
      %dma_start3A_370 = tpu.memref_squeeze %dma_start3A_369 : memref<1x40x128xi32, #tpu.memory_space<vmem>> -> memref<40x128xi32, #tpu.memory_space<vmem>>
      %dma_start3A_371 = arith.constant 0 : i32
      %dma_start3A_372 = tpu.memref_slice %arg7[%add3A_365, %dma_start3A_371] : memref<160000x128xi32, #tpu.memory_space<hbm>> -> memref<40x128xi32, #tpu.memory_space<hbm>>
      %dma_start3A_373 = arith.constant 0 : i32
      %dma_start3A_374 = tpu.memref_slice %arg7[%add3A_365, %dma_start3A_373] : memref<160000x128xi32, #tpu.memory_space<hbm>> -> memref<40x128xi32, #tpu.memory_space<hbm>>
      %dma_start3A_375 = arith.constant 0 : i32
      %dma_start3A_376 = arith.constant 0 : i32
      %dma_start3A_377 = tpu.memref_slice %arg11[%dma_start3A_366, %dma_start3A_375, %dma_start3A_376] : memref<4x40x128xi32, #tpu.memory_space<vmem>> -> memref<1x40x128xi32, #tpu.memory_space<vmem>>
      %dma_start3A_378 = tpu.memref_squeeze %dma_start3A_377 : memref<1x40x128xi32, #tpu.memory_space<vmem>> -> memref<40x128xi32, #tpu.memory_space<vmem>>
      tpu.enqueue_dma source(%dma_start3A_378 : memref<40x128xi32, #tpu.memory_space<vmem>>) target(%dma_start3A_374 : memref<40x128xi32, #tpu.memory_space<hbm>>) target_semaphore(%arg26 : memref<!tpu.dma_semaphore, #tpu.memory_space<semaphore_mem>>)
      %ge3A_379 = arith.constant 2 : i32
      %ge3A_380 = arith.cmpi sge, %add3A_326, %ge3A_379 : i32
      %convert_element_type3A_381 = arith.extui %ge3A_380 : i1 to i32
      %cond3A_382 = arith.constant 0 : i32
      %cond3A_383 = arith.cmpi ne, %convert_element_type3A_381, %cond3A_382 : i32
      scf.if %cond3A_383 {
        %dma_wait3A_459 = arith.constant 0 : i32
        %dma_wait3A_460 = arith.constant 0 : i32
        %dma_wait3A_461 = arith.constant 0 : i32
        %dma_wait3A_462 = tpu.memref_slice %arg10[%dma_wait3A_459, %dma_wait3A_460, %dma_wait3A_461] : memref<4x40x128xi32, #tpu.memory_space<vmem>> -> memref<1x40x128xi32, #tpu.memory_space<vmem>>
        %dma_wait3A_463 = tpu.memref_squeeze %dma_wait3A_462 : memref<1x40x128xi32, #tpu.memory_space<vmem>> -> memref<40x128xi32, #tpu.memory_space<vmem>>
        %dma_wait3A_464 = arith.constant 0 : i32
        %dma_wait3A_465 = arith.constant 0 : i32
        %dma_wait3A_466 = tpu.memref_slice %arg6[%dma_wait3A_464, %dma_wait3A_465] : memref<160000x128xi32, #tpu.memory_space<hbm>> -> memref<40x128xi32, #tpu.memory_space<hbm>>
        %dma_wait3A_467 = arith.constant 0 : i32
        %dma_wait3A_468 = arith.constant 0 : i32
        %dma_wait3A_469 = tpu.memref_slice %arg6[%dma_wait3A_467, %dma_wait3A_468] : memref<160000x128xi32, #tpu.memory_space<hbm>> -> memref<40x128xi32, #tpu.memory_space<hbm>>
        %dma_wait3A_470 = arith.constant 0 : i32
        %dma_wait3A_471 = arith.constant 0 : i32
        %dma_wait3A_472 = tpu.memref_slice %arg10[%dma_wait3A_459, %dma_wait3A_470, %dma_wait3A_471] : memref<4x40x128xi32, #tpu.memory_space<vmem>> -> memref<1x40x128xi32, #tpu.memory_space<vmem>>
        %dma_wait3A_473 = tpu.memref_squeeze %dma_wait3A_472 : memref<1x40x128xi32, #tpu.memory_space<vmem>> -> memref<40x128xi32, #tpu.memory_space<vmem>>
        tpu.wait_dma2 semaphore(%arg20 : memref<!tpu.dma_semaphore, #tpu.memory_space<semaphore_mem>>) src(%dma_wait3A_473 : memref<40x128xi32, #tpu.memory_space<vmem>>) dst(%dma_wait3A_469 : memref<40x128xi32, #tpu.memory_space<hbm>>)
        %dma_wait3A_474 = arith.constant 0 : i32
        %dma_wait3A_475 = arith.constant 0 : i32
        %dma_wait3A_476 = arith.constant 0 : i32
        %dma_wait3A_477 = tpu.memref_slice %arg11[%dma_wait3A_474, %dma_wait3A_475, %dma_wait3A_476] : memref<4x40x128xi32, #tpu.memory_space<vmem>> -> memref<1x40x128xi32, #tpu.memory_space<vmem>>
        %dma_wait3A_478 = tpu.memref_squeeze %dma_wait3A_477 : memref<1x40x128xi32, #tpu.memory_space<vmem>> -> memref<40x128xi32, #tpu.memory_space<vmem>>
        %dma_wait3A_479 = arith.constant 0 : i32
        %dma_wait3A_480 = arith.constant 0 : i32
        %dma_wait3A_481 = tpu.memref_slice %arg7[%dma_wait3A_479, %dma_wait3A_480] : memref<160000x128xi32, #tpu.memory_space<hbm>> -> memref<40x128xi32, #tpu.memory_space<hbm>>
        %dma_wait3A_482 = arith.constant 0 : i32
        %dma_wait3A_483 = arith.constant 0 : i32
        %dma_wait3A_484 = tpu.memref_slice %arg7[%dma_wait3A_482, %dma_wait3A_483] : memref<160000x128xi32, #tpu.memory_space<hbm>> -> memref<40x128xi32, #tpu.memory_space<hbm>>
        %dma_wait3A_485 = arith.constant 0 : i32
        %dma_wait3A_486 = arith.constant 0 : i32
        %dma_wait3A_487 = tpu.memref_slice %arg11[%dma_wait3A_474, %dma_wait3A_485, %dma_wait3A_486] : memref<4x40x128xi32, #tpu.memory_space<vmem>> -> memref<1x40x128xi32, #tpu.memory_space<vmem>>
        %dma_wait3A_488 = tpu.memref_squeeze %dma_wait3A_487 : memref<1x40x128xi32, #tpu.memory_space<vmem>> -> memref<40x128xi32, #tpu.memory_space<vmem>>
        tpu.wait_dma2 semaphore(%arg24 : memref<!tpu.dma_semaphore, #tpu.memory_space<semaphore_mem>>) src(%dma_wait3A_488 : memref<40x128xi32, #tpu.memory_space<vmem>>) dst(%dma_wait3A_484 : memref<40x128xi32, #tpu.memory_space<hbm>>)
      } else {
      }
      %add3A_384 = arith.constant 2 : i32
      %add3A_385 = arith.addi %add3A_326, %add3A_384 : i32
      %lt3A_386 = arith.constant 125 : i32
      %lt3A_387 = arith.cmpi slt, %add3A_385, %lt3A_386 : i32
      %convert_element_type3A_388 = arith.extui %lt3A_387 : i1 to i32
      %cond3A_389 = arith.constant 0 : i32
      %cond3A_390 = arith.cmpi ne, %convert_element_type3A_388, %cond3A_389 : i32
      scf.if %cond3A_390 {
        %add3A_459 = arith.constant 2 : i32
        %add3A_460 = arith.addi %add3A_326, %add3A_459 : i32
        %mul3A_461 = arith.constant 40 : i32
        %mul3A_462 = arith.muli %add3A_460, %mul3A_461 : i32
        %dma_start3A_463 = arith.constant 0 : i32
        %dma_start3A_464 = arith.constant 0 : i32
        %dma_start3A_465 = arith.constant 0 : i32
        %dma_start3A_466 = tpu.memref_slice %arg10[%dma_start3A_463, %dma_start3A_464, %dma_start3A_465] : memref<4x40x128xi32, #tpu.memory_space<vmem>> -> memref<1x40x128xi32, #tpu.memory_space<vmem>>
        %dma_start3A_467 = tpu.memref_squeeze %dma_start3A_466 : memref<1x40x128xi32, #tpu.memory_space<vmem>> -> memref<40x128xi32, #tpu.memory_space<vmem>>
        %dma_start3A_468 = tpu.memref_slice %arg8[%mul3A_462] : memref<5000xi32, #tpu.memory_space<vmem>> -> memref<40xi32, #tpu.memory_space<vmem>>
        %dma_start3A_469 = arith.constant 0 : i32
        %dma_start3A_470 = arith.constant 0 : i32
        %dma_start3A_471 = tpu.memref_slice %arg2[%dma_start3A_469, %dma_start3A_470] : memref<10000x128xi32, #tpu.memory_space<hbm>> -> memref<10000x128xi32, #tpu.memory_space<hbm>>
        tpu.enqueue_indirect_dma source(%dma_start3A_471 : memref<10000x128xi32, #tpu.memory_space<hbm>>) target(%dma_start3A_467 : memref<40x128xi32, #tpu.memory_space<vmem>>) offsets(%dma_start3A_468 : memref<40xi32, #tpu.memory_space<vmem>>) semaphore(%arg12 : memref<!tpu.dma_semaphore, #tpu.memory_space<semaphore_mem>>)
        %dma_start3A_472 = arith.constant 0 : i32
        %dma_start3A_473 = arith.constant 0 : i32
        %dma_start3A_474 = arith.constant 0 : i32
        %dma_start3A_475 = tpu.memref_slice %arg11[%dma_start3A_472, %dma_start3A_473, %dma_start3A_474] : memref<4x40x128xi32, #tpu.memory_space<vmem>> -> memref<1x40x128xi32, #tpu.memory_space<vmem>>
        %dma_start3A_476 = tpu.memref_squeeze %dma_start3A_475 : memref<1x40x128xi32, #tpu.memory_space<vmem>> -> memref<40x128xi32, #tpu.memory_space<vmem>>
        %dma_start3A_477 = tpu.memref_slice %arg9[%mul3A_462] : memref<5000xi32, #tpu.memory_space<vmem>> -> memref<40xi32, #tpu.memory_space<vmem>>
        %dma_start3A_478 = arith.constant 0 : i32
        %dma_start3A_479 = arith.constant 0 : i32
        %dma_start3A_480 = tpu.memref_slice %arg3[%dma_start3A_478, %dma_start3A_479] : memref<10000x128xi32, #tpu.memory_space<hbm>> -> memref<10000x128xi32, #tpu.memory_space<hbm>>
        tpu.enqueue_indirect_dma source(%dma_start3A_480 : memref<10000x128xi32, #tpu.memory_space<hbm>>) target(%dma_start3A_476 : memref<40x128xi32, #tpu.memory_space<vmem>>) offsets(%dma_start3A_477 : memref<40xi32, #tpu.memory_space<vmem>>) semaphore(%arg16 : memref<!tpu.dma_semaphore, #tpu.memory_space<semaphore_mem>>)
      } else {
      }
      %mul3A_391 = arith.constant 4 : i32
      %mul3A_392 = arith.muli %mul3A_391, %scan3A_190 : i32
      %add3A_393 = arith.constant 3 : i32
      %add3A_394 = arith.addi %mul3A_392, %add3A_393 : i32
      %dma_wait3A_395 = arith.constant 3 : i32
      %dma_wait3A_396 = arith.constant 0 : i32
      %dma_wait3A_397 = arith.constant 0 : i32
      %dma_wait3A_398 = tpu.memref_slice %arg10[%dma_wait3A_395, %dma_wait3A_396, %dma_wait3A_397] : memref<4x40x128xi32, #tpu.memory_space<vmem>> -> memref<1x40x128xi32, #tpu.memory_space<vmem>>
      %dma_wait3A_399 = tpu.memref_squeeze %dma_wait3A_398 : memref<1x40x128xi32, #tpu.memory_space<vmem>> -> memref<40x128xi32, #tpu.memory_space<vmem>>
      %dma_wait3A_400 = arith.constant 0 : i32
      %dma_wait3A_401 = tpu.memref_slice %arg8[%dma_wait3A_400] : memref<5000xi32, #tpu.memory_space<vmem>> -> memref<40xi32, #tpu.memory_space<vmem>>
      %dma_wait3A_402 = arith.constant 0 : i32
      %dma_wait3A_403 = arith.constant 0 : i32
      %dma_wait3A_404 = tpu.memref_slice %arg2[%dma_wait3A_402, %dma_wait3A_403] : memref<10000x128xi32, #tpu.memory_space<hbm>> -> memref<10000x128xi32, #tpu.memory_space<hbm>>
      tpu.wait_indirect_dma semaphore(%arg15 : memref<!tpu.dma_semaphore, #tpu.memory_space<semaphore_mem>>) src(%dma_wait3A_404 : memref<10000x128xi32, #tpu.memory_space<hbm>>) dst(%dma_wait3A_399 : memref<40x128xi32, #tpu.memory_space<vmem>>)
      %dma_wait3A_405 = arith.constant 3 : i32
      %dma_wait3A_406 = arith.constant 0 : i32
      %dma_wait3A_407 = arith.constant 0 : i32
      %dma_wait3A_408 = tpu.memref_slice %arg11[%dma_wait3A_405, %dma_wait3A_406, %dma_wait3A_407] : memref<4x40x128xi32, #tpu.memory_space<vmem>> -> memref<1x40x128xi32, #tpu.memory_space<vmem>>
      %dma_wait3A_409 = tpu.memref_squeeze %dma_wait3A_408 : memref<1x40x128xi32, #tpu.memory_space<vmem>> -> memref<40x128xi32, #tpu.memory_space<vmem>>
      %dma_wait3A_410 = arith.constant 0 : i32
      %dma_wait3A_411 = tpu.memref_slice %arg9[%dma_wait3A_410] : memref<5000xi32, #tpu.memory_space<vmem>> -> memref<40xi32, #tpu.memory_space<vmem>>
      %dma_wait3A_412 = arith.constant 0 : i32
      %dma_wait3A_413 = arith.constant 0 : i32
      %dma_wait3A_414 = tpu.memref_slice %arg3[%dma_wait3A_412, %dma_wait3A_413] : memref<10000x128xi32, #tpu.memory_space<hbm>> -> memref<10000x128xi32, #tpu.memory_space<hbm>>
      tpu.wait_indirect_dma semaphore(%arg19 : memref<!tpu.dma_semaphore, #tpu.memory_space<semaphore_mem>>) src(%dma_wait3A_414 : memref<10000x128xi32, #tpu.memory_space<hbm>>) dst(%dma_wait3A_409 : memref<40x128xi32, #tpu.memory_space<vmem>>)
      %mul3A_415 = arith.constant 40 : i32
      %mul3A_416 = arith.muli %add3A_394, %mul3A_415 : i32
      %add3A_417 = arith.addi %mul3A_6, %mul3A_416 : i32
      %dma_start3A_418 = arith.constant 3 : i32
      %dma_start3A_419 = arith.constant 0 : i32
      %dma_start3A_420 = arith.constant 0 : i32
      %dma_start3A_421 = tpu.memref_slice %arg10[%dma_start3A_418, %dma_start3A_419, %dma_start3A_420] : memref<4x40x128xi32, #tpu.memory_space<vmem>> -> memref<1x40x128xi32, #tpu.memory_space<vmem>>
      %dma_start3A_422 = tpu.memref_squeeze %dma_start3A_421 : memref<1x40x128xi32, #tpu.memory_space<vmem>> -> memref<40x128xi32, #tpu.memory_space<vmem>>
      %dma_start3A_423 = arith.constant 0 : i32
      %dma_start3A_424 = tpu.memref_slice %arg6[%add3A_417, %dma_start3A_423] : memref<160000x128xi32, #tpu.memory_space<hbm>> -> memref<40x128xi32, #tpu.memory_space<hbm>>
      %dma_start3A_425 = arith.constant 0 : i32
      %dma_start3A_426 = tpu.memref_slice %arg6[%add3A_417, %dma_start3A_425] : memref<160000x128xi32, #tpu.memory_space<hbm>> -> memref<40x128xi32, #tpu.memory_space<hbm>>
      %dma_start3A_427 = arith.constant 0 : i32
      %dma_start3A_428 = arith.constant 0 : i32
      %dma_start3A_429 = tpu.memref_slice %arg10[%dma_start3A_418, %dma_start3A_427, %dma_start3A_428] : memref<4x40x128xi32, #tpu.memory_space<vmem>> -> memref<1x40x128xi32, #tpu.memory_space<vmem>>
      %dma_start3A_430 = tpu.memref_squeeze %dma_start3A_429 : memref<1x40x128xi32, #tpu.memory_space<vmem>> -> memref<40x128xi32, #tpu.memory_space<vmem>>
      tpu.enqueue_dma source(%dma_start3A_430 : memref<40x128xi32, #tpu.memory_space<vmem>>) target(%dma_start3A_426 : memref<40x128xi32, #tpu.memory_space<hbm>>) target_semaphore(%arg23 : memref<!tpu.dma_semaphore, #tpu.memory_space<semaphore_mem>>)
      %mul3A_431 = arith.constant 40 : i32
      %mul3A_432 = arith.muli %add3A_394, %mul3A_431 : i32
      %add3A_433 = arith.addi %mul3A_6, %mul3A_432 : i32
      %dma_start3A_434 = arith.constant 3 : i32
      %dma_start3A_435 = arith.constant 0 : i32
      %dma_start3A_436 = arith.constant 0 : i32
      %dma_start3A_437 = tpu.memref_slice %arg11[%dma_start3A_434, %dma_start3A_435, %dma_start3A_436] : memref<4x40x128xi32, #tpu.memory_space<vmem>> -> memref<1x40x128xi32, #tpu.memory_space<vmem>>
      %dma_start3A_438 = tpu.memref_squeeze %dma_start3A_437 : memref<1x40x128xi32, #tpu.memory_space<vmem>> -> memref<40x128xi32, #tpu.memory_space<vmem>>
      %dma_start3A_439 = arith.constant 0 : i32
      %dma_start3A_440 = tpu.memref_slice %arg7[%add3A_433, %dma_start3A_439] : memref<160000x128xi32, #tpu.memory_space<hbm>> -> memref<40x128xi32, #tpu.memory_space<hbm>>
      %dma_start3A_441 = arith.constant 0 : i32
      %dma_start3A_442 = tpu.memref_slice %arg7[%add3A_433, %dma_start3A_441] : memref<160000x128xi32, #tpu.memory_space<hbm>> -> memref<40x128xi32, #tpu.memory_space<hbm>>
      %dma_start3A_443 = arith.constant 0 : i32
      %dma_start3A_444 = arith.constant 0 : i32
      %dma_start3A_445 = tpu.memref_slice %arg11[%dma_start3A_434, %dma_start3A_443, %dma_start3A_444] : memref<4x40x128xi32, #tpu.memory_space<vmem>> -> memref<1x40x128xi32, #tpu.memory_space<vmem>>
      %dma_start3A_446 = tpu.memref_squeeze %dma_start3A_445 : memref<1x40x128xi32, #tpu.memory_space<vmem>> -> memref<40x128xi32, #tpu.memory_space<vmem>>
      tpu.enqueue_dma source(%dma_start3A_446 : memref<40x128xi32, #tpu.memory_space<vmem>>) target(%dma_start3A_442 : memref<40x128xi32, #tpu.memory_space<hbm>>) target_semaphore(%arg27 : memref<!tpu.dma_semaphore, #tpu.memory_space<semaphore_mem>>)
      %ge3A_447 = arith.constant 2 : i32
      %ge3A_448 = arith.cmpi sge, %add3A_394, %ge3A_447 : i32
      %convert_element_type3A_449 = arith.extui %ge3A_448 : i1 to i32
      %cond3A_450 = arith.constant 0 : i32
      %cond3A_451 = arith.cmpi ne, %convert_element_type3A_449, %cond3A_450 : i32
      scf.if %cond3A_451 {
        %dma_wait3A_459 = arith.constant 1 : i32
        %dma_wait3A_460 = arith.constant 0 : i32
        %dma_wait3A_461 = arith.constant 0 : i32
        %dma_wait3A_462 = tpu.memref_slice %arg10[%dma_wait3A_459, %dma_wait3A_460, %dma_wait3A_461] : memref<4x40x128xi32, #tpu.memory_space<vmem>> -> memref<1x40x128xi32, #tpu.memory_space<vmem>>
        %dma_wait3A_463 = tpu.memref_squeeze %dma_wait3A_462 : memref<1x40x128xi32, #tpu.memory_space<vmem>> -> memref<40x128xi32, #tpu.memory_space<vmem>>
        %dma_wait3A_464 = arith.constant 0 : i32
        %dma_wait3A_465 = arith.constant 0 : i32
        %dma_wait3A_466 = tpu.memref_slice %arg6[%dma_wait3A_464, %dma_wait3A_465] : memref<160000x128xi32, #tpu.memory_space<hbm>> -> memref<40x128xi32, #tpu.memory_space<hbm>>
        %dma_wait3A_467 = arith.constant 0 : i32
        %dma_wait3A_468 = arith.constant 0 : i32
        %dma_wait3A_469 = tpu.memref_slice %arg6[%dma_wait3A_467, %dma_wait3A_468] : memref<160000x128xi32, #tpu.memory_space<hbm>> -> memref<40x128xi32, #tpu.memory_space<hbm>>
        %dma_wait3A_470 = arith.constant 0 : i32
        %dma_wait3A_471 = arith.constant 0 : i32
        %dma_wait3A_472 = tpu.memref_slice %arg10[%dma_wait3A_459, %dma_wait3A_470, %dma_wait3A_471] : memref<4x40x128xi32, #tpu.memory_space<vmem>> -> memref<1x40x128xi32, #tpu.memory_space<vmem>>
        %dma_wait3A_473 = tpu.memref_squeeze %dma_wait3A_472 : memref<1x40x128xi32, #tpu.memory_space<vmem>> -> memref<40x128xi32, #tpu.memory_space<vmem>>
        tpu.wait_dma2 semaphore(%arg21 : memref<!tpu.dma_semaphore, #tpu.memory_space<semaphore_mem>>) src(%dma_wait3A_473 : memref<40x128xi32, #tpu.memory_space<vmem>>) dst(%dma_wait3A_469 : memref<40x128xi32, #tpu.memory_space<hbm>>)
        %dma_wait3A_474 = arith.constant 1 : i32
        %dma_wait3A_475 = arith.constant 0 : i32
        %dma_wait3A_476 = arith.constant 0 : i32
        %dma_wait3A_477 = tpu.memref_slice %arg11[%dma_wait3A_474, %dma_wait3A_475, %dma_wait3A_476] : memref<4x40x128xi32, #tpu.memory_space<vmem>> -> memref<1x40x128xi32, #tpu.memory_space<vmem>>
        %dma_wait3A_478 = tpu.memref_squeeze %dma_wait3A_477 : memref<1x40x128xi32, #tpu.memory_space<vmem>> -> memref<40x128xi32, #tpu.memory_space<vmem>>
        %dma_wait3A_479 = arith.constant 0 : i32
        %dma_wait3A_480 = arith.constant 0 : i32
        %dma_wait3A_481 = tpu.memref_slice %arg7[%dma_wait3A_479, %dma_wait3A_480] : memref<160000x128xi32, #tpu.memory_space<hbm>> -> memref<40x128xi32, #tpu.memory_space<hbm>>
        %dma_wait3A_482 = arith.constant 0 : i32
        %dma_wait3A_483 = arith.constant 0 : i32
        %dma_wait3A_484 = tpu.memref_slice %arg7[%dma_wait3A_482, %dma_wait3A_483] : memref<160000x128xi32, #tpu.memory_space<hbm>> -> memref<40x128xi32, #tpu.memory_space<hbm>>
        %dma_wait3A_485 = arith.constant 0 : i32
        %dma_wait3A_486 = arith.constant 0 : i32
        %dma_wait3A_487 = tpu.memref_slice %arg11[%dma_wait3A_474, %dma_wait3A_485, %dma_wait3A_486] : memref<4x40x128xi32, #tpu.memory_space<vmem>> -> memref<1x40x128xi32, #tpu.memory_space<vmem>>
        %dma_wait3A_488 = tpu.memref_squeeze %dma_wait3A_487 : memref<1x40x128xi32, #tpu.memory_space<vmem>> -> memref<40x128xi32, #tpu.memory_space<vmem>>
        tpu.wait_dma2 semaphore(%arg25 : memref<!tpu.dma_semaphore, #tpu.memory_space<semaphore_mem>>) src(%dma_wait3A_488 : memref<40x128xi32, #tpu.memory_space<vmem>>) dst(%dma_wait3A_484 : memref<40x128xi32, #tpu.memory_space<hbm>>)
      } else {
      }
      %add3A_452 = arith.constant 2 : i32
      %add3A_453 = arith.addi %add3A_394, %add3A_452 : i32
      %lt3A_454 = arith.constant 125 : i32
      %lt3A_455 = arith.cmpi slt, %add3A_453, %lt3A_454 : i32
      %convert_element_type3A_456 = arith.extui %lt3A_455 : i1 to i32
      %cond3A_457 = arith.constant 0 : i32
      %cond3A_458 = arith.cmpi ne, %convert_element_type3A_456, %cond3A_457 : i32
      scf.if %cond3A_458 {
        %add3A_459 = arith.constant 2 : i32
        %add3A_460 = arith.addi %add3A_394, %add3A_459 : i32
        %mul3A_461 = arith.constant 40 : i32
        %mul3A_462 = arith.muli %add3A_460, %mul3A_461 : i32
        %dma_start3A_463 = arith.constant 1 : i32
        %dma_start3A_464 = arith.constant 0 : i32
        %dma_start3A_465 = arith.constant 0 : i32
        %dma_start3A_466 = tpu.memref_slice %arg10[%dma_start3A_463, %dma_start3A_464, %dma_start3A_465] : memref<4x40x128xi32, #tpu.memory_space<vmem>> -> memref<1x40x128xi32, #tpu.memory_space<vmem>>
        %dma_start3A_467 = tpu.memref_squeeze %dma_start3A_466 : memref<1x40x128xi32, #tpu.memory_space<vmem>> -> memref<40x128xi32, #tpu.memory_space<vmem>>
        %dma_start3A_468 = tpu.memref_slice %arg8[%mul3A_462] : memref<5000xi32, #tpu.memory_space<vmem>> -> memref<40xi32, #tpu.memory_space<vmem>>
        %dma_start3A_469 = arith.constant 0 : i32
        %dma_start3A_470 = arith.constant 0 : i32
        %dma_start3A_471 = tpu.memref_slice %arg2[%dma_start3A_469, %dma_start3A_470] : memref<10000x128xi32, #tpu.memory_space<hbm>> -> memref<10000x128xi32, #tpu.memory_space<hbm>>
        tpu.enqueue_indirect_dma source(%dma_start3A_471 : memref<10000x128xi32, #tpu.memory_space<hbm>>) target(%dma_start3A_467 : memref<40x128xi32, #tpu.memory_space<vmem>>) offsets(%dma_start3A_468 : memref<40xi32, #tpu.memory_space<vmem>>) semaphore(%arg13 : memref<!tpu.dma_semaphore, #tpu.memory_space<semaphore_mem>>)
        %dma_start3A_472 = arith.constant 1 : i32
        %dma_start3A_473 = arith.constant 0 : i32
        %dma_start3A_474 = arith.constant 0 : i32
        %dma_start3A_475 = tpu.memref_slice %arg11[%dma_start3A_472, %dma_start3A_473, %dma_start3A_474] : memref<4x40x128xi32, #tpu.memory_space<vmem>> -> memref<1x40x128xi32, #tpu.memory_space<vmem>>
        %dma_start3A_476 = tpu.memref_squeeze %dma_start3A_475 : memref<1x40x128xi32, #tpu.memory_space<vmem>> -> memref<40x128xi32, #tpu.memory_space<vmem>>
        %dma_start3A_477 = tpu.memref_slice %arg9[%mul3A_462] : memref<5000xi32, #tpu.memory_space<vmem>> -> memref<40xi32, #tpu.memory_space<vmem>>
        %dma_start3A_478 = arith.constant 0 : i32
        %dma_start3A_479 = arith.constant 0 : i32
        %dma_start3A_480 = tpu.memref_slice %arg3[%dma_start3A_478, %dma_start3A_479] : memref<10000x128xi32, #tpu.memory_space<hbm>> -> memref<10000x128xi32, #tpu.memory_space<hbm>>
        tpu.enqueue_indirect_dma source(%dma_start3A_480 : memref<10000x128xi32, #tpu.memory_space<hbm>>) target(%dma_start3A_476 : memref<40x128xi32, #tpu.memory_space<vmem>>) offsets(%dma_start3A_477 : memref<40xi32, #tpu.memory_space<vmem>>) semaphore(%arg17 : memref<!tpu.dma_semaphore, #tpu.memory_space<semaphore_mem>>)
      } else {
      }
    }
    %scan3A_50 = arith.constant 31 : i32
    %dma_wait3A = arith.constant 0 : i32
    %dma_wait3A_51 = arith.constant 0 : i32
    %dma_wait3A_52 = arith.constant 0 : i32
    %dma_wait3A_53 = tpu.memref_slice %arg10[%dma_wait3A, %dma_wait3A_51, %dma_wait3A_52] : memref<4x40x128xi32, #tpu.memory_space<vmem>> -> memref<1x40x128xi32, #tpu.memory_space<vmem>>
    %dma_wait3A_54 = tpu.memref_squeeze %dma_wait3A_53 : memref<1x40x128xi32, #tpu.memory_space<vmem>> -> memref<40x128xi32, #tpu.memory_space<vmem>>
    %dma_wait3A_55 = arith.constant 0 : i32
    %dma_wait3A_56 = tpu.memref_slice %arg8[%dma_wait3A_55] : memref<5000xi32, #tpu.memory_space<vmem>> -> memref<40xi32, #tpu.memory_space<vmem>>
    %dma_wait3A_57 = arith.constant 0 : i32
    %dma_wait3A_58 = arith.constant 0 : i32
    %dma_wait3A_59 = tpu.memref_slice %arg2[%dma_wait3A_57, %dma_wait3A_58] : memref<10000x128xi32, #tpu.memory_space<hbm>> -> memref<10000x128xi32, #tpu.memory_space<hbm>>
    tpu.wait_indirect_dma semaphore(%arg12 : memref<!tpu.dma_semaphore, #tpu.memory_space<semaphore_mem>>) src(%dma_wait3A_59 : memref<10000x128xi32, #tpu.memory_space<hbm>>) dst(%dma_wait3A_54 : memref<40x128xi32, #tpu.memory_space<vmem>>)
    %dma_wait3A_60 = arith.constant 0 : i32
    %dma_wait3A_61 = arith.constant 0 : i32
    %dma_wait3A_62 = arith.constant 0 : i32
    %dma_wait3A_63 = tpu.memref_slice %arg11[%dma_wait3A_60, %dma_wait3A_61, %dma_wait3A_62] : memref<4x40x128xi32, #tpu.memory_space<vmem>> -> memref<1x40x128xi32, #tpu.memory_space<vmem>>
    %dma_wait3A_64 = tpu.memref_squeeze %dma_wait3A_63 : memref<1x40x128xi32, #tpu.memory_space<vmem>> -> memref<40x128xi32, #tpu.memory_space<vmem>>
    %dma_wait3A_65 = arith.constant 0 : i32
    %dma_wait3A_66 = tpu.memref_slice %arg9[%dma_wait3A_65] : memref<5000xi32, #tpu.memory_space<vmem>> -> memref<40xi32, #tpu.memory_space<vmem>>
    %dma_wait3A_67 = arith.constant 0 : i32
    %dma_wait3A_68 = arith.constant 0 : i32
    %dma_wait3A_69 = tpu.memref_slice %arg3[%dma_wait3A_67, %dma_wait3A_68] : memref<10000x128xi32, #tpu.memory_space<hbm>> -> memref<10000x128xi32, #tpu.memory_space<hbm>>
    tpu.wait_indirect_dma semaphore(%arg16 : memref<!tpu.dma_semaphore, #tpu.memory_space<semaphore_mem>>) src(%dma_wait3A_69 : memref<10000x128xi32, #tpu.memory_space<hbm>>) dst(%dma_wait3A_64 : memref<40x128xi32, #tpu.memory_space<vmem>>)
    %add3A_70 = arith.constant 4960 : i32
    %add3A_71 = arith.addi %mul3A_6, %add3A_70 : i32
    %dma_start3A_72 = arith.constant 0 : i32
    %dma_start3A_73 = arith.constant 0 : i32
    %dma_start3A_74 = arith.constant 0 : i32
    %dma_start3A_75 = tpu.memref_slice %arg10[%dma_start3A_72, %dma_start3A_73, %dma_start3A_74] : memref<4x40x128xi32, #tpu.memory_space<vmem>> -> memref<1x40x128xi32, #tpu.memory_space<vmem>>
    %dma_start3A_76 = tpu.memref_squeeze %dma_start3A_75 : memref<1x40x128xi32, #tpu.memory_space<vmem>> -> memref<40x128xi32, #tpu.memory_space<vmem>>
    %dma_start3A_77 = arith.constant 0 : i32
    %dma_start3A_78 = tpu.memref_slice %arg6[%add3A_71, %dma_start3A_77] : memref<160000x128xi32, #tpu.memory_space<hbm>> -> memref<40x128xi32, #tpu.memory_space<hbm>>
    %dma_start3A_79 = arith.constant 0 : i32
    %dma_start3A_80 = tpu.memref_slice %arg6[%add3A_71, %dma_start3A_79] : memref<160000x128xi32, #tpu.memory_space<hbm>> -> memref<40x128xi32, #tpu.memory_space<hbm>>
    %dma_start3A_81 = arith.constant 0 : i32
    %dma_start3A_82 = arith.constant 0 : i32
    %dma_start3A_83 = tpu.memref_slice %arg10[%dma_start3A_72, %dma_start3A_81, %dma_start3A_82] : memref<4x40x128xi32, #tpu.memory_space<vmem>> -> memref<1x40x128xi32, #tpu.memory_space<vmem>>
    %dma_start3A_84 = tpu.memref_squeeze %dma_start3A_83 : memref<1x40x128xi32, #tpu.memory_space<vmem>> -> memref<40x128xi32, #tpu.memory_space<vmem>>
    tpu.enqueue_dma source(%dma_start3A_84 : memref<40x128xi32, #tpu.memory_space<vmem>>) target(%dma_start3A_80 : memref<40x128xi32, #tpu.memory_space<hbm>>) target_semaphore(%arg20 : memref<!tpu.dma_semaphore, #tpu.memory_space<semaphore_mem>>)
    %add3A_85 = arith.constant 4960 : i32
    %add3A_86 = arith.addi %mul3A_6, %add3A_85 : i32
    %dma_start3A_87 = arith.constant 0 : i32
    %dma_start3A_88 = arith.constant 0 : i32
    %dma_start3A_89 = arith.constant 0 : i32
    %dma_start3A_90 = tpu.memref_slice %arg11[%dma_start3A_87, %dma_start3A_88, %dma_start3A_89] : memref<4x40x128xi32, #tpu.memory_space<vmem>> -> memref<1x40x128xi32, #tpu.memory_space<vmem>>
    %dma_start3A_91 = tpu.memref_squeeze %dma_start3A_90 : memref<1x40x128xi32, #tpu.memory_space<vmem>> -> memref<40x128xi32, #tpu.memory_space<vmem>>
    %dma_start3A_92 = arith.constant 0 : i32
    %dma_start3A_93 = tpu.memref_slice %arg7[%add3A_86, %dma_start3A_92] : memref<160000x128xi32, #tpu.memory_space<hbm>> -> memref<40x128xi32, #tpu.memory_space<hbm>>
    %dma_start3A_94 = arith.constant 0 : i32
    %dma_start3A_95 = tpu.memref_slice %arg7[%add3A_86, %dma_start3A_94] : memref<160000x128xi32, #tpu.memory_space<hbm>> -> memref<40x128xi32, #tpu.memory_space<hbm>>
    %dma_start3A_96 = arith.constant 0 : i32
    %dma_start3A_97 = arith.constant 0 : i32
    %dma_start3A_98 = tpu.memref_slice %arg11[%dma_start3A_87, %dma_start3A_96, %dma_start3A_97] : memref<4x40x128xi32, #tpu.memory_space<vmem>> -> memref<1x40x128xi32, #tpu.memory_space<vmem>>
    %dma_start3A_99 = tpu.memref_squeeze %dma_start3A_98 : memref<1x40x128xi32, #tpu.memory_space<vmem>> -> memref<40x128xi32, #tpu.memory_space<vmem>>
    tpu.enqueue_dma source(%dma_start3A_99 : memref<40x128xi32, #tpu.memory_space<vmem>>) target(%dma_start3A_95 : memref<40x128xi32, #tpu.memory_space<hbm>>) target_semaphore(%arg24 : memref<!tpu.dma_semaphore, #tpu.memory_space<semaphore_mem>>)
    %dma_wait3A_100 = arith.constant 2 : i32
    %dma_wait3A_101 = arith.constant 0 : i32
    %dma_wait3A_102 = arith.constant 0 : i32
    %dma_wait3A_103 = tpu.memref_slice %arg10[%dma_wait3A_100, %dma_wait3A_101, %dma_wait3A_102] : memref<4x40x128xi32, #tpu.memory_space<vmem>> -> memref<1x40x128xi32, #tpu.memory_space<vmem>>
    %dma_wait3A_104 = tpu.memref_squeeze %dma_wait3A_103 : memref<1x40x128xi32, #tpu.memory_space<vmem>> -> memref<40x128xi32, #tpu.memory_space<vmem>>
    %dma_wait3A_105 = arith.constant 0 : i32
    %dma_wait3A_106 = arith.constant 0 : i32
    %dma_wait3A_107 = tpu.memref_slice %arg6[%dma_wait3A_105, %dma_wait3A_106] : memref<160000x128xi32, #tpu.memory_space<hbm>> -> memref<40x128xi32, #tpu.memory_space<hbm>>
    %dma_wait3A_108 = arith.constant 0 : i32
    %dma_wait3A_109 = arith.constant 0 : i32
    %dma_wait3A_110 = tpu.memref_slice %arg6[%dma_wait3A_108, %dma_wait3A_109] : memref<160000x128xi32, #tpu.memory_space<hbm>> -> memref<40x128xi32, #tpu.memory_space<hbm>>
    %dma_wait3A_111 = arith.constant 0 : i32
    %dma_wait3A_112 = arith.constant 0 : i32
    %dma_wait3A_113 = tpu.memref_slice %arg10[%dma_wait3A_100, %dma_wait3A_111, %dma_wait3A_112] : memref<4x40x128xi32, #tpu.memory_space<vmem>> -> memref<1x40x128xi32, #tpu.memory_space<vmem>>
    %dma_wait3A_114 = tpu.memref_squeeze %dma_wait3A_113 : memref<1x40x128xi32, #tpu.memory_space<vmem>> -> memref<40x128xi32, #tpu.memory_space<vmem>>
    tpu.wait_dma2 semaphore(%arg22 : memref<!tpu.dma_semaphore, #tpu.memory_space<semaphore_mem>>) src(%dma_wait3A_114 : memref<40x128xi32, #tpu.memory_space<vmem>>) dst(%dma_wait3A_110 : memref<40x128xi32, #tpu.memory_space<hbm>>)
    %dma_wait3A_115 = arith.constant 2 : i32
    %dma_wait3A_116 = arith.constant 0 : i32
    %dma_wait3A_117 = arith.constant 0 : i32
    %dma_wait3A_118 = tpu.memref_slice %arg11[%dma_wait3A_115, %dma_wait3A_116, %dma_wait3A_117] : memref<4x40x128xi32, #tpu.memory_space<vmem>> -> memref<1x40x128xi32, #tpu.memory_space<vmem>>
    %dma_wait3A_119 = tpu.memref_squeeze %dma_wait3A_118 : memref<1x40x128xi32, #tpu.memory_space<vmem>> -> memref<40x128xi32, #tpu.memory_space<vmem>>
    %dma_wait3A_120 = arith.constant 0 : i32
    %dma_wait3A_121 = arith.constant 0 : i32
    %dma_wait3A_122 = tpu.memref_slice %arg7[%dma_wait3A_120, %dma_wait3A_121] : memref<160000x128xi32, #tpu.memory_space<hbm>> -> memref<40x128xi32, #tpu.memory_space<hbm>>
    %dma_wait3A_123 = arith.constant 0 : i32
    %dma_wait3A_124 = arith.constant 0 : i32
    %dma_wait3A_125 = tpu.memref_slice %arg7[%dma_wait3A_123, %dma_wait3A_124] : memref<160000x128xi32, #tpu.memory_space<hbm>> -> memref<40x128xi32, #tpu.memory_space<hbm>>
    %dma_wait3A_126 = arith.constant 0 : i32
    %dma_wait3A_127 = arith.constant 0 : i32
    %dma_wait3A_128 = tpu.memref_slice %arg11[%dma_wait3A_115, %dma_wait3A_126, %dma_wait3A_127] : memref<4x40x128xi32, #tpu.memory_space<vmem>> -> memref<1x40x128xi32, #tpu.memory_space<vmem>>
    %dma_wait3A_129 = tpu.memref_squeeze %dma_wait3A_128 : memref<1x40x128xi32, #tpu.memory_space<vmem>> -> memref<40x128xi32, #tpu.memory_space<vmem>>
    tpu.wait_dma2 semaphore(%arg26 : memref<!tpu.dma_semaphore, #tpu.memory_space<semaphore_mem>>) src(%dma_wait3A_129 : memref<40x128xi32, #tpu.memory_space<vmem>>) dst(%dma_wait3A_125 : memref<40x128xi32, #tpu.memory_space<hbm>>)
    %dma_wait3A_130 = arith.constant 0 : i32
    %dma_wait3A_131 = arith.constant 0 : i32
    %dma_wait3A_132 = arith.constant 0 : i32
    %dma_wait3A_133 = tpu.memref_slice %arg10[%dma_wait3A_130, %dma_wait3A_131, %dma_wait3A_132] : memref<4x40x128xi32, #tpu.memory_space<vmem>> -> memref<1x40x128xi32, #tpu.memory_space<vmem>>
    %dma_wait3A_134 = tpu.memref_squeeze %dma_wait3A_133 : memref<1x40x128xi32, #tpu.memory_space<vmem>> -> memref<40x128xi32, #tpu.memory_space<vmem>>
    %dma_wait3A_135 = arith.constant 0 : i32
    %dma_wait3A_136 = arith.constant 0 : i32
    %dma_wait3A_137 = tpu.memref_slice %arg6[%dma_wait3A_135, %dma_wait3A_136] : memref<160000x128xi32, #tpu.memory_space<hbm>> -> memref<40x128xi32, #tpu.memory_space<hbm>>
    %dma_wait3A_138 = arith.constant 0 : i32
    %dma_wait3A_139 = arith.constant 0 : i32
    %dma_wait3A_140 = tpu.memref_slice %arg6[%dma_wait3A_138, %dma_wait3A_139] : memref<160000x128xi32, #tpu.memory_space<hbm>> -> memref<40x128xi32, #tpu.memory_space<hbm>>
    %dma_wait3A_141 = arith.constant 0 : i32
    %dma_wait3A_142 = arith.constant 0 : i32
    %dma_wait3A_143 = tpu.memref_slice %arg10[%dma_wait3A_130, %dma_wait3A_141, %dma_wait3A_142] : memref<4x40x128xi32, #tpu.memory_space<vmem>> -> memref<1x40x128xi32, #tpu.memory_space<vmem>>
    %dma_wait3A_144 = tpu.memref_squeeze %dma_wait3A_143 : memref<1x40x128xi32, #tpu.memory_space<vmem>> -> memref<40x128xi32, #tpu.memory_space<vmem>>
    tpu.wait_dma2 semaphore(%arg20 : memref<!tpu.dma_semaphore, #tpu.memory_space<semaphore_mem>>) src(%dma_wait3A_144 : memref<40x128xi32, #tpu.memory_space<vmem>>) dst(%dma_wait3A_140 : memref<40x128xi32, #tpu.memory_space<hbm>>)
    %dma_wait3A_145 = arith.constant 0 : i32
    %dma_wait3A_146 = arith.constant 0 : i32
    %dma_wait3A_147 = arith.constant 0 : i32
    %dma_wait3A_148 = tpu.memref_slice %arg11[%dma_wait3A_145, %dma_wait3A_146, %dma_wait3A_147] : memref<4x40x128xi32, #tpu.memory_space<vmem>> -> memref<1x40x128xi32, #tpu.memory_space<vmem>>
    %dma_wait3A_149 = tpu.memref_squeeze %dma_wait3A_148 : memref<1x40x128xi32, #tpu.memory_space<vmem>> -> memref<40x128xi32, #tpu.memory_space<vmem>>
    %dma_wait3A_150 = arith.constant 0 : i32
    %dma_wait3A_151 = arith.constant 0 : i32
    %dma_wait3A_152 = tpu.memref_slice %arg7[%dma_wait3A_150, %dma_wait3A_151] : memref<160000x128xi32, #tpu.memory_space<hbm>> -> memref<40x128xi32, #tpu.memory_space<hbm>>
    %dma_wait3A_153 = arith.constant 0 : i32
    %dma_wait3A_154 = arith.constant 0 : i32
    %dma_wait3A_155 = tpu.memref_slice %arg7[%dma_wait3A_153, %dma_wait3A_154] : memref<160000x128xi32, #tpu.memory_space<hbm>> -> memref<40x128xi32, #tpu.memory_space<hbm>>
    %dma_wait3A_156 = arith.constant 0 : i32
    %dma_wait3A_157 = arith.constant 0 : i32
    %dma_wait3A_158 = tpu.memref_slice %arg11[%dma_wait3A_145, %dma_wait3A_156, %dma_wait3A_157] : memref<4x40x128xi32, #tpu.memory_space<vmem>> -> memref<1x40x128xi32, #tpu.memory_space<vmem>>
    %dma_wait3A_159 = tpu.memref_squeeze %dma_wait3A_158 : memref<1x40x128xi32, #tpu.memory_space<vmem>> -> memref<40x128xi32, #tpu.memory_space<vmem>>
    tpu.wait_dma2 semaphore(%arg24 : memref<!tpu.dma_semaphore, #tpu.memory_space<semaphore_mem>>) src(%dma_wait3A_159 : memref<40x128xi32, #tpu.memory_space<vmem>>) dst(%dma_wait3A_155 : memref<40x128xi32, #tpu.memory_space<hbm>>)
    %dma_wait3A_160 = arith.constant 3 : i32
    %dma_wait3A_161 = arith.constant 0 : i32
    %dma_wait3A_162 = arith.constant 0 : i32
    %dma_wait3A_163 = tpu.memref_slice %arg10[%dma_wait3A_160, %dma_wait3A_161, %dma_wait3A_162] : memref<4x40x128xi32, #tpu.memory_space<vmem>> -> memref<1x40x128xi32, #tpu.memory_space<vmem>>
    %dma_wait3A_164 = tpu.memref_squeeze %dma_wait3A_163 : memref<1x40x128xi32, #tpu.memory_space<vmem>> -> memref<40x128xi32, #tpu.memory_space<vmem>>
    %dma_wait3A_165 = arith.constant 0 : i32
    %dma_wait3A_166 = arith.constant 0 : i32
    %dma_wait3A_167 = tpu.memref_slice %arg6[%dma_wait3A_165, %dma_wait3A_166] : memref<160000x128xi32, #tpu.memory_space<hbm>> -> memref<40x128xi32, #tpu.memory_space<hbm>>
    %dma_wait3A_168 = arith.constant 0 : i32
    %dma_wait3A_169 = arith.constant 0 : i32
    %dma_wait3A_170 = tpu.memref_slice %arg6[%dma_wait3A_168, %dma_wait3A_169] : memref<160000x128xi32, #tpu.memory_space<hbm>> -> memref<40x128xi32, #tpu.memory_space<hbm>>
    %dma_wait3A_171 = arith.constant 0 : i32
    %dma_wait3A_172 = arith.constant 0 : i32
    %dma_wait3A_173 = tpu.memref_slice %arg10[%dma_wait3A_160, %dma_wait3A_171, %dma_wait3A_172] : memref<4x40x128xi32, #tpu.memory_space<vmem>> -> memref<1x40x128xi32, #tpu.memory_space<vmem>>
    %dma_wait3A_174 = tpu.memref_squeeze %dma_wait3A_173 : memref<1x40x128xi32, #tpu.memory_space<vmem>> -> memref<40x128xi32, #tpu.memory_space<vmem>>
    tpu.wait_dma2 semaphore(%arg23 : memref<!tpu.dma_semaphore, #tpu.memory_space<semaphore_mem>>) src(%dma_wait3A_174 : memref<40x128xi32, #tpu.memory_space<vmem>>) dst(%dma_wait3A_170 : memref<40x128xi32, #tpu.memory_space<hbm>>)
    %dma_wait3A_175 = arith.constant 3 : i32
    %dma_wait3A_176 = arith.constant 0 : i32
    %dma_wait3A_177 = arith.constant 0 : i32
    %dma_wait3A_178 = tpu.memref_slice %arg11[%dma_wait3A_175, %dma_wait3A_176, %dma_wait3A_177] : memref<4x40x128xi32, #tpu.memory_space<vmem>> -> memref<1x40x128xi32, #tpu.memory_space<vmem>>
    %dma_wait3A_179 = tpu.memref_squeeze %dma_wait3A_178 : memref<1x40x128xi32, #tpu.memory_space<vmem>> -> memref<40x128xi32, #tpu.memory_space<vmem>>
    %dma_wait3A_180 = arith.constant 0 : i32
    %dma_wait3A_181 = arith.constant 0 : i32
    %dma_wait3A_182 = tpu.memref_slice %arg7[%dma_wait3A_180, %dma_wait3A_181] : memref<160000x128xi32, #tpu.memory_space<hbm>> -> memref<40x128xi32, #tpu.memory_space<hbm>>
    %dma_wait3A_183 = arith.constant 0 : i32
    %dma_wait3A_184 = arith.constant 0 : i32
    %dma_wait3A_185 = tpu.memref_slice %arg7[%dma_wait3A_183, %dma_wait3A_184] : memref<160000x128xi32, #tpu.memory_space<hbm>> -> memref<40x128xi32, #tpu.memory_space<hbm>>
    %dma_wait3A_186 = arith.constant 0 : i32
    %dma_wait3A_187 = arith.constant 0 : i32
    %dma_wait3A_188 = tpu.memref_slice %arg11[%dma_wait3A_175, %dma_wait3A_186, %dma_wait3A_187] : memref<4x40x128xi32, #tpu.memory_space<vmem>> -> memref<1x40x128xi32, #tpu.memory_space<vmem>>
    %dma_wait3A_189 = tpu.memref_squeeze %dma_wait3A_188 : memref<1x40x128xi32, #tpu.memory_space<vmem>> -> memref<40x128xi32, #tpu.memory_space<vmem>>
    tpu.wait_dma2 semaphore(%arg27 : memref<!tpu.dma_semaphore, #tpu.memory_space<semaphore_mem>>) src(%dma_wait3A_189 : memref<40x128xi32, #tpu.memory_space<vmem>>) dst(%dma_wait3A_185 : memref<40x128xi32, #tpu.memory_space<hbm>>)
    return
  }
}

#map = affine_map<(d0, d1) -> (0, 0)>
#map1 = affine_map<(d0, d1) -> (0)>
#map2 = affine_map<(d0, d1) -> (0, 0, 0)>
module attributes {stable_mosaic.version = 14 : i64} {
  func.func @_scatter_body(%arg0: i32, %arg1: i32, %arg2: memref<160000x128xf32, #tpu.memory_space<hbm>>, %arg3: memref<320000xi32, #tpu.memory_space<hbm>>, %arg4: memref<2x10000x128xf32, #tpu.memory_space<hbm>>, %arg5: memref<2x40xi32, #tpu.memory_space<vmem>>, %arg6: memref<2x40x128xf32, #tpu.memory_space<vmem>>, %arg7: memref<200x128xf32, #tpu.memory_space<vmem>>, %arg8: memref<10000x128xf32, #tpu.memory_space<vmem_shared>>, %arg9: memref<!tpu.dma_semaphore, #tpu.memory_space<semaphore_mem>>, %arg10: memref<!tpu.dma_semaphore, #tpu.memory_space<semaphore_mem>>, %arg11: memref<!tpu.dma_semaphore, #tpu.memory_space<semaphore_mem>>, %arg12: memref<!tpu.dma_semaphore, #tpu.memory_space<semaphore_mem>>) attributes {dimension_semantics = [#tpu.dimension_semantics<core_parallel>, #tpu.dimension_semantics<subcore_parallel>], iteration_bounds = array<i64: 2, 16>, scalar_prefetch = 0 : i64, scratch_operands = 8 : i64, tpu.core_type = #tpu.core_type<sc_vector_subcore>, window_params = [{transform_indices = #map}, {transform_indices = #map1}, {transform_indices = #map2}]} {
    %mul3A = arith.constant 2 : i32
    %mul3A_0 = arith.muli %arg1, %mul3A : i32
    %add3A = arith.addi %mul3A_0, %arg0 : i32
    %mul3A_1 = arith.constant 5000 : i32
    %mul3A_2 = arith.muli %add3A, %mul3A_1 : i32
    %mul3A_3 = arith.constant 5000 : i32
    %mul3A_4 = arith.muli %add3A, %mul3A_3 : i32
    %add3A_5 = arith.constant 0 : i32
    %add3A_6 = arith.addi %add3A_5, %mul3A_4 : i32
    %scan3A = arith.constant 0 : i32
    %scan3A_7 = arith.constant 0 : i32
    %scan3A_8 = arith.constant 200 : i32
    %scan3A_9 = arith.addi %scan3A_7, %scan3A_8 : i32
    %scan3A_10 = arith.constant 1 : i32
    scf.for %scan3A_103 = %scan3A_7 to %scan3A_9 step %scan3A_10  : i32 {
      %broadcast_in_dim3A = arith.constant 0.000000e+00 : f32
      %broadcast_in_dim3A_104 = vector.broadcast %broadcast_in_dim3A : f32 to vector<16xf32>
      %swap3A = arith.index_cast %scan3A_103 : i32 to index
      %swap3A_105 = arith.constant 0 : index
      %swap3A_106 = tpu.vector_load %arg7[%swap3A, %swap3A_105] {strides = array<i32>} : memref<200x128xf32, #tpu.memory_space<vmem>>, vector<1x16xf32>,
      %swap3A_107 = vector.shape_cast %swap3A_106 : vector<1x16xf32> to vector<16xf32>
      %swap3A_108 = vector.shape_cast %broadcast_in_dim3A_104 : vector<16xf32> to vector<1x16xf32>
      tpu.vector_store %arg7[%swap3A, %swap3A_105], %swap3A_108 {strides = array<i32>} : memref<200x128xf32, #tpu.memory_space<vmem>>, vector<1x16xf32>,
      %broadcast_in_dim3A_109 = arith.constant 0.000000e+00 : f32
      %broadcast_in_dim3A_110 = vector.broadcast %broadcast_in_dim3A_109 : f32 to vector<16xf32>
      %swap3A_111 = arith.index_cast %scan3A_103 : i32 to index
      %swap3A_112 = arith.constant 16 : index
      %swap3A_113 = tpu.vector_load %arg7[%swap3A_111, %swap3A_112] {strides = array<i32>} : memref<200x128xf32, #tpu.memory_space<vmem>>, vector<1x16xf32>,
      %swap3A_114 = vector.shape_cast %swap3A_113 : vector<1x16xf32> to vector<16xf32>
      %swap3A_115 = vector.shape_cast %broadcast_in_dim3A_110 : vector<16xf32> to vector<1x16xf32>
      tpu.vector_store %arg7[%swap3A_111, %swap3A_112], %swap3A_115 {strides = array<i32>} : memref<200x128xf32, #tpu.memory_space<vmem>>, vector<1x16xf32>,
      %broadcast_in_dim3A_116 = arith.constant 0.000000e+00 : f32
      %broadcast_in_dim3A_117 = vector.broadcast %broadcast_in_dim3A_116 : f32 to vector<16xf32>
      %swap3A_118 = arith.index_cast %scan3A_103 : i32 to index
      %swap3A_119 = arith.constant 32 : index
      %swap3A_120 = tpu.vector_load %arg7[%swap3A_118, %swap3A_119] {strides = array<i32>} : memref<200x128xf32, #tpu.memory_space<vmem>>, vector<1x16xf32>,
      %swap3A_121 = vector.shape_cast %swap3A_120 : vector<1x16xf32> to vector<16xf32>
      %swap3A_122 = vector.shape_cast %broadcast_in_dim3A_117 : vector<16xf32> to vector<1x16xf32>
      tpu.vector_store %arg7[%swap3A_118, %swap3A_119], %swap3A_122 {strides = array<i32>} : memref<200x128xf32, #tpu.memory_space<vmem>>, vector<1x16xf32>,
      %broadcast_in_dim3A_123 = arith.constant 0.000000e+00 : f32
      %broadcast_in_dim3A_124 = vector.broadcast %broadcast_in_dim3A_123 : f32 to vector<16xf32>
      %swap3A_125 = arith.index_cast %scan3A_103 : i32 to index
      %swap3A_126 = arith.constant 48 : index
      %swap3A_127 = tpu.vector_load %arg7[%swap3A_125, %swap3A_126] {strides = array<i32>} : memref<200x128xf32, #tpu.memory_space<vmem>>, vector<1x16xf32>,
      %swap3A_128 = vector.shape_cast %swap3A_127 : vector<1x16xf32> to vector<16xf32>
      %swap3A_129 = vector.shape_cast %broadcast_in_dim3A_124 : vector<16xf32> to vector<1x16xf32>
      tpu.vector_store %arg7[%swap3A_125, %swap3A_126], %swap3A_129 {strides = array<i32>} : memref<200x128xf32, #tpu.memory_space<vmem>>, vector<1x16xf32>,
      %broadcast_in_dim3A_130 = arith.constant 0.000000e+00 : f32
      %broadcast_in_dim3A_131 = vector.broadcast %broadcast_in_dim3A_130 : f32 to vector<16xf32>
      %swap3A_132 = arith.index_cast %scan3A_103 : i32 to index
      %swap3A_133 = arith.constant 64 : index
      %swap3A_134 = tpu.vector_load %arg7[%swap3A_132, %swap3A_133] {strides = array<i32>} : memref<200x128xf32, #tpu.memory_space<vmem>>, vector<1x16xf32>,
      %swap3A_135 = vector.shape_cast %swap3A_134 : vector<1x16xf32> to vector<16xf32>
      %swap3A_136 = vector.shape_cast %broadcast_in_dim3A_131 : vector<16xf32> to vector<1x16xf32>
      tpu.vector_store %arg7[%swap3A_132, %swap3A_133], %swap3A_136 {strides = array<i32>} : memref<200x128xf32, #tpu.memory_space<vmem>>, vector<1x16xf32>,
      %broadcast_in_dim3A_137 = arith.constant 0.000000e+00 : f32
      %broadcast_in_dim3A_138 = vector.broadcast %broadcast_in_dim3A_137 : f32 to vector<16xf32>
      %swap3A_139 = arith.index_cast %scan3A_103 : i32 to index
      %swap3A_140 = arith.constant 80 : index
      %swap3A_141 = tpu.vector_load %arg7[%swap3A_139, %swap3A_140] {strides = array<i32>} : memref<200x128xf32, #tpu.memory_space<vmem>>, vector<1x16xf32>,
      %swap3A_142 = vector.shape_cast %swap3A_141 : vector<1x16xf32> to vector<16xf32>
      %swap3A_143 = vector.shape_cast %broadcast_in_dim3A_138 : vector<16xf32> to vector<1x16xf32>
      tpu.vector_store %arg7[%swap3A_139, %swap3A_140], %swap3A_143 {strides = array<i32>} : memref<200x128xf32, #tpu.memory_space<vmem>>, vector<1x16xf32>,
      %broadcast_in_dim3A_144 = arith.constant 0.000000e+00 : f32
      %broadcast_in_dim3A_145 = vector.broadcast %broadcast_in_dim3A_144 : f32 to vector<16xf32>
      %swap3A_146 = arith.index_cast %scan3A_103 : i32 to index
      %swap3A_147 = arith.constant 96 : index
      %swap3A_148 = tpu.vector_load %arg7[%swap3A_146, %swap3A_147] {strides = array<i32>} : memref<200x128xf32, #tpu.memory_space<vmem>>, vector<1x16xf32>,
      %swap3A_149 = vector.shape_cast %swap3A_148 : vector<1x16xf32> to vector<16xf32>
      %swap3A_150 = vector.shape_cast %broadcast_in_dim3A_145 : vector<16xf32> to vector<1x16xf32>
      tpu.vector_store %arg7[%swap3A_146, %swap3A_147], %swap3A_150 {strides = array<i32>} : memref<200x128xf32, #tpu.memory_space<vmem>>, vector<1x16xf32>,
      %broadcast_in_dim3A_151 = arith.constant 0.000000e+00 : f32
      %broadcast_in_dim3A_152 = vector.broadcast %broadcast_in_dim3A_151 : f32 to vector<16xf32>
      %swap3A_153 = arith.index_cast %scan3A_103 : i32 to index
      %swap3A_154 = arith.constant 112 : index
      %swap3A_155 = tpu.vector_load %arg7[%swap3A_153, %swap3A_154] {strides = array<i32>} : memref<200x128xf32, #tpu.memory_space<vmem>>, vector<1x16xf32>,
      %swap3A_156 = vector.shape_cast %swap3A_155 : vector<1x16xf32> to vector<16xf32>
      %swap3A_157 = vector.shape_cast %broadcast_in_dim3A_152 : vector<16xf32> to vector<1x16xf32>
      tpu.vector_store %arg7[%swap3A_153, %swap3A_154], %swap3A_157 {strides = array<i32>} : memref<200x128xf32, #tpu.memory_space<vmem>>, vector<1x16xf32>,
    }
    %scan3A_11 = arith.constant 200 : i32
    %lt3A = arith.constant 10 : i32
    %lt3A_12 = arith.cmpi slt, %arg1, %lt3A : i32
    %convert_element_type3A = arith.extui %lt3A_12 : i1 to i32
    %cond3A = arith.constant 0 : i32
    %cond3A_13 = arith.cmpi ne, %convert_element_type3A, %cond3A : i32
    scf.if %cond3A_13 {
      %scan3A_103 = arith.constant 0 : i32
      %scan3A_104 = arith.constant 0 : i32
      %scan3A_105 = arith.constant 5 : i32
      %scan3A_106 = arith.addi %scan3A_104, %scan3A_105 : i32
      %scan3A_107 = arith.constant 1 : i32
      scf.for %scan3A_109 = %scan3A_104 to %scan3A_106 step %scan3A_107  : i32 {
        %mul3A_110 = arith.constant 1000 : i32
        %mul3A_111 = arith.muli %arg1, %mul3A_110 : i32
        %mul3A_112 = arith.constant 200 : i32
        %mul3A_113 = arith.muli %scan3A_109, %mul3A_112 : i32
        %add3A_114 = arith.addi %mul3A_111, %mul3A_113 : i32
        "tpu.region"() ({
          %run_scoped3A_115 = tpu.sem_alloc : memref<!tpu.dma_semaphore, #tpu.memory_space<semaphore_mem>>
          %dma_start3A_116 = arith.constant 0 : i32
          %dma_start3A_117 = tpu.memref_slice %arg8[%add3A_114, %dma_start3A_116] : memref<10000x128xf32, #tpu.memory_space<vmem_shared>> -> memref<200x128xf32, #tpu.memory_space<vmem_shared>>
          %dma_start3A_118 = arith.constant 0 : i32
          %dma_start3A_119 = tpu.memref_slice %arg8[%add3A_114, %dma_start3A_118] : memref<10000x128xf32, #tpu.memory_space<vmem_shared>> -> memref<200x128xf32, #tpu.memory_space<vmem_shared>>
          tpu.enqueue_dma source(%arg7 : memref<200x128xf32, #tpu.memory_space<vmem>>) target(%dma_start3A_119 : memref<200x128xf32, #tpu.memory_space<vmem_shared>>) target_semaphore(%run_scoped3A_115 : memref<!tpu.dma_semaphore, #tpu.memory_space<semaphore_mem>>)
          %dma_wait3A_120 = arith.constant 0 : i32
          %dma_wait3A_121 = tpu.memref_slice %arg8[%add3A_114, %dma_wait3A_120] : memref<10000x128xf32, #tpu.memory_space<vmem_shared>> -> memref<200x128xf32, #tpu.memory_space<vmem_shared>>
          %dma_wait3A_122 = arith.constant 0 : i32
          %dma_wait3A_123 = tpu.memref_slice %arg8[%add3A_114, %dma_wait3A_122] : memref<10000x128xf32, #tpu.memory_space<vmem_shared>> -> memref<200x128xf32, #tpu.memory_space<vmem_shared>>
          tpu.wait_dma2 semaphore(%run_scoped3A_115 : memref<!tpu.dma_semaphore, #tpu.memory_space<semaphore_mem>>) src(%arg7 : memref<200x128xf32, #tpu.memory_space<vmem>>) dst(%dma_wait3A_123 : memref<200x128xf32, #tpu.memory_space<vmem_shared>>)
          tpu.yield
        }) : () -> ()
      }
      %scan3A_108 = arith.constant 5 : i32
    } else {
    }
    %barrier3A = arith.constant 0 : index
    tpu.barrier barrier_id(%barrier3A)
    %add3A_14 = arith.constant 0 : i32
    %add3A_15 = arith.addi %mul3A_2, %add3A_14 : i32
    %dma_start3A = arith.constant 0 : i32
    %dma_start3A_16 = arith.constant 0 : i32
    %dma_start3A_17 = arith.constant 0 : i32
    %dma_start3A_18 = tpu.memref_slice %arg6[%dma_start3A, %dma_start3A_16, %dma_start3A_17] : memref<2x40x128xf32, #tpu.memory_space<vmem>> -> memref<1x40x128xf32, #tpu.memory_space<vmem>>
    %dma_start3A_19 = tpu.memref_squeeze %dma_start3A_18 : memref<1x40x128xf32, #tpu.memory_space<vmem>> -> memref<40x128xf32, #tpu.memory_space<vmem>>
    %dma_start3A_20 = arith.constant 0 : i32
    %dma_start3A_21 = tpu.memref_slice %arg2[%add3A_15, %dma_start3A_20] : memref<160000x128xf32, #tpu.memory_space<hbm>> -> memref<40x128xf32, #tpu.memory_space<hbm>>
    %dma_start3A_22 = arith.constant 0 : i32
    %dma_start3A_23 = arith.constant 0 : i32
    %dma_start3A_24 = tpu.memref_slice %arg6[%dma_start3A, %dma_start3A_22, %dma_start3A_23] : memref<2x40x128xf32, #tpu.memory_space<vmem>> -> memref<1x40x128xf32, #tpu.memory_space<vmem>>
    %dma_start3A_25 = tpu.memref_squeeze %dma_start3A_24 : memref<1x40x128xf32, #tpu.memory_space<vmem>> -> memref<40x128xf32, #tpu.memory_space<vmem>>
    %dma_start3A_26 = arith.constant 0 : i32
    %dma_start3A_27 = tpu.memref_slice %arg2[%add3A_15, %dma_start3A_26] : memref<160000x128xf32, #tpu.memory_space<hbm>> -> memref<40x128xf32, #tpu.memory_space<hbm>>
    tpu.enqueue_dma source(%dma_start3A_27 : memref<40x128xf32, #tpu.memory_space<hbm>>) target(%dma_start3A_25 : memref<40x128xf32, #tpu.memory_space<vmem>>) target_semaphore(%arg9 : memref<!tpu.dma_semaphore, #tpu.memory_space<semaphore_mem>>)
    %add3A_28 = arith.constant 0 : i32
    %add3A_29 = arith.addi %add3A_6, %add3A_28 : i32
    %dma_start3A_30 = arith.constant 0 : i32
    %dma_start3A_31 = arith.constant 0 : i32
    %dma_start3A_32 = tpu.memref_slice %arg5[%dma_start3A_30, %dma_start3A_31] : memref<2x40xi32, #tpu.memory_space<vmem>> -> memref<1x40xi32, #tpu.memory_space<vmem>>
    %dma_start3A_33 = tpu.memref_squeeze %dma_start3A_32 : memref<1x40xi32, #tpu.memory_space<vmem>> -> memref<40xi32, #tpu.memory_space<vmem>>
    %dma_start3A_34 = tpu.memref_slice %arg3[%add3A_29] : memref<320000xi32, #tpu.memory_space<hbm>> -> memref<40xi32, #tpu.memory_space<hbm>>
    %dma_start3A_35 = arith.constant 0 : i32
    %dma_start3A_36 = tpu.memref_slice %arg5[%dma_start3A_30, %dma_start3A_35] : memref<2x40xi32, #tpu.memory_space<vmem>> -> memref<1x40xi32, #tpu.memory_space<vmem>>
    %dma_start3A_37 = tpu.memref_squeeze %dma_start3A_36 : memref<1x40xi32, #tpu.memory_space<vmem>> -> memref<40xi32, #tpu.memory_space<vmem>>
    %dma_start3A_38 = tpu.memref_slice %arg3[%add3A_29] : memref<320000xi32, #tpu.memory_space<hbm>> -> memref<40xi32, #tpu.memory_space<hbm>>
    tpu.enqueue_dma source(%dma_start3A_38 : memref<40xi32, #tpu.memory_space<hbm>>) target(%dma_start3A_37 : memref<40xi32, #tpu.memory_space<vmem>>) target_semaphore(%arg11 : memref<!tpu.dma_semaphore, #tpu.memory_space<semaphore_mem>>)
    %add3A_39 = arith.constant 40 : i32
    %add3A_40 = arith.addi %mul3A_2, %add3A_39 : i32
    %dma_start3A_41 = arith.constant 1 : i32
    %dma_start3A_42 = arith.constant 0 : i32
    %dma_start3A_43 = arith.constant 0 : i32
    %dma_start3A_44 = tpu.memref_slice %arg6[%dma_start3A_41, %dma_start3A_42, %dma_start3A_43] : memref<2x40x128xf32, #tpu.memory_space<vmem>> -> memref<1x40x128xf32, #tpu.memory_space<vmem>>
    %dma_start3A_45 = tpu.memref_squeeze %dma_start3A_44 : memref<1x40x128xf32, #tpu.memory_space<vmem>> -> memref<40x128xf32, #tpu.memory_space<vmem>>
    %dma_start3A_46 = arith.constant 0 : i32
    %dma_start3A_47 = tpu.memref_slice %arg2[%add3A_40, %dma_start3A_46] : memref<160000x128xf32, #tpu.memory_space<hbm>> -> memref<40x128xf32, #tpu.memory_space<hbm>>
    %dma_start3A_48 = arith.constant 0 : i32
    %dma_start3A_49 = arith.constant 0 : i32
    %dma_start3A_50 = tpu.memref_slice %arg6[%dma_start3A_41, %dma_start3A_48, %dma_start3A_49] : memref<2x40x128xf32, #tpu.memory_space<vmem>> -> memref<1x40x128xf32, #tpu.memory_space<vmem>>
    %dma_start3A_51 = tpu.memref_squeeze %dma_start3A_50 : memref<1x40x128xf32, #tpu.memory_space<vmem>> -> memref<40x128xf32, #tpu.memory_space<vmem>>
    %dma_start3A_52 = arith.constant 0 : i32
    %dma_start3A_53 = tpu.memref_slice %arg2[%add3A_40, %dma_start3A_52] : memref<160000x128xf32, #tpu.memory_space<hbm>> -> memref<40x128xf32, #tpu.memory_space<hbm>>
    tpu.enqueue_dma source(%dma_start3A_53 : memref<40x128xf32, #tpu.memory_space<hbm>>) target(%dma_start3A_51 : memref<40x128xf32, #tpu.memory_space<vmem>>) target_semaphore(%arg10 : memref<!tpu.dma_semaphore, #tpu.memory_space<semaphore_mem>>)
    %add3A_54 = arith.constant 40 : i32
    %add3A_55 = arith.addi %add3A_6, %add3A_54 : i32
    %dma_start3A_56 = arith.constant 1 : i32
    %dma_start3A_57 = arith.constant 0 : i32
    %dma_start3A_58 = tpu.memref_slice %arg5[%dma_start3A_56, %dma_start3A_57] : memref<2x40xi32, #tpu.memory_space<vmem>> -> memref<1x40xi32, #tpu.memory_space<vmem>>
    %dma_start3A_59 = tpu.memref_squeeze %dma_start3A_58 : memref<1x40xi32, #tpu.memory_space<vmem>> -> memref<40xi32, #tpu.memory_space<vmem>>
    %dma_start3A_60 = tpu.memref_slice %arg3[%add3A_55] : memref<320000xi32, #tpu.memory_space<hbm>> -> memref<40xi32, #tpu.memory_space<hbm>>
    %dma_start3A_61 = arith.constant 0 : i32
    %dma_start3A_62 = tpu.memref_slice %arg5[%dma_start3A_56, %dma_start3A_61] : memref<2x40xi32, #tpu.memory_space<vmem>> -> memref<1x40xi32, #tpu.memory_space<vmem>>
    %dma_start3A_63 = tpu.memref_squeeze %dma_start3A_62 : memref<1x40xi32, #tpu.memory_space<vmem>> -> memref<40xi32, #tpu.memory_space<vmem>>
    %dma_start3A_64 = tpu.memref_slice %arg3[%add3A_55] : memref<320000xi32, #tpu.memory_space<hbm>> -> memref<40xi32, #tpu.memory_space<hbm>>
    tpu.enqueue_dma source(%dma_start3A_64 : memref<40xi32, #tpu.memory_space<hbm>>) target(%dma_start3A_63 : memref<40xi32, #tpu.memory_space<vmem>>) target_semaphore(%arg12 : memref<!tpu.dma_semaphore, #tpu.memory_space<semaphore_mem>>)
    %scan3A_65 = arith.constant 0 : i32
    %scan3A_66 = arith.constant 0 : i32
    %scan3A_67 = arith.constant 62 : i32
    %scan3A_68 = arith.addi %scan3A_66, %scan3A_67 : i32
    %scan3A_69 = arith.constant 1 : i32
    scf.for %scan3A_103 = %scan3A_66 to %scan3A_68 step %scan3A_69  : i32 {
      %mul3A_104 = arith.constant 2 : i32
      %mul3A_105 = arith.muli %mul3A_104, %scan3A_103 : i32
      %add3A_106 = arith.constant 0 : i32
      %add3A_107 = arith.addi %mul3A_105, %add3A_106 : i32
      %dma_wait3A_108 = arith.constant 0 : i32
      %dma_wait3A_109 = arith.constant 0 : i32
      %dma_wait3A_110 = arith.constant 0 : i32
      %dma_wait3A_111 = tpu.memref_slice %arg6[%dma_wait3A_108, %dma_wait3A_109, %dma_wait3A_110] : memref<2x40x128xf32, #tpu.memory_space<vmem>> -> memref<1x40x128xf32, #tpu.memory_space<vmem>>
      %dma_wait3A_112 = tpu.memref_squeeze %dma_wait3A_111 : memref<1x40x128xf32, #tpu.memory_space<vmem>> -> memref<40x128xf32, #tpu.memory_space<vmem>>
      %dma_wait3A_113 = arith.constant 0 : i32
      %dma_wait3A_114 = arith.constant 0 : i32
      %dma_wait3A_115 = tpu.memref_slice %arg2[%dma_wait3A_113, %dma_wait3A_114] : memref<160000x128xf32, #tpu.memory_space<hbm>> -> memref<40x128xf32, #tpu.memory_space<hbm>>
      %dma_wait3A_116 = arith.constant 0 : i32
      %dma_wait3A_117 = arith.constant 0 : i32
      %dma_wait3A_118 = tpu.memref_slice %arg6[%dma_wait3A_108, %dma_wait3A_116, %dma_wait3A_117] : memref<2x40x128xf32, #tpu.memory_space<vmem>> -> memref<1x40x128xf32, #tpu.memory_space<vmem>>
      %dma_wait3A_119 = tpu.memref_squeeze %dma_wait3A_118 : memref<1x40x128xf32, #tpu.memory_space<vmem>> -> memref<40x128xf32, #tpu.memory_space<vmem>>
      %dma_wait3A_120 = arith.constant 0 : i32
      %dma_wait3A_121 = arith.constant 0 : i32
      %dma_wait3A_122 = tpu.memref_slice %arg2[%dma_wait3A_120, %dma_wait3A_121] : memref<160000x128xf32, #tpu.memory_space<hbm>> -> memref<40x128xf32, #tpu.memory_space<hbm>>
      tpu.wait_dma2 semaphore(%arg9 : memref<!tpu.dma_semaphore, #tpu.memory_space<semaphore_mem>>) src(%dma_wait3A_122 : memref<40x128xf32, #tpu.memory_space<hbm>>) dst(%dma_wait3A_119 : memref<40x128xf32, #tpu.memory_space<vmem>>)
      %dma_wait3A_123 = arith.constant 0 : i32
      %dma_wait3A_124 = arith.constant 0 : i32
      %dma_wait3A_125 = tpu.memref_slice %arg5[%dma_wait3A_123, %dma_wait3A_124] : memref<2x40xi32, #tpu.memory_space<vmem>> -> memref<1x40xi32, #tpu.memory_space<vmem>>
      %dma_wait3A_126 = tpu.memref_squeeze %dma_wait3A_125 : memref<1x40xi32, #tpu.memory_space<vmem>> -> memref<40xi32, #tpu.memory_space<vmem>>
      %dma_wait3A_127 = arith.constant 0 : i32
      %dma_wait3A_128 = tpu.memref_slice %arg3[%dma_wait3A_127] : memref<320000xi32, #tpu.memory_space<hbm>> -> memref<40xi32, #tpu.memory_space<hbm>>
      %dma_wait3A_129 = arith.constant 0 : i32
      %dma_wait3A_130 = tpu.memref_slice %arg5[%dma_wait3A_123, %dma_wait3A_129] : memref<2x40xi32, #tpu.memory_space<vmem>> -> memref<1x40xi32, #tpu.memory_space<vmem>>
      %dma_wait3A_131 = tpu.memref_squeeze %dma_wait3A_130 : memref<1x40xi32, #tpu.memory_space<vmem>> -> memref<40xi32, #tpu.memory_space<vmem>>
      %dma_wait3A_132 = arith.constant 0 : i32
      %dma_wait3A_133 = tpu.memref_slice %arg3[%dma_wait3A_132] : memref<320000xi32, #tpu.memory_space<hbm>> -> memref<40xi32, #tpu.memory_space<hbm>>
      tpu.wait_dma2 semaphore(%arg11 : memref<!tpu.dma_semaphore, #tpu.memory_space<semaphore_mem>>) src(%dma_wait3A_133 : memref<40xi32, #tpu.memory_space<hbm>>) dst(%dma_wait3A_131 : memref<40xi32, #tpu.memory_space<vmem>>)
      %run_scoped3A_134 = arith.constant 0 : i32
      %run_scoped3A_135 = arith.constant 0 : i32
      "tpu.region"() ({
        %run_scoped3A_182 = tpu.sem_alloc : memref<!tpu.dma_semaphore, #tpu.memory_space<semaphore_mem>>
        %dma_start3A_183 = arith.constant 0 : i32
        %dma_start3A_184 = arith.constant 0 : i32
        %dma_start3A_185 = tpu.memref_slice %arg6[%run_scoped3A_134, %dma_start3A_183, %dma_start3A_184] : memref<2x40x128xf32, #tpu.memory_space<vmem>> -> memref<1x40x128xf32, #tpu.memory_space<vmem>>
        %dma_start3A_186 = tpu.memref_squeeze %dma_start3A_185 : memref<1x40x128xf32, #tpu.memory_space<vmem>> -> memref<40x128xf32, #tpu.memory_space<vmem>>
        %dma_start3A_187 = arith.constant 0 : i32
        %dma_start3A_188 = tpu.memref_slice %arg5[%run_scoped3A_135, %dma_start3A_187] : memref<2x40xi32, #tpu.memory_space<vmem>> -> memref<1x40xi32, #tpu.memory_space<vmem>>
        %dma_start3A_189 = tpu.memref_squeeze %dma_start3A_188 : memref<1x40xi32, #tpu.memory_space<vmem>> -> memref<40xi32, #tpu.memory_space<vmem>>
        %dma_start3A_190 = arith.constant 0 : i32
        %dma_start3A_191 = arith.constant 0 : i32
        %dma_start3A_192 = tpu.memref_slice %arg8[%dma_start3A_190, %dma_start3A_191] : memref<10000x128xf32, #tpu.memory_space<vmem_shared>> -> memref<10000x128xf32, #tpu.memory_space<vmem_shared>>
        tpu.enqueue_indirect_dma source(%dma_start3A_186 : memref<40x128xf32, #tpu.memory_space<vmem>>) target(%dma_start3A_192 : memref<10000x128xf32, #tpu.memory_space<vmem_shared>>) offsets(%dma_start3A_189 : memref<40xi32, #tpu.memory_space<vmem>>) semaphore(%run_scoped3A_182 : memref<!tpu.dma_semaphore, #tpu.memory_space<semaphore_mem>>) {add = true}
        %dma_wait3A_193 = arith.constant 0 : i32
        %dma_wait3A_194 = arith.constant 0 : i32
        %dma_wait3A_195 = tpu.memref_slice %arg6[%run_scoped3A_134, %dma_wait3A_193, %dma_wait3A_194] : memref<2x40x128xf32, #tpu.memory_space<vmem>> -> memref<1x40x128xf32, #tpu.memory_space<vmem>>
        %dma_wait3A_196 = tpu.memref_squeeze %dma_wait3A_195 : memref<1x40x128xf32, #tpu.memory_space<vmem>> -> memref<40x128xf32, #tpu.memory_space<vmem>>
        %dma_wait3A_197 = arith.constant 0 : i32
        %dma_wait3A_198 = tpu.memref_slice %arg5[%run_scoped3A_135, %dma_wait3A_197] : memref<2x40xi32, #tpu.memory_space<vmem>> -> memref<1x40xi32, #tpu.memory_space<vmem>>
        %dma_wait3A_199 = tpu.memref_squeeze %dma_wait3A_198 : memref<1x40xi32, #tpu.memory_space<vmem>> -> memref<40xi32, #tpu.memory_space<vmem>>
        %dma_wait3A_200 = arith.constant 0 : i32
        %dma_wait3A_201 = arith.constant 0 : i32
        %dma_wait3A_202 = tpu.memref_slice %arg8[%dma_wait3A_200, %dma_wait3A_201] : memref<10000x128xf32, #tpu.memory_space<vmem_shared>> -> memref<10000x128xf32, #tpu.memory_space<vmem_shared>>
        tpu.wait_indirect_dma semaphore(%run_scoped3A_182 : memref<!tpu.dma_semaphore, #tpu.memory_space<semaphore_mem>>) src(%dma_wait3A_196 : memref<40x128xf32, #tpu.memory_space<vmem>>) dst(%dma_wait3A_202 : memref<10000x128xf32, #tpu.memory_space<vmem_shared>>)
        tpu.yield
      }) : () -> ()
      %add3A_136 = arith.constant 2 : i32
      %add3A_137 = arith.addi %add3A_107, %add3A_136 : i32
      %lt3A_138 = arith.constant 125 : i32
      %lt3A_139 = arith.cmpi slt, %add3A_137, %lt3A_138 : i32
      %convert_element_type3A_140 = arith.extui %lt3A_139 : i1 to i32
      %cond3A_141 = arith.constant 0 : i32
      %cond3A_142 = arith.cmpi ne, %convert_element_type3A_140, %cond3A_141 : i32
      scf.if %cond3A_142 {
        %add3A_182 = arith.constant 2 : i32
        %add3A_183 = arith.addi %add3A_107, %add3A_182 : i32
        %mul3A_184 = arith.constant 40 : i32
        %mul3A_185 = arith.muli %add3A_183, %mul3A_184 : i32
        %add3A_186 = arith.addi %mul3A_2, %mul3A_185 : i32
        %dma_start3A_187 = arith.constant 0 : i32
        %dma_start3A_188 = arith.constant 0 : i32
        %dma_start3A_189 = arith.constant 0 : i32
        %dma_start3A_190 = tpu.memref_slice %arg6[%dma_start3A_187, %dma_start3A_188, %dma_start3A_189] : memref<2x40x128xf32, #tpu.memory_space<vmem>> -> memref<1x40x128xf32, #tpu.memory_space<vmem>>
        %dma_start3A_191 = tpu.memref_squeeze %dma_start3A_190 : memref<1x40x128xf32, #tpu.memory_space<vmem>> -> memref<40x128xf32, #tpu.memory_space<vmem>>
        %dma_start3A_192 = arith.constant 0 : i32
        %dma_start3A_193 = tpu.memref_slice %arg2[%add3A_186, %dma_start3A_192] : memref<160000x128xf32, #tpu.memory_space<hbm>> -> memref<40x128xf32, #tpu.memory_space<hbm>>
        %dma_start3A_194 = arith.constant 0 : i32
        %dma_start3A_195 = arith.constant 0 : i32
        %dma_start3A_196 = tpu.memref_slice %arg6[%dma_start3A_187, %dma_start3A_194, %dma_start3A_195] : memref<2x40x128xf32, #tpu.memory_space<vmem>> -> memref<1x40x128xf32, #tpu.memory_space<vmem>>
        %dma_start3A_197 = tpu.memref_squeeze %dma_start3A_196 : memref<1x40x128xf32, #tpu.memory_space<vmem>> -> memref<40x128xf32, #tpu.memory_space<vmem>>
        %dma_start3A_198 = arith.constant 0 : i32
        %dma_start3A_199 = tpu.memref_slice %arg2[%add3A_186, %dma_start3A_198] : memref<160000x128xf32, #tpu.memory_space<hbm>> -> memref<40x128xf32, #tpu.memory_space<hbm>>
        tpu.enqueue_dma source(%dma_start3A_199 : memref<40x128xf32, #tpu.memory_space<hbm>>) target(%dma_start3A_197 : memref<40x128xf32, #tpu.memory_space<vmem>>) target_semaphore(%arg9 : memref<!tpu.dma_semaphore, #tpu.memory_space<semaphore_mem>>)
        %mul3A_200 = arith.constant 40 : i32
        %mul3A_201 = arith.muli %add3A_183, %mul3A_200 : i32
        %add3A_202 = arith.addi %add3A_6, %mul3A_201 : i32
        %dma_start3A_203 = arith.constant 0 : i32
        %dma_start3A_204 = arith.constant 0 : i32
        %dma_start3A_205 = tpu.memref_slice %arg5[%dma_start3A_203, %dma_start3A_204] : memref<2x40xi32, #tpu.memory_space<vmem>> -> memref<1x40xi32, #tpu.memory_space<vmem>>
        %dma_start3A_206 = tpu.memref_squeeze %dma_start3A_205 : memref<1x40xi32, #tpu.memory_space<vmem>> -> memref<40xi32, #tpu.memory_space<vmem>>
        %dma_start3A_207 = tpu.memref_slice %arg3[%add3A_202] : memref<320000xi32, #tpu.memory_space<hbm>> -> memref<40xi32, #tpu.memory_space<hbm>>
        %dma_start3A_208 = arith.constant 0 : i32
        %dma_start3A_209 = tpu.memref_slice %arg5[%dma_start3A_203, %dma_start3A_208] : memref<2x40xi32, #tpu.memory_space<vmem>> -> memref<1x40xi32, #tpu.memory_space<vmem>>
        %dma_start3A_210 = tpu.memref_squeeze %dma_start3A_209 : memref<1x40xi32, #tpu.memory_space<vmem>> -> memref<40xi32, #tpu.memory_space<vmem>>
        %dma_start3A_211 = tpu.memref_slice %arg3[%add3A_202] : memref<320000xi32, #tpu.memory_space<hbm>> -> memref<40xi32, #tpu.memory_space<hbm>>
        tpu.enqueue_dma source(%dma_start3A_211 : memref<40xi32, #tpu.memory_space<hbm>>) target(%dma_start3A_210 : memref<40xi32, #tpu.memory_space<vmem>>) target_semaphore(%arg11 : memref<!tpu.dma_semaphore, #tpu.memory_space<semaphore_mem>>)
      } else {
      }
      %mul3A_143 = arith.constant 2 : i32
      %mul3A_144 = arith.muli %mul3A_143, %scan3A_103 : i32
      %add3A_145 = arith.constant 1 : i32
      %add3A_146 = arith.addi %mul3A_144, %add3A_145 : i32
      %dma_wait3A_147 = arith.constant 1 : i32
      %dma_wait3A_148 = arith.constant 0 : i32
      %dma_wait3A_149 = arith.constant 0 : i32
      %dma_wait3A_150 = tpu.memref_slice %arg6[%dma_wait3A_147, %dma_wait3A_148, %dma_wait3A_149] : memref<2x40x128xf32, #tpu.memory_space<vmem>> -> memref<1x40x128xf32, #tpu.memory_space<vmem>>
      %dma_wait3A_151 = tpu.memref_squeeze %dma_wait3A_150 : memref<1x40x128xf32, #tpu.memory_space<vmem>> -> memref<40x128xf32, #tpu.memory_space<vmem>>
      %dma_wait3A_152 = arith.constant 0 : i32
      %dma_wait3A_153 = arith.constant 0 : i32
      %dma_wait3A_154 = tpu.memref_slice %arg2[%dma_wait3A_152, %dma_wait3A_153] : memref<160000x128xf32, #tpu.memory_space<hbm>> -> memref<40x128xf32, #tpu.memory_space<hbm>>
      %dma_wait3A_155 = arith.constant 0 : i32
      %dma_wait3A_156 = arith.constant 0 : i32
      %dma_wait3A_157 = tpu.memref_slice %arg6[%dma_wait3A_147, %dma_wait3A_155, %dma_wait3A_156] : memref<2x40x128xf32, #tpu.memory_space<vmem>> -> memref<1x40x128xf32, #tpu.memory_space<vmem>>
      %dma_wait3A_158 = tpu.memref_squeeze %dma_wait3A_157 : memref<1x40x128xf32, #tpu.memory_space<vmem>> -> memref<40x128xf32, #tpu.memory_space<vmem>>
      %dma_wait3A_159 = arith.constant 0 : i32
      %dma_wait3A_160 = arith.constant 0 : i32
      %dma_wait3A_161 = tpu.memref_slice %arg2[%dma_wait3A_159, %dma_wait3A_160] : memref<160000x128xf32, #tpu.memory_space<hbm>> -> memref<40x128xf32, #tpu.memory_space<hbm>>
      tpu.wait_dma2 semaphore(%arg10 : memref<!tpu.dma_semaphore, #tpu.memory_space<semaphore_mem>>) src(%dma_wait3A_161 : memref<40x128xf32, #tpu.memory_space<hbm>>) dst(%dma_wait3A_158 : memref<40x128xf32, #tpu.memory_space<vmem>>)
      %dma_wait3A_162 = arith.constant 1 : i32
      %dma_wait3A_163 = arith.constant 0 : i32
      %dma_wait3A_164 = tpu.memref_slice %arg5[%dma_wait3A_162, %dma_wait3A_163] : memref<2x40xi32, #tpu.memory_space<vmem>> -> memref<1x40xi32, #tpu.memory_space<vmem>>
      %dma_wait3A_165 = tpu.memref_squeeze %dma_wait3A_164 : memref<1x40xi32, #tpu.memory_space<vmem>> -> memref<40xi32, #tpu.memory_space<vmem>>
      %dma_wait3A_166 = arith.constant 0 : i32
      %dma_wait3A_167 = tpu.memref_slice %arg3[%dma_wait3A_166] : memref<320000xi32, #tpu.memory_space<hbm>> -> memref<40xi32, #tpu.memory_space<hbm>>
      %dma_wait3A_168 = arith.constant 0 : i32
      %dma_wait3A_169 = tpu.memref_slice %arg5[%dma_wait3A_162, %dma_wait3A_168] : memref<2x40xi32, #tpu.memory_space<vmem>> -> memref<1x40xi32, #tpu.memory_space<vmem>>
      %dma_wait3A_170 = tpu.memref_squeeze %dma_wait3A_169 : memref<1x40xi32, #tpu.memory_space<vmem>> -> memref<40xi32, #tpu.memory_space<vmem>>
      %dma_wait3A_171 = arith.constant 0 : i32
      %dma_wait3A_172 = tpu.memref_slice %arg3[%dma_wait3A_171] : memref<320000xi32, #tpu.memory_space<hbm>> -> memref<40xi32, #tpu.memory_space<hbm>>
      tpu.wait_dma2 semaphore(%arg12 : memref<!tpu.dma_semaphore, #tpu.memory_space<semaphore_mem>>) src(%dma_wait3A_172 : memref<40xi32, #tpu.memory_space<hbm>>) dst(%dma_wait3A_170 : memref<40xi32, #tpu.memory_space<vmem>>)
      %run_scoped3A_173 = arith.constant 1 : i32
      %run_scoped3A_174 = arith.constant 1 : i32
      "tpu.region"() ({
        %run_scoped3A_182 = tpu.sem_alloc : memref<!tpu.dma_semaphore, #tpu.memory_space<semaphore_mem>>
        %dma_start3A_183 = arith.constant 0 : i32
        %dma_start3A_184 = arith.constant 0 : i32
        %dma_start3A_185 = tpu.memref_slice %arg6[%run_scoped3A_173, %dma_start3A_183, %dma_start3A_184] : memref<2x40x128xf32, #tpu.memory_space<vmem>> -> memref<1x40x128xf32, #tpu.memory_space<vmem>>
        %dma_start3A_186 = tpu.memref_squeeze %dma_start3A_185 : memref<1x40x128xf32, #tpu.memory_space<vmem>> -> memref<40x128xf32, #tpu.memory_space<vmem>>
        %dma_start3A_187 = arith.constant 0 : i32
        %dma_start3A_188 = tpu.memref_slice %arg5[%run_scoped3A_174, %dma_start3A_187] : memref<2x40xi32, #tpu.memory_space<vmem>> -> memref<1x40xi32, #tpu.memory_space<vmem>>
        %dma_start3A_189 = tpu.memref_squeeze %dma_start3A_188 : memref<1x40xi32, #tpu.memory_space<vmem>> -> memref<40xi32, #tpu.memory_space<vmem>>
        %dma_start3A_190 = arith.constant 0 : i32
        %dma_start3A_191 = arith.constant 0 : i32
        %dma_start3A_192 = tpu.memref_slice %arg8[%dma_start3A_190, %dma_start3A_191] : memref<10000x128xf32, #tpu.memory_space<vmem_shared>> -> memref<10000x128xf32, #tpu.memory_space<vmem_shared>>
        tpu.enqueue_indirect_dma source(%dma_start3A_186 : memref<40x128xf32, #tpu.memory_space<vmem>>) target(%dma_start3A_192 : memref<10000x128xf32, #tpu.memory_space<vmem_shared>>) offsets(%dma_start3A_189 : memref<40xi32, #tpu.memory_space<vmem>>) semaphore(%run_scoped3A_182 : memref<!tpu.dma_semaphore, #tpu.memory_space<semaphore_mem>>) {add = true}
        %dma_wait3A_193 = arith.constant 0 : i32
        %dma_wait3A_194 = arith.constant 0 : i32
        %dma_wait3A_195 = tpu.memref_slice %arg6[%run_scoped3A_173, %dma_wait3A_193, %dma_wait3A_194] : memref<2x40x128xf32, #tpu.memory_space<vmem>> -> memref<1x40x128xf32, #tpu.memory_space<vmem>>
        %dma_wait3A_196 = tpu.memref_squeeze %dma_wait3A_195 : memref<1x40x128xf32, #tpu.memory_space<vmem>> -> memref<40x128xf32, #tpu.memory_space<vmem>>
        %dma_wait3A_197 = arith.constant 0 : i32
        %dma_wait3A_198 = tpu.memref_slice %arg5[%run_scoped3A_174, %dma_wait3A_197] : memref<2x40xi32, #tpu.memory_space<vmem>> -> memref<1x40xi32, #tpu.memory_space<vmem>>
        %dma_wait3A_199 = tpu.memref_squeeze %dma_wait3A_198 : memref<1x40xi32, #tpu.memory_space<vmem>> -> memref<40xi32, #tpu.memory_space<vmem>>
        %dma_wait3A_200 = arith.constant 0 : i32
        %dma_wait3A_201 = arith.constant 0 : i32
        %dma_wait3A_202 = tpu.memref_slice %arg8[%dma_wait3A_200, %dma_wait3A_201] : memref<10000x128xf32, #tpu.memory_space<vmem_shared>> -> memref<10000x128xf32, #tpu.memory_space<vmem_shared>>
        tpu.wait_indirect_dma semaphore(%run_scoped3A_182 : memref<!tpu.dma_semaphore, #tpu.memory_space<semaphore_mem>>) src(%dma_wait3A_196 : memref<40x128xf32, #tpu.memory_space<vmem>>) dst(%dma_wait3A_202 : memref<10000x128xf32, #tpu.memory_space<vmem_shared>>)
        tpu.yield
      }) : () -> ()
      %add3A_175 = arith.constant 2 : i32
      %add3A_176 = arith.addi %add3A_146, %add3A_175 : i32
      %lt3A_177 = arith.constant 125 : i32
      %lt3A_178 = arith.cmpi slt, %add3A_176, %lt3A_177 : i32
      %convert_element_type3A_179 = arith.extui %lt3A_178 : i1 to i32
      %cond3A_180 = arith.constant 0 : i32
      %cond3A_181 = arith.cmpi ne, %convert_element_type3A_179, %cond3A_180 : i32
      scf.if %cond3A_181 {
        %add3A_182 = arith.constant 2 : i32
        %add3A_183 = arith.addi %add3A_146, %add3A_182 : i32
        %mul3A_184 = arith.constant 40 : i32
        %mul3A_185 = arith.muli %add3A_183, %mul3A_184 : i32
        %add3A_186 = arith.addi %mul3A_2, %mul3A_185 : i32
        %dma_start3A_187 = arith.constant 1 : i32
        %dma_start3A_188 = arith.constant 0 : i32
        %dma_start3A_189 = arith.constant 0 : i32
        %dma_start3A_190 = tpu.memref_slice %arg6[%dma_start3A_187, %dma_start3A_188, %dma_start3A_189] : memref<2x40x128xf32, #tpu.memory_space<vmem>> -> memref<1x40x128xf32, #tpu.memory_space<vmem>>
        %dma_start3A_191 = tpu.memref_squeeze %dma_start3A_190 : memref<1x40x128xf32, #tpu.memory_space<vmem>> -> memref<40x128xf32, #tpu.memory_space<vmem>>
        %dma_start3A_192 = arith.constant 0 : i32
        %dma_start3A_193 = tpu.memref_slice %arg2[%add3A_186, %dma_start3A_192] : memref<160000x128xf32, #tpu.memory_space<hbm>> -> memref<40x128xf32, #tpu.memory_space<hbm>>
        %dma_start3A_194 = arith.constant 0 : i32
        %dma_start3A_195 = arith.constant 0 : i32
        %dma_start3A_196 = tpu.memref_slice %arg6[%dma_start3A_187, %dma_start3A_194, %dma_start3A_195] : memref<2x40x128xf32, #tpu.memory_space<vmem>> -> memref<1x40x128xf32, #tpu.memory_space<vmem>>
        %dma_start3A_197 = tpu.memref_squeeze %dma_start3A_196 : memref<1x40x128xf32, #tpu.memory_space<vmem>> -> memref<40x128xf32, #tpu.memory_space<vmem>>
        %dma_start3A_198 = arith.constant 0 : i32
        %dma_start3A_199 = tpu.memref_slice %arg2[%add3A_186, %dma_start3A_198] : memref<160000x128xf32, #tpu.memory_space<hbm>> -> memref<40x128xf32, #tpu.memory_space<hbm>>
        tpu.enqueue_dma source(%dma_start3A_199 : memref<40x128xf32, #tpu.memory_space<hbm>>) target(%dma_start3A_197 : memref<40x128xf32, #tpu.memory_space<vmem>>) target_semaphore(%arg10 : memref<!tpu.dma_semaphore, #tpu.memory_space<semaphore_mem>>)
        %mul3A_200 = arith.constant 40 : i32
        %mul3A_201 = arith.muli %add3A_183, %mul3A_200 : i32
        %add3A_202 = arith.addi %add3A_6, %mul3A_201 : i32
        %dma_start3A_203 = arith.constant 1 : i32
        %dma_start3A_204 = arith.constant 0 : i32
        %dma_start3A_205 = tpu.memref_slice %arg5[%dma_start3A_203, %dma_start3A_204] : memref<2x40xi32, #tpu.memory_space<vmem>> -> memref<1x40xi32, #tpu.memory_space<vmem>>
        %dma_start3A_206 = tpu.memref_squeeze %dma_start3A_205 : memref<1x40xi32, #tpu.memory_space<vmem>> -> memref<40xi32, #tpu.memory_space<vmem>>
        %dma_start3A_207 = tpu.memref_slice %arg3[%add3A_202] : memref<320000xi32, #tpu.memory_space<hbm>> -> memref<40xi32, #tpu.memory_space<hbm>>
        %dma_start3A_208 = arith.constant 0 : i32
        %dma_start3A_209 = tpu.memref_slice %arg5[%dma_start3A_203, %dma_start3A_208] : memref<2x40xi32, #tpu.memory_space<vmem>> -> memref<1x40xi32, #tpu.memory_space<vmem>>
        %dma_start3A_210 = tpu.memref_squeeze %dma_start3A_209 : memref<1x40xi32, #tpu.memory_space<vmem>> -> memref<40xi32, #tpu.memory_space<vmem>>
        %dma_start3A_211 = tpu.memref_slice %arg3[%add3A_202] : memref<320000xi32, #tpu.memory_space<hbm>> -> memref<40xi32, #tpu.memory_space<hbm>>
        tpu.enqueue_dma source(%dma_start3A_211 : memref<40xi32, #tpu.memory_space<hbm>>) target(%dma_start3A_210 : memref<40xi32, #tpu.memory_space<vmem>>) target_semaphore(%arg12 : memref<!tpu.dma_semaphore, #tpu.memory_space<semaphore_mem>>)
      } else {
      }
    }
    %scan3A_70 = arith.constant 62 : i32
    %dma_wait3A = arith.constant 0 : i32
    %dma_wait3A_71 = arith.constant 0 : i32
    %dma_wait3A_72 = arith.constant 0 : i32
    %dma_wait3A_73 = tpu.memref_slice %arg6[%dma_wait3A, %dma_wait3A_71, %dma_wait3A_72] : memref<2x40x128xf32, #tpu.memory_space<vmem>> -> memref<1x40x128xf32, #tpu.memory_space<vmem>>
    %dma_wait3A_74 = tpu.memref_squeeze %dma_wait3A_73 : memref<1x40x128xf32, #tpu.memory_space<vmem>> -> memref<40x128xf32, #tpu.memory_space<vmem>>
    %dma_wait3A_75 = arith.constant 0 : i32
    %dma_wait3A_76 = arith.constant 0 : i32
    %dma_wait3A_77 = tpu.memref_slice %arg2[%dma_wait3A_75, %dma_wait3A_76] : memref<160000x128xf32, #tpu.memory_space<hbm>> -> memref<40x128xf32, #tpu.memory_space<hbm>>
    %dma_wait3A_78 = arith.constant 0 : i32
    %dma_wait3A_79 = arith.constant 0 : i32
    %dma_wait3A_80 = tpu.memref_slice %arg6[%dma_wait3A, %dma_wait3A_78, %dma_wait3A_79] : memref<2x40x128xf32, #tpu.memory_space<vmem>> -> memref<1x40x128xf32, #tpu.memory_space<vmem>>
    %dma_wait3A_81 = tpu.memref_squeeze %dma_wait3A_80 : memref<1x40x128xf32, #tpu.memory_space<vmem>> -> memref<40x128xf32, #tpu.memory_space<vmem>>
    %dma_wait3A_82 = arith.constant 0 : i32
    %dma_wait3A_83 = arith.constant 0 : i32
    %dma_wait3A_84 = tpu.memref_slice %arg2[%dma_wait3A_82, %dma_wait3A_83] : memref<160000x128xf32, #tpu.memory_space<hbm>> -> memref<40x128xf32, #tpu.memory_space<hbm>>
    tpu.wait_dma2 semaphore(%arg9 : memref<!tpu.dma_semaphore, #tpu.memory_space<semaphore_mem>>) src(%dma_wait3A_84 : memref<40x128xf32, #tpu.memory_space<hbm>>) dst(%dma_wait3A_81 : memref<40x128xf32, #tpu.memory_space<vmem>>)
    %dma_wait3A_85 = arith.constant 0 : i32
    %dma_wait3A_86 = arith.constant 0 : i32
    %dma_wait3A_87 = tpu.memref_slice %arg5[%dma_wait3A_85, %dma_wait3A_86] : memref<2x40xi32, #tpu.memory_space<vmem>> -> memref<1x40xi32, #tpu.memory_space<vmem>>
    %dma_wait3A_88 = tpu.memref_squeeze %dma_wait3A_87 : memref<1x40xi32, #tpu.memory_space<vmem>> -> memref<40xi32, #tpu.memory_space<vmem>>
    %dma_wait3A_89 = arith.constant 0 : i32
    %dma_wait3A_90 = tpu.memref_slice %arg3[%dma_wait3A_89] : memref<320000xi32, #tpu.memory_space<hbm>> -> memref<40xi32, #tpu.memory_space<hbm>>
    %dma_wait3A_91 = arith.constant 0 : i32
    %dma_wait3A_92 = tpu.memref_slice %arg5[%dma_wait3A_85, %dma_wait3A_91] : memref<2x40xi32, #tpu.memory_space<vmem>> -> memref<1x40xi32, #tpu.memory_space<vmem>>
    %dma_wait3A_93 = tpu.memref_squeeze %dma_wait3A_92 : memref<1x40xi32, #tpu.memory_space<vmem>> -> memref<40xi32, #tpu.memory_space<vmem>>
    %dma_wait3A_94 = arith.constant 0 : i32
    %dma_wait3A_95 = tpu.memref_slice %arg3[%dma_wait3A_94] : memref<320000xi32, #tpu.memory_space<hbm>> -> memref<40xi32, #tpu.memory_space<hbm>>
    tpu.wait_dma2 semaphore(%arg11 : memref<!tpu.dma_semaphore, #tpu.memory_space<semaphore_mem>>) src(%dma_wait3A_95 : memref<40xi32, #tpu.memory_space<hbm>>) dst(%dma_wait3A_93 : memref<40xi32, #tpu.memory_space<vmem>>)
    %run_scoped3A = arith.constant 0 : i32
    %run_scoped3A_96 = arith.constant 0 : i32
    "tpu.region"() ({
      %run_scoped3A_103 = tpu.sem_alloc : memref<!tpu.dma_semaphore, #tpu.memory_space<semaphore_mem>>
      %dma_start3A_104 = arith.constant 0 : i32
      %dma_start3A_105 = arith.constant 0 : i32
      %dma_start3A_106 = tpu.memref_slice %arg6[%run_scoped3A, %dma_start3A_104, %dma_start3A_105] : memref<2x40x128xf32, #tpu.memory_space<vmem>> -> memref<1x40x128xf32, #tpu.memory_space<vmem>>
      %dma_start3A_107 = tpu.memref_squeeze %dma_start3A_106 : memref<1x40x128xf32, #tpu.memory_space<vmem>> -> memref<40x128xf32, #tpu.memory_space<vmem>>
      %dma_start3A_108 = arith.constant 0 : i32
      %dma_start3A_109 = tpu.memref_slice %arg5[%run_scoped3A_96, %dma_start3A_108] : memref<2x40xi32, #tpu.memory_space<vmem>> -> memref<1x40xi32, #tpu.memory_space<vmem>>
      %dma_start3A_110 = tpu.memref_squeeze %dma_start3A_109 : memref<1x40xi32, #tpu.memory_space<vmem>> -> memref<40xi32, #tpu.memory_space<vmem>>
      %dma_start3A_111 = arith.constant 0 : i32
      %dma_start3A_112 = arith.constant 0 : i32
      %dma_start3A_113 = tpu.memref_slice %arg8[%dma_start3A_111, %dma_start3A_112] : memref<10000x128xf32, #tpu.memory_space<vmem_shared>> -> memref<10000x128xf32, #tpu.memory_space<vmem_shared>>
      tpu.enqueue_indirect_dma source(%dma_start3A_107 : memref<40x128xf32, #tpu.memory_space<vmem>>) target(%dma_start3A_113 : memref<10000x128xf32, #tpu.memory_space<vmem_shared>>) offsets(%dma_start3A_110 : memref<40xi32, #tpu.memory_space<vmem>>) semaphore(%run_scoped3A_103 : memref<!tpu.dma_semaphore, #tpu.memory_space<semaphore_mem>>) {add = true}
      %dma_wait3A_114 = arith.constant 0 : i32
      %dma_wait3A_115 = arith.constant 0 : i32
      %dma_wait3A_116 = tpu.memref_slice %arg6[%run_scoped3A, %dma_wait3A_114, %dma_wait3A_115] : memref<2x40x128xf32, #tpu.memory_space<vmem>> -> memref<1x40x128xf32, #tpu.memory_space<vmem>>
      %dma_wait3A_117 = tpu.memref_squeeze %dma_wait3A_116 : memref<1x40x128xf32, #tpu.memory_space<vmem>> -> memref<40x128xf32, #tpu.memory_space<vmem>>
      %dma_wait3A_118 = arith.constant 0 : i32
      %dma_wait3A_119 = tpu.memref_slice %arg5[%run_scoped3A_96, %dma_wait3A_118] : memref<2x40xi32, #tpu.memory_space<vmem>> -> memref<1x40xi32, #tpu.memory_space<vmem>>
      %dma_wait3A_120 = tpu.memref_squeeze %dma_wait3A_119 : memref<1x40xi32, #tpu.memory_space<vmem>> -> memref<40xi32, #tpu.memory_space<vmem>>
      %dma_wait3A_121 = arith.constant 0 : i32
      %dma_wait3A_122 = arith.constant 0 : i32
      %dma_wait3A_123 = tpu.memref_slice %arg8[%dma_wait3A_121, %dma_wait3A_122] : memref<10000x128xf32, #tpu.memory_space<vmem_shared>> -> memref<10000x128xf32, #tpu.memory_space<vmem_shared>>
      tpu.wait_indirect_dma semaphore(%run_scoped3A_103 : memref<!tpu.dma_semaphore, #tpu.memory_space<semaphore_mem>>) src(%dma_wait3A_117 : memref<40x128xf32, #tpu.memory_space<vmem>>) dst(%dma_wait3A_123 : memref<10000x128xf32, #tpu.memory_space<vmem_shared>>)
      tpu.yield
    }) : () -> ()
    %barrier3A_97 = arith.constant 0 : index
    tpu.barrier barrier_id(%barrier3A_97)
    %lt3A_98 = arith.constant 10 : i32
    %lt3A_99 = arith.cmpi slt, %arg1, %lt3A_98 : i32
    %convert_element_type3A_100 = arith.extui %lt3A_99 : i1 to i32
    %cond3A_101 = arith.constant 0 : i32
    %cond3A_102 = arith.cmpi ne, %convert_element_type3A_100, %cond3A_101 : i32
    scf.if %cond3A_102 {
      %scan3A_103 = arith.constant 0 : i32
      %scan3A_104 = arith.constant 0 : i32
      %scan3A_105 = arith.constant 5 : i32
      %scan3A_106 = arith.addi %scan3A_104, %scan3A_105 : i32
      %scan3A_107 = arith.constant 1 : i32
      scf.for %scan3A_109 = %scan3A_104 to %scan3A_106 step %scan3A_107  : i32 {
        %mul3A_110 = arith.constant 1000 : i32
        %mul3A_111 = arith.muli %arg1, %mul3A_110 : i32
        %mul3A_112 = arith.constant 200 : i32
        %mul3A_113 = arith.muli %scan3A_109, %mul3A_112 : i32
        %add3A_114 = arith.addi %mul3A_111, %mul3A_113 : i32
        "tpu.region"() ({
          %run_scoped3A_115 = tpu.sem_alloc : memref<!tpu.dma_semaphore, #tpu.memory_space<semaphore_mem>>
          %dma_start3A_116 = arith.constant 0 : i32
          %dma_start3A_117 = tpu.memref_slice %arg8[%add3A_114, %dma_start3A_116] : memref<10000x128xf32, #tpu.memory_space<vmem_shared>> -> memref<200x128xf32, #tpu.memory_space<vmem_shared>>
          %dma_start3A_118 = arith.constant 0 : i32
          %dma_start3A_119 = tpu.memref_slice %arg8[%add3A_114, %dma_start3A_118] : memref<10000x128xf32, #tpu.memory_space<vmem_shared>> -> memref<200x128xf32, #tpu.memory_space<vmem_shared>>
          tpu.enqueue_dma source(%dma_start3A_119 : memref<200x128xf32, #tpu.memory_space<vmem_shared>>) target(%arg7 : memref<200x128xf32, #tpu.memory_space<vmem>>) target_semaphore(%run_scoped3A_115 : memref<!tpu.dma_semaphore, #tpu.memory_space<semaphore_mem>>)
          %dma_wait3A_120 = arith.constant 0 : i32
          %dma_wait3A_121 = tpu.memref_slice %arg8[%add3A_114, %dma_wait3A_120] : memref<10000x128xf32, #tpu.memory_space<vmem_shared>> -> memref<200x128xf32, #tpu.memory_space<vmem_shared>>
          %dma_wait3A_122 = arith.constant 0 : i32
          %dma_wait3A_123 = tpu.memref_slice %arg8[%add3A_114, %dma_wait3A_122] : memref<10000x128xf32, #tpu.memory_space<vmem_shared>> -> memref<200x128xf32, #tpu.memory_space<vmem_shared>>
          tpu.wait_dma2 semaphore(%run_scoped3A_115 : memref<!tpu.dma_semaphore, #tpu.memory_space<semaphore_mem>>) src(%dma_wait3A_123 : memref<200x128xf32, #tpu.memory_space<vmem_shared>>) dst(%arg7 : memref<200x128xf32, #tpu.memory_space<vmem>>)
          tpu.yield
        }) : () -> ()
        "tpu.region"() ({
          %run_scoped3A_115 = tpu.sem_alloc : memref<!tpu.dma_semaphore, #tpu.memory_space<semaphore_mem>>
          %dma_start3A_116 = arith.constant 0 : i32
          %dma_start3A_117 = arith.constant 0 : i32
          %dma_start3A_118 = tpu.memref_slice %arg4[%arg0, %dma_start3A_116, %dma_start3A_117] : memref<2x10000x128xf32, #tpu.memory_space<hbm>> -> memref<1x10000x128xf32, #tpu.memory_space<hbm>>
          %dma_start3A_119 = tpu.memref_squeeze %dma_start3A_118 : memref<1x10000x128xf32, #tpu.memory_space<hbm>> -> memref<10000x128xf32, #tpu.memory_space<hbm>>
          %dma_start3A_120 = arith.constant 0 : i32
          %dma_start3A_121 = tpu.memref_slice %dma_start3A_119[%add3A_114, %dma_start3A_120] : memref<10000x128xf32, #tpu.memory_space<hbm>> -> memref<200x128xf32, #tpu.memory_space<hbm>>
          %dma_start3A_122 = arith.constant 0 : i32
          %dma_start3A_123 = arith.constant 0 : i32
          %dma_start3A_124 = tpu.memref_slice %arg4[%arg0, %dma_start3A_122, %dma_start3A_123] : memref<2x10000x128xf32, #tpu.memory_space<hbm>> -> memref<1x10000x128xf32, #tpu.memory_space<hbm>>
          %dma_start3A_125 = tpu.memref_squeeze %dma_start3A_124 : memref<1x10000x128xf32, #tpu.memory_space<hbm>> -> memref<10000x128xf32, #tpu.memory_space<hbm>>
          %dma_start3A_126 = arith.constant 0 : i32
          %dma_start3A_127 = tpu.memref_slice %dma_start3A_125[%add3A_114, %dma_start3A_126] : memref<10000x128xf32, #tpu.memory_space<hbm>> -> memref<200x128xf32, #tpu.memory_space<hbm>>
          tpu.enqueue_dma source(%arg7 : memref<200x128xf32, #tpu.memory_space<vmem>>) target(%dma_start3A_127 : memref<200x128xf32, #tpu.memory_space<hbm>>) target_semaphore(%run_scoped3A_115 : memref<!tpu.dma_semaphore, #tpu.memory_space<semaphore_mem>>)
          %dma_wait3A_128 = arith.constant 0 : i32
          %dma_wait3A_129 = arith.constant 0 : i32
          %dma_wait3A_130 = tpu.memref_slice %arg4[%arg0, %dma_wait3A_128, %dma_wait3A_129] : memref<2x10000x128xf32, #tpu.memory_space<hbm>> -> memref<1x10000x128xf32, #tpu.memory_space<hbm>>
          %dma_wait3A_131 = tpu.memref_squeeze %dma_wait3A_130 : memref<1x10000x128xf32, #tpu.memory_space<hbm>> -> memref<10000x128xf32, #tpu.memory_space<hbm>>
          %dma_wait3A_132 = arith.constant 0 : i32
          %dma_wait3A_133 = tpu.memref_slice %dma_wait3A_131[%add3A_114, %dma_wait3A_132] : memref<10000x128xf32, #tpu.memory_space<hbm>> -> memref<200x128xf32, #tpu.memory_space<hbm>>
          %dma_wait3A_134 = arith.constant 0 : i32
          %dma_wait3A_135 = arith.constant 0 : i32
          %dma_wait3A_136 = tpu.memref_slice %arg4[%arg0, %dma_wait3A_134, %dma_wait3A_135] : memref<2x10000x128xf32, #tpu.memory_space<hbm>> -> memref<1x10000x128xf32, #tpu.memory_space<hbm>>
          %dma_wait3A_137 = tpu.memref_squeeze %dma_wait3A_136 : memref<1x10000x128xf32, #tpu.memory_space<hbm>> -> memref<10000x128xf32, #tpu.memory_space<hbm>>
          %dma_wait3A_138 = arith.constant 0 : i32
          %dma_wait3A_139 = tpu.memref_slice %dma_wait3A_137[%add3A_114, %dma_wait3A_138] : memref<10000x128xf32, #tpu.memory_space<hbm>> -> memref<200x128xf32, #tpu.memory_space<hbm>>
          tpu.wait_dma2 semaphore(%run_scoped3A_115 : memref<!tpu.dma_semaphore, #tpu.memory_space<semaphore_mem>>) src(%arg7 : memref<200x128xf32, #tpu.memory_space<vmem>>) dst(%dma_wait3A_139 : memref<200x128xf32, #tpu.memory_space<hbm>>)
          tpu.yield
        }) : () -> ()
      }
      %scan3A_108 = arith.constant 5 : i32
    } else {
    }
    return
  }
}

module attributes {stable_mosaic.version = 14 : i64} {
  func.func @_prep_body(%arg0: i32, %arg1: memref<1000x128xf32, #tpu.memory_space<vmem>>, %arg2: memref<128x128xf32, #tpu.memory_space<vmem>>, %arg3: memref<128x128xf32, #tpu.memory_space<vmem>>, %arg4: memref<128x128xf32, #tpu.memory_space<vmem>>, %arg5: memref<128x128xf32, #tpu.memory_space<vmem>>, %arg6: memref<1000x128xi32, #tpu.memory_space<vmem>>, %arg7: memref<1000x128xi32, #tpu.memory_space<vmem>>) attributes {dimension_semantics = [#tpu.dimension_semantics<arbitrary>], iteration_bounds = array<i64: 10>, scalar_prefetch = 0 : i64, scratch_operands = 0 : i64, tpu.core_type = #tpu.core_type<tc>, window_params = [{transform_indices = @transform_0, window_bounds = array<i64: 1000, 128>}, {pipeline_mode = #tpu.pipeline_mode<synchronous>, transform_indices = @transform_1, window_bounds = array<i64: 128, 128>}, {pipeline_mode = #tpu.pipeline_mode<synchronous>, transform_indices = @transform_2, window_bounds = array<i64: 128, 128>}, {pipeline_mode = #tpu.pipeline_mode<synchronous>, transform_indices = @transform_3, window_bounds = array<i64: 128, 128>}, {pipeline_mode = #tpu.pipeline_mode<synchronous>, transform_indices = @transform_4, window_bounds = array<i64: 128, 128>}, {transform_indices = @transform_5, window_bounds = array<i64: 1000, 128>}, {transform_indices = @transform_6, window_bounds = array<i64: 1000, 128>}]} {
    %get3A = arith.constant 0 : index
    %get3A_0 = arith.constant 0 : index
    %get3A_1 = vector.load %arg1[%get3A, %get3A_0] : memref<1000x128xf32, #tpu.memory_space<vmem>>, vector<1000x128xf32>
    %get3A_2 = arith.constant 0 : index
    %get3A_3 = arith.constant 0 : index
    %get3A_4 = vector.load %arg2[%get3A_2, %get3A_3] : memref<128x128xf32, #tpu.memory_space<vmem>>, vector<128x128xf32>
    %get3A_5 = arith.constant 0 : index
    %get3A_6 = arith.constant 0 : index
    %get3A_7 = vector.load %arg3[%get3A_5, %get3A_6] : memref<128x128xf32, #tpu.memory_space<vmem>>, vector<128x128xf32>
    %dot_general3A = arith.constant dense<0.000000e+00> : vector<1000x128xf32>
    %dot_general3A_8 = tpu.matmul %get3A_1, %get3A_4, %dot_general3A {dimension_numbers = #tpu.dot_dimension_numbers<[1], [1], [0], [0], [0, 0, 1, 0], [], []>, transpose_lhs_hint = false} : vector<1000x128xf32>, vector<128x128xf32>, vector<1000x128xf32> -> vector<1000x128xf32>
    %dot_general3A_9 = arith.constant dense<0.000000e+00> : vector<1000x128xf32>
    %dot_general3A_10 = tpu.matmul %get3A_1, %get3A_7, %dot_general3A_9 {dimension_numbers = #tpu.dot_dimension_numbers<[1], [1], [0], [0], [0, 0, 1, 0], [], []>, transpose_lhs_hint = false} : vector<1000x128xf32>, vector<128x128xf32>, vector<1000x128xf32> -> vector<1000x128xf32>
    %bitcast_convert_type3A = tpu.bitcast %dot_general3A_8 : vector<1000x128xf32> -> vector<1000x128xi32>
    %add3A = arith.constant 32767 : i32
    %add3A_11 = vector.broadcast %add3A : i32 to vector<1000x128xi32>
    %add3A_12 = arith.addi %bitcast_convert_type3A, %add3A_11 : vector<1000x128xi32>
    %shift_right_logical3A = arith.constant 16 : i32
    %shift_right_logical3A_13 = vector.broadcast %shift_right_logical3A : i32 to vector<1000x128xi32>
    %shift_right_logical3A_14 = arith.shrui %bitcast_convert_type3A, %shift_right_logical3A_13 : vector<1000x128xi32>
    %and3A = arith.constant 1 : i32
    %and3A_15 = vector.broadcast %and3A : i32 to vector<1000x128xi32>
    %and3A_16 = arith.andi %shift_right_logical3A_14, %and3A_15 : vector<1000x128xi32>
    %add3A_17 = arith.addi %add3A_12, %and3A_16 : vector<1000x128xi32>
    %shift_right_logical3A_18 = arith.constant 16 : i32
    %shift_right_logical3A_19 = vector.broadcast %shift_right_logical3A_18 : i32 to vector<1000x128xi32>
    %shift_right_logical3A_20 = arith.shrui %add3A_17, %shift_right_logical3A_19 : vector<1000x128xi32>
    %bitcast_convert_type3A_21 = tpu.bitcast %dot_general3A_10 : vector<1000x128xf32> -> vector<1000x128xi32>
    %add3A_22 = arith.constant 32767 : i32
    %add3A_23 = vector.broadcast %add3A_22 : i32 to vector<1000x128xi32>
    %add3A_24 = arith.addi %bitcast_convert_type3A_21, %add3A_23 : vector<1000x128xi32>
    %shift_right_logical3A_25 = arith.constant 16 : i32
    %shift_right_logical3A_26 = vector.broadcast %shift_right_logical3A_25 : i32 to vector<1000x128xi32>
    %shift_right_logical3A_27 = arith.shrui %bitcast_convert_type3A_21, %shift_right_logical3A_26 : vector<1000x128xi32>
    %and3A_28 = arith.constant 1 : i32
    %and3A_29 = vector.broadcast %and3A_28 : i32 to vector<1000x128xi32>
    %and3A_30 = arith.andi %shift_right_logical3A_27, %and3A_29 : vector<1000x128xi32>
    %add3A_31 = arith.addi %add3A_24, %and3A_30 : vector<1000x128xi32>
    %shift_right_logical3A_32 = arith.constant 16 : i32
    %shift_right_logical3A_33 = vector.broadcast %shift_right_logical3A_32 : i32 to vector<1000x128xi32>
    %shift_right_logical3A_34 = arith.shrui %add3A_31, %shift_right_logical3A_33 : vector<1000x128xi32>
    %shift_left3A = arith.constant 16 : i32
    %shift_left3A_35 = vector.broadcast %shift_left3A : i32 to vector<1000x128xi32>
    %shift_left3A_36 = arith.shli %shift_right_logical3A_34, %shift_left3A_35 : vector<1000x128xi32>
    %or3A = arith.ori %shift_right_logical3A_20, %shift_left3A_36 : vector<1000x128xi32>
    %bitcast_convert_type3A_37 = tpu.bitcast %or3A : vector<1000x128xi32> -> vector<1000x128xi32>
    %swap3A = arith.constant 0 : index
    %swap3A_38 = arith.constant 0 : index
    %swap3A_39 = vector.load %arg6[%swap3A, %swap3A_38] : memref<1000x128xi32, #tpu.memory_space<vmem>>, vector<1000x128xi32>
    tpu.vector_store %arg6[%swap3A, %swap3A_38], %bitcast_convert_type3A_37 {strides = array<i32>} : memref<1000x128xi32, #tpu.memory_space<vmem>>, vector<1000x128xi32>,
    %get3A_40 = arith.constant 0 : index
    %get3A_41 = arith.constant 0 : index
    %get3A_42 = vector.load %arg4[%get3A_40, %get3A_41] : memref<128x128xf32, #tpu.memory_space<vmem>>, vector<128x128xf32>
    %get3A_43 = arith.constant 0 : index
    %get3A_44 = arith.constant 0 : index
    %get3A_45 = vector.load %arg5[%get3A_43, %get3A_44] : memref<128x128xf32, #tpu.memory_space<vmem>>, vector<128x128xf32>
    %dot_general3A_46 = arith.constant dense<0.000000e+00> : vector<1000x128xf32>
    %dot_general3A_47 = tpu.matmul %get3A_1, %get3A_42, %dot_general3A_46 {dimension_numbers = #tpu.dot_dimension_numbers<[1], [1], [0], [0], [0, 0, 1, 0], [], []>, transpose_lhs_hint = false} : vector<1000x128xf32>, vector<128x128xf32>, vector<1000x128xf32> -> vector<1000x128xf32>
    %dot_general3A_48 = arith.constant dense<0.000000e+00> : vector<1000x128xf32>
    %dot_general3A_49 = tpu.matmul %get3A_1, %get3A_45, %dot_general3A_48 {dimension_numbers = #tpu.dot_dimension_numbers<[1], [1], [0], [0], [0, 0, 1, 0], [], []>, transpose_lhs_hint = false} : vector<1000x128xf32>, vector<128x128xf32>, vector<1000x128xf32> -> vector<1000x128xf32>
    %bitcast_convert_type3A_50 = tpu.bitcast %dot_general3A_47 : vector<1000x128xf32> -> vector<1000x128xi32>
    %add3A_51 = arith.constant 32767 : i32
    %add3A_52 = vector.broadcast %add3A_51 : i32 to vector<1000x128xi32>
    %add3A_53 = arith.addi %bitcast_convert_type3A_50, %add3A_52 : vector<1000x128xi32>
    %shift_right_logical3A_54 = arith.constant 16 : i32
    %shift_right_logical3A_55 = vector.broadcast %shift_right_logical3A_54 : i32 to vector<1000x128xi32>
    %shift_right_logical3A_56 = arith.shrui %bitcast_convert_type3A_50, %shift_right_logical3A_55 : vector<1000x128xi32>
    %and3A_57 = arith.constant 1 : i32
    %and3A_58 = vector.broadcast %and3A_57 : i32 to vector<1000x128xi32>
    %and3A_59 = arith.andi %shift_right_logical3A_56, %and3A_58 : vector<1000x128xi32>
    %add3A_60 = arith.addi %add3A_53, %and3A_59 : vector<1000x128xi32>
    %shift_right_logical3A_61 = arith.constant 16 : i32
    %shift_right_logical3A_62 = vector.broadcast %shift_right_logical3A_61 : i32 to vector<1000x128xi32>
    %shift_right_logical3A_63 = arith.shrui %add3A_60, %shift_right_logical3A_62 : vector<1000x128xi32>
    %bitcast_convert_type3A_64 = tpu.bitcast %dot_general3A_49 : vector<1000x128xf32> -> vector<1000x128xi32>
    %add3A_65 = arith.constant 32767 : i32
    %add3A_66 = vector.broadcast %add3A_65 : i32 to vector<1000x128xi32>
    %add3A_67 = arith.addi %bitcast_convert_type3A_64, %add3A_66 : vector<1000x128xi32>
    %shift_right_logical3A_68 = arith.constant 16 : i32
    %shift_right_logical3A_69 = vector.broadcast %shift_right_logical3A_68 : i32 to vector<1000x128xi32>
    %shift_right_logical3A_70 = arith.shrui %bitcast_convert_type3A_64, %shift_right_logical3A_69 : vector<1000x128xi32>
    %and3A_71 = arith.constant 1 : i32
    %and3A_72 = vector.broadcast %and3A_71 : i32 to vector<1000x128xi32>
    %and3A_73 = arith.andi %shift_right_logical3A_70, %and3A_72 : vector<1000x128xi32>
    %add3A_74 = arith.addi %add3A_67, %and3A_73 : vector<1000x128xi32>
    %shift_right_logical3A_75 = arith.constant 16 : i32
    %shift_right_logical3A_76 = vector.broadcast %shift_right_logical3A_75 : i32 to vector<1000x128xi32>
    %shift_right_logical3A_77 = arith.shrui %add3A_74, %shift_right_logical3A_76 : vector<1000x128xi32>
    %shift_left3A_78 = arith.constant 16 : i32
    %shift_left3A_79 = vector.broadcast %shift_left3A_78 : i32 to vector<1000x128xi32>
    %shift_left3A_80 = arith.shli %shift_right_logical3A_77, %shift_left3A_79 : vector<1000x128xi32>
    %or3A_81 = arith.ori %shift_right_logical3A_63, %shift_left3A_80 : vector<1000x128xi32>
    %bitcast_convert_type3A_82 = tpu.bitcast %or3A_81 : vector<1000x128xi32> -> vector<1000x128xi32>
    %swap3A_83 = arith.constant 0 : index
    %swap3A_84 = arith.constant 0 : index
    %swap3A_85 = vector.load %arg7[%swap3A_83, %swap3A_84] : memref<1000x128xi32, #tpu.memory_space<vmem>>, vector<1000x128xi32>
    tpu.vector_store %arg7[%swap3A_83, %swap3A_84], %bitcast_convert_type3A_82 {strides = array<i32>} : memref<1000x128xi32, #tpu.memory_space<vmem>>, vector<1000x128xi32>,
    return
  }
  func.func @transform_0(%arg0: i32) -> (i32, i32) {
    %c0_i32 = arith.constant 0 : i32
    %c0_i32_0 = arith.constant 0 : i32
    return %arg0, %c0_i32 : i32, i32
  }
  func.func @transform_1(%arg0: i32) -> (i32, i32) {
    %c0_i32 = arith.constant 0 : i32
    %c0_i32_0 = arith.constant 0 : i32
    %c0_i32_1 = arith.constant 0 : i32
    return %c0_i32, %c0_i32_0 : i32, i32
  }
  func.func @transform_2(%arg0: i32) -> (i32, i32) {
    %c0_i32 = arith.constant 0 : i32
    %c0_i32_0 = arith.constant 0 : i32
    %c0_i32_1 = arith.constant 0 : i32
    return %c0_i32, %c0_i32_0 : i32, i32
  }
  func.func @transform_3(%arg0: i32) -> (i32, i32) {
    %c0_i32 = arith.constant 0 : i32
    %c0_i32_0 = arith.constant 0 : i32
    %c0_i32_1 = arith.constant 0 : i32
    return %c0_i32, %c0_i32_0 : i32, i32
  }
  func.func @transform_4(%arg0: i32) -> (i32, i32) {
    %c0_i32 = arith.constant 0 : i32
    %c0_i32_0 = arith.constant 0 : i32
    %c0_i32_1 = arith.constant 0 : i32
    return %c0_i32, %c0_i32_0 : i32, i32
  }
  func.func @transform_5(%arg0: i32) -> (i32, i32) {
    %c0_i32 = arith.constant 0 : i32
    %c0_i32_0 = arith.constant 0 : i32
    return %arg0, %c0_i32 : i32, i32
  }
  func.func @transform_6(%arg0: i32) -> (i32, i32) {
    %c0_i32 = arith.constant 0 : i32
    %c0_i32_0 = arith.constant 0 : i32
    return %arg0, %c0_i32 : i32, i32
  }
}

module attributes {stable_mosaic.version = 14 : i64} {
  func.func @_stats_body(%arg0: i32, %arg1: memref<2000x128xi32, #tpu.memory_space<vmem>>, %arg2: memref<2000x128xi32, #tpu.memory_space<vmem>>, %arg3: memref<2000x16xf32, #tpu.memory_space<vmem>>, %arg4: memref<256x16xf32, #tpu.memory_space<vmem>>, %arg5: memref<1x256xf32, #tpu.memory_space<vmem>>, %arg6: memref<2x256xf32, #tpu.memory_space<vmem>>) attributes {dimension_semantics = [#tpu.dimension_semantics<arbitrary>], iteration_bounds = array<i64: 80>, scalar_prefetch = 0 : i64, scratch_operands = 0 : i64, tpu.core_type = #tpu.core_type<tc>, window_params = [{transform_indices = @transform_0, window_bounds = array<i64: 2000, 128>}, {transform_indices = @transform_1, window_bounds = array<i64: 2000, 128>}, {transform_indices = @transform_2, window_bounds = array<i64: 2000, 16>}, {pipeline_mode = #tpu.pipeline_mode<synchronous>, transform_indices = @transform_3, window_bounds = array<i64: 256, 16>}, {pipeline_mode = #tpu.pipeline_mode<synchronous>, transform_indices = @transform_4, window_bounds = array<i64: 1, 256>}, {pipeline_mode = #tpu.pipeline_mode<synchronous>, transform_indices = @transform_5, window_bounds = array<i64: 2, 256>}]} {
    %get3A = arith.constant 0 : index
    %get3A_0 = arith.constant 0 : index
    %get3A_1 = vector.load %arg3[%get3A, %get3A_0] : memref<2000x16xf32, #tpu.memory_space<vmem>>, vector<2000x16xf32>
    %get3A_2 = arith.constant 0 : index
    %get3A_3 = arith.constant 0 : index
    %get3A_4 = vector.load %arg4[%get3A_2, %get3A_3] : memref<256x16xf32, #tpu.memory_space<vmem>>, vector<256x16xf32>
    %dot_general3A = arith.constant dense<0.000000e+00> : vector<2000x256xf32>
    %dot_general3A_5 = tpu.matmul %get3A_1, %get3A_4, %dot_general3A {dimension_numbers = #tpu.dot_dimension_numbers<[1], [1], [0], [0], [0, 0, 1, 0], [], []>, transpose_lhs_hint = false} : vector<2000x16xf32>, vector<256x16xf32>, vector<2000x256xf32> -> vector<2000x256xf32>
    %get3A_6 = arith.constant 0 : index
    %get3A_7 = arith.constant 0 : index
    %get3A_8 = vector.load %arg1[%get3A_6, %get3A_7] : memref<2000x128xi32, #tpu.memory_space<vmem>>, vector<2000x128xi32>
    %bitcast_convert_type3A = tpu.bitcast %get3A_8 : vector<2000x128xi32> -> vector<2000x128xi32>
    %shift_left3A = arith.constant 16 : i32
    %shift_left3A_9 = vector.broadcast %shift_left3A : i32 to vector<2000x128xi32>
    %shift_left3A_10 = arith.shli %bitcast_convert_type3A, %shift_left3A_9 : vector<2000x128xi32>
    %bitcast_convert_type3A_11 = tpu.bitcast %shift_left3A_10 : vector<2000x128xi32> -> vector<2000x128xf32>
    %and3A = arith.constant -65536 : i32
    %and3A_12 = vector.broadcast %and3A : i32 to vector<2000x128xi32>
    %and3A_13 = arith.andi %bitcast_convert_type3A, %and3A_12 : vector<2000x128xi32>
    %bitcast_convert_type3A_14 = tpu.bitcast %and3A_13 : vector<2000x128xi32> -> vector<2000x128xf32>
    %concatenate3A = tpu.concatenate %bitcast_convert_type3A_11, %bitcast_convert_type3A_14 in 1 : vector<2000x128xf32>, vector<2000x128xf32> -> vector<2000x256xf32>
    %get3A_15 = arith.constant 0 : index
    %get3A_16 = arith.constant 0 : index
    %get3A_17 = vector.load %arg2[%get3A_15, %get3A_16] : memref<2000x128xi32, #tpu.memory_space<vmem>>, vector<2000x128xi32>
    %bitcast_convert_type3A_18 = tpu.bitcast %get3A_17 : vector<2000x128xi32> -> vector<2000x128xi32>
    %shift_left3A_19 = arith.constant 16 : i32
    %shift_left3A_20 = vector.broadcast %shift_left3A_19 : i32 to vector<2000x128xi32>
    %shift_left3A_21 = arith.shli %bitcast_convert_type3A_18, %shift_left3A_20 : vector<2000x128xi32>
    %bitcast_convert_type3A_22 = tpu.bitcast %shift_left3A_21 : vector<2000x128xi32> -> vector<2000x128xf32>
    %and3A_23 = arith.constant -65536 : i32
    %and3A_24 = vector.broadcast %and3A_23 : i32 to vector<2000x128xi32>
    %and3A_25 = arith.andi %bitcast_convert_type3A_18, %and3A_24 : vector<2000x128xi32>
    %bitcast_convert_type3A_26 = tpu.bitcast %and3A_25 : vector<2000x128xi32> -> vector<2000x128xf32>
    %concatenate3A_27 = tpu.concatenate %bitcast_convert_type3A_22, %bitcast_convert_type3A_26 in 1 : vector<2000x128xf32>, vector<2000x128xf32> -> vector<2000x256xf32>
    %add3A = arith.addf %concatenate3A, %concatenate3A_27 : vector<2000x256xf32>
    %add3A_28 = arith.addf %add3A, %dot_general3A_5 : vector<2000x256xf32>
    %get3A_29 = arith.constant 0 : index
    %get3A_30 = arith.constant 0 : index
    %get3A_31 = vector.load %arg5[%get3A_29, %get3A_30] : memref<1x256xf32, #tpu.memory_space<vmem>>, vector<1x256xf32>
    %add3A_32 = vector.broadcast %get3A_31 : vector<1x256xf32> to vector<2000x256xf32>
    %add3A_33 = arith.addf %add3A_28, %add3A_32 : vector<2000x256xf32>
    %reduce_sum3A = arith.constant dense<0.000000e+00> : vector<256xf32>
    %reduce_sum3A_34 = vector.multi_reduction <add>, %add3A_33, %reduce_sum3A [0] : vector<2000x256xf32> to vector<256xf32>
    %broadcast_in_dim3A = vector.shape_cast %reduce_sum3A_34 : vector<256xf32> to vector<1x256xf32>
    %mul3A = arith.mulf %add3A_33, %add3A_33 : vector<2000x256xf32>
    %reduce_sum3A_35 = arith.constant dense<0.000000e+00> : vector<256xf32>
    %reduce_sum3A_36 = vector.multi_reduction <add>, %mul3A, %reduce_sum3A_35 [0] : vector<2000x256xf32> to vector<256xf32>
    %broadcast_in_dim3A_37 = vector.shape_cast %reduce_sum3A_36 : vector<256xf32> to vector<1x256xf32>
    %concatenate3A_38 = tpu.concatenate %broadcast_in_dim3A, %broadcast_in_dim3A_37 in 0 : vector<1x256xf32>, vector<1x256xf32> -> vector<2x256xf32>
    %eq3A = arith.constant 0 : i32
    %eq3A_39 = arith.cmpi eq, %arg0, %eq3A : i32
    %convert_element_type3A = arith.extui %eq3A_39 : i1 to i32
    %cond3A = arith.constant 0 : i32
    %cond3A_40 = arith.cmpi ne, %convert_element_type3A, %cond3A : i32
    scf.if %cond3A_40 {
      %swap3A = arith.constant 0 : index
      %swap3A_45 = arith.constant 0 : index
      %swap3A_46 = vector.load %arg6[%swap3A, %swap3A_45] : memref<2x256xf32, #tpu.memory_space<vmem>>, vector<2x256xf32>
      tpu.vector_store %arg6[%swap3A, %swap3A_45], %concatenate3A_38 {strides = array<i32>} : memref<2x256xf32, #tpu.memory_space<vmem>>, vector<2x256xf32>,
    } else {
    }
    %gt3A = arith.constant 0 : i32
    %gt3A_41 = arith.cmpi sgt, %arg0, %gt3A : i32
    %convert_element_type3A_42 = arith.extui %gt3A_41 : i1 to i32
    %cond3A_43 = arith.constant 0 : i32
    %cond3A_44 = arith.cmpi ne, %convert_element_type3A_42, %cond3A_43 : i32
    scf.if %cond3A_44 {
      %get3A_45 = arith.constant 0 : index
      %get3A_46 = arith.constant 0 : index
      %get3A_47 = vector.load %arg6[%get3A_45, %get3A_46] : memref<2x256xf32, #tpu.memory_space<vmem>>, vector<2x256xf32>
      %add3A_48 = arith.addf %get3A_47, %concatenate3A_38 : vector<2x256xf32>
      %swap3A = arith.constant 0 : index
      %swap3A_49 = arith.constant 0 : index
      %swap3A_50 = vector.load %arg6[%swap3A, %swap3A_49] : memref<2x256xf32, #tpu.memory_space<vmem>>, vector<2x256xf32>
      tpu.vector_store %arg6[%swap3A, %swap3A_49], %add3A_48 {strides = array<i32>} : memref<2x256xf32, #tpu.memory_space<vmem>>, vector<2x256xf32>,
    } else {
    }
    return
  }
  func.func @transform_0(%arg0: i32) -> (i32, i32) {
    %c0_i32 = arith.constant 0 : i32
    %c0_i32_0 = arith.constant 0 : i32
    return %arg0, %c0_i32 : i32, i32
  }
  func.func @transform_1(%arg0: i32) -> (i32, i32) {
    %c0_i32 = arith.constant 0 : i32
    %c0_i32_0 = arith.constant 0 : i32
    return %arg0, %c0_i32 : i32, i32
  }
  func.func @transform_2(%arg0: i32) -> (i32, i32) {
    %add3A = arith.constant 80 : i32
    %add3A_0 = arith.addi %arg0, %add3A : i32
    %c0_i32 = arith.constant 0 : i32
    %c0_i32_1 = arith.constant 0 : i32
    return %add3A_0, %c0_i32 : i32, i32
  }
  func.func @transform_3(%arg0: i32) -> (i32, i32) {
    %c0_i32 = arith.constant 0 : i32
    %c0_i32_0 = arith.constant 0 : i32
    %c0_i32_1 = arith.constant 0 : i32
    return %c0_i32, %c0_i32_0 : i32, i32
  }
  func.func @transform_4(%arg0: i32) -> (i32, i32) {
    %c0_i32 = arith.constant 0 : i32
    %c0_i32_0 = arith.constant 0 : i32
    %c0_i32_1 = arith.constant 0 : i32
    return %c0_i32, %c0_i32_0 : i32, i32
  }
  func.func @transform_5(%arg0: i32) -> (i32, i32) {
    %c0_i32 = arith.constant 0 : i32
    %c0_i32_0 = arith.constant 0 : i32
    %c0_i32_1 = arith.constant 0 : i32
    return %c0_i32, %c0_i32_0 : i32, i32
  }
}

module attributes {stable_mosaic.version = 14 : i64} {
  func.func @_stats_body(%arg0: i32, %arg1: memref<2000x128xi32, #tpu.memory_space<vmem>>, %arg2: memref<2000x128xi32, #tpu.memory_space<vmem>>, %arg3: memref<2000x16xf32, #tpu.memory_space<vmem>>, %arg4: memref<256x16xf32, #tpu.memory_space<vmem>>, %arg5: memref<1x256xf32, #tpu.memory_space<vmem>>, %arg6: memref<2x256xf32, #tpu.memory_space<vmem>>) attributes {dimension_semantics = [#tpu.dimension_semantics<arbitrary>], iteration_bounds = array<i64: 80>, scalar_prefetch = 0 : i64, scratch_operands = 0 : i64, tpu.core_type = #tpu.core_type<tc>, window_params = [{transform_indices = @transform_0, window_bounds = array<i64: 2000, 128>}, {transform_indices = @transform_1, window_bounds = array<i64: 2000, 128>}, {transform_indices = @transform_2, window_bounds = array<i64: 2000, 16>}, {pipeline_mode = #tpu.pipeline_mode<synchronous>, transform_indices = @transform_3, window_bounds = array<i64: 256, 16>}, {pipeline_mode = #tpu.pipeline_mode<synchronous>, transform_indices = @transform_4, window_bounds = array<i64: 1, 256>}, {pipeline_mode = #tpu.pipeline_mode<synchronous>, transform_indices = @transform_5, window_bounds = array<i64: 2, 256>}]} {
    %get3A = arith.constant 0 : index
    %get3A_0 = arith.constant 0 : index
    %get3A_1 = vector.load %arg3[%get3A, %get3A_0] : memref<2000x16xf32, #tpu.memory_space<vmem>>, vector<2000x16xf32>
    %get3A_2 = arith.constant 0 : index
    %get3A_3 = arith.constant 0 : index
    %get3A_4 = vector.load %arg4[%get3A_2, %get3A_3] : memref<256x16xf32, #tpu.memory_space<vmem>>, vector<256x16xf32>
    %dot_general3A = arith.constant dense<0.000000e+00> : vector<2000x256xf32>
    %dot_general3A_5 = tpu.matmul %get3A_1, %get3A_4, %dot_general3A {dimension_numbers = #tpu.dot_dimension_numbers<[1], [1], [0], [0], [0, 0, 1, 0], [], []>, transpose_lhs_hint = false} : vector<2000x16xf32>, vector<256x16xf32>, vector<2000x256xf32> -> vector<2000x256xf32>
    %get3A_6 = arith.constant 0 : index
    %get3A_7 = arith.constant 0 : index
    %get3A_8 = vector.load %arg1[%get3A_6, %get3A_7] : memref<2000x128xi32, #tpu.memory_space<vmem>>, vector<2000x128xi32>
    %bitcast_convert_type3A = tpu.bitcast %get3A_8 : vector<2000x128xi32> -> vector<2000x128xi32>
    %shift_left3A = arith.constant 16 : i32
    %shift_left3A_9 = vector.broadcast %shift_left3A : i32 to vector<2000x128xi32>
    %shift_left3A_10 = arith.shli %bitcast_convert_type3A, %shift_left3A_9 : vector<2000x128xi32>
    %bitcast_convert_type3A_11 = tpu.bitcast %shift_left3A_10 : vector<2000x128xi32> -> vector<2000x128xf32>
    %and3A = arith.constant -65536 : i32
    %and3A_12 = vector.broadcast %and3A : i32 to vector<2000x128xi32>
    %and3A_13 = arith.andi %bitcast_convert_type3A, %and3A_12 : vector<2000x128xi32>
    %bitcast_convert_type3A_14 = tpu.bitcast %and3A_13 : vector<2000x128xi32> -> vector<2000x128xf32>
    %concatenate3A = tpu.concatenate %bitcast_convert_type3A_11, %bitcast_convert_type3A_14 in 1 : vector<2000x128xf32>, vector<2000x128xf32> -> vector<2000x256xf32>
    %get3A_15 = arith.constant 0 : index
    %get3A_16 = arith.constant 0 : index
    %get3A_17 = vector.load %arg2[%get3A_15, %get3A_16] : memref<2000x128xi32, #tpu.memory_space<vmem>>, vector<2000x128xi32>
    %bitcast_convert_type3A_18 = tpu.bitcast %get3A_17 : vector<2000x128xi32> -> vector<2000x128xi32>
    %shift_left3A_19 = arith.constant 16 : i32
    %shift_left3A_20 = vector.broadcast %shift_left3A_19 : i32 to vector<2000x128xi32>
    %shift_left3A_21 = arith.shli %bitcast_convert_type3A_18, %shift_left3A_20 : vector<2000x128xi32>
    %bitcast_convert_type3A_22 = tpu.bitcast %shift_left3A_21 : vector<2000x128xi32> -> vector<2000x128xf32>
    %and3A_23 = arith.constant -65536 : i32
    %and3A_24 = vector.broadcast %and3A_23 : i32 to vector<2000x128xi32>
    %and3A_25 = arith.andi %bitcast_convert_type3A_18, %and3A_24 : vector<2000x128xi32>
    %bitcast_convert_type3A_26 = tpu.bitcast %and3A_25 : vector<2000x128xi32> -> vector<2000x128xf32>
    %concatenate3A_27 = tpu.concatenate %bitcast_convert_type3A_22, %bitcast_convert_type3A_26 in 1 : vector<2000x128xf32>, vector<2000x128xf32> -> vector<2000x256xf32>
    %add3A = arith.addf %concatenate3A, %concatenate3A_27 : vector<2000x256xf32>
    %add3A_28 = arith.addf %add3A, %dot_general3A_5 : vector<2000x256xf32>
    %get3A_29 = arith.constant 0 : index
    %get3A_30 = arith.constant 0 : index
    %get3A_31 = vector.load %arg5[%get3A_29, %get3A_30] : memref<1x256xf32, #tpu.memory_space<vmem>>, vector<1x256xf32>
    %add3A_32 = vector.broadcast %get3A_31 : vector<1x256xf32> to vector<2000x256xf32>
    %add3A_33 = arith.addf %add3A_28, %add3A_32 : vector<2000x256xf32>
    %reduce_sum3A = arith.constant dense<0.000000e+00> : vector<256xf32>
    %reduce_sum3A_34 = vector.multi_reduction <add>, %add3A_33, %reduce_sum3A [0] : vector<2000x256xf32> to vector<256xf32>
    %broadcast_in_dim3A = vector.shape_cast %reduce_sum3A_34 : vector<256xf32> to vector<1x256xf32>
    %mul3A = arith.mulf %add3A_33, %add3A_33 : vector<2000x256xf32>
    %reduce_sum3A_35 = arith.constant dense<0.000000e+00> : vector<256xf32>
    %reduce_sum3A_36 = vector.multi_reduction <add>, %mul3A, %reduce_sum3A_35 [0] : vector<2000x256xf32> to vector<256xf32>
    %broadcast_in_dim3A_37 = vector.shape_cast %reduce_sum3A_36 : vector<256xf32> to vector<1x256xf32>
    %concatenate3A_38 = tpu.concatenate %broadcast_in_dim3A, %broadcast_in_dim3A_37 in 0 : vector<1x256xf32>, vector<1x256xf32> -> vector<2x256xf32>
    %eq3A = arith.constant 0 : i32
    %eq3A_39 = arith.cmpi eq, %arg0, %eq3A : i32
    %convert_element_type3A = arith.extui %eq3A_39 : i1 to i32
    %cond3A = arith.constant 0 : i32
    %cond3A_40 = arith.cmpi ne, %convert_element_type3A, %cond3A : i32
    scf.if %cond3A_40 {
      %swap3A = arith.constant 0 : index
      %swap3A_45 = arith.constant 0 : index
      %swap3A_46 = vector.load %arg6[%swap3A, %swap3A_45] : memref<2x256xf32, #tpu.memory_space<vmem>>, vector<2x256xf32>
      tpu.vector_store %arg6[%swap3A, %swap3A_45], %concatenate3A_38 {strides = array<i32>} : memref<2x256xf32, #tpu.memory_space<vmem>>, vector<2x256xf32>,
    } else {
    }
    %gt3A = arith.constant 0 : i32
    %gt3A_41 = arith.cmpi sgt, %arg0, %gt3A : i32
    %convert_element_type3A_42 = arith.extui %gt3A_41 : i1 to i32
    %cond3A_43 = arith.constant 0 : i32
    %cond3A_44 = arith.cmpi ne, %convert_element_type3A_42, %cond3A_43 : i32
    scf.if %cond3A_44 {
      %get3A_45 = arith.constant 0 : index
      %get3A_46 = arith.constant 0 : index
      %get3A_47 = vector.load %arg6[%get3A_45, %get3A_46] : memref<2x256xf32, #tpu.memory_space<vmem>>, vector<2x256xf32>
      %add3A_48 = arith.addf %get3A_47, %concatenate3A_38 : vector<2x256xf32>
      %swap3A = arith.constant 0 : index
      %swap3A_49 = arith.constant 0 : index
      %swap3A_50 = vector.load %arg6[%swap3A, %swap3A_49] : memref<2x256xf32, #tpu.memory_space<vmem>>, vector<2x256xf32>
      tpu.vector_store %arg6[%swap3A, %swap3A_49], %add3A_48 {strides = array<i32>} : memref<2x256xf32, #tpu.memory_space<vmem>>, vector<2x256xf32>,
    } else {
    }
    return
  }
  func.func @transform_0(%arg0: i32) -> (i32, i32) {
    %c0_i32 = arith.constant 0 : i32
    %c0_i32_0 = arith.constant 0 : i32
    return %arg0, %c0_i32 : i32, i32
  }
  func.func @transform_1(%arg0: i32) -> (i32, i32) {
    %c0_i32 = arith.constant 0 : i32
    %c0_i32_0 = arith.constant 0 : i32
    return %arg0, %c0_i32 : i32, i32
  }
  func.func @transform_2(%arg0: i32) -> (i32, i32) {
    %add3A = arith.constant 0 : i32
    %add3A_0 = arith.addi %arg0, %add3A : i32
    %c0_i32 = arith.constant 0 : i32
    %c0_i32_1 = arith.constant 0 : i32
    return %add3A_0, %c0_i32 : i32, i32
  }
  func.func @transform_3(%arg0: i32) -> (i32, i32) {
    %c0_i32 = arith.constant 0 : i32
    %c0_i32_0 = arith.constant 0 : i32
    %c0_i32_1 = arith.constant 0 : i32
    return %c0_i32, %c0_i32_0 : i32, i32
  }
  func.func @transform_4(%arg0: i32) -> (i32, i32) {
    %c0_i32 = arith.constant 0 : i32
    %c0_i32_0 = arith.constant 0 : i32
    %c0_i32_1 = arith.constant 0 : i32
    return %c0_i32, %c0_i32_0 : i32, i32
  }
  func.func @transform_5(%arg0: i32) -> (i32, i32) {
    %c0_i32 = arith.constant 0 : i32
    %c0_i32_0 = arith.constant 0 : i32
    %c0_i32_1 = arith.constant 0 : i32
    return %c0_i32, %c0_i32_0 : i32, i32
  }
}

module attributes {stable_mosaic.version = 14 : i64} {
  func.func @_normact_body(%arg0: i32, %arg1: memref<2000x128xi32, #tpu.memory_space<vmem>>, %arg2: memref<2000x128xi32, #tpu.memory_space<vmem>>, %arg3: memref<2000x16xf32, #tpu.memory_space<vmem>>, %arg4: memref<256x16xf32, #tpu.memory_space<vmem>>, %arg5: memref<1x256xf32, #tpu.memory_space<vmem>>, %arg6: memref<1x256xf32, #tpu.memory_space<vmem>>, %arg7: memref<2000x128xf32, #tpu.memory_space<vmem>>) attributes {dimension_semantics = [#tpu.dimension_semantics<arbitrary>], iteration_bounds = array<i64: 80>, scalar_prefetch = 0 : i64, scratch_operands = 0 : i64, tpu.core_type = #tpu.core_type<tc>, window_params = [{transform_indices = @transform_0, window_bounds = array<i64: 2000, 128>}, {transform_indices = @transform_1, window_bounds = array<i64: 2000, 128>}, {transform_indices = @transform_2, window_bounds = array<i64: 2000, 16>}, {pipeline_mode = #tpu.pipeline_mode<synchronous>, transform_indices = @transform_3, window_bounds = array<i64: 256, 16>}, {pipeline_mode = #tpu.pipeline_mode<synchronous>, transform_indices = @transform_4, window_bounds = array<i64: 1, 256>}, {pipeline_mode = #tpu.pipeline_mode<synchronous>, transform_indices = @transform_5, window_bounds = array<i64: 1, 256>}, {transform_indices = @transform_6, window_bounds = array<i64: 2000, 128>}]} {
    %get3A = arith.constant 0 : index
    %get3A_0 = arith.constant 0 : index
    %get3A_1 = vector.load %arg3[%get3A, %get3A_0] : memref<2000x16xf32, #tpu.memory_space<vmem>>, vector<2000x16xf32>
    %get3A_2 = arith.constant 0 : index
    %get3A_3 = arith.constant 0 : index
    %get3A_4 = vector.load %arg4[%get3A_2, %get3A_3] : memref<256x16xf32, #tpu.memory_space<vmem>>, vector<256x16xf32>
    %dot_general3A = arith.constant dense<0.000000e+00> : vector<2000x256xf32>
    %dot_general3A_5 = tpu.matmul %get3A_1, %get3A_4, %dot_general3A {dimension_numbers = #tpu.dot_dimension_numbers<[1], [1], [0], [0], [0, 0, 1, 0], [], []>, transpose_lhs_hint = false} : vector<2000x16xf32>, vector<256x16xf32>, vector<2000x256xf32> -> vector<2000x256xf32>
    %get3A_6 = arith.constant 0 : index
    %get3A_7 = arith.constant 0 : index
    %get3A_8 = vector.load %arg1[%get3A_6, %get3A_7] : memref<2000x128xi32, #tpu.memory_space<vmem>>, vector<2000x128xi32>
    %bitcast_convert_type3A = tpu.bitcast %get3A_8 : vector<2000x128xi32> -> vector<2000x128xi32>
    %shift_left3A = arith.constant 16 : i32
    %shift_left3A_9 = vector.broadcast %shift_left3A : i32 to vector<2000x128xi32>
    %shift_left3A_10 = arith.shli %bitcast_convert_type3A, %shift_left3A_9 : vector<2000x128xi32>
    %bitcast_convert_type3A_11 = tpu.bitcast %shift_left3A_10 : vector<2000x128xi32> -> vector<2000x128xf32>
    %and3A = arith.constant -65536 : i32
    %and3A_12 = vector.broadcast %and3A : i32 to vector<2000x128xi32>
    %and3A_13 = arith.andi %bitcast_convert_type3A, %and3A_12 : vector<2000x128xi32>
    %bitcast_convert_type3A_14 = tpu.bitcast %and3A_13 : vector<2000x128xi32> -> vector<2000x128xf32>
    %concatenate3A = tpu.concatenate %bitcast_convert_type3A_11, %bitcast_convert_type3A_14 in 1 : vector<2000x128xf32>, vector<2000x128xf32> -> vector<2000x256xf32>
    %get3A_15 = arith.constant 0 : index
    %get3A_16 = arith.constant 0 : index
    %get3A_17 = vector.load %arg2[%get3A_15, %get3A_16] : memref<2000x128xi32, #tpu.memory_space<vmem>>, vector<2000x128xi32>
    %bitcast_convert_type3A_18 = tpu.bitcast %get3A_17 : vector<2000x128xi32> -> vector<2000x128xi32>
    %shift_left3A_19 = arith.constant 16 : i32
    %shift_left3A_20 = vector.broadcast %shift_left3A_19 : i32 to vector<2000x128xi32>
    %shift_left3A_21 = arith.shli %bitcast_convert_type3A_18, %shift_left3A_20 : vector<2000x128xi32>
    %bitcast_convert_type3A_22 = tpu.bitcast %shift_left3A_21 : vector<2000x128xi32> -> vector<2000x128xf32>
    %and3A_23 = arith.constant -65536 : i32
    %and3A_24 = vector.broadcast %and3A_23 : i32 to vector<2000x128xi32>
    %and3A_25 = arith.andi %bitcast_convert_type3A_18, %and3A_24 : vector<2000x128xi32>
    %bitcast_convert_type3A_26 = tpu.bitcast %and3A_25 : vector<2000x128xi32> -> vector<2000x128xf32>
    %concatenate3A_27 = tpu.concatenate %bitcast_convert_type3A_22, %bitcast_convert_type3A_26 in 1 : vector<2000x128xf32>, vector<2000x128xf32> -> vector<2000x256xf32>
    %add3A = arith.addf %concatenate3A, %concatenate3A_27 : vector<2000x256xf32>
    %add3A_28 = arith.addf %add3A, %dot_general3A_5 : vector<2000x256xf32>
    %get3A_29 = arith.constant 0 : index
    %get3A_30 = arith.constant 0 : index
    %get3A_31 = vector.load %arg5[%get3A_29, %get3A_30] : memref<1x256xf32, #tpu.memory_space<vmem>>, vector<1x256xf32>
    %mul3A = vector.broadcast %get3A_31 : vector<1x256xf32> to vector<2000x256xf32>
    %mul3A_32 = arith.mulf %add3A_28, %mul3A : vector<2000x256xf32>
    %get3A_33 = arith.constant 0 : index
    %get3A_34 = arith.constant 0 : index
    %get3A_35 = vector.load %arg6[%get3A_33, %get3A_34] : memref<1x256xf32, #tpu.memory_space<vmem>>, vector<1x256xf32>
    %add3A_36 = vector.broadcast %get3A_35 : vector<1x256xf32> to vector<2000x256xf32>
    %add3A_37 = arith.addf %mul3A_32, %add3A_36 : vector<2000x256xf32>
    %slice3A = vector.extract_strided_slice %add3A_37 {offsets = [0, 0], sizes = [2000, 64], strides = [1, 1]} : vector<2000x256xf32> to vector<2000x64xf32>
    %slice3A_38 = vector.extract_strided_slice %add3A_37 {offsets = [0, 128], sizes = [2000, 64], strides = [1, 1]} : vector<2000x256xf32> to vector<2000x64xf32>
    %concatenate3A_39 = tpu.concatenate %slice3A, %slice3A_38 in 1 : vector<2000x64xf32>, vector<2000x64xf32> -> vector<2000x128xf32>
    %slice3A_40 = vector.extract_strided_slice %add3A_37 {offsets = [0, 64], sizes = [2000, 64], strides = [1, 1]} : vector<2000x256xf32> to vector<2000x64xf32>
    %slice3A_41 = vector.extract_strided_slice %add3A_37 {offsets = [0, 192], sizes = [2000, 64], strides = [1, 1]} : vector<2000x256xf32> to vector<2000x64xf32>
    %concatenate3A_42 = tpu.concatenate %slice3A_40, %slice3A_41 in 1 : vector<2000x64xf32>, vector<2000x64xf32> -> vector<2000x128xf32>
    %abs3A = math.absf %concatenate3A_39 : vector<2000x128xf32>
    %neg3A = arith.constant 0.000000e+00 : f32
    %neg3A_43 = vector.broadcast %neg3A : f32 to vector<2000x128xf32>
    %neg3A_44 = arith.subf %neg3A_43, %abs3A : vector<2000x128xf32>
    %exp3A = math.exp %neg3A_44 : vector<2000x128xf32>
    %ge3A = arith.constant 0.000000e+00 : f32
    %ge3A_45 = vector.broadcast %ge3A : f32 to vector<2000x128xf32>
    %ge3A_46 = arith.cmpf oge, %concatenate3A_39, %ge3A_45 : vector<2000x128xf32>
    %add3A_47 = arith.constant 1.000000e+00 : f32
    %add3A_48 = vector.broadcast %add3A_47 : f32 to vector<2000x128xf32>
    %add3A_49 = arith.addf %add3A_48, %exp3A : vector<2000x128xf32>
    %div3A = arith.constant 1.000000e+00 : f32
    %div3A_50 = vector.broadcast %div3A : f32 to vector<2000x128xf32>
    %div3A_51 = arith.divf %div3A_50, %add3A_49 : vector<2000x128xf32>
    %add3A_52 = arith.constant 1.000000e+00 : f32
    %add3A_53 = vector.broadcast %add3A_52 : f32 to vector<2000x128xf32>
    %add3A_54 = arith.addf %add3A_53, %exp3A : vector<2000x128xf32>
    %div3A_55 = arith.divf %exp3A, %add3A_54 : vector<2000x128xf32>
    %select_n3A = arith.select %ge3A_46, %div3A_51, %div3A_55 : vector<2000x128xi1>, vector<2000x128xf32>
    %max3A = arith.constant 0.000000e+00 : f32
    %max3A_56 = vector.broadcast %max3A : f32 to vector<2000x128xf32>
    %max3A_57 = arith.maximumf %concatenate3A_42, %max3A_56 : vector<2000x128xf32>
    %abs3A_58 = math.absf %concatenate3A_42 : vector<2000x128xf32>
    %neg3A_59 = arith.constant 0.000000e+00 : f32
    %neg3A_60 = vector.broadcast %neg3A_59 : f32 to vector<2000x128xf32>
    %neg3A_61 = arith.subf %neg3A_60, %abs3A_58 : vector<2000x128xf32>
    %exp3A_62 = math.exp %neg3A_61 : vector<2000x128xf32>
    %add3A_63 = arith.constant 1.000000e+00 : f32
    %add3A_64 = vector.broadcast %add3A_63 : f32 to vector<2000x128xf32>
    %add3A_65 = arith.addf %add3A_64, %exp3A_62 : vector<2000x128xf32>
    %log3A = math.log %add3A_65 : vector<2000x128xf32>
    %add3A_66 = arith.addf %max3A_57, %log3A : vector<2000x128xf32>
    %mul3A_67 = arith.mulf %select_n3A, %add3A_66 : vector<2000x128xf32>
    %swap3A = arith.constant 0 : index
    %swap3A_68 = arith.constant 0 : index
    %swap3A_69 = vector.load %arg7[%swap3A, %swap3A_68] : memref<2000x128xf32, #tpu.memory_space<vmem>>, vector<2000x128xf32>
    tpu.vector_store %arg7[%swap3A, %swap3A_68], %mul3A_67 {strides = array<i32>} : memref<2000x128xf32, #tpu.memory_space<vmem>>, vector<2000x128xf32>,
    return
  }
  func.func @transform_0(%arg0: i32) -> (i32, i32) {
    %c0_i32 = arith.constant 0 : i32
    %c0_i32_0 = arith.constant 0 : i32
    return %arg0, %c0_i32 : i32, i32
  }
  func.func @transform_1(%arg0: i32) -> (i32, i32) {
    %c0_i32 = arith.constant 0 : i32
    %c0_i32_0 = arith.constant 0 : i32
    return %arg0, %c0_i32 : i32, i32
  }
  func.func @transform_2(%arg0: i32) -> (i32, i32) {
    %add3A = arith.constant 80 : i32
    %add3A_0 = arith.addi %arg0, %add3A : i32
    %c0_i32 = arith.constant 0 : i32
    %c0_i32_1 = arith.constant 0 : i32
    return %add3A_0, %c0_i32 : i32, i32
  }
  func.func @transform_3(%arg0: i32) -> (i32, i32) {
    %c0_i32 = arith.constant 0 : i32
    %c0_i32_0 = arith.constant 0 : i32
    %c0_i32_1 = arith.constant 0 : i32
    return %c0_i32, %c0_i32_0 : i32, i32
  }
  func.func @transform_4(%arg0: i32) -> (i32, i32) {
    %c0_i32 = arith.constant 0 : i32
    %c0_i32_0 = arith.constant 0 : i32
    %c0_i32_1 = arith.constant 0 : i32
    return %c0_i32, %c0_i32_0 : i32, i32
  }
  func.func @transform_5(%arg0: i32) -> (i32, i32) {
    %c0_i32 = arith.constant 0 : i32
    %c0_i32_0 = arith.constant 0 : i32
    %c0_i32_1 = arith.constant 0 : i32
    return %c0_i32, %c0_i32_0 : i32, i32
  }
  func.func @transform_6(%arg0: i32) -> (i32, i32) {
    %c0_i32 = arith.constant 0 : i32
    %c0_i32_0 = arith.constant 0 : i32
    return %arg0, %c0_i32 : i32, i32
  }
}

module attributes {stable_mosaic.version = 14 : i64} {
  func.func @_normact_body(%arg0: i32, %arg1: memref<2000x128xi32, #tpu.memory_space<vmem>>, %arg2: memref<2000x128xi32, #tpu.memory_space<vmem>>, %arg3: memref<2000x16xf32, #tpu.memory_space<vmem>>, %arg4: memref<256x16xf32, #tpu.memory_space<vmem>>, %arg5: memref<1x256xf32, #tpu.memory_space<vmem>>, %arg6: memref<1x256xf32, #tpu.memory_space<vmem>>, %arg7: memref<2000x128xf32, #tpu.memory_space<vmem>>) attributes {dimension_semantics = [#tpu.dimension_semantics<arbitrary>], iteration_bounds = array<i64: 80>, scalar_prefetch = 0 : i64, scratch_operands = 0 : i64, tpu.core_type = #tpu.core_type<tc>, window_params = [{transform_indices = @transform_0, window_bounds = array<i64: 2000, 128>}, {transform_indices = @transform_1, window_bounds = array<i64: 2000, 128>}, {transform_indices = @transform_2, window_bounds = array<i64: 2000, 16>}, {pipeline_mode = #tpu.pipeline_mode<synchronous>, transform_indices = @transform_3, window_bounds = array<i64: 256, 16>}, {pipeline_mode = #tpu.pipeline_mode<synchronous>, transform_indices = @transform_4, window_bounds = array<i64: 1, 256>}, {pipeline_mode = #tpu.pipeline_mode<synchronous>, transform_indices = @transform_5, window_bounds = array<i64: 1, 256>}, {transform_indices = @transform_6, window_bounds = array<i64: 2000, 128>}]} {
    %get3A = arith.constant 0 : index
    %get3A_0 = arith.constant 0 : index
    %get3A_1 = vector.load %arg3[%get3A, %get3A_0] : memref<2000x16xf32, #tpu.memory_space<vmem>>, vector<2000x16xf32>
    %get3A_2 = arith.constant 0 : index
    %get3A_3 = arith.constant 0 : index
    %get3A_4 = vector.load %arg4[%get3A_2, %get3A_3] : memref<256x16xf32, #tpu.memory_space<vmem>>, vector<256x16xf32>
    %dot_general3A = arith.constant dense<0.000000e+00> : vector<2000x256xf32>
    %dot_general3A_5 = tpu.matmul %get3A_1, %get3A_4, %dot_general3A {dimension_numbers = #tpu.dot_dimension_numbers<[1], [1], [0], [0], [0, 0, 1, 0], [], []>, transpose_lhs_hint = false} : vector<2000x16xf32>, vector<256x16xf32>, vector<2000x256xf32> -> vector<2000x256xf32>
    %get3A_6 = arith.constant 0 : index
    %get3A_7 = arith.constant 0 : index
    %get3A_8 = vector.load %arg1[%get3A_6, %get3A_7] : memref<2000x128xi32, #tpu.memory_space<vmem>>, vector<2000x128xi32>
    %bitcast_convert_type3A = tpu.bitcast %get3A_8 : vector<2000x128xi32> -> vector<2000x128xi32>
    %shift_left3A = arith.constant 16 : i32
    %shift_left3A_9 = vector.broadcast %shift_left3A : i32 to vector<2000x128xi32>
    %shift_left3A_10 = arith.shli %bitcast_convert_type3A, %shift_left3A_9 : vector<2000x128xi32>
    %bitcast_convert_type3A_11 = tpu.bitcast %shift_left3A_10 : vector<2000x128xi32> -> vector<2000x128xf32>
    %and3A = arith.constant -65536 : i32
    %and3A_12 = vector.broadcast %and3A : i32 to vector<2000x128xi32>
    %and3A_13 = arith.andi %bitcast_convert_type3A, %and3A_12 : vector<2000x128xi32>
    %bitcast_convert_type3A_14 = tpu.bitcast %and3A_13 : vector<2000x128xi32> -> vector<2000x128xf32>
    %concatenate3A = tpu.concatenate %bitcast_convert_type3A_11, %bitcast_convert_type3A_14 in 1 : vector<2000x128xf32>, vector<2000x128xf32> -> vector<2000x256xf32>
    %get3A_15 = arith.constant 0 : index
    %get3A_16 = arith.constant 0 : index
    %get3A_17 = vector.load %arg2[%get3A_15, %get3A_16] : memref<2000x128xi32, #tpu.memory_space<vmem>>, vector<2000x128xi32>
    %bitcast_convert_type3A_18 = tpu.bitcast %get3A_17 : vector<2000x128xi32> -> vector<2000x128xi32>
    %shift_left3A_19 = arith.constant 16 : i32
    %shift_left3A_20 = vector.broadcast %shift_left3A_19 : i32 to vector<2000x128xi32>
    %shift_left3A_21 = arith.shli %bitcast_convert_type3A_18, %shift_left3A_20 : vector<2000x128xi32>
    %bitcast_convert_type3A_22 = tpu.bitcast %shift_left3A_21 : vector<2000x128xi32> -> vector<2000x128xf32>
    %and3A_23 = arith.constant -65536 : i32
    %and3A_24 = vector.broadcast %and3A_23 : i32 to vector<2000x128xi32>
    %and3A_25 = arith.andi %bitcast_convert_type3A_18, %and3A_24 : vector<2000x128xi32>
    %bitcast_convert_type3A_26 = tpu.bitcast %and3A_25 : vector<2000x128xi32> -> vector<2000x128xf32>
    %concatenate3A_27 = tpu.concatenate %bitcast_convert_type3A_22, %bitcast_convert_type3A_26 in 1 : vector<2000x128xf32>, vector<2000x128xf32> -> vector<2000x256xf32>
    %add3A = arith.addf %concatenate3A, %concatenate3A_27 : vector<2000x256xf32>
    %add3A_28 = arith.addf %add3A, %dot_general3A_5 : vector<2000x256xf32>
    %get3A_29 = arith.constant 0 : index
    %get3A_30 = arith.constant 0 : index
    %get3A_31 = vector.load %arg5[%get3A_29, %get3A_30] : memref<1x256xf32, #tpu.memory_space<vmem>>, vector<1x256xf32>
    %mul3A = vector.broadcast %get3A_31 : vector<1x256xf32> to vector<2000x256xf32>
    %mul3A_32 = arith.mulf %add3A_28, %mul3A : vector<2000x256xf32>
    %get3A_33 = arith.constant 0 : index
    %get3A_34 = arith.constant 0 : index
    %get3A_35 = vector.load %arg6[%get3A_33, %get3A_34] : memref<1x256xf32, #tpu.memory_space<vmem>>, vector<1x256xf32>
    %add3A_36 = vector.broadcast %get3A_35 : vector<1x256xf32> to vector<2000x256xf32>
    %add3A_37 = arith.addf %mul3A_32, %add3A_36 : vector<2000x256xf32>
    %slice3A = vector.extract_strided_slice %add3A_37 {offsets = [0, 0], sizes = [2000, 64], strides = [1, 1]} : vector<2000x256xf32> to vector<2000x64xf32>
    %slice3A_38 = vector.extract_strided_slice %add3A_37 {offsets = [0, 128], sizes = [2000, 64], strides = [1, 1]} : vector<2000x256xf32> to vector<2000x64xf32>
    %concatenate3A_39 = tpu.concatenate %slice3A, %slice3A_38 in 1 : vector<2000x64xf32>, vector<2000x64xf32> -> vector<2000x128xf32>
    %slice3A_40 = vector.extract_strided_slice %add3A_37 {offsets = [0, 64], sizes = [2000, 64], strides = [1, 1]} : vector<2000x256xf32> to vector<2000x64xf32>
    %slice3A_41 = vector.extract_strided_slice %add3A_37 {offsets = [0, 192], sizes = [2000, 64], strides = [1, 1]} : vector<2000x256xf32> to vector<2000x64xf32>
    %concatenate3A_42 = tpu.concatenate %slice3A_40, %slice3A_41 in 1 : vector<2000x64xf32>, vector<2000x64xf32> -> vector<2000x128xf32>
    %abs3A = math.absf %concatenate3A_39 : vector<2000x128xf32>
    %neg3A = arith.constant 0.000000e+00 : f32
    %neg3A_43 = vector.broadcast %neg3A : f32 to vector<2000x128xf32>
    %neg3A_44 = arith.subf %neg3A_43, %abs3A : vector<2000x128xf32>
    %exp3A = math.exp %neg3A_44 : vector<2000x128xf32>
    %ge3A = arith.constant 0.000000e+00 : f32
    %ge3A_45 = vector.broadcast %ge3A : f32 to vector<2000x128xf32>
    %ge3A_46 = arith.cmpf oge, %concatenate3A_39, %ge3A_45 : vector<2000x128xf32>
    %add3A_47 = arith.constant 1.000000e+00 : f32
    %add3A_48 = vector.broadcast %add3A_47 : f32 to vector<2000x128xf32>
    %add3A_49 = arith.addf %add3A_48, %exp3A : vector<2000x128xf32>
    %div3A = arith.constant 1.000000e+00 : f32
    %div3A_50 = vector.broadcast %div3A : f32 to vector<2000x128xf32>
    %div3A_51 = arith.divf %div3A_50, %add3A_49 : vector<2000x128xf32>
    %add3A_52 = arith.constant 1.000000e+00 : f32
    %add3A_53 = vector.broadcast %add3A_52 : f32 to vector<2000x128xf32>
    %add3A_54 = arith.addf %add3A_53, %exp3A : vector<2000x128xf32>
    %div3A_55 = arith.divf %exp3A, %add3A_54 : vector<2000x128xf32>
    %select_n3A = arith.select %ge3A_46, %div3A_51, %div3A_55 : vector<2000x128xi1>, vector<2000x128xf32>
    %max3A = arith.constant 0.000000e+00 : f32
    %max3A_56 = vector.broadcast %max3A : f32 to vector<2000x128xf32>
    %max3A_57 = arith.maximumf %concatenate3A_42, %max3A_56 : vector<2000x128xf32>
    %abs3A_58 = math.absf %concatenate3A_42 : vector<2000x128xf32>
    %neg3A_59 = arith.constant 0.000000e+00 : f32
    %neg3A_60 = vector.broadcast %neg3A_59 : f32 to vector<2000x128xf32>
    %neg3A_61 = arith.subf %neg3A_60, %abs3A_58 : vector<2000x128xf32>
    %exp3A_62 = math.exp %neg3A_61 : vector<2000x128xf32>
    %add3A_63 = arith.constant 1.000000e+00 : f32
    %add3A_64 = vector.broadcast %add3A_63 : f32 to vector<2000x128xf32>
    %add3A_65 = arith.addf %add3A_64, %exp3A_62 : vector<2000x128xf32>
    %log3A = math.log %add3A_65 : vector<2000x128xf32>
    %add3A_66 = arith.addf %max3A_57, %log3A : vector<2000x128xf32>
    %mul3A_67 = arith.mulf %select_n3A, %add3A_66 : vector<2000x128xf32>
    %swap3A = arith.constant 0 : index
    %swap3A_68 = arith.constant 0 : index
    %swap3A_69 = vector.load %arg7[%swap3A, %swap3A_68] : memref<2000x128xf32, #tpu.memory_space<vmem>>, vector<2000x128xf32>
    tpu.vector_store %arg7[%swap3A, %swap3A_68], %mul3A_67 {strides = array<i32>} : memref<2000x128xf32, #tpu.memory_space<vmem>>, vector<2000x128xf32>,
    return
  }
  func.func @transform_0(%arg0: i32) -> (i32, i32) {
    %c0_i32 = arith.constant 0 : i32
    %c0_i32_0 = arith.constant 0 : i32
    return %arg0, %c0_i32 : i32, i32
  }
  func.func @transform_1(%arg0: i32) -> (i32, i32) {
    %c0_i32 = arith.constant 0 : i32
    %c0_i32_0 = arith.constant 0 : i32
    return %arg0, %c0_i32 : i32, i32
  }
  func.func @transform_2(%arg0: i32) -> (i32, i32) {
    %add3A = arith.constant 0 : i32
    %add3A_0 = arith.addi %arg0, %add3A : i32
    %c0_i32 = arith.constant 0 : i32
    %c0_i32_1 = arith.constant 0 : i32
    return %add3A_0, %c0_i32 : i32, i32
  }
  func.func @transform_3(%arg0: i32) -> (i32, i32) {
    %c0_i32 = arith.constant 0 : i32
    %c0_i32_0 = arith.constant 0 : i32
    %c0_i32_1 = arith.constant 0 : i32
    return %c0_i32, %c0_i32_0 : i32, i32
  }
  func.func @transform_4(%arg0: i32) -> (i32, i32) {
    %c0_i32 = arith.constant 0 : i32
    %c0_i32_0 = arith.constant 0 : i32
    %c0_i32_1 = arith.constant 0 : i32
    return %c0_i32, %c0_i32_0 : i32, i32
  }
  func.func @transform_5(%arg0: i32) -> (i32, i32) {
    %c0_i32 = arith.constant 0 : i32
    %c0_i32_0 = arith.constant 0 : i32
    %c0_i32_1 = arith.constant 0 : i32
    return %c0_i32, %c0_i32_0 : i32, i32
  }
  func.func @transform_6(%arg0: i32) -> (i32, i32) {
    %c0_i32 = arith.constant 0 : i32
    %c0_i32_0 = arith.constant 0 : i32
    return %arg0, %c0_i32 : i32, i32
  }
}

module attributes {stable_mosaic.version = 14 : i64} {
  func.func @_final_body(%arg0: i32, %arg1: memref<2x10000x128xf32, #tpu.memory_space<vmem>>, %arg2: memref<2x10000x128xf32, #tpu.memory_space<vmem>>, %arg3: memref<10000x128xf32, #tpu.memory_space<vmem>>, %arg4: memref<1x128xf32, #tpu.memory_space<vmem>>, %arg5: memref<1x128xf32, #tpu.memory_space<vmem>>, %arg6: memref<128x128xf32, #tpu.memory_space<vmem>>, %arg7: memref<10000x128xf32, #tpu.memory_space<vmem>>) attributes {dimension_semantics = [#tpu.dimension_semantics<arbitrary>], iteration_bounds = array<i64: 1>, scalar_prefetch = 0 : i64, scratch_operands = 0 : i64, tpu.core_type = #tpu.core_type<tc>, window_params = [{pipeline_mode = #tpu.pipeline_mode<synchronous>, transform_indices = @transform_0, window_bounds = array<i64: 2, 10000, 128>}, {pipeline_mode = #tpu.pipeline_mode<synchronous>, transform_indices = @transform_1, window_bounds = array<i64: 2, 10000, 128>}, {pipeline_mode = #tpu.pipeline_mode<synchronous>, transform_indices = @transform_2, window_bounds = array<i64: 10000, 128>}, {pipeline_mode = #tpu.pipeline_mode<synchronous>, transform_indices = @transform_3, window_bounds = array<i64: 1, 128>}, {pipeline_mode = #tpu.pipeline_mode<synchronous>, transform_indices = @transform_4, window_bounds = array<i64: 1, 128>}, {pipeline_mode = #tpu.pipeline_mode<synchronous>, transform_indices = @transform_5, window_bounds = array<i64: 128, 128>}, {pipeline_mode = #tpu.pipeline_mode<synchronous>, transform_indices = @transform_6, window_bounds = array<i64: 10000, 128>}]} {
    %get3A = arith.constant 0 : index
    %get3A_0 = arith.constant 0 : index
    %get3A_1 = arith.constant 0 : index
    %get3A_2 = vector.load %arg1[%get3A, %get3A_0, %get3A_1] : memref<2x10000x128xf32, #tpu.memory_space<vmem>>, vector<1x10000x128xf32>
    %get3A_3 = vector.shape_cast %get3A_2 : vector<1x10000x128xf32> to vector<10000x128xf32>
    %get3A_4 = arith.constant 1 : index
    %get3A_5 = arith.constant 0 : index
    %get3A_6 = arith.constant 0 : index
    %get3A_7 = vector.load %arg1[%get3A_4, %get3A_5, %get3A_6] : memref<2x10000x128xf32, #tpu.memory_space<vmem>>, vector<1x10000x128xf32>
    %get3A_8 = vector.shape_cast %get3A_7 : vector<1x10000x128xf32> to vector<10000x128xf32>
    %add3A = arith.addf %get3A_3, %get3A_8 : vector<10000x128xf32>
    %get3A_9 = arith.constant 0 : index
    %get3A_10 = arith.constant 0 : index
    %get3A_11 = arith.constant 0 : index
    %get3A_12 = vector.load %arg2[%get3A_9, %get3A_10, %get3A_11] : memref<2x10000x128xf32, #tpu.memory_space<vmem>>, vector<1x10000x128xf32>
    %get3A_13 = vector.shape_cast %get3A_12 : vector<1x10000x128xf32> to vector<10000x128xf32>
    %get3A_14 = arith.constant 1 : index
    %get3A_15 = arith.constant 0 : index
    %get3A_16 = arith.constant 0 : index
    %get3A_17 = vector.load %arg2[%get3A_14, %get3A_15, %get3A_16] : memref<2x10000x128xf32, #tpu.memory_space<vmem>>, vector<1x10000x128xf32>
    %get3A_18 = vector.shape_cast %get3A_17 : vector<1x10000x128xf32> to vector<10000x128xf32>
    %add3A_19 = arith.addf %get3A_13, %get3A_18 : vector<10000x128xf32>
    %add3A_20 = arith.addf %add3A, %add3A_19 : vector<10000x128xf32>
    %reduce_sum3A = arith.constant dense<0.000000e+00> : vector<128xf32>
    %reduce_sum3A_21 = vector.multi_reduction <add>, %add3A_20, %reduce_sum3A [0] : vector<10000x128xf32> to vector<128xf32>
    %broadcast_in_dim3A = vector.shape_cast %reduce_sum3A_21 : vector<128xf32> to vector<1x128xf32>
    %div3A = arith.constant 1.000000e+04 : f32
    %div3A_22 = vector.broadcast %div3A : f32 to vector<1x128xf32>
    %div3A_23 = arith.divf %broadcast_in_dim3A, %div3A_22 : vector<1x128xf32>
    %mul3A = arith.mulf %add3A_20, %add3A_20 : vector<10000x128xf32>
    %reduce_sum3A_24 = arith.constant dense<0.000000e+00> : vector<128xf32>
    %reduce_sum3A_25 = vector.multi_reduction <add>, %mul3A, %reduce_sum3A_24 [0] : vector<10000x128xf32> to vector<128xf32>
    %broadcast_in_dim3A_26 = vector.shape_cast %reduce_sum3A_25 : vector<128xf32> to vector<1x128xf32>
    %div3A_27 = arith.constant 1.000000e+04 : f32
    %div3A_28 = vector.broadcast %div3A_27 : f32 to vector<1x128xf32>
    %div3A_29 = arith.divf %broadcast_in_dim3A_26, %div3A_28 : vector<1x128xf32>
    %mul3A_30 = arith.mulf %div3A_23, %div3A_23 : vector<1x128xf32>
    %sub3A = arith.subf %div3A_29, %mul3A_30 : vector<1x128xf32>
    %sub3A_31 = vector.broadcast %div3A_23 : vector<1x128xf32> to vector<10000x128xf32>
    %sub3A_32 = arith.subf %add3A_20, %sub3A_31 : vector<10000x128xf32>
    %add3A_33 = arith.constant 9.99999974E-6 : f32
    %add3A_34 = vector.broadcast %add3A_33 : f32 to vector<1x128xf32>
    %add3A_35 = arith.addf %sub3A, %add3A_34 : vector<1x128xf32>
    %rsqrt3A = math.rsqrt %add3A_35 : vector<1x128xf32>
    %mul3A_36 = vector.broadcast %rsqrt3A : vector<1x128xf32> to vector<10000x128xf32>
    %mul3A_37 = arith.mulf %sub3A_32, %mul3A_36 : vector<10000x128xf32>
    %get3A_38 = arith.constant 0 : index
    %get3A_39 = arith.constant 0 : index
    %get3A_40 = vector.load %arg4[%get3A_38, %get3A_39] : memref<1x128xf32, #tpu.memory_space<vmem>>, vector<1x128xf32>
    %mul3A_41 = vector.broadcast %get3A_40 : vector<1x128xf32> to vector<10000x128xf32>
    %mul3A_42 = arith.mulf %mul3A_37, %mul3A_41 : vector<10000x128xf32>
    %get3A_43 = arith.constant 0 : index
    %get3A_44 = arith.constant 0 : index
    %get3A_45 = vector.load %arg5[%get3A_43, %get3A_44] : memref<1x128xf32, #tpu.memory_space<vmem>>, vector<1x128xf32>
    %add3A_46 = vector.broadcast %get3A_45 : vector<1x128xf32> to vector<10000x128xf32>
    %add3A_47 = arith.addf %mul3A_42, %add3A_46 : vector<10000x128xf32>
    %get3A_48 = arith.constant 0 : index
    %get3A_49 = arith.constant 0 : index
    %get3A_50 = vector.load %arg6[%get3A_48, %get3A_49] : memref<128x128xf32, #tpu.memory_space<vmem>>, vector<128x128xf32>
    %dot_general3A = arith.constant dense<0.000000e+00> : vector<10000x128xf32>
    %dot_general3A_51 = tpu.matmul %add3A_47, %get3A_50, %dot_general3A {dimension_numbers = #tpu.dot_dimension_numbers<[1], [0], [0], [1], [0, 0, 1, 1], [], []>, transpose_lhs_hint = false} : vector<10000x128xf32>, vector<128x128xf32>, vector<10000x128xf32> -> vector<10000x128xf32>
    %get3A_52 = arith.constant 0 : index
    %get3A_53 = arith.constant 0 : index
    %get3A_54 = vector.load %arg3[%get3A_52, %get3A_53] : memref<10000x128xf32, #tpu.memory_space<vmem>>, vector<10000x128xf32>
    %add3A_55 = arith.addf %get3A_54, %dot_general3A_51 : vector<10000x128xf32>
    %max3A = arith.constant 0.000000e+00 : f32
    %max3A_56 = vector.broadcast %max3A : f32 to vector<10000x128xf32>
    %max3A_57 = arith.maximumf %add3A_55, %max3A_56 : vector<10000x128xf32>
    %abs3A = math.absf %add3A_55 : vector<10000x128xf32>
    %neg3A = arith.constant 0.000000e+00 : f32
    %neg3A_58 = vector.broadcast %neg3A : f32 to vector<10000x128xf32>
    %neg3A_59 = arith.subf %neg3A_58, %abs3A : vector<10000x128xf32>
    %exp3A = math.exp %neg3A_59 : vector<10000x128xf32>
    %add3A_60 = arith.constant 1.000000e+00 : f32
    %add3A_61 = vector.broadcast %add3A_60 : f32 to vector<10000x128xf32>
    %add3A_62 = arith.addf %add3A_61, %exp3A : vector<10000x128xf32>
    %log3A = math.log %add3A_62 : vector<10000x128xf32>
    %add3A_63 = arith.addf %max3A_57, %log3A : vector<10000x128xf32>
    %swap3A = arith.constant 0 : index
    %swap3A_64 = arith.constant 0 : index
    %swap3A_65 = vector.load %arg7[%swap3A, %swap3A_64] : memref<10000x128xf32, #tpu.memory_space<vmem>>, vector<10000x128xf32>
    tpu.vector_store %arg7[%swap3A, %swap3A_64], %add3A_63 {strides = array<i32>} : memref<10000x128xf32, #tpu.memory_space<vmem>>, vector<10000x128xf32>,
    return
  }
  func.func @transform_0(%arg0: i32) -> (i32, i32, i32) {
    %c0_i32 = arith.constant 0 : i32
    %c0_i32_0 = arith.constant 0 : i32
    %c0_i32_1 = arith.constant 0 : i32
    %c0_i32_2 = arith.constant 0 : i32
    return %c0_i32, %c0_i32_0, %c0_i32_1 : i32, i32, i32
  }
  func.func @transform_1(%arg0: i32) -> (i32, i32, i32) {
    %c0_i32 = arith.constant 0 : i32
    %c0_i32_0 = arith.constant 0 : i32
    %c0_i32_1 = arith.constant 0 : i32
    %c0_i32_2 = arith.constant 0 : i32
    return %c0_i32, %c0_i32_0, %c0_i32_1 : i32, i32, i32
  }
  func.func @transform_2(%arg0: i32) -> (i32, i32) {
    %c0_i32 = arith.constant 0 : i32
    %c0_i32_0 = arith.constant 0 : i32
    %c0_i32_1 = arith.constant 0 : i32
    return %c0_i32, %c0_i32_0 : i32, i32
  }
  func.func @transform_3(%arg0: i32) -> (i32, i32) {
    %c0_i32 = arith.constant 0 : i32
    %c0_i32_0 = arith.constant 0 : i32
    %c0_i32_1 = arith.constant 0 : i32
    return %c0_i32, %c0_i32_0 : i32, i32
  }
  func.func @transform_4(%arg0: i32) -> (i32, i32) {
    %c0_i32 = arith.constant 0 : i32
    %c0_i32_0 = arith.constant 0 : i32
    %c0_i32_1 = arith.constant 0 : i32
    return %c0_i32, %c0_i32_0 : i32, i32
  }
  func.func @transform_5(%arg0: i32) -> (i32, i32) {
    %c0_i32 = arith.constant 0 : i32
    %c0_i32_0 = arith.constant 0 : i32
    %c0_i32_1 = arith.constant 0 : i32
    return %c0_i32, %c0_i32_0 : i32, i32
  }
  func.func @transform_6(%arg0: i32) -> (i32, i32) {
    %c0_i32 = arith.constant 0 : i32
    %c0_i32_0 = arith.constant 0 : i32
    %c0_i32_1 = arith.constant 0 : i32
    return %c0_i32, %c0_i32_0 : i32, i32
  }
}

</mosaic_0001>

<sc_bundles>
// kernel: kernel.12.cloned.1.call-start
scs
__scs_entry_jumppad:
0x0: {  	(pc) =	sbr.rel $0x88, $3  }
0x1: {  	(tag) =	ssettag $0x0;
	lr =	simm.s32 $0x1  }
0x2: {  	[smem:$0x3F97] =	sst lr;
	_ =	strace $0xD0000000  }
0x3: {  	_ = 	snop  }
0x4: {  	_ = 	snop  }
0x5: {  	_ = 	snop  }
0x6: {  	_ = 	snop  }
0x7: {  	_ = 	snop  }
__scs_overlays_trampoline_lowered:
0x8: {  	[smem:$0x3FA6] =	sst s0  }
0x9: {  	[smem:$0x3FA7] =	sst s1  }
0xa: {  	[smem:$0x3FA8] =	sst s2  }
0xb: {  	[smem:$0x3FA9] =	sst s3  }
0xc: {  	[smem:$0x3FAA] =	sst s4  }
0xd: {  	[smem:$0x3FAB] =	sst s5  }
0xe: {  	[smem:$0x3FAC] =	sst s6  }
0xf: {  	[smem:$0x3FAD] =	sst s7  }
0x10: {  	[smem:$0x3FAE] =	sst s8  }
0x11: {  	[smem:$0x3FAF] =	sst s9;
	s0 =	simm.s32 @!p0 $0x0  }
0x12: {  	s1 =	sld [smem:$0x3F95];
	s0 =	simm.s32 @p0 $0x1  }
0x13: {  	[smem:$0x3FB0] =	sst s0;
	s0 =	simm.s32 @!p1 $0x0  }
0x14: {  	s2 =	sld [smem:$0x3F94];
	s0 =	simm.s32 @p1 $0x1  }
0x15: {  	[smem:$0x3FB1] =	sst s0;
	s0 =	simm.s32 @!p2 $0x0  }
0x16: {  	s3 =	sld [smem:$0x3FDB];
	s0 =	simm.s32 @p2 $0x1  }
0x17: {  	s4 =	simm.s32 $0x1BF5;
	[smem:$0x3FB3] =	sst s0  }
0x18: {  	s0 =	sld [smem:$0x3F96];
	_ =	swait.ge [sflag:s4], $0x0  }
0x19: {  	s7 =	sld [smem:$0x3F97]  }
0x1a: {  	s8 =	sadd.s32 $0xFFFFE003, lr  }
0x1b: {  	s9 =	sadd.s32 $0xFFFFFEF7, lr;
	s5 =	simm.s32 $0xFFFFFFFF;
	p2 =	slt.u32 s8, $0xFFFFF086  }
0x1c: {  	p1 =	slt.u32 s9, $0xF7A;
	s5 =	simm.s32 @!p2 $0x0  }
0x1d: {  	s5 =	simm.s32 @p1 $0x1;
	p0 =	seq.s32 s7, s2  }
0x1e: {  	s7 =	smul.u32 @!p0 $0xF7A, s2;
	p2 =	seq.s32 @!p0 s5, $0x0  }
0x1f: {  	s9 =	smul.u32 $0xF7A, s1;
	s8 =	simm.s32 @!p0 $0x1BF5;
	p2 =	por !p2, p0  }
0x20: {  	[sflag:s8] =	ssyncset.s32 @!p0 $0xFFFFF086;
	s6 =	sadd.s32 @!p0 s3, s7;
	s7 =	simm.s32 @!p0 $0x108  }
0x21: {  	s3 =	sadd.s32 s3, s9;
	s6 =	sadd.s32 @!p0 $0x88, s6;
	s7 =	simm.s32 @p2 $0x1082  }
0x22: {  	[simem:s7], [sflag:s8] =	dma.local @!p0 [hbm:s6], $0xF7A  }
0x23: {  	s9 =	sor.u32 $0xD0000000, s2;
	s6 =	simm.s32 $0x108;
	_ =	swait.ge @!p0 [sflag:s8], $0x0  }
0x24: {  	s3 =	sadd.s32 $0x88, s3;
	s6 =	simm.s32 @!p1 $0x1082;
	[sflag:s4] =	ssyncset.s32 $0xFFFFF086  }
0x25: {  	[simem:s6], [sflag:s4] =	dma.local [hbm:s3], $0xF7A  }
0x26: {  	[smem:$0x3F97] =	sst s1;
	(tag) =	ssettag s2;
	_ =	strace s9  }
0x27: {  	s1 =	sld [smem:$0x3FA7]  }
0x28: {  	s2 =	sld [smem:$0x3FA8]  }
0x29: {  	s4 =	sld [smem:$0x3FAA]  }
0x2a: {  	p0 =	seq.s32 s5, $0x0;
	s5 =	sld [smem:$0x3FAB]  }
0x2b: {  	s6 =	sld [smem:$0x3FAC]  }
0x2c: {  	s7 =	sld [smem:$0x3FAD]  }
0x2d: {  	s3 =	simm.s32 $0x108;
	s8 =	sld [smem:$0x3FAE]  }
0x2e: {  	s3 =	simm.s32 @!p0 $0x1082;
	s9 =	sld [smem:$0x3FAF]  }
0x2f: {  	lr =	sadd.s32 s0, s3;
	s0 =	sld [smem:$0x3FA6]  }
0x30: {  	s3 =	sld [smem:$0x3FA9]  }
0x31: {  	[smem:$0x3FB2] =	sst s10  }
0x32: {  	s10 =	sld [smem:$0x3FB0];
	_ =	sdelay $0x3  }
0x33: {  	p0 =	seq.s32 s10, $0x1;
	s10 =	sld [smem:$0x3FB2];
	_ =	sdelay $0x3  }
0x34: {  	[smem:$0x3FB2] =	sst s10  }
0x35: {  	s10 =	sld [smem:$0x3FB1];
	_ =	sdelay $0x3  }
0x36: {  	p1 =	seq.s32 s10, $0x1;
	s10 =	sld [smem:$0x3FB2];
	_ =	sdelay $0x3  }
0x37: {  	[smem:$0x3FB2] =	sst s10  }
0x38: {  	s10 =	sld [smem:$0x3FB3]  }
0x39: {  	_ = 	snop;
	(pc) =	sbr.ind lr, $3  }
0x3a: {  	_ = 	snop  }
0x3b: {  	_ = 	snop  }
0x3c: {  	p2 =	seq.s32 s10, $0x1;
	s10 =	sld [smem:$0x3FB2]  }
0x3d: {  	_ =	shalt  }
0x3e: {  	_ =	shalt  }
0x3f: {  	_ =	shalt  }
0x40: {  	_ =	shalt  }
0x41: {  	_ =	shalt  }
0x42: {  	_ =	shalt  }
0x43: {  	_ =	shalt  }
0x44: {  	_ =	shalt  }
0x45: {  	_ =	shalt  }
0x46: {  	_ =	shalt  }
0x47: {  	_ =	shalt  }
0x48: {  	_ =	shalt  }
0x49: {  	_ =	shalt  }
0x4a: {  	_ =	shalt  }
0x4b: {  	_ =	shalt  }
0x4c: {  	_ =	shalt  }
0x4d: {  	_ =	shalt  }
0x4e: {  	_ =	shalt  }
0x4f: {  	_ =	shalt  }
0x50: {  	_ =	shalt  }
0x51: {  	_ =	shalt  }
0x52: {  	_ =	shalt  }
0x53: {  	_ =	shalt  }
0x54: {  	_ =	shalt  }
0x55: {  	_ =	shalt  }
0x56: {  	_ =	shalt  }
0x57: {  	_ =	shalt  }
0x58: {  	_ =	shalt  }
0x59: {  	_ =	shalt  }
0x5a: {  	_ =	shalt  }
0x5b: {  	_ =	shalt  }
0x5c: {  	_ =	shalt  }
0x5d: {  	_ =	shalt  }
0x5e: {  	_ =	shalt  }
0x5f: {  	_ =	shalt  }
0x60: {  	_ =	shalt  }
0x61: {  	_ =	shalt  }
0x62: {  	_ =	shalt  }
0x63: {  	_ =	shalt  }
0x64: {  	_ =	shalt  }
0x65: {  	_ =	shalt  }
0x66: {  	_ =	shalt  }
0x67: {  	_ =	shalt  }
0x68: {  	_ =	shalt  }
0x69: {  	_ =	shalt  }
0x6a: {  	_ =	shalt  }
0x6b: {  	_ =	shalt  }
0x6c: {  	_ =	shalt  }
0x6d: {  	_ =	shalt  }
0x6e: {  	_ =	shalt  }
0x6f: {  	_ =	shalt  }
0x70: {  	_ =	shalt  }
0x71: {  	_ =	shalt  }
0x72: {  	_ =	shalt  }
0x73: {  	_ =	shalt  }
0x74: {  	_ =	shalt  }
0x75: {  	_ =	shalt  }
0x76: {  	_ =	shalt  }
0x77: {  	_ =	shalt  }
0x78: {  	_ =	shalt  }
0x79: {  	_ =	shalt  }
0x7a: {  	_ =	shalt  }
0x7b: {  	_ =	shalt  }
0x7c: {  	_ =	shalt  }
0x7d: {  	_ =	shalt  }
0x7e: {  	_ =	shalt  }
0x7f: {  	_ =	shalt  }
0x80: {  	_ =	shalt  }
0x81: {  	_ =	shalt  }
0x82: {  	_ =	shalt  }
0x83: {  	_ =	shalt  }
0x84: {  	_ =	shalt  }
0x85: {  	_ =	shalt  }
0x86: {  	_ =	shalt  }
0x87: {  	_ =	shalt  }
.Lfunc_end0:
.L_simem_size_0:
called_computation_lowered:
.L_overlay_start_0:
0x88: {  	s2 =	sld [smem:$0x3FD9]  }
0x89: {  	s3 =	sld [smem:$0x3FFE];
	_ =	sdelay $0x1  }
0x8a: {  	s1 =	srdreg.scid  }
0x8b: {  	s0 =	sand.u32 $0x1, s1  }
0x8c: {  	s17 =	sshll.u32 s0, $0xA;
	s2 =	sadd.s32 s3, s2  }
0x8d: {  	s2 =	sadd.s32 s2, s17  }
0x8e: {  	[smem:$0x3FBE] =	sst s2  }
0x8f: {  	_ = 	snop  }
0x90: {  	s18 =	sld [smem:$0x3FC7]  }
0x91: {  	s4 =	sld [smem:$0x3FC6]  }
0x92: {  	s5 =	sld [smem:$0x3FD0];
	(tm) =	ssettm $0x1  }
0x93: {  	s19 =	sld [smem:$0x3FFB];
	_ =	sdelay $0x3  }
0x94: {  	_ =	strace s19  }
0x95: {  	s2 =	sld [smem:$0x3FFC];
	_ =	sdelay $0x3  }
0x96: {  	_ =	strace s2  }
0x97: {  	s2 =	sld [smem:$0x3FFD];
	_ =	sdelay $0x3  }
0x98: {  	_ =	strace s2  }
0x99: {  	_ =	strace $0x8FFFFFFF  }
0x9a: {  	s20 =	sld [smem:$0x3FDB];
	_ =	sdelay $0x1  }
0x9b: {  	s6 =	simm.s32 $_scs_section_size  }
0x9c: {  	s7 =	simm.s32 $_size__tile_overlayer_lowered;
	s8 =	simm.s32 $_tile_overlayer_lowered  }
0x9d: {  	s9 =	simm.s32 $0x1BFF;
	s21 =	sshll.u32 s8, $0x1;
	s6 =	sadd.s32 s6, s20  }
0x9e: {  	s22 =	simm.s32 $0x0;
	s7 =	sshll.u32 s7, $0x1;
	s8 =	sadd.s32 s21, s6  }
0x9f: {  	[timem:s22], [sflag:s9] =	dma.local [hbm:s8], s7  }
0xa0: {  	_ =	swait.ge [sflag:s9], s7  }
0xa1: {  	s7 =	ssub.s32 $0x0, s7;
	[sflag:s9] =	ssyncset.done $0x0  }
0xa2: {  	[sflag:s9] =	ssyncadd.s32 s7;
	_ =	sdelay $0x1  }
0xa3: {  	s23 =	simm.s32 $0x1B8B  }
0xa4: {  	_ =	swait.ge [sflag:s23], $0x1  }
0xa5: {  	[sflag:s23] =	ssyncset.done $0x0  }
0xa6: {  	[sflag:s23] =	ssyncadd.s32 $0xFFFFFFFF  }
0xa7: {  	s7 =	sld [smem:$0x0]  }
0xa8: {  	s8 =	sand.u32 $0xFFFFFFFE, s1  }
0xa9: {  	p0 =	sne.s32 s1, s8  }
0xaa: {  	s8 =	sshll.u32 @p0 s8, $0xE  }
0xab: {  	s8 =	sadd.s32 @p0 $0x11B8D, s8;
	s9 =	sshll.u32 @p0 s7, $0x11  }
0xac: {  	s8 =	sor.u32 @p0 s9, s8  }
0xad: {  	[sflag:s8] =	ssyncadd.remote.s32 @p0 $0x1;
	_ =	sdelay $0x1  }
0xae: {  	s8 =	simm.s32 @p0 $0x1B8D  }
0xaf: {  	_ =	swait.eq @p0 [sflag:s8], $0x1  }
0xb0: {  	[sflag:s8] =	ssyncadd.s32 @p0 $0xFFFFFFFF  }
0xb1: {  	s9 =	sshll.u32 @!p0 s1, $0xE  }
0xb2: {  	s9 =	sor.u32 @!p0 $0x4000, s9;
	s8 =	simm.s32 @!p0 $0x1B8D  }
0xb3: {  	s7 =	sshll.u32 @!p0 s7, $0x11;
	s9 =	sadd.s32 @!p0 $0x11B8D, s9;
	_ =	swait.eq @!p0 [sflag:s8], $0x1  }
0xb4: {  	s7 =	sor.u32 @!p0 s7, s9;
	[sflag:s8] =	ssyncadd.s32 @!p0 $0xFFFFFFFF  }
0xb5: {  	s25 =	simm.s32 $0x1B8E;
	s24 =	sld [smem:$0x3FFE];
	[sflag:s7] =	ssyncadd.remote.s32 @!p0 $0x1  }
0xb6: {  	s26 =	simm.s32 $execute0_lowered;
	[smem:$0x3FD2] =	sst s25  }
0xb7: {  	s8 =	sshll.u32 s26, $0x1;
	_ =	strace $0x80000049;
	[dreg:$0x1] =	wrdreg $0xFFFFFFFF  }
0xb8: {  	s28 =	simm.s32 $_size_execute0_lowered;
	s6 =	sadd.s32 s6, s8;
	[dreg:$0x0] =	wrdreg $0x0  }
0xb9: {  	s8 =	sshll.u32 s28, $0x1;
	[dreg:$0x2] =	wrdreg s6  }
0xba: {  	[dreg:$0x3] =	wrdreg s8  }
0xbb: {  	[dreg:$0x4] =	wrdreg $0xC0  }
0xbc: {  	_ =	task [dreg:s22], $0x5FFFF  }
0xbd: {  	[dreg:$0x1] =	wrdreg $0xFFFFFFFF  }
0xbe: {  	[dreg:$0x0] =	wrdreg $0x60  }
0xbf: {  	[dreg:$0x2] =	wrdreg s5  }
0xc0: {  	[dreg:$0x3] =	wrdreg s24  }
0xc1: {  	[dreg:$0x4] =	wrdreg s18  }
0xc2: {  	[dreg:$0x5] =	wrdreg s4  }
0xc3: {  	[dreg:$0x6] =	wrdreg $0x9  }
0xc4: {  	_ =	task.clear_ibuf [dreg:s22], $0x7FFFF;
	_ =	strace $0x90000049  }
0xc5: {  	s29 =	simm.s32 $0x9;
	_ =	strace $0x8000004B  }
0xc6: {  	_ =	swait.ge [sflag:s29], $0x1  }
0xc7: {  	[sflag:s29] =	ssyncadd.s32 $0xFFFFFFFF  }
0xc8: {  	_ =	strace $0x9000004B  }
0xc9: {  	_ =	sfence  }
0xca: {  	s30 =	sld [smem:$0x0];
	_ =	sdelay $0x2  }
0xcb: {  	s31 =	sshll.u32 s1, $0xD;
	s1 =	sshrl.u32 s1, $0x2  }
0xcc: {  	s4 =	sand.u32 $0x4000, s31;
	s1 =	sadd.s32 s1, s30  }
0xcd: {  	s0 =	sor.u32 s4, s0;
	s1 =	sshll.u32 s1, $0x11  }
0xce: {  	s0 =	sor.u32 s1, s0  }
0xcf: {  	s0 =	sadd.s32 $0x8F2B, s0  }
0xd0: {  	[sflag:s0] =	ssyncadd.remote.s32 $0x1  }
0xd1: {  	_ =	sfence.sel $0xFFFF  }
0xd2: {  	[dreg:$0x0] =	wrdreg $0xFFFFFFFF;
	(pc) =	sbr.abs _section_cstart, $3  }
0xd3: {  	[dreg:$0x1] =	wrdreg $0xFFFFFFFF  }
0xd4: {  	_ =	task.clear_ibuf [dreg:s22], $0x2FFFF;
	_ =	strace $0x9FFFFFFF  }
0xd5: {  	(tm) =	ssettm $0x7FFFFFFF  }
tec
execute0_lowered:
.L_overlay_start_1:
0x0: {  	(tag) =	ssettag $0x1  }
0x1: {  	s1 =	rddreg [dreg:$0x0]  }
0x2: {  	s0 =	rddreg [dreg:$0x1]  }
0x3: {  	s2 =	rddreg [dreg:$0x2]  }
0x4: {  	s8 =	rddreg [dreg:$0x3]  }
0x5: {  	s3 =	simm.s32 $0x0;
	s4 =	srdreg.scid;
	s13 =	stileid.u32  }
0x6: {  	s16 =	simm.s32 $0x7800;
	s15 =	simm.s32 $0x0;
	s30 =	simm.s32 $0x8C00  }
0x7: {  	s31 =	simm.s32 $0x5000;
	s28 =	simm.s32 $0xA000;
	s29 =	simm.s32 $0x6400  }
0x8: {  	[smem:$0x7FF] =	sst s3;
	s9 =	sand.u32 $0x1, s4;
	s17 =	sshll.u32 s13, $0x1  }
0x9: {  	s4 =	sadd.s32 $0x5400, s0;
	s6 =	sadd.s32 $0x50E600, s0;
	s21 =	smul.u32 $0x27100, s13  }
0xa: {  	_ =	strace $0x8000004A;
	s7 =	sor.u32 s9, s17;
	s22 =	smul.u32 $0x13880, s9  }
0xb: {  	s10 =	ssub.s32 $0x2, s9;
	s17 =	simm.s32 $0x28;
	s5 =	smul.u32 $0x1388, s7  }
0xc: {  	s9 =	simm.s32 $0x4;
	s11 =	sshrl.u32 s10, $0x1;
	s12 =	smul.u32 $0x9C400, s7  }
0xd: {  	s7 =	sadd.s32 $0x77F600, s0;
	s24 =	sadd.s32 s21, s6;
	s18 =	ssub.s32 s10, s11  }
0xe: {  	s25 =	sadd.s32 s22, s24;
	s26 =	sadd.s32 s21, s7;
	s24 =	simm.s32 $0x5  }
0xf: {  	s21 =	simm.s32 $0x9;
	s10 =	simm.s32 $0x8;
	s11 =	simm.s32 $0xA  }
0x10: {  	s19 =	sshrl.u32 s5, $0x3;
	s20 =	sshrl.u32 s12, $0x3;
	s0 =	smax.u32 s18, $0x1  }
0x11: {  	[dreg:$0xa] =	wrdreg s25;
	s18 =	simm.s32 $0x3C00;
	s12 =	simm.s32 $0xE  }
0x12: {  	s25 =	simm.s32 $0x7800;
	s2 =	sadd.s32 s2, s19;
	s8 =	sadd.s32 s8, s19  }
0x13: {  	[dreg:$0x9] =	wrdreg s0;
	s0 =	sadd.s32 s22, s26;
	s22 =	simm.s32 $0x2800  }
.Ltmp0:
0x14: {  	s19 =	simm.s32 $0x8C00;
	[dreg:$0x5] =	wrdreg s2;
	(pc) =	sbr.rel .LBB2_1-.Ltmp0, $4  }
0x15: {  	s26 =	simm.s32 $0x3C00;
	[dreg:$0x6] =	wrdreg s8;
	s2 =	sadd.s32 $0x13600, s20  }
0x16: {  	[dreg:$0xb] =	wrdreg s0;
	s0 =	simm.s32 $0x3;
	s23 =	sadd.s32 s6, s2  }
0x17: {  	s8 =	simm.s32 $0xD;
	s2 =	sadd.s32 s7, s2;
	[dreg:$0x7] =	wrdreg s23  }
0x18: {  	[dreg:$0x8] =	wrdreg s2;
	s2 =	simm.s32 $0x7;
	s23 =	simm.s32 $0xB400  }
.LBB2_4:
0x19: {  	s13 =	simm.s32 $0x1  }
0x1a: {  	_ =	swait.ge [sflag:s13], $0x1400  }
0x1b: {  	[sflag:s13] =	ssyncset.done $0x0  }
0x1c: {  	[sflag:s13] =	ssyncadd.s32 $0xFFFFEC00  }
0x1d: {  	_ =	swait.ge [sflag:s24], $0x1400  }
0x1e: {  	[sflag:s24] =	ssyncset.done $0x0  }
0x1f: {  	s20 =	rddreg [dreg:$0x7];
	[sflag:s24] =	ssyncadd.s32 $0xFFFFEC00  }
0x20: {  	[hbm4b:s20+s3] =	stream.linear.scatter [tilespmem:s22], [sflag:$0x9], $0x1400, $0x38;
	[tilespmem:$0xC800] =	vst v63  }
0x21: {  	s16 =	simm.s32 $0x7800;
	s15 =	simm.s32 $0xB;
	s14 =	rddreg [dreg:$0x8]  }
0x22: {  	[hbm4b:s14+s3] =	stream.linear.scatter [tilespmem:s16], [sflag:$0xD], $0x1400, $0x38;
	[tilespmem:$0xC800] =	vst v63  }
0x23: {  	_ =	swait.ge [sflag:s15], $0x1400  }
0x24: {  	[sflag:s15] =	ssyncset.done $0x0  }
0x25: {  	s18 =	simm.s32 $0xF;
	[sflag:s15] =	ssyncadd.s32 $0xFFFFEC00  }
0x26: {  	_ =	swait.ge [sflag:s18], $0x1400  }
0x27: {  	[sflag:s18] =	ssyncset.done $0x0  }
0x28: {  	[sflag:s18] =	ssyncadd.s32 $0xFFFFEC00  }
0x29: {  	_ =	swait.ge [sflag:s21], $0x1400  }
0x2a: {  	[sflag:s21] =	ssyncset.done $0x0  }
0x2b: {  	[sflag:s21] =	ssyncadd.s32 $0xFFFFEC00  }
0x2c: {  	_ =	swait.ge [sflag:s8], $0x1400  }
0x2d: {  	[sflag:s8] =	ssyncset.done $0x0  }
0x2e: {  	s19 =	simm.s32 $0xC;
	[sflag:s8] =	ssyncadd.s32 $0xFFFFEC00  }
0x2f: {  	_ =	swait.ge [sflag:s19], $0x1400  }
0x30: {  	[sflag:s19] =	ssyncset.done $0x0  }
0x31: {  	s14 =	simm.s32 $0x10;
	[sflag:s19] =	ssyncadd.s32 $0xFFFFEC00  }
0x32: {  	_ =	swait.ge [sflag:s14], $0x1400  }
0x33: {  	s15 =	rddreg [dreg:$0xc]  }
0x34: {  	s20 =	rddreg [dreg:$0x9];
	s15 =	sadd.s32 $0x1, s15  }
0x35: {  	p0 =	sne.s32 s15, s20  }
.Ltmp1:
0x36: {  	_ = 	snop;
	(pc) =	sbr.rel @!p0 .LBB2_5-.Ltmp1, $3  }
0x37: {  	_ =	sdelay $0x1  }
0x38: {  	[sflag:s14] =	ssyncset.done $0x0  }
0x39: {  	s18 =	simm.s32 $0x3C00;
	s19 =	simm.s32 $0x8C00;
	[sflag:s14] =	ssyncadd.s32 $0xFFFFEC00  }
.LBB2_1:
0x3a: {  	[dreg:$0xc] =	wrdreg s15  }
0x3b: {  	s13 =	rddreg [dreg:$0x5];
	s14 =	simm.s32 $0x11  }
0x3c: {  	[tilespmem:s3], [sflag:$0x11] =	stream.linear.gather [hbm4b:s13+s3], $0x1388, $0x38;
	[tilespmem:$0xC800] =	vst v63  }
0x3d: {  	_ =	swait.ge [sflag:s14], $0x1388  }
0x3e: {  	[sflag:s14] =	ssyncset.done $0x0  }
0x3f: {  	s20 =	simm.s32 $0x1400;
	s15 =	rddreg [dreg:$0x6];
	[sflag:s14] =	ssyncadd.s32 $0xFFFFEC78  }
0x40: {  	[tilespmem:s20], [sflag:$0x11] =	stream.linear.gather [hbm4b:s15+s3], $0x1388, $0x38;
	[tilespmem:$0xC800] =	vst v63  }
0x41: {  	_ =	swait.ge [sflag:s14], $0x1388  }
0x42: {  	[sflag:s14] =	ssyncset.done $0x0  }
0x43: {  	[sflag:s14] =	ssyncadd.s32 $0xFFFFEC78  }
0x44: {  	[tilespmem:s22], [sflag:$0x1] =	stream.indirect.gather [hbm4b:s1+s17], $0x80, s3, s17, $0xb8;
	[tilespmem:$0xC800] =	vst v63  }
0x45: {  	_ = 	snop  }
0x46: {  	[tilespmem:s16], [sflag:$0x5] =	stream.indirect.gather [hbm4b:s4+s17], $0x80, s20, s17, $0xb8;
	[tilespmem:$0xC800] =	vst v63  }
0x47: {  	s13 =	simm.s32 $0x0;
	s15 =	simm.s32 $0xC8  }
0x48: {  	[tilespmem:s18], [sflag:$0x2] =	stream.indirect.gather [hbm4b:s1+s17], $0x80, s17, s17, $0xb8;
	[tilespmem:$0xC800] =	vst v63  }
0x49: {  	s14 =	simm.s32 $0x78;
	s20 =	simm.s32 $0x1428;
	s16 =	simm.s32 $0x14C8  }
0x4a: {  	[tilespmem:s19], [sflag:$0x6] =	stream.indirect.gather [hbm4b:s4+s17], $0x80, s20, s17, $0xb8;
	[tilespmem:$0xC800] =	vst v63  }
.LBB2_2:
0x4b: {  	s18 =	simm.s32 $0x1  }
0x4c: {  	_ =	swait.ge [sflag:s18], $0x1400  }
0x4d: {  	[sflag:s18] =	ssyncset.done $0x0  }
0x4e: {  	[sflag:s18] =	ssyncadd.s32 $0xFFFFEC00  }
0x4f: {  	_ =	swait.ge [sflag:s24], $0x1400  }
0x50: {  	p0 =	seq.s32 s13, $0x0;
	[sflag:s24] =	ssyncset.done $0x0;
	s20 =	rddreg [dreg:$0xa]  }
0x51: {  	s19 =	rddreg [dreg:$0xb];
	[sflag:s24] =	ssyncadd.s32 $0xFFFFEC00;
	s20 =	sadd.s32 s13, s20  }
0x52: {  	[hbm4b:s20+s3] =	stream.linear.scatter [tilespmem:s22], [sflag:$0x9], $0x1400, $0x38;
	[tilespmem:$0xC800] =	vst v63  }
0x53: {  	s18 =	simm.s32 @!p0 $0xB;
	s22 =	sadd.s32 s13, s19  }
0x54: {  	[hbm4b:s22+s3] =	stream.linear.scatter [tilespmem:s25], [sflag:$0xD], $0x1400, $0x38;
	[tilespmem:$0xC800] =	vst v63  }
0x55: {  	_ =	swait.ge @!p0 [sflag:s18], $0x1400  }
0x56: {  	[sflag:s18] =	ssyncset.done @!p0 $0x0  }
0x57: {  	[sflag:s18] =	ssyncadd.s32 @!p0 $0xFFFFEC00;
	s18 =	simm.s32 @!p0 $0xF  }
0x58: {  	_ =	swait.ge @!p0 [sflag:s18], $0x1400  }
0x59: {  	s19 =	sadd.s32 @!p0 $0xFFFFFFD8, s14;
	[sflag:s18] =	ssyncset.done @!p0 $0x0  }
0x5a: {  	s19 =	simm.s32 @p0 $0x50;
	[sflag:s18] =	ssyncadd.s32 @!p0 $0xFFFFEC00  }
0x5b: {  	[tilespmem:s31], [sflag:$0x3] =	stream.indirect.gather [hbm4b:s1+s17], $0x80, s19, s17, $0xb8;
	[tilespmem:$0xC800] =	vst v63  }
0x5c: {  	s18 =	sadd.s32 $0x1400, s19  }
0x5d: {  	[tilespmem:s28], [sflag:$0x7] =	stream.indirect.gather [hbm4b:s4+s17], $0x80, s18, s17, $0xb8;
	[tilespmem:$0xC800] =	vst v63  }
0x5e: {  	s18 =	simm.s32 $0x2  }
0x5f: {  	_ =	swait.ge [sflag:s18], $0x1400  }
0x60: {  	[sflag:s18] =	ssyncset.done $0x0  }
0x61: {  	[sflag:s18] =	ssyncadd.s32 $0xFFFFEC00;
	s18 =	simm.s32 $0x6  }
0x62: {  	_ =	swait.ge [sflag:s18], $0x1400  }
0x63: {  	[sflag:s18] =	ssyncset.done $0x0  }
0x64: {  	s20 =	sadd.s32 $0x280, s20;
	[sflag:s18] =	ssyncadd.s32 $0xFFFFEC00  }
0x65: {  	[hbm4b:s20+s3] =	stream.linear.scatter [tilespmem:s26], [sflag:$0xA], $0x1400, $0x38;
	[tilespmem:$0xC800] =	vst v63  }
0x66: {  	s18 =	simm.s32 @!p0 $0xC;
	s20 =	sadd.s32 $0x280, s22  }
0x67: {  	[hbm4b:s20+s3] =	stream.linear.scatter [tilespmem:s30], [sflag:$0xE], $0x1400, $0x38;
	[tilespmem:$0xC800] =	vst v63  }
0x68: {  	_ =	swait.ge @!p0 [sflag:s18], $0x1400  }
0x69: {  	[sflag:s18] =	ssyncset.done @!p0 $0x0  }
0x6a: {  	[sflag:s18] =	ssyncadd.s32 @!p0 $0xFFFFEC00;
	s18 =	simm.s32 @!p0 $0x10  }
0x6b: {  	_ =	swait.ge @!p0 [sflag:s18], $0x1400  }
0x6c: {  	s20 =	smov.u32 s14;
	[sflag:s18] =	ssyncset.done @!p0 $0x0  }
0x6d: {  	s20 =	simm.s32 @p0 $0x78;
	[sflag:s18] =	ssyncadd.s32 @!p0 $0xFFFFEC00  }
0x6e: {  	[tilespmem:s29], [sflag:$0x4] =	stream.indirect.gather [hbm4b:s1+s17], $0x80, s20, s17, $0xb8;
	[tilespmem:$0xC800] =	vst v63  }
0x6f: {  	s18 =	sadd.s32 $0x1400, s20  }
0x70: {  	[tilespmem:s23], [sflag:$0x8] =	stream.indirect.gather [hbm4b:s4+s17], $0x80, s18, s17, $0xb8;
	[tilespmem:$0xC800] =	vst v63  }
0x71: {  	_ =	swait.ge [sflag:s0], $0x1400  }
0x72: {  	[sflag:s0] =	ssyncset.done $0x0  }
0x73: {  	[sflag:s0] =	ssyncadd.s32 $0xFFFFEC00  }
0x74: {  	s19 =	sadd.s32 s5, s19;
	_ =	swait.ge [sflag:s2], $0x1400  }
0x75: {  	s18 =	sshll.u32 s19, $0x4;
	[sflag:s2] =	ssyncset.done $0x0  }
0x76: {  	s19 =	sadd.s32 s6, s18;
	[sflag:s2] =	ssyncadd.s32 $0xFFFFEC00  }
0x77: {  	[hbm4b:s19+s3] =	stream.linear.scatter [tilespmem:s31], [sflag:$0xB], $0x1400, $0x38;
	[tilespmem:$0xC800] =	vst v63  }
0x78: {  	s18 =	sadd.s32 s7, s18  }
0x79: {  	[hbm4b:s18+s3] =	stream.linear.scatter [tilespmem:s28], [sflag:$0xF], $0x1400, $0x38;
	[tilespmem:$0xC800] =	vst v63  }
0x7a: {  	_ =	swait.ge [sflag:s21], $0x1400  }
0x7b: {  	[sflag:s21] =	ssyncset.done $0x0  }
0x7c: {  	[sflag:s21] =	ssyncadd.s32 $0xFFFFEC00  }
0x7d: {  	_ =	swait.ge [sflag:s8], $0x1400  }
0x7e: {  	[sflag:s8] =	ssyncset.done $0x0  }
0x7f: {  	s22 =	simm.s32 $0x2800;
	s19 =	sadd.s32 $0xFFFFFFD8, s15;
	[sflag:s8] =	ssyncadd.s32 $0xFFFFEC00  }
0x80: {  	[tilespmem:s22], [sflag:$0x1] =	stream.indirect.gather [hbm4b:s1+s17], $0x80, s19, s17, $0xb8;
	[tilespmem:$0xC800] =	vst v63  }
0x81: {  	s19 =	sadd.s32 $0xFFFFFFD8, s16  }
0x82: {  	[tilespmem:s25], [sflag:$0x5] =	stream.indirect.gather [hbm4b:s4+s17], $0x80, s19, s17, $0xb8;
	[tilespmem:$0xC800] =	vst v63  }
0x83: {  	_ =	swait.ge [sflag:s9], $0x1400  }
0x84: {  	[sflag:s9] =	ssyncset.done $0x0  }
0x85: {  	[sflag:s9] =	ssyncadd.s32 $0xFFFFEC00  }
0x86: {  	s19 =	sadd.s32 s5, s20;
	_ =	swait.ge [sflag:s10], $0x1400  }
0x87: {  	s18 =	sshll.u32 s19, $0x4;
	[sflag:s10] =	ssyncset.done $0x0  }
0x88: {  	s20 =	sadd.s32 s6, s18;
	[sflag:s10] =	ssyncadd.s32 $0xFFFFEC00  }
0x89: {  	[hbm4b:s20+s3] =	stream.linear.scatter [tilespmem:s29], [sflag:$0xC], $0x1400, $0x38;
	[tilespmem:$0xC800] =	vst v63  }
0x8a: {  	s18 =	sadd.s32 s7, s18  }
0x8b: {  	[hbm4b:s18+s3] =	stream.linear.scatter [tilespmem:s23], [sflag:$0x10], $0x1400, $0x38;
	[tilespmem:$0xC800] =	vst v63  }
0x8c: {  	p0 =	seq.s32 s13, $0x12C00;
	_ =	swait.ge [sflag:s11], $0x1400  }
.Ltmp2:
0x8d: {  	[sflag:s11] =	ssyncset.done $0x0;
	(pc) =	sbr.rel @p0 .LBB2_4-.Ltmp2, $4  }
0x8e: {  	[sflag:s11] =	ssyncadd.s32 $0xFFFFEC00  }
0x8f: {  	_ =	swait.ge [sflag:s12], $0x1400  }
0x90: {  	[sflag:s12] =	ssyncset.done $0x0  }
0x91: {  	[sflag:s12] =	ssyncadd.s32 $0xFFFFEC00  }
.Ltmp3:
0x92: {  	(pc) =	sbr.rel .LBB2_2-.Ltmp3, $4  }
0x93: {  	[tilespmem:s26], [sflag:$0x2] =	stream.indirect.gather [hbm4b:s1+s17], $0x80, s15, s17, $0xb8;
	[tilespmem:$0xC800] =	vst v63  }
0x94: {  	s14 =	sadd.s32 $0xA0, s14  }
0x95: {  	[tilespmem:s30], [sflag:$0x6] =	stream.indirect.gather [hbm4b:s4+s17], $0x80, s16, s17, $0xb8;
	[tilespmem:$0xC800] =	vst v63  }
0x96: {  	s13 =	sadd.s32 $0xA00, s13;
	s15 =	sadd.s32 $0xA0, s15;
	s16 =	sadd.s32 $0xA0, s16  }
.LBB2_5:
0x97: {  	_ =	sfence.sel $0x180000  }
0x98: {  	[bflag:$0x0] =	sbarrier.arrive $0xFFFF  }
0x99: {  	_ =	strace $0x9000004A  }
0x9a: {  	s0 =	stileid.u32;
	[bflag:$0x2] =	sbarrier.arrive $0xFFFF  }
0x9b: {  	p0 =	sne.s32 s0, $0x0;
	s0 =	rddreg [dreg:$0x4]  }
0x9c: {  	s0 =	sadd.s32 @!p0 $0x100000, s0  }
0x9d: {  	[sflag:s0] =	ssyncadd.tile.s32 @!p0 $0x1;
	_ =	shalt  }
.Lfunc_end2:
_tile_overlayer_lowered:
.L_overlay_start_2:
0x9e: {  	(tag) =	ssettag $0x2  }
0x9f: {  	s0 =	rddreg [dreg:$0x0];
	s2 =	stileid.u32  }
0xa0: {  	s1 =	rddreg [dreg:$0x1];
	p0 =	sne.s32 s2, $0x0  }
0xa1: {  	s3 =	rddreg [dreg:$0x2];
	[bflag:$0x3] =	sbarrier.arrive $0xFFFF;
	s2 =	simm.s32 @!p0 $0x1C11  }
0xa2: {  	[timem:s3], [sflag:s2] =	dma.local @!p0 [hbm:s0], s1  }
0xa3: {  	s0 =	simm.s32 @!p0 $0x11  }
0xa4: {  	_ =	swait.ge @!p0 [sflag:s0], s1  }
0xa5: {  	s1 =	ssub.s32 @!p0 $0x0, s1;
	[sflag:s0] =	ssyncset.done @!p0 $0x0  }
0xa6: {  	[sflag:s0] =	ssyncadd.s32 @!p0 s1  }
0xa7: {  	[bflag:$0x3] =	sbarrier.arrive $0xFFFF  }
0xa8: {  	_ =	shalt  }

// kernel: kernel.15.cloned.1.call-start
scs
__scs_entry_jumppad:
0x0: {  	(pc) =	sbr.rel $0x88, $3  }
0x1: {  	(tag) =	ssettag $0x0;
	lr =	simm.s32 $0x1  }
0x2: {  	[smem:$0x3F97] =	sst lr;
	_ =	strace $0xD0000000  }
0x3: {  	_ = 	snop  }
0x4: {  	_ = 	snop  }
0x5: {  	_ = 	snop  }
0x6: {  	_ = 	snop  }
0x7: {  	_ = 	snop  }
__scs_overlays_trampoline_lowered:
0x8: {  	[smem:$0x3FA6] =	sst s0  }
0x9: {  	[smem:$0x3FA7] =	sst s1  }
0xa: {  	[smem:$0x3FA8] =	sst s2  }
0xb: {  	[smem:$0x3FA9] =	sst s3  }
0xc: {  	[smem:$0x3FAA] =	sst s4  }
0xd: {  	[smem:$0x3FAB] =	sst s5  }
0xe: {  	[smem:$0x3FAC] =	sst s6  }
0xf: {  	[smem:$0x3FAD] =	sst s7  }
0x10: {  	[smem:$0x3FAE] =	sst s8  }
0x11: {  	[smem:$0x3FAF] =	sst s9;
	s0 =	simm.s32 @!p0 $0x0  }
0x12: {  	s1 =	sld [smem:$0x3F95];
	s0 =	simm.s32 @p0 $0x1  }
0x13: {  	[smem:$0x3FB0] =	sst s0;
	s0 =	simm.s32 @!p1 $0x0  }
0x14: {  	s2 =	sld [smem:$0x3F94];
	s0 =	simm.s32 @p1 $0x1  }
0x15: {  	[smem:$0x3FB1] =	sst s0;
	s0 =	simm.s32 @!p2 $0x0  }
0x16: {  	s3 =	sld [smem:$0x3FDB];
	s0 =	simm.s32 @p2 $0x1  }
0x17: {  	s4 =	simm.s32 $0x1BF5;
	[smem:$0x3FB3] =	sst s0  }
0x18: {  	s0 =	sld [smem:$0x3F96];
	_ =	swait.ge [sflag:s4], $0x0  }
0x19: {  	s7 =	sld [smem:$0x3F97]  }
0x1a: {  	s8 =	sadd.s32 $0xFFFFE003, lr  }
0x1b: {  	s9 =	sadd.s32 $0xFFFFFEF7, lr;
	s5 =	simm.s32 $0xFFFFFFFF;
	p2 =	slt.u32 s8, $0xFFFFF086  }
0x1c: {  	p1 =	slt.u32 s9, $0xF7A;
	s5 =	simm.s32 @!p2 $0x0  }
0x1d: {  	s5 =	simm.s32 @p1 $0x1;
	p0 =	seq.s32 s7, s2  }
0x1e: {  	s7 =	smul.u32 @!p0 $0xF7A, s2;
	p2 =	seq.s32 @!p0 s5, $0x0  }
0x1f: {  	s9 =	smul.u32 $0xF7A, s1;
	s8 =	simm.s32 @!p0 $0x1BF5;
	p2 =	por !p2, p0  }
0x20: {  	[sflag:s8] =	ssyncset.s32 @!p0 $0xFFFFF086;
	s6 =	sadd.s32 @!p0 s3, s7;
	s7 =	simm.s32 @!p0 $0x108  }
0x21: {  	s3 =	sadd.s32 s3, s9;
	s6 =	sadd.s32 @!p0 $0x88, s6;
	s7 =	simm.s32 @p2 $0x1082  }
0x22: {  	[simem:s7], [sflag:s8] =	dma.local @!p0 [hbm:s6], $0xF7A  }
0x23: {  	s9 =	sor.u32 $0xD0000000, s2;
	s6 =	simm.s32 $0x108;
	_ =	swait.ge @!p0 [sflag:s8], $0x0  }
0x24: {  	s3 =	sadd.s32 $0x88, s3;
	s6 =	simm.s32 @!p1 $0x1082;
	[sflag:s4] =	ssyncset.s32 $0xFFFFF086  }
0x25: {  	[simem:s6], [sflag:s4] =	dma.local [hbm:s3], $0xF7A  }
0x26: {  	[smem:$0x3F97] =	sst s1;
	(tag) =	ssettag s2;
	_ =	strace s9  }
0x27: {  	s1 =	sld [smem:$0x3FA7]  }
0x28: {  	s2 =	sld [smem:$0x3FA8]  }
0x29: {  	s4 =	sld [smem:$0x3FAA]  }
0x2a: {  	p0 =	seq.s32 s5, $0x0;
	s5 =	sld [smem:$0x3FAB]  }
0x2b: {  	s6 =	sld [smem:$0x3FAC]  }
0x2c: {  	s7 =	sld [smem:$0x3FAD]  }
0x2d: {  	s3 =	simm.s32 $0x108;
	s8 =	sld [smem:$0x3FAE]  }
0x2e: {  	s3 =	simm.s32 @!p0 $0x1082;
	s9 =	sld [smem:$0x3FAF]  }
0x2f: {  	lr =	sadd.s32 s0, s3;
	s0 =	sld [smem:$0x3FA6]  }
0x30: {  	s3 =	sld [smem:$0x3FA9]  }
0x31: {  	[smem:$0x3FB2] =	sst s10  }
0x32: {  	s10 =	sld [smem:$0x3FB0];
	_ =	sdelay $0x3  }
0x33: {  	p0 =	seq.s32 s10, $0x1;
	s10 =	sld [smem:$0x3FB2];
	_ =	sdelay $0x3  }
0x34: {  	[smem:$0x3FB2] =	sst s10  }
0x35: {  	s10 =	sld [smem:$0x3FB1];
	_ =	sdelay $0x3  }
0x36: {  	p1 =	seq.s32 s10, $0x1;
	s10 =	sld [smem:$0x3FB2];
	_ =	sdelay $0x3  }
0x37: {  	[smem:$0x3FB2] =	sst s10  }
0x38: {  	s10 =	sld [smem:$0x3FB3]  }
0x39: {  	_ = 	snop;
	(pc) =	sbr.ind lr, $3  }
0x3a: {  	_ = 	snop  }
0x3b: {  	_ = 	snop  }
0x3c: {  	p2 =	seq.s32 s10, $0x1;
	s10 =	sld [smem:$0x3FB2]  }
0x3d: {  	_ =	shalt  }
0x3e: {  	_ =	shalt  }
0x3f: {  	_ =	shalt  }
0x40: {  	_ =	shalt  }
0x41: {  	_ =	shalt  }
0x42: {  	_ =	shalt  }
0x43: {  	_ =	shalt  }
0x44: {  	_ =	shalt  }
0x45: {  	_ =	shalt  }
0x46: {  	_ =	shalt  }
0x47: {  	_ =	shalt  }
0x48: {  	_ =	shalt  }
0x49: {  	_ =	shalt  }
0x4a: {  	_ =	shalt  }
0x4b: {  	_ =	shalt  }
0x4c: {  	_ =	shalt  }
0x4d: {  	_ =	shalt  }
0x4e: {  	_ =	shalt  }
0x4f: {  	_ =	shalt  }
0x50: {  	_ =	shalt  }
0x51: {  	_ =	shalt  }
0x52: {  	_ =	shalt  }
0x53: {  	_ =	shalt  }
0x54: {  	_ =	shalt  }
0x55: {  	_ =	shalt  }
0x56: {  	_ =	shalt  }
0x57: {  	_ =	shalt  }
0x58: {  	_ =	shalt  }
0x59: {  	_ =	shalt  }
0x5a: {  	_ =	shalt  }
0x5b: {  	_ =	shalt  }
0x5c: {  	_ =	shalt  }
0x5d: {  	_ =	shalt  }
0x5e: {  	_ =	shalt  }
0x5f: {  	_ =	shalt  }
0x60: {  	_ =	shalt  }
0x61: {  	_ =	shalt  }
0x62: {  	_ =	shalt  }
0x63: {  	_ =	shalt  }
0x64: {  	_ =	shalt  }
0x65: {  	_ =	shalt  }
0x66: {  	_ =	shalt  }
0x67: {  	_ =	shalt  }
0x68: {  	_ =	shalt  }
0x69: {  	_ =	shalt  }
0x6a: {  	_ =	shalt  }
0x6b: {  	_ =	shalt  }
0x6c: {  	_ =	shalt  }
0x6d: {  	_ =	shalt  }
0x6e: {  	_ =	shalt  }
0x6f: {  	_ =	shalt  }
0x70: {  	_ =	shalt  }
0x71: {  	_ =	shalt  }
0x72: {  	_ =	shalt  }
0x73: {  	_ =	shalt  }
0x74: {  	_ =	shalt  }
0x75: {  	_ =	shalt  }
0x76: {  	_ =	shalt  }
0x77: {  	_ =	shalt  }
0x78: {  	_ =	shalt  }
0x79: {  	_ =	shalt  }
0x7a: {  	_ =	shalt  }
0x7b: {  	_ =	shalt  }
0x7c: {  	_ =	shalt  }
0x7d: {  	_ =	shalt  }
0x7e: {  	_ =	shalt  }
0x7f: {  	_ =	shalt  }
0x80: {  	_ =	shalt  }
0x81: {  	_ =	shalt  }
0x82: {  	_ =	shalt  }
0x83: {  	_ =	shalt  }
0x84: {  	_ =	shalt  }
0x85: {  	_ =	shalt  }
0x86: {  	_ =	shalt  }
0x87: {  	_ =	shalt  }
.Lfunc_end0:
.L_simem_size_0:
called_computation.1_lowered:
.L_overlay_start_0:
0x88: {  	s2 =	sld [smem:$0x3FD9]  }
0x89: {  	s3 =	sld [smem:$0x3FFE];
	_ =	sdelay $0x1  }
0x8a: {  	s1 =	srdreg.scid  }
0x8b: {  	s0 =	sand.u32 $0x1, s1  }
0x8c: {  	s17 =	sshll.u32 s0, $0xA;
	s2 =	sadd.s32 s3, s2  }
0x8d: {  	s2 =	sadd.s32 s2, s17  }
0x8e: {  	[smem:$0x3FBE] =	sst s2  }
0x8f: {  	_ = 	snop  }
0x90: {  	s2 =	sld [smem:$0x3FC7]  }
0x91: {  	s18 =	sld [smem:$0x3FC6]  }
0x92: {  	s4 =	sld [smem:$0x3FD0];
	(tm) =	ssettm $0x1  }
0x93: {  	s5 =	sld [smem:$0x3FFB];
	_ =	sdelay $0x3  }
0x94: {  	_ =	strace s5  }
0x95: {  	s5 =	sld [smem:$0x3FFC];
	_ =	sdelay $0x3  }
0x96: {  	_ =	strace s5  }
0x97: {  	s5 =	sld [smem:$0x3FFD];
	_ =	sdelay $0x3  }
0x98: {  	_ =	strace s5  }
0x99: {  	_ =	strace $0x8FFFFFFF  }
0x9a: {  	s19 =	sld [smem:$0x3FDB];
	_ =	sdelay $0x1  }
0x9b: {  	s6 =	simm.s32 $_scs_section_size  }
0x9c: {  	s7 =	simm.s32 $_size__tile_overlayer_lowered;
	s8 =	simm.s32 $_tile_overlayer_lowered  }
0x9d: {  	s22 =	simm.s32 $0x1BFF;
	s21 =	sshll.u32 s8, $0x1;
	s5 =	sadd.s32 s6, s19  }
0x9e: {  	s9 =	simm.s32 $0x0;
	s20 =	sshll.u32 s7, $0x1;
	s7 =	sadd.s32 s21, s5  }
0x9f: {  	[timem:s9], [sflag:s22] =	dma.local [hbm:s7], s20  }
0xa0: {  	_ =	swait.ge [sflag:s22], s20  }
0xa1: {  	s6 =	ssub.s32 $0x0, s20;
	[sflag:s22] =	ssyncset.done $0x0  }
0xa2: {  	[sflag:s22] =	ssyncadd.s32 s6;
	_ =	sdelay $0x1  }
0xa3: {  	s23 =	simm.s32 $0x1B8B  }
0xa4: {  	_ =	swait.ge [sflag:s23], $0x1  }
0xa5: {  	[sflag:s23] =	ssyncset.done $0x0  }
0xa6: {  	s25 =	simm.s32 $0x1B8E;
	s24 =	sld [smem:$0x3FFE];
	[sflag:s23] =	ssyncadd.s32 $0xFFFFFFFF  }
0xa7: {  	s26 =	simm.s32 $execute0_lowered;
	[smem:$0x3FD2] =	sst s25  }
0xa8: {  	s7 =	sshll.u32 s26, $0x1;
	_ =	strace $0x80000046;
	[dreg:$0x1] =	wrdreg $0xFFFFFFFF  }
0xa9: {  	s28 =	simm.s32 $_size_execute0_lowered;
	s5 =	sadd.s32 s5, s7;
	[dreg:$0x0] =	wrdreg $0x0  }
0xaa: {  	s7 =	sshll.u32 s28, $0x1;
	[dreg:$0x2] =	wrdreg s5  }
0xab: {  	[dreg:$0x3] =	wrdreg s7  }
0xac: {  	[dreg:$0x4] =	wrdreg $0xC0  }
0xad: {  	_ =	task [dreg:s9], $0x5FFFF  }
0xae: {  	[dreg:$0x1] =	wrdreg $0xFFFFFFFF  }
0xaf: {  	[dreg:$0x0] =	wrdreg $0x60  }
0xb0: {  	[dreg:$0x2] =	wrdreg s4  }
0xb1: {  	[dreg:$0x3] =	wrdreg s24  }
0xb2: {  	[dreg:$0x4] =	wrdreg s2  }
0xb3: {  	[dreg:$0x5] =	wrdreg s18  }
0xb4: {  	[dreg:$0x6] =	wrdreg $0xA  }
0xb5: {  	_ =	task.clear_ibuf [dreg:s9], $0x7FFFF;
	_ =	strace $0x90000046  }
0xb6: {  	s29 =	simm.s32 $0xA;
	_ =	strace $0x80000048  }
0xb7: {  	_ =	swait.ge [sflag:s29], $0x1  }
0xb8: {  	[sflag:s29] =	ssyncadd.s32 $0xFFFFFFFF  }
0xb9: {  	_ =	strace $0x90000048  }
0xba: {  	_ =	sfence  }
0xbb: {  	s30 =	sld [smem:$0x0];
	_ =	sdelay $0x2  }
0xbc: {  	s31 =	sshll.u32 s1, $0xD;
	s1 =	sshrl.u32 s1, $0x2  }
0xbd: {  	s3 =	sand.u32 $0x4000, s31;
	s1 =	sadd.s32 s1, s30  }
0xbe: {  	s0 =	sor.u32 s3, s0;
	s1 =	sshll.u32 s1, $0x11  }
0xbf: {  	s0 =	sor.u32 s1, s0  }
0xc0: {  	s0 =	sadd.s32 $0x8F2B, s0  }
0xc1: {  	[sflag:s0] =	ssyncadd.remote.s32 $0x1  }
0xc2: {  	_ =	sfence.sel $0xFFFF  }
0xc3: {  	[dreg:$0x0] =	wrdreg $0xFFFFFFFF;
	(pc) =	sbr.abs _section_cstart, $3  }
0xc4: {  	[dreg:$0x1] =	wrdreg $0xFFFFFFFF  }
0xc5: {  	_ =	task.clear_ibuf [dreg:s9], $0x2FFFF;
	_ =	strace $0x9FFFFFFF  }
0xc6: {  	(tm) =	ssettm $0x7FFFFFFF  }
0xc7: {  	_ =	shalt  }
tec
execute0_lowered:
.L_overlay_start_1:
0x0: {  	(tag) =	ssettag $0x1  }
0x1: {  	s1 =	rddreg [dreg:$0x0]  }
0x2: {  	s0 =	rddreg [dreg:$0x1]  }
0x3: {  	s2 =	rddreg [dreg:$0x2]  }
0x4: {  	s8 =	rddreg [dreg:$0x3];
	s4 =	srdreg.scid  }
0x5: {  	s14 =	stileid.u32;
	s3 =	simm.s32 $0x0;
	s16 =	simm.s32 $0x7800  }
0x6: {  	s15 =	simm.s32 $0x0;
	s30 =	simm.s32 $0x8C00;
	s31 =	simm.s32 $0x5000  }
0x7: {  	s28 =	simm.s32 $0xA000;
	s29 =	simm.s32 $0x6400;
	s9 =	sand.u32 $0x1, s4  }
0x8: {  	s17 =	sshll.u32 s14, $0x1;
	[smem:$0x7FF] =	sst s3;
	s5 =	sadd.s32 $0x5400, s0  }
0x9: {  	s6 =	sadd.s32 $0x2C600, s0;
	s21 =	smul.u32 $0x27100, s14;
	s7 =	sor.u32 s9, s17  }
0xa: {  	_ =	strace $0x80000047;
	s10 =	ssub.s32 $0x2, s9;
	s22 =	smul.u32 $0x13880, s9  }
0xb: {  	s17 =	simm.s32 $0x28;
	s9 =	simm.s32 $0x4;
	s4 =	smul.u32 $0x1388, s7  }
0xc: {  	s11 =	sshrl.u32 s10, $0x1;
	s13 =	smul.u32 $0x9C400, s7;
	s24 =	sadd.s32 s21, s6  }
0xd: {  	s7 =	sadd.s32 $0x29D600, s0;
	s18 =	ssub.s32 s10, s11;
	s25 =	sadd.s32 s22, s24  }
0xe: {  	s26 =	sadd.s32 s21, s7;
	s24 =	simm.s32 $0x5;
	s21 =	simm.s32 $0x9  }
0xf: {  	s10 =	simm.s32 $0x8;
	s11 =	simm.s32 $0xA;
	s12 =	sshrl.u32 s4, $0x3  }
0x10: {  	s20 =	sshrl.u32 s13, $0x3;
	s0 =	smax.u32 s18, $0x1;
	[dreg:$0xa] =	wrdreg s25  }
0x11: {  	s18 =	simm.s32 $0x3C00;
	s25 =	simm.s32 $0x7800;
	s19 =	sadd.s32 $0x4E20, s12  }
0x12: {  	[dreg:$0x9] =	wrdreg s0;
	s0 =	sadd.s32 s22, s26;
	s22 =	simm.s32 $0x2800  }
0x13: {  	s12 =	simm.s32 $0xE;
	s26 =	simm.s32 $0x3C00;
	s2 =	sadd.s32 s2, s19  }
.Ltmp0:
0x14: {  	s8 =	sadd.s32 s8, s19;
	[dreg:$0xb] =	wrdreg s0;
	(pc) =	sbr.rel .LBB2_1-.Ltmp0, $4  }
0x15: {  	s19 =	simm.s32 $0x8C00;
	[dreg:$0x5] =	wrdreg s2;
	s2 =	sadd.s32 $0x13600, s20  }
0x16: {  	s0 =	simm.s32 $0x3;
	[dreg:$0x6] =	wrdreg s8;
	s23 =	sadd.s32 s6, s2  }
0x17: {  	s8 =	simm.s32 $0xD;
	s2 =	sadd.s32 s7, s2;
	[dreg:$0x7] =	wrdreg s23  }
0x18: {  	[dreg:$0x8] =	wrdreg s2;
	s2 =	simm.s32 $0x7;
	s23 =	simm.s32 $0xB400  }
.LBB2_4:
0x19: {  	s13 =	simm.s32 $0x1  }
0x1a: {  	_ =	swait.ge [sflag:s13], $0x1400  }
0x1b: {  	[sflag:s13] =	ssyncset.done $0x0  }
0x1c: {  	[sflag:s13] =	ssyncadd.s32 $0xFFFFEC00  }
0x1d: {  	_ =	swait.ge [sflag:s24], $0x1400  }
0x1e: {  	[sflag:s24] =	ssyncset.done $0x0  }
0x1f: {  	s20 =	rddreg [dreg:$0x7];
	[sflag:s24] =	ssyncadd.s32 $0xFFFFEC00  }
0x20: {  	[hbm4b:s20+s3] =	stream.linear.scatter [tilespmem:s22], [sflag:$0x9], $0x1400, $0x38;
	[tilespmem:$0xC800] =	vst v63  }
0x21: {  	s16 =	simm.s32 $0x7800;
	s15 =	simm.s32 $0xB;
	s14 =	rddreg [dreg:$0x8]  }
0x22: {  	[hbm4b:s14+s3] =	stream.linear.scatter [tilespmem:s16], [sflag:$0xD], $0x1400, $0x38;
	[tilespmem:$0xC800] =	vst v63  }
0x23: {  	_ =	swait.ge [sflag:s15], $0x1400  }
0x24: {  	[sflag:s15] =	ssyncset.done $0x0  }
0x25: {  	s18 =	simm.s32 $0xF;
	[sflag:s15] =	ssyncadd.s32 $0xFFFFEC00  }
0x26: {  	_ =	swait.ge [sflag:s18], $0x1400  }
0x27: {  	[sflag:s18] =	ssyncset.done $0x0  }
0x28: {  	[sflag:s18] =	ssyncadd.s32 $0xFFFFEC00  }
0x29: {  	_ =	swait.ge [sflag:s21], $0x1400  }
0x2a: {  	[sflag:s21] =	ssyncset.done $0x0  }
0x2b: {  	[sflag:s21] =	ssyncadd.s32 $0xFFFFEC00  }
0x2c: {  	_ =	swait.ge [sflag:s8], $0x1400  }
0x2d: {  	[sflag:s8] =	ssyncset.done $0x0  }
0x2e: {  	s19 =	simm.s32 $0xC;
	[sflag:s8] =	ssyncadd.s32 $0xFFFFEC00  }
0x2f: {  	_ =	swait.ge [sflag:s19], $0x1400  }
0x30: {  	[sflag:s19] =	ssyncset.done $0x0  }
0x31: {  	s14 =	simm.s32 $0x10;
	[sflag:s19] =	ssyncadd.s32 $0xFFFFEC00  }
0x32: {  	_ =	swait.ge [sflag:s14], $0x1400  }
0x33: {  	s15 =	rddreg [dreg:$0xc]  }
0x34: {  	s20 =	rddreg [dreg:$0x9];
	s15 =	sadd.s32 $0x1, s15  }
0x35: {  	p0 =	sne.s32 s15, s20  }
.Ltmp1:
0x36: {  	_ = 	snop;
	(pc) =	sbr.rel @!p0 .LBB2_5-.Ltmp1, $3  }
0x37: {  	_ =	sdelay $0x1  }
0x38: {  	[sflag:s14] =	ssyncset.done $0x0  }
0x39: {  	s18 =	simm.s32 $0x3C00;
	s19 =	simm.s32 $0x8C00;
	[sflag:s14] =	ssyncadd.s32 $0xFFFFEC00  }
.LBB2_1:
0x3a: {  	[dreg:$0xc] =	wrdreg s15  }
0x3b: {  	s13 =	rddreg [dreg:$0x5];
	s14 =	simm.s32 $0x11  }
0x3c: {  	[tilespmem:s3], [sflag:$0x11] =	stream.linear.gather [hbm4b:s13+s3], $0x1388, $0x38;
	[tilespmem:$0xC800] =	vst v63  }
0x3d: {  	_ =	swait.ge [sflag:s14], $0x1388  }
0x3e: {  	[sflag:s14] =	ssyncset.done $0x0  }
0x3f: {  	s20 =	simm.s32 $0x1400;
	s15 =	rddreg [dreg:$0x6];
	[sflag:s14] =	ssyncadd.s32 $0xFFFFEC78  }
0x40: {  	[tilespmem:s20], [sflag:$0x11] =	stream.linear.gather [hbm4b:s15+s3], $0x1388, $0x38;
	[tilespmem:$0xC800] =	vst v63  }
0x41: {  	_ =	swait.ge [sflag:s14], $0x1388  }
0x42: {  	[sflag:s14] =	ssyncset.done $0x0  }
0x43: {  	[sflag:s14] =	ssyncadd.s32 $0xFFFFEC78  }
0x44: {  	[tilespmem:s22], [sflag:$0x1] =	stream.indirect.gather [hbm4b:s1+s17], $0x80, s3, s17, $0xb8;
	[tilespmem:$0xC800] =	vst v63  }
0x45: {  	_ = 	snop  }
0x46: {  	[tilespmem:s16], [sflag:$0x5] =	stream.indirect.gather [hbm4b:s5+s17], $0x80, s20, s17, $0xb8;
	[tilespmem:$0xC800] =	vst v63  }
0x47: {  	s13 =	simm.s32 $0x0;
	s15 =	simm.s32 $0xC8  }
0x48: {  	[tilespmem:s18], [sflag:$0x2] =	stream.indirect.gather [hbm4b:s1+s17], $0x80, s17, s17, $0xb8;
	[tilespmem:$0xC800] =	vst v63  }
0x49: {  	s14 =	simm.s32 $0x78;
	s20 =	simm.s32 $0x1428;
	s16 =	simm.s32 $0x14C8  }
0x4a: {  	[tilespmem:s19], [sflag:$0x6] =	stream.indirect.gather [hbm4b:s5+s17], $0x80, s20, s17, $0xb8;
	[tilespmem:$0xC800] =	vst v63  }
.LBB2_2:
0x4b: {  	s18 =	simm.s32 $0x1  }
0x4c: {  	_ =	swait.ge [sflag:s18], $0x1400  }
0x4d: {  	[sflag:s18] =	ssyncset.done $0x0  }
0x4e: {  	[sflag:s18] =	ssyncadd.s32 $0xFFFFEC00  }
0x4f: {  	_ =	swait.ge [sflag:s24], $0x1400  }
0x50: {  	p0 =	seq.s32 s13, $0x0;
	[sflag:s24] =	ssyncset.done $0x0;
	s20 =	rddreg [dreg:$0xa]  }
0x51: {  	s19 =	rddreg [dreg:$0xb];
	[sflag:s24] =	ssyncadd.s32 $0xFFFFEC00;
	s20 =	sadd.s32 s13, s20  }
0x52: {  	[hbm4b:s20+s3] =	stream.linear.scatter [tilespmem:s22], [sflag:$0x9], $0x1400, $0x38;
	[tilespmem:$0xC800] =	vst v63  }
0x53: {  	s18 =	simm.s32 @!p0 $0xB;
	s22 =	sadd.s32 s13, s19  }
0x54: {  	[hbm4b:s22+s3] =	stream.linear.scatter [tilespmem:s25], [sflag:$0xD], $0x1400, $0x38;
	[tilespmem:$0xC800] =	vst v63  }
0x55: {  	_ =	swait.ge @!p0 [sflag:s18], $0x1400  }
0x56: {  	[sflag:s18] =	ssyncset.done @!p0 $0x0  }
0x57: {  	[sflag:s18] =	ssyncadd.s32 @!p0 $0xFFFFEC00;
	s18 =	simm.s32 @!p0 $0xF  }
0x58: {  	_ =	swait.ge @!p0 [sflag:s18], $0x1400  }
0x59: {  	s19 =	sadd.s32 @!p0 $0xFFFFFFD8, s14;
	[sflag:s18] =	ssyncset.done @!p0 $0x0  }
0x5a: {  	s19 =	simm.s32 @p0 $0x50;
	[sflag:s18] =	ssyncadd.s32 @!p0 $0xFFFFEC00  }
0x5b: {  	[tilespmem:s31], [sflag:$0x3] =	stream.indirect.gather [hbm4b:s1+s17], $0x80, s19, s17, $0xb8;
	[tilespmem:$0xC800] =	vst v63  }
0x5c: {  	s18 =	sadd.s32 $0x1400, s19  }
0x5d: {  	[tilespmem:s28], [sflag:$0x7] =	stream.indirect.gather [hbm4b:s5+s17], $0x80, s18, s17, $0xb8;
	[tilespmem:$0xC800] =	vst v63  }
0x5e: {  	s18 =	simm.s32 $0x2  }
0x5f: {  	_ =	swait.ge [sflag:s18], $0x1400  }
0x60: {  	[sflag:s18] =	ssyncset.done $0x0  }
0x61: {  	[sflag:s18] =	ssyncadd.s32 $0xFFFFEC00;
	s18 =	simm.s32 $0x6  }
0x62: {  	_ =	swait.ge [sflag:s18], $0x1400  }
0x63: {  	[sflag:s18] =	ssyncset.done $0x0  }
0x64: {  	s20 =	sadd.s32 $0x280, s20;
	[sflag:s18] =	ssyncadd.s32 $0xFFFFEC00  }
0x65: {  	[hbm4b:s20+s3] =	stream.linear.scatter [tilespmem:s26], [sflag:$0xA], $0x1400, $0x38;
	[tilespmem:$0xC800] =	vst v63  }
0x66: {  	s18 =	simm.s32 @!p0 $0xC;
	s20 =	sadd.s32 $0x280, s22  }
0x67: {  	[hbm4b:s20+s3] =	stream.linear.scatter [tilespmem:s30], [sflag:$0xE], $0x1400, $0x38;
	[tilespmem:$0xC800] =	vst v63  }
0x68: {  	_ =	swait.ge @!p0 [sflag:s18], $0x1400  }
0x69: {  	[sflag:s18] =	ssyncset.done @!p0 $0x0  }
0x6a: {  	[sflag:s18] =	ssyncadd.s32 @!p0 $0xFFFFEC00;
	s18 =	simm.s32 @!p0 $0x10  }
0x6b: {  	_ =	swait.ge @!p0 [sflag:s18], $0x1400  }
0x6c: {  	s20 =	smov.u32 s14;
	[sflag:s18] =	ssyncset.done @!p0 $0x0  }
0x6d: {  	s20 =	simm.s32 @p0 $0x78;
	[sflag:s18] =	ssyncadd.s32 @!p0 $0xFFFFEC00  }
0x6e: {  	[tilespmem:s29], [sflag:$0x4] =	stream.indirect.gather [hbm4b:s1+s17], $0x80, s20, s17, $0xb8;
	[tilespmem:$0xC800] =	vst v63  }
0x6f: {  	s18 =	sadd.s32 $0x1400, s20  }
0x70: {  	[tilespmem:s23], [sflag:$0x8] =	stream.indirect.gather [hbm4b:s5+s17], $0x80, s18, s17, $0xb8;
	[tilespmem:$0xC800] =	vst v63  }
0x71: {  	_ =	swait.ge [sflag:s0], $0x1400  }
0x72: {  	[sflag:s0] =	ssyncset.done $0x0  }
0x73: {  	[sflag:s0] =	ssyncadd.s32 $0xFFFFEC00  }
0x74: {  	s19 =	sadd.s32 s4, s19;
	_ =	swait.ge [sflag:s2], $0x1400  }
0x75: {  	s18 =	sshll.u32 s19, $0x4;
	[sflag:s2] =	ssyncset.done $0x0  }
0x76: {  	s19 =	sadd.s32 s6, s18;
	[sflag:s2] =	ssyncadd.s32 $0xFFFFEC00  }
0x77: {  	[hbm4b:s19+s3] =	stream.linear.scatter [tilespmem:s31], [sflag:$0xB], $0x1400, $0x38;
	[tilespmem:$0xC800] =	vst v63  }
0x78: {  	s18 =	sadd.s32 s7, s18  }
0x79: {  	[hbm4b:s18+s3] =	stream.linear.scatter [tilespmem:s28], [sflag:$0xF], $0x1400, $0x38;
	[tilespmem:$0xC800] =	vst v63  }
0x7a: {  	_ =	swait.ge [sflag:s21], $0x1400  }
0x7b: {  	[sflag:s21] =	ssyncset.done $0x0  }
0x7c: {  	[sflag:s21] =	ssyncadd.s32 $0xFFFFEC00  }
0x7d: {  	_ =	swait.ge [sflag:s8], $0x1400  }
0x7e: {  	[sflag:s8] =	ssyncset.done $0x0  }
0x7f: {  	s22 =	simm.s32 $0x2800;
	s19 =	sadd.s32 $0xFFFFFFD8, s15;
	[sflag:s8] =	ssyncadd.s32 $0xFFFFEC00  }
0x80: {  	[tilespmem:s22], [sflag:$0x1] =	stream.indirect.gather [hbm4b:s1+s17], $0x80, s19, s17, $0xb8;
	[tilespmem:$0xC800] =	vst v63  }
0x81: {  	s19 =	sadd.s32 $0xFFFFFFD8, s16  }
0x82: {  	[tilespmem:s25], [sflag:$0x5] =	stream.indirect.gather [hbm4b:s5+s17], $0x80, s19, s17, $0xb8;
	[tilespmem:$0xC800] =	vst v63  }
0x83: {  	_ =	swait.ge [sflag:s9], $0x1400  }
0x84: {  	[sflag:s9] =	ssyncset.done $0x0  }
0x85: {  	[sflag:s9] =	ssyncadd.s32 $0xFFFFEC00  }
0x86: {  	s19 =	sadd.s32 s4, s20;
	_ =	swait.ge [sflag:s10], $0x1400  }
0x87: {  	s18 =	sshll.u32 s19, $0x4;
	[sflag:s10] =	ssyncset.done $0x0  }
0x88: {  	s20 =	sadd.s32 s6, s18;
	[sflag:s10] =	ssyncadd.s32 $0xFFFFEC00  }
0x89: {  	[hbm4b:s20+s3] =	stream.linear.scatter [tilespmem:s29], [sflag:$0xC], $0x1400, $0x38;
	[tilespmem:$0xC800] =	vst v63  }
0x8a: {  	s18 =	sadd.s32 s7, s18  }
0x8b: {  	[hbm4b:s18+s3] =	stream.linear.scatter [tilespmem:s23], [sflag:$0x10], $0x1400, $0x38;
	[tilespmem:$0xC800] =	vst v63  }
0x8c: {  	p0 =	seq.s32 s13, $0x12C00;
	_ =	swait.ge [sflag:s11], $0x1400  }
.Ltmp2:
0x8d: {  	[sflag:s11] =	ssyncset.done $0x0;
	(pc) =	sbr.rel @p0 .LBB2_4-.Ltmp2, $4  }
0x8e: {  	[sflag:s11] =	ssyncadd.s32 $0xFFFFEC00  }
0x8f: {  	_ =	swait.ge [sflag:s12], $0x1400  }
0x90: {  	[sflag:s12] =	ssyncset.done $0x0  }
0x91: {  	[sflag:s12] =	ssyncadd.s32 $0xFFFFEC00  }
.Ltmp3:
0x92: {  	(pc) =	sbr.rel .LBB2_2-.Ltmp3, $4  }
0x93: {  	[tilespmem:s26], [sflag:$0x2] =	stream.indirect.gather [hbm4b:s1+s17], $0x80, s15, s17, $0xb8;
	[tilespmem:$0xC800] =	vst v63  }
0x94: {  	s14 =	sadd.s32 $0xA0, s14  }
0x95: {  	[tilespmem:s30], [sflag:$0x6] =	stream.indirect.gather [hbm4b:s5+s17], $0x80, s16, s17, $0xb8;
	[tilespmem:$0xC800] =	vst v63  }
0x96: {  	s13 =	sadd.s32 $0xA00, s13;
	s15 =	sadd.s32 $0xA0, s15;
	s16 =	sadd.s32 $0xA0, s16  }
.LBB2_5:
0x97: {  	_ =	sfence.sel $0x180000  }
0x98: {  	[bflag:$0x0] =	sbarrier.arrive $0xFFFF  }
0x99: {  	_ =	strace $0x90000047  }
0x9a: {  	s0 =	stileid.u32;
	[bflag:$0x2] =	sbarrier.arrive $0xFFFF  }
0x9b: {  	p0 =	sne.s32 s0, $0x0;
	s0 =	rddreg [dreg:$0x4]  }
0x9c: {  	s0 =	sadd.s32 @!p0 $0x100000, s0  }
0x9d: {  	[sflag:s0] =	ssyncadd.tile.s32 @!p0 $0x1;
	_ =	shalt  }
.Lfunc_end2:
_tile_overlayer_lowered:
.L_overlay_start_2:
0x9e: {  	(tag) =	ssettag $0x2  }
0x9f: {  	s0 =	rddreg [dreg:$0x0];
	s2 =	stileid.u32  }
0xa0: {  	s1 =	rddreg [dreg:$0x1];
	p0 =	sne.s32 s2, $0x0  }
0xa1: {  	s3 =	rddreg [dreg:$0x2];
	[bflag:$0x3] =	sbarrier.arrive $0xFFFF;
	s2 =	simm.s32 @!p0 $0x1C11  }
0xa2: {  	[timem:s3], [sflag:s2] =	dma.local @!p0 [hbm:s0], s1  }
0xa3: {  	s0 =	simm.s32 @!p0 $0x11  }
0xa4: {  	_ =	swait.ge @!p0 [sflag:s0], s1  }
0xa5: {  	s1 =	ssub.s32 @!p0 $0x0, s1;
	[sflag:s0] =	ssyncset.done @!p0 $0x0  }
0xa6: {  	[sflag:s0] =	ssyncadd.s32 @!p0 s1  }
0xa7: {  	[bflag:$0x3] =	sbarrier.arrive $0xFFFF  }
0xa8: {  	_ =	shalt  }

// kernel: kernel.18.cloned.1.call-start
scs
__scs_entry_jumppad:
0x0: {  	(pc) =	sbr.rel $0x88, $3  }
0x1: {  	(tag) =	ssettag $0x0;
	lr =	simm.s32 $0x1  }
0x2: {  	[smem:$0x3F97] =	sst lr;
	_ =	strace $0xD0000000  }
0x3: {  	_ = 	snop  }
0x4: {  	_ = 	snop  }
0x5: {  	_ = 	snop  }
0x6: {  	_ = 	snop  }
0x7: {  	_ = 	snop  }
__scs_overlays_trampoline_lowered:
0x8: {  	[smem:$0x3FA6] =	sst s0  }
0x9: {  	[smem:$0x3FA7] =	sst s1  }
0xa: {  	[smem:$0x3FA8] =	sst s2  }
0xb: {  	[smem:$0x3FA9] =	sst s3  }
0xc: {  	[smem:$0x3FAA] =	sst s4  }
0xd: {  	[smem:$0x3FAB] =	sst s5  }
0xe: {  	[smem:$0x3FAC] =	sst s6  }
0xf: {  	[smem:$0x3FAD] =	sst s7  }
0x10: {  	[smem:$0x3FAE] =	sst s8  }
0x11: {  	[smem:$0x3FAF] =	sst s9;
	s0 =	simm.s32 @!p0 $0x0  }
0x12: {  	s1 =	sld [smem:$0x3F95];
	s0 =	simm.s32 @p0 $0x1  }
0x13: {  	[smem:$0x3FB0] =	sst s0;
	s0 =	simm.s32 @!p1 $0x0  }
0x14: {  	s2 =	sld [smem:$0x3F94];
	s0 =	simm.s32 @p1 $0x1  }
0x15: {  	[smem:$0x3FB1] =	sst s0;
	s0 =	simm.s32 @!p2 $0x0  }
0x16: {  	s3 =	sld [smem:$0x3FDB];
	s0 =	simm.s32 @p2 $0x1  }
0x17: {  	s4 =	simm.s32 $0x1BF5;
	[smem:$0x3FB3] =	sst s0  }
0x18: {  	s0 =	sld [smem:$0x3F96];
	_ =	swait.ge [sflag:s4], $0x0  }
0x19: {  	s7 =	sld [smem:$0x3F97]  }
0x1a: {  	s8 =	sadd.s32 $0xFFFFE003, lr  }
0x1b: {  	s9 =	sadd.s32 $0xFFFFFEF7, lr;
	s5 =	simm.s32 $0xFFFFFFFF;
	p2 =	slt.u32 s8, $0xFFFFF086  }
0x1c: {  	p1 =	slt.u32 s9, $0xF7A;
	s5 =	simm.s32 @!p2 $0x0  }
0x1d: {  	s5 =	simm.s32 @p1 $0x1;
	p0 =	seq.s32 s7, s2  }
0x1e: {  	s7 =	smul.u32 @!p0 $0xF7A, s2;
	p2 =	seq.s32 @!p0 s5, $0x0  }
0x1f: {  	s9 =	smul.u32 $0xF7A, s1;
	s8 =	simm.s32 @!p0 $0x1BF5;
	p2 =	por !p2, p0  }
0x20: {  	[sflag:s8] =	ssyncset.s32 @!p0 $0xFFFFF086;
	s6 =	sadd.s32 @!p0 s3, s7;
	s7 =	simm.s32 @!p0 $0x108  }
0x21: {  	s3 =	sadd.s32 s3, s9;
	s6 =	sadd.s32 @!p0 $0x88, s6;
	s7 =	simm.s32 @p2 $0x1082  }
0x22: {  	[simem:s7], [sflag:s8] =	dma.local @!p0 [hbm:s6], $0xF7A  }
0x23: {  	s9 =	sor.u32 $0xD0000000, s2;
	s6 =	simm.s32 $0x108;
	_ =	swait.ge @!p0 [sflag:s8], $0x0  }
0x24: {  	s3 =	sadd.s32 $0x88, s3;
	s6 =	simm.s32 @!p1 $0x1082;
	[sflag:s4] =	ssyncset.s32 $0xFFFFF086  }
0x25: {  	[simem:s6], [sflag:s4] =	dma.local [hbm:s3], $0xF7A  }
0x26: {  	[smem:$0x3F97] =	sst s1;
	(tag) =	ssettag s2;
	_ =	strace s9  }
0x27: {  	s1 =	sld [smem:$0x3FA7]  }
0x28: {  	s2 =	sld [smem:$0x3FA8]  }
0x29: {  	s4 =	sld [smem:$0x3FAA]  }
0x2a: {  	p0 =	seq.s32 s5, $0x0;
	s5 =	sld [smem:$0x3FAB]  }
0x2b: {  	s6 =	sld [smem:$0x3FAC]  }
0x2c: {  	s7 =	sld [smem:$0x3FAD]  }
0x2d: {  	s3 =	simm.s32 $0x108;
	s8 =	sld [smem:$0x3FAE]  }
0x2e: {  	s3 =	simm.s32 @!p0 $0x1082;
	s9 =	sld [smem:$0x3FAF]  }
0x2f: {  	lr =	sadd.s32 s0, s3;
	s0 =	sld [smem:$0x3FA6]  }
0x30: {  	s3 =	sld [smem:$0x3FA9]  }
0x31: {  	[smem:$0x3FB2] =	sst s10  }
0x32: {  	s10 =	sld [smem:$0x3FB0];
	_ =	sdelay $0x3  }
0x33: {  	p0 =	seq.s32 s10, $0x1;
	s10 =	sld [smem:$0x3FB2];
	_ =	sdelay $0x3  }
0x34: {  	[smem:$0x3FB2] =	sst s10  }
0x35: {  	s10 =	sld [smem:$0x3FB1];
	_ =	sdelay $0x3  }
0x36: {  	p1 =	seq.s32 s10, $0x1;
	s10 =	sld [smem:$0x3FB2];
	_ =	sdelay $0x3  }
0x37: {  	[smem:$0x3FB2] =	sst s10  }
0x38: {  	s10 =	sld [smem:$0x3FB3]  }
0x39: {  	_ = 	snop;
	(pc) =	sbr.ind lr, $3  }
0x3a: {  	_ = 	snop  }
0x3b: {  	_ = 	snop  }
0x3c: {  	p2 =	seq.s32 s10, $0x1;
	s10 =	sld [smem:$0x3FB2]  }
0x3d: {  	_ =	shalt  }
0x3e: {  	_ =	shalt  }
0x3f: {  	_ =	shalt  }
0x40: {  	_ =	shalt  }
0x41: {  	_ =	shalt  }
0x42: {  	_ =	shalt  }
0x43: {  	_ =	shalt  }
0x44: {  	_ =	shalt  }
0x45: {  	_ =	shalt  }
0x46: {  	_ =	shalt  }
0x47: {  	_ =	shalt  }
0x48: {  	_ =	shalt  }
0x49: {  	_ =	shalt  }
0x4a: {  	_ =	shalt  }
0x4b: {  	_ =	shalt  }
0x4c: {  	_ =	shalt  }
0x4d: {  	_ =	shalt  }
0x4e: {  	_ =	shalt  }
0x4f: {  	_ =	shalt  }
0x50: {  	_ =	shalt  }
0x51: {  	_ =	shalt  }
0x52: {  	_ =	shalt  }
0x53: {  	_ =	shalt  }
0x54: {  	_ =	shalt  }
0x55: {  	_ =	shalt  }
0x56: {  	_ =	shalt  }
0x57: {  	_ =	shalt  }
0x58: {  	_ =	shalt  }
0x59: {  	_ =	shalt  }
0x5a: {  	_ =	shalt  }
0x5b: {  	_ =	shalt  }
0x5c: {  	_ =	shalt  }
0x5d: {  	_ =	shalt  }
0x5e: {  	_ =	shalt  }
0x5f: {  	_ =	shalt  }
0x60: {  	_ =	shalt  }
0x61: {  	_ =	shalt  }
0x62: {  	_ =	shalt  }
0x63: {  	_ =	shalt  }
0x64: {  	_ =	shalt  }
0x65: {  	_ =	shalt  }
0x66: {  	_ =	shalt  }
0x67: {  	_ =	shalt  }
0x68: {  	_ =	shalt  }
0x69: {  	_ =	shalt  }
0x6a: {  	_ =	shalt  }
0x6b: {  	_ =	shalt  }
0x6c: {  	_ =	shalt  }
0x6d: {  	_ =	shalt  }
0x6e: {  	_ =	shalt  }
0x6f: {  	_ =	shalt  }
0x70: {  	_ =	shalt  }
0x71: {  	_ =	shalt  }
0x72: {  	_ =	shalt  }
0x73: {  	_ =	shalt  }
0x74: {  	_ =	shalt  }
0x75: {  	_ =	shalt  }
0x76: {  	_ =	shalt  }
0x77: {  	_ =	shalt  }
0x78: {  	_ =	shalt  }
0x79: {  	_ =	shalt  }
0x7a: {  	_ =	shalt  }
0x7b: {  	_ =	shalt  }
0x7c: {  	_ =	shalt  }
0x7d: {  	_ =	shalt  }
0x7e: {  	_ =	shalt  }
0x7f: {  	_ =	shalt  }
0x80: {  	_ =	shalt  }
0x81: {  	_ =	shalt  }
0x82: {  	_ =	shalt  }
0x83: {  	_ =	shalt  }
0x84: {  	_ =	shalt  }
0x85: {  	_ =	shalt  }
0x86: {  	_ =	shalt  }
0x87: {  	_ =	shalt  }
.Lfunc_end0:
.L_simem_size_0:
called_computation.2_lowered:
.L_overlay_start_0:
0x88: {  	s2 =	sld [smem:$0x3FD9]  }
0x89: {  	s3 =	sld [smem:$0x3FFE];
	_ =	sdelay $0x1  }
0x8a: {  	s1 =	srdreg.scid  }
0x8b: {  	s0 =	sand.u32 $0x1, s1  }
0x8c: {  	s17 =	sshll.u32 s0, $0xA;
	s2 =	sadd.s32 s3, s2  }
0x8d: {  	s2 =	sadd.s32 s2, s17  }
0x8e: {  	[smem:$0x3FBE] =	sst s2  }
0x8f: {  	_ = 	snop  }
0x90: {  	s18 =	sld [smem:$0x3FC6];
	(tm) =	ssettm $0x1  }
0x91: {  	s19 =	sld [smem:$0x3FFB];
	_ =	sdelay $0x3  }
0x92: {  	_ =	strace s19  }
0x93: {  	s2 =	sld [smem:$0x3FFC];
	_ =	sdelay $0x3  }
0x94: {  	_ =	strace s2  }
0x95: {  	s2 =	sld [smem:$0x3FFD];
	_ =	sdelay $0x3  }
0x96: {  	_ =	strace s2  }
0x97: {  	_ =	strace $0x8FFFFFFF  }
0x98: {  	s20 =	sld [smem:$0x3FDB];
	_ =	sdelay $0x1  }
0x99: {  	s4 =	simm.s32 $_scs_section_size  }
0x9a: {  	s5 =	simm.s32 $_size__tile_overlayer_lowered;
	s6 =	simm.s32 $_tile_overlayer_lowered  }
0x9b: {  	s7 =	simm.s32 $0x1BFF;
	s21 =	sshll.u32 s6, $0x1;
	s4 =	sadd.s32 s4, s20  }
0x9c: {  	s22 =	simm.s32 $0x0;
	s5 =	sshll.u32 s5, $0x1;
	s6 =	sadd.s32 s21, s4  }
0x9d: {  	[timem:s22], [sflag:s7] =	dma.local [hbm:s6], s5  }
0x9e: {  	_ =	swait.ge [sflag:s7], s5  }
0x9f: {  	s5 =	ssub.s32 $0x0, s5;
	[sflag:s7] =	ssyncset.done $0x0  }
0xa0: {  	[sflag:s7] =	ssyncadd.s32 s5;
	_ =	sdelay $0x1  }
0xa1: {  	s23 =	simm.s32 $0x1B8B  }
0xa2: {  	_ =	swait.ge [sflag:s23], $0x1  }
0xa3: {  	[sflag:s23] =	ssyncset.done $0x0  }
0xa4: {  	[sflag:s23] =	ssyncadd.s32 $0xFFFFFFFF  }
0xa5: {  	s5 =	sld [smem:$0x0]  }
0xa6: {  	s6 =	sand.u32 $0xFFFFFFFE, s1  }
0xa7: {  	p0 =	sne.s32 s1, s6  }
0xa8: {  	s6 =	sshll.u32 @p0 s6, $0xE  }
0xa9: {  	s6 =	sadd.s32 @p0 $0x11B8D, s6;
	s7 =	sshll.u32 @p0 s5, $0x11  }
0xaa: {  	s6 =	sor.u32 @p0 s7, s6  }
0xab: {  	[sflag:s6] =	ssyncadd.remote.s32 @p0 $0x1;
	_ =	sdelay $0x1  }
0xac: {  	s6 =	simm.s32 @p0 $0x1B8D  }
0xad: {  	_ =	swait.eq @p0 [sflag:s6], $0x1  }
0xae: {  	[sflag:s6] =	ssyncadd.s32 @p0 $0xFFFFFFFF  }
0xaf: {  	s7 =	sshll.u32 @!p0 s1, $0xE  }
0xb0: {  	s7 =	sor.u32 @!p0 $0x4000, s7;
	s6 =	simm.s32 @!p0 $0x1B8D  }
0xb1: {  	s5 =	sshll.u32 @!p0 s5, $0x11;
	s7 =	sadd.s32 @!p0 $0x11B8D, s7;
	_ =	swait.eq @!p0 [sflag:s6], $0x1  }
0xb2: {  	s5 =	sor.u32 @!p0 s5, s7;
	[sflag:s6] =	ssyncadd.s32 @!p0 $0xFFFFFFFF  }
0xb3: {  	s25 =	simm.s32 $0x1B8E;
	s24 =	sld [smem:$0x3FFE];
	[sflag:s5] =	ssyncadd.remote.s32 @!p0 $0x1  }
0xb4: {  	s26 =	simm.s32 $execute0_lowered;
	[smem:$0x3FD2] =	sst s25  }
0xb5: {  	s6 =	sshll.u32 s26, $0x1;
	_ =	strace $0x8000004F;
	[dreg:$0x1] =	wrdreg $0xFFFFFFFF  }
0xb6: {  	s28 =	simm.s32 $_size_execute0_lowered;
	s4 =	sadd.s32 s4, s6;
	[dreg:$0x0] =	wrdreg $0x0  }
0xb7: {  	s6 =	sshll.u32 s28, $0x1;
	[dreg:$0x2] =	wrdreg s4  }
0xb8: {  	[dreg:$0x3] =	wrdreg s6  }
0xb9: {  	[dreg:$0x4] =	wrdreg $0xC0  }
0xba: {  	_ =	task [dreg:s22], $0x5FFFF  }
0xbb: {  	[dreg:$0x1] =	wrdreg $0xFFFFFFFF  }
0xbc: {  	[dreg:$0x0] =	wrdreg $0x60  }
0xbd: {  	[dreg:$0x2] =	wrdreg s24  }
0xbe: {  	[dreg:$0x3] =	wrdreg s18  }
0xbf: {  	[dreg:$0x4] =	wrdreg $0x8D000  }
0xc0: {  	[dreg:$0x5] =	wrdreg $0x9  }
0xc1: {  	_ =	task.clear_ibuf [dreg:s22], $0x6FFFF;
	_ =	strace $0x9000004F  }
0xc2: {  	s29 =	simm.s32 $0x9;
	_ =	strace $0x80000051  }
0xc3: {  	_ =	swait.ge [sflag:s29], $0x1  }
0xc4: {  	[sflag:s29] =	ssyncadd.s32 $0xFFFFFFFF  }
0xc5: {  	_ =	strace $0x90000051  }
0xc6: {  	_ =	sfence  }
0xc7: {  	s30 =	sld [smem:$0x0];
	_ =	sdelay $0x2  }
0xc8: {  	s31 =	sshll.u32 s1, $0xD;
	s1 =	sshrl.u32 s1, $0x2  }
0xc9: {  	s4 =	sand.u32 $0x4000, s31;
	s1 =	sadd.s32 s1, s30  }
0xca: {  	s0 =	sor.u32 s4, s0;
	s1 =	sshll.u32 s1, $0x11  }
0xcb: {  	s0 =	sor.u32 s1, s0  }
0xcc: {  	s0 =	sadd.s32 $0x8F2B, s0  }
0xcd: {  	[sflag:s0] =	ssyncadd.remote.s32 $0x1  }
0xce: {  	_ =	sfence.sel $0xFFFF  }
0xcf: {  	[dreg:$0x0] =	wrdreg $0xFFFFFFFF;
	(pc) =	sbr.abs _section_cstart, $3  }
0xd0: {  	[dreg:$0x1] =	wrdreg $0xFFFFFFFF  }
0xd1: {  	_ =	task.clear_ibuf [dreg:s22], $0x2FFFF;
	_ =	strace $0x9FFFFFFF  }
0xd2: {  	(tm) =	ssettm $0x7FFFFFFF  }
0xd3: {  	_ =	shalt  }
tec
execute0_lowered:
.L_overlay_start_1:
0x0: {  	(tag) =	ssettag $0x1  }
0x1: {  	s0 =	rddreg [dreg:$0x0]  }
0x2: {  	s1 =	rddreg [dreg:$0x1];
	s15 =	stileid.u32  }
0x3: {  	s3 =	rddreg [dreg:$0x2];
	s4 =	simm.s32 $0x0;
	s25 =	smul.u32 $0x3E8, s15  }
0x4: {  	s2 =	srdreg.scid;
	s30 =	simm.s32 $0x100;
	s11 =	smul.u32 $0x7D000, s15  }
0x5: {  	s31 =	simm.s32 $0x1500;
	[smem:$0x7FF] =	sst s4;
	s21 =	smul.u32 $0x27100, s15  }
0x6: {  	s2 =	sand.u32 $0x1, s2;
	s5 =	sshll.u32 s15, $0x1;
	s22 =	smul.u32 $0x2710, s15  }
0x7: {  	s7 =	sadd.s32 $0x53600, s0;
	s6 =	smul.u32 $0x27100, s2;
	s5 =	sor.u32 s2, s5  }
0x8: {  	p0 =	sgt.u32 s15, $0x9;
	s8 =	ssub.s32 $0x2, s2;
	s9 =	smul.u32 $0x13880, s5  }
0x9: {  	_ =	strace $0x80000050;
	s24 =	sshrl.u32 s8, $0x1;
	s5 =	smul.u32 $0x1388, s5  }
0xa: {  	s14 =	sshrl.u32 s11, $0x2;
	s18 =	sadd.s32 $0xC8, s25;
	s20 =	sadd.s32 $0x190, s25  }
0xb: {  	s11 =	simm.s32 $0x0;
	s0 =	sadd.s32 s6, s0;
	s6 =	ssub.s32 s8, s24  }
0xc: {  	s19 =	sshll.u32 s18, $0x7;
	s8 =	sadd.s32 $0x320, s25;
	s9 =	sadd.s32 s7, s9  }
0xd: {  	s26 =	sshrl.u32 s5, $0x3;
	s10 =	sadd.s32 $0x28, s5;
	s0 =	sadd.s32 $0x2C4600, s0  }
0xe: {  	s5 =	sadd.s32 $0x1360, s5;
	s6 =	smax.u32 s6, $0x1;
	[dreg:$0x4] =	wrdreg s9  }
0xf: {  	s9 =	sadd.s32 s1, s26;
	s12 =	sshll.u32 s10, $0x4;
	[dreg:$0x8] =	wrdreg s6  }
0x10: {  	s10 =	sshrl.u32 s10, $0x3;
	[dreg:$0x5] =	wrdreg s9;
	s9 =	sadd.s32 s7, s12  }
0x11: {  	s17 =	sshll.u32 s5, $0x4;
	s13 =	sadd.s32 s1, s10;
	[dreg:$0x6] =	wrdreg s9  }
0x12: {  	s5 =	sshrl.u32 s5, $0x3;
	s6 =	sadd.s32 s7, s17;
	[dreg:$0x7] =	wrdreg s13  }
0x13: {  	s5 =	sadd.s32 s1, s5;
	s10 =	sadd.s32 s19, s3;
	[dreg:$0xa] =	wrdreg s6  }
0x14: {  	s12 =	sshll.u32 s20, $0x7;
	s7 =	sadd.s32 s21, s7;
	[dreg:$0xb] =	wrdreg s5  }
0x15: {  	s9 =	sadd.s32 s14, s3;
	s5 =	smul.u32 $0x3E80, s15;
	[dreg:$0xc] =	wrdreg s10  }
0x16: {  	s6 =	sshll.u32 s18, $0x4;
	s13 =	smul.u32 $0x13880, s2;
	s14 =	sadd.s32 $0x258, s25  }
0x17: {  	s2 =	smul.u32 $0x1388, s2;
	s12 =	sadd.s32 s12, s3;
	s10 =	sshll.u32 s20, $0x4  }
0x18: {  	s25 =	sshll.u32 s8, $0x7;
	s8 =	sshll.u32 s8, $0x4;
	s16 =	sadd.s32 $0x6400, s9  }
0x19: {  	s23 =	sshll.u32 s14, $0x7;
	[dreg:$0xd] =	wrdreg s12;
	s12 =	sshll.u32 s14, $0x4  }
0x1a: {  	s18 =	sadd.s32 @!p0 s6, s0;
	s19 =	sadd.s32 @!p0 s10, s0;
	s21 =	sadd.s32 @!p0 s8, s0  }
0x1b: {  	s28 =	sadd.s32 $0x12C00, s9;
	s29 =	sadd.s32 $0x19000, s9;
	s6 =	simm.s32 $0x28  }
0x1c: {  	s8 =	simm.s32 $0x2;
	s10 =	simm.s32 $0x4;
	[dreg:$0x9] =	wrdreg s16  }
0x1d: {  	s7 =	sadd.s32 s13, s7;
	s24 =	sadd.s32 s23, s3;
	s2 =	sadd.s32 s2, s22  }
0x1e: {  	s5 =	sadd.s32 @!p0 s5, s0;
	s20 =	sadd.s32 @!p0 s12, s0;
	[dreg:$0xe] =	wrdreg s24  }
0x1f: {  	s22 =	sadd.s32 s25, s3;
	[dreg:$0xf] =	wrdreg s5;
	s26 =	sadd.s32 $0x78, s2  }
0x20: {  	s23 =	sadd.s32 $0x780, s7;
	s25 =	sadd.s32 $0x50, s2;
	s2 =	simm.s32 $0x1  }
0x21: {  	s5 =	simm.s32 $0x3;
	s7 =	simm.s32 $0x5;
	s0 =	sshrl.u32 s26, $0x3  }
0x22: {  	v0 =	vimm.f32 $0.0e+00;
	s26 =	sadd.s32 $0xC800, s9;
	s24 =	sadd.s32 s0, s1;
	s0 =	simm.s32 $0x80  }
.LBB2_1:
0x23: {  	s12 =	simm.s32 $0x0;
	s13 =	simm.s32 $0x200  }
.LBB2_2:
0x24: {  	p1 =	sne.s32 s13, $0x18E00;
	[tilespmem:s12+$0x2970] =	vst v0  }
0x25: {  	[tilespmem:s12+$0x2900] =	vst v0  }
0x26: {  	[tilespmem:s12+$0x2910] =	vst v0  }
.Ltmp0:
0x27: {  	[tilespmem:s12+$0x2920] =	vst v0;
	(pc) =	sbr.rel @p1 .LBB2_2-.Ltmp0, $4  }
0x28: {  	[tilespmem:s12+$0x2930] =	vst v0  }
0x29: {  	[tilespmem:s12+$0x2940] =	vst v0  }
0x2a: {  	[tilespmem:s12+$0x2950] =	vst v0  }
0x2b: {  	[tilespmem:s12+$0x2960] =	vst v0;
	s12 =	sshra.s32 s13, $0x2;
	s13 =	sadd.s32 $0x200, s13  }
0x2c: {  	[tilespmem:s12+$0x2970] =	vst v0  }
0x2d: {  	[tilespmem:s12+$0x2900] =	vst v0  }
0x2e: {  	[tilespmem:s12+$0x2910] =	vst v0  }
0x2f: {  	[tilespmem:s12+$0x2920] =	vst v0  }
0x30: {  	[tilespmem:s12+$0x2930] =	vst v0  }
0x31: {  	[tilespmem:s12+$0x2940] =	vst v0  }
0x32: {  	[tilespmem:s12+$0x2950] =	vst v0  }
0x33: {  	[tilespmem:s12+$0x2960] =	vst v0;
	s12 =	simm.s32 @!p0 $0x2900;
	s13 =	simm.s32 @!p0 $0x5  }
0x34: {  	[spmem:s9] =	stream.linear.scatter @!p0 [tilespmem:s12], [sflag:$0x5], $0x6400, $0x38;
	[tilespmem:$0x1C580] =	vst v63  }
0x35: {  	_ =	swait.ge @!p0 [sflag:s13], $0x6400  }
0x36: {  	[sflag:s13] =	ssyncset.done @!p0 $0x0  }
0x37: {  	s14 =	rddreg [dreg:$0x9];
	[sflag:s13] =	ssyncadd.s32 @!p0 $0xFFFF9C00  }
0x38: {  	[spmem:s14] =	stream.linear.scatter @!p0 [tilespmem:s12], [sflag:$0x5], $0x6400, $0x38;
	[tilespmem:$0x1C580] =	vst v63  }
0x39: {  	_ =	swait.ge @!p0 [sflag:s13], $0x6400  }
0x3a: {  	[sflag:s13] =	ssyncset.done @!p0 $0x0  }
0x3b: {  	[sflag:s13] =	ssyncadd.s32 @!p0 $0xFFFF9C00  }
0x3c: {  	[spmem:s26] =	stream.linear.scatter @!p0 [tilespmem:s12], [sflag:$0x5], $0x6400, $0x38;
	[tilespmem:$0x1C580] =	vst v63  }
0x3d: {  	_ =	swait.ge @!p0 [sflag:s13], $0x6400  }
0x3e: {  	[sflag:s13] =	ssyncset.done @!p0 $0x0  }
0x3f: {  	[sflag:s13] =	ssyncadd.s32 @!p0 $0xFFFF9C00  }
0x40: {  	[spmem:s28] =	stream.linear.scatter @!p0 [tilespmem:s12], [sflag:$0x5], $0x6400, $0x38;
	[tilespmem:$0x1C580] =	vst v63  }
0x41: {  	_ =	swait.ge @!p0 [sflag:s13], $0x6400  }
0x42: {  	[sflag:s13] =	ssyncset.done @!p0 $0x0  }
0x43: {  	[sflag:s13] =	ssyncadd.s32 @!p0 $0xFFFF9C00  }
0x44: {  	[spmem:s29] =	stream.linear.scatter @!p0 [tilespmem:s12], [sflag:$0x5], $0x6400, $0x38;
	[tilespmem:$0x1C580] =	vst v63  }
0x45: {  	_ =	swait.ge @!p0 [sflag:s13], $0x6400  }
0x46: {  	[sflag:s13] =	ssyncset.done @!p0 $0x0  }
0x47: {  	[sflag:s13] =	ssyncadd.s32 @!p0 $0xFFFF9C00  }
0x48: {  	[bflag:$0x0] =	sbarrier.arrive $0xFFFF  }
0x49: {  	s12 =	simm.s32 $0x0;
	s15 =	rddreg [dreg:$0x4]  }
0x4a: {  	[tilespmem:s30], [sflag:$0x1] =	stream.linear.gather [hbm4b:s15+s12], $0x1400, $0x38;
	[tilespmem:$0x1C580] =	vst v63  }
0x4b: {  	s16 =	rddreg [dreg:$0x5]  }
0x4c: {  	[tilespmem:s12], [sflag:$0x3] =	stream.linear.gather [hbm4b:s16+s12], $0x28, $0x38;
	[tilespmem:$0x1C580] =	vst v63  }
0x4d: {  	s17 =	rddreg [dreg:$0x6]  }
0x4e: {  	[tilespmem:s31], [sflag:$0x2] =	stream.linear.gather [hbm4b:s17+s12], $0x1400, $0x38;
	[tilespmem:$0x1C580] =	vst v63  }
0x4f: {  	s14 =	rddreg [dreg:$0x7]  }
0x50: {  	[tilespmem:s0], [sflag:$0x4] =	stream.linear.gather [hbm4b:s14+s12], $0x28, $0x38;
	[tilespmem:$0x1C580] =	vst v63  }
0x51: {  	_ =	swait.ge [sflag:s2], $0x1400  }
0x52: {  	[sflag:s2] =	ssyncset.done $0x0  }
0x53: {  	[sflag:s2] =	ssyncadd.s32 $0xFFFFEC00  }
0x54: {  	_ =	swait.ge [sflag:s5], $0x28  }
0x55: {  	[sflag:s5] =	ssyncset.done $0x0  }
0x56: {  	[sflag:s5] =	ssyncadd.s32 $0xFFFFFFD8  }
0x57: {  	[spmem:s3] =	stream.indirect.scatter.add.f32 [tilespmem:s30], [sflag:$0x5], $0x80, s4, s6, $0xb8;
	[tilespmem:$0x1C580] =	vst v63  }
0x58: {  	_ =	swait.ge [sflag:s7], $0x1400  }
0x59: {  	[sflag:s7] =	ssyncset.done $0x0  }
0x5a: {  	s15 =	sadd.s32 $0xFFFFFD80, s23;
	s16 =	sshrl.u32 s25, $0x3;
	[sflag:s7] =	ssyncadd.s32 $0xFFFFEC00  }
0x5b: {  	[tilespmem:s30], [sflag:$0x1] =	stream.linear.gather [hbm4b:s15+s4], $0x1400, $0x38;
	[tilespmem:$0x1C580] =	vst v63  }
0x5c: {  	s17 =	sadd.s32 s1, s16  }
0x5d: {  	[tilespmem:s4], [sflag:$0x3] =	stream.linear.gather [hbm4b:s17+s4], $0x28, $0x38;
	[tilespmem:$0x1C580] =	vst v63  }
0x5e: {  	_ =	swait.ge [sflag:s8], $0x1400  }
0x5f: {  	[sflag:s8] =	ssyncset.done $0x0  }
0x60: {  	[sflag:s8] =	ssyncadd.s32 $0xFFFFEC00  }
0x61: {  	_ =	swait.ge [sflag:s10], $0x28  }
0x62: {  	[sflag:s10] =	ssyncset.done $0x0  }
0x63: {  	[sflag:s10] =	ssyncadd.s32 $0xFFFFFFD8  }
0x64: {  	[spmem:s3] =	stream.indirect.scatter.add.f32 [tilespmem:s31], [sflag:$0x5], $0x80, s0, s6, $0xb8;
	[tilespmem:$0x1C580] =	vst v63  }
0x65: {  	_ =	swait.ge [sflag:s7], $0x1400  }
0x66: {  	s13 =	sadd.s32 $0x500, s23;
	s12 =	simm.s32 $0xA;
	[sflag:s7] =	ssyncset.done $0x0  }
0x67: {  	s14 =	sadd.s32 $0x50, s25;
	s15 =	sadd.s32 $0x0, s24;
	[sflag:s7] =	ssyncadd.s32 $0xFFFFEC00  }
0x68: {  	[tilespmem:s31], [sflag:$0x2] =	stream.linear.gather [hbm4b:s23+s4], $0x1400, $0x38;
	[tilespmem:$0x1C580] =	vst v63  }
.LBB2_4:
0x69: {  	[tilespmem:s0], [sflag:$0x4] =	stream.linear.gather [hbm4b:s15+s4], $0x28, $0x38;
	[tilespmem:$0x1C580] =	vst v63  }
0x6a: {  	s15 =	smov.u32 s12  }
0x6b: {  	p1 =	sne.s32 s12, $0x258;
	s12 =	sadd.s32 $0xA, s12;
	_ =	swait.ge [sflag:s2], $0x1400  }
0x6c: {  	[sflag:s2] =	ssyncset.done $0x0  }
0x6d: {  	[sflag:s2] =	ssyncadd.s32 $0xFFFFEC00  }
0x6e: {  	_ =	swait.ge [sflag:s5], $0x28  }
0x6f: {  	[sflag:s5] =	ssyncset.done $0x0  }
0x70: {  	[sflag:s5] =	ssyncadd.s32 $0xFFFFFFD8  }
0x71: {  	[spmem:s3] =	stream.indirect.scatter.add.f32 [tilespmem:s30], [sflag:$0x5], $0x80, s4, s6, $0xb8;
	[tilespmem:$0x1C580] =	vst v63  }
0x72: {  	_ =	swait.ge [sflag:s7], $0x1400  }
0x73: {  	[sflag:s7] =	ssyncset.done $0x0  }
0x74: {  	s16 =	sadd.s32 $0xFFFFFD80, s13;
	s17 =	sshrl.u32 s14, $0x3;
	[sflag:s7] =	ssyncadd.s32 $0xFFFFEC00  }
0x75: {  	[tilespmem:s30], [sflag:$0x1] =	stream.linear.gather [hbm4b:s16+s4], $0x1400, $0x38;
	[tilespmem:$0x1C580] =	vst v63  }
0x76: {  	s16 =	sadd.s32 s1, s17  }
0x77: {  	[tilespmem:s4], [sflag:$0x3] =	stream.linear.gather [hbm4b:s16+s4], $0x28, $0x38;
	[tilespmem:$0x1C580] =	vst v63  }
0x78: {  	_ =	swait.ge [sflag:s8], $0x1400  }
0x79: {  	[sflag:s8] =	ssyncset.done $0x0  }
0x7a: {  	[sflag:s8] =	ssyncadd.s32 $0xFFFFEC00  }
0x7b: {  	_ =	swait.ge [sflag:s10], $0x28  }
0x7c: {  	[sflag:s10] =	ssyncset.done $0x0  }
0x7d: {  	[sflag:s10] =	ssyncadd.s32 $0xFFFFFFD8  }
0x7e: {  	[spmem:s3] =	stream.indirect.scatter.add.f32 [tilespmem:s31], [sflag:$0x5], $0x80, s0, s6, $0xb8;
	[tilespmem:$0x1C580] =	vst v63  }
.Ltmp1:
0x7f: {  	_ =	swait.ge [sflag:s7], $0x1400;
	(pc) =	sbr.rel @p1 .LBB2_4-.Ltmp1, $4  }
0x80: {  	[sflag:s7] =	ssyncset.done $0x0  }
0x81: {  	[sflag:s7] =	ssyncadd.s32 $0xFFFFEC00  }
0x82: {  	[tilespmem:s31], [sflag:$0x2] =	stream.linear.gather [hbm4b:s13+s4], $0x1400, $0x38;
	[tilespmem:$0x1C580] =	vst v63  }
0x83: {  	s14 =	sadd.s32 $0x50, s14;
	s15 =	sadd.s32 s15, s24;
	s13 =	sadd.s32 $0x500, s13  }
0x84: {  	[tilespmem:s0], [sflag:$0x4] =	stream.linear.gather [hbm4b:s15+s4], $0x28, $0x38;
	[tilespmem:$0x1C580] =	vst v63  }
0x85: {  	_ =	swait.ge [sflag:s2], $0x1400  }
0x86: {  	[sflag:s2] =	ssyncset.done $0x0  }
0x87: {  	[sflag:s2] =	ssyncadd.s32 $0xFFFFEC00  }
0x88: {  	_ =	swait.ge [sflag:s5], $0x28  }
0x89: {  	[sflag:s5] =	ssyncset.done $0x0  }
0x8a: {  	[sflag:s5] =	ssyncadd.s32 $0xFFFFFFD8  }
0x8b: {  	[spmem:s3] =	stream.indirect.scatter.add.f32 [tilespmem:s30], [sflag:$0x5], $0x80, s4, s6, $0xb8;
	[tilespmem:$0x1C580] =	vst v63  }
0x8c: {  	_ =	swait.ge [sflag:s7], $0x1400  }
0x8d: {  	[sflag:s7] =	ssyncset.done $0x0  }
0x8e: {  	s12 =	rddreg [dreg:$0xa];
	[sflag:s7] =	ssyncadd.s32 $0xFFFFEC00  }
0x8f: {  	[tilespmem:s30], [sflag:$0x1] =	stream.linear.gather [hbm4b:s12+s4], $0x1400, $0x38;
	[tilespmem:$0x1C580] =	vst v63  }
0x90: {  	s16 =	rddreg [dreg:$0xb]  }
0x91: {  	[tilespmem:s4], [sflag:$0x3] =	stream.linear.gather [hbm4b:s16+s4], $0x28, $0x38;
	[tilespmem:$0x1C580] =	vst v63  }
0x92: {  	_ =	swait.ge [sflag:s8], $0x1400  }
0x93: {  	[sflag:s8] =	ssyncset.done $0x0  }
0x94: {  	[sflag:s8] =	ssyncadd.s32 $0xFFFFEC00  }
0x95: {  	_ =	swait.ge [sflag:s10], $0x28  }
0x96: {  	[sflag:s10] =	ssyncset.done $0x0  }
0x97: {  	[sflag:s10] =	ssyncadd.s32 $0xFFFFFFD8  }
0x98: {  	[spmem:s3] =	stream.indirect.scatter.add.f32 [tilespmem:s31], [sflag:$0x5], $0x80, s0, s6, $0xb8;
	[tilespmem:$0x1C580] =	vst v63  }
0x99: {  	_ =	swait.ge [sflag:s7], $0x1400  }
0x9a: {  	[sflag:s7] =	ssyncset.done $0x0  }
0x9b: {  	[sflag:s7] =	ssyncadd.s32 $0xFFFFEC00  }
0x9c: {  	_ =	swait.ge [sflag:s2], $0x1400  }
0x9d: {  	[sflag:s2] =	ssyncset.done $0x0  }
0x9e: {  	[sflag:s2] =	ssyncadd.s32 $0xFFFFEC00  }
0x9f: {  	_ =	swait.ge [sflag:s5], $0x28  }
0xa0: {  	[sflag:s5] =	ssyncset.done $0x0  }
0xa1: {  	[sflag:s5] =	ssyncadd.s32 $0xFFFFFFD8  }
0xa2: {  	[spmem:s3] =	stream.indirect.scatter.add.f32 [tilespmem:s30], [sflag:$0x5], $0x80, s4, s6, $0xb8;
	[tilespmem:$0x1C580] =	vst v63  }
0xa3: {  	_ =	swait.ge [sflag:s7], $0x1400  }
0xa4: {  	[sflag:s7] =	ssyncset.done $0x0  }
0xa5: {  	[sflag:s7] =	ssyncadd.s32 $0xFFFFEC00  }
0xa6: {  	s13 =	simm.s32 @!p0 $0x5;
	s12 =	simm.s32 @!p0 $0x2900;
	[bflag:$0x0] =	sbarrier.arrive $0xFFFF  }
0xa7: {  	[tilespmem:s12], [sflag:$0x5] =	stream.linear.gather @!p0 [spmem:s9], $0x6400, $0x38;
	[tilespmem:$0x1C580] =	vst v63  }
0xa8: {  	_ =	swait.ge @!p0 [sflag:s13], $0x6400  }
0xa9: {  	[sflag:s13] =	ssyncset.done @!p0 $0x0  }
0xaa: {  	s14 =	simm.s32 @!p0 $0x0;
	s15 =	rddreg [dreg:$0xf];
	[sflag:s13] =	ssyncadd.s32 @!p0 $0xFFFF9C00  }
0xab: {  	[hbm4b:s15+s14] =	stream.linear.scatter @!p0 [tilespmem:s12], [sflag:$0x5], $0x6400, $0x38;
	[tilespmem:$0x1C580] =	vst v63  }
0xac: {  	_ =	swait.ge @!p0 [sflag:s13], $0x6400  }
0xad: {  	[sflag:s13] =	ssyncset.done @!p0 $0x0  }
0xae: {  	s15 =	rddreg [dreg:$0xc];
	[sflag:s13] =	ssyncadd.s32 @!p0 $0xFFFF9C00  }
0xaf: {  	[tilespmem:s12], [sflag:$0x5] =	stream.linear.gather @!p0 [spmem:s15], $0x6400, $0x38;
	[tilespmem:$0x1C580] =	vst v63  }
0xb0: {  	_ =	swait.ge @!p0 [sflag:s13], $0x6400  }
0xb1: {  	[sflag:s13] =	ssyncset.done @!p0 $0x0  }
0xb2: {  	[sflag:s13] =	ssyncadd.s32 @!p0 $0xFFFF9C00  }
0xb3: {  	[hbm4b:s18+s14] =	stream.linear.scatter @!p0 [tilespmem:s12], [sflag:$0x5], $0x6400, $0x38;
	[tilespmem:$0x1C580] =	vst v63  }
0xb4: {  	_ =	swait.ge @!p0 [sflag:s13], $0x6400  }
0xb5: {  	[sflag:s13] =	ssyncset.done @!p0 $0x0  }
0xb6: {  	s15 =	rddreg [dreg:$0xd];
	[sflag:s13] =	ssyncadd.s32 @!p0 $0xFFFF9C00  }
0xb7: {  	[tilespmem:s12], [sflag:$0x5] =	stream.linear.gather @!p0 [spmem:s15], $0x6400, $0x38;
	[tilespmem:$0x1C580] =	vst v63  }
0xb8: {  	_ =	swait.ge @!p0 [sflag:s13], $0x6400  }
0xb9: {  	[sflag:s13] =	ssyncset.done @!p0 $0x0  }
0xba: {  	[sflag:s13] =	ssyncadd.s32 @!p0 $0xFFFF9C00  }
0xbb: {  	[hbm4b:s19+s14] =	stream.linear.scatter @!p0 [tilespmem:s12], [sflag:$0x5], $0x6400, $0x38;
	[tilespmem:$0x1C580] =	vst v63  }
0xbc: {  	_ =	swait.ge @!p0 [sflag:s13], $0x6400  }
0xbd: {  	[sflag:s13] =	ssyncset.done @!p0 $0x0  }
0xbe: {  	s15 =	rddreg [dreg:$0xe];
	[sflag:s13] =	ssyncadd.s32 @!p0 $0xFFFF9C00  }
0xbf: {  	[tilespmem:s12], [sflag:$0x5] =	stream.linear.gather @!p0 [spmem:s15], $0x6400, $0x38;
	[tilespmem:$0x1C580] =	vst v63  }
0xc0: {  	_ =	swait.ge @!p0 [sflag:s13], $0x6400  }
0xc1: {  	[sflag:s13] =	ssyncset.done @!p0 $0x0  }
0xc2: {  	[sflag:s13] =	ssyncadd.s32 @!p0 $0xFFFF9C00  }
0xc3: {  	[hbm4b:s20+s14] =	stream.linear.scatter @!p0 [tilespmem:s12], [sflag:$0x5], $0x6400, $0x38;
	[tilespmem:$0x1C580] =	vst v63  }
0xc4: {  	_ =	swait.ge @!p0 [sflag:s13], $0x6400  }
0xc5: {  	[sflag:s13] =	ssyncset.done @!p0 $0x0  }
0xc6: {  	[sflag:s13] =	ssyncadd.s32 @!p0 $0xFFFF9C00  }
0xc7: {  	[tilespmem:s12], [sflag:$0x5] =	stream.linear.gather @!p0 [spmem:s22], $0x6400, $0x38;
	[tilespmem:$0x1C580] =	vst v63  }
0xc8: {  	_ =	swait.ge @!p0 [sflag:s13], $0x6400  }
0xc9: {  	[sflag:s13] =	ssyncset.done @!p0 $0x0  }
0xca: {  	[sflag:s13] =	ssyncadd.s32 @!p0 $0xFFFF9C00  }
0xcb: {  	[hbm4b:s21+s14] =	stream.linear.scatter @!p0 [tilespmem:s12], [sflag:$0x5], $0x6400, $0x38;
	[tilespmem:$0x1C580] =	vst v63  }
0xcc: {  	_ =	swait.ge @!p0 [sflag:s13], $0x6400  }
0xcd: {  	s11 =	sadd.s32 $0x1, s11;
	s17 =	rddreg [dreg:$0x8]  }
0xce: {  	p1 =	sne.s32 s11, s17  }
.Ltmp2:
0xcf: {  	_ = 	snop;
	(pc) =	sbr.rel @p1 .LBB2_1-.Ltmp2, $3  }
0xd0: {  	_ =	sdelay $0x1  }
0xd1: {  	[sflag:s13] =	ssyncset.done @!p0 $0x0  }
0xd2: {  	[sflag:s13] =	ssyncadd.s32 @!p0 $0xFFFF9C00  }
0xd3: {  	_ =	sfence.sel $0x180000  }
0xd4: {  	[bflag:$0x0] =	sbarrier.arrive $0xFFFF  }
0xd5: {  	_ =	strace $0x90000050  }
0xd6: {  	s0 =	stileid.u32;
	[bflag:$0x2] =	sbarrier.arrive $0xFFFF  }
0xd7: {  	p0 =	sne.s32 s0, $0x0;
	s0 =	rddreg [dreg:$0x3]  }
0xd8: {  	s0 =	sadd.s32 @!p0 $0x100000, s0  }
0xd9: {  	[sflag:s0] =	ssyncadd.tile.s32 @!p0 $0x1;
	_ =	shalt  }
.Lfunc_end2:
_tile_overlayer_lowered:
.L_overlay_start_2:
0xda: {  	(tag) =	ssettag $0x2  }
0xdb: {  	s0 =	rddreg [dreg:$0x0];
	s2 =	stileid.u32  }
0xdc: {  	s1 =	rddreg [dreg:$0x1];
	p0 =	sne.s32 s2, $0x0  }
0xdd: {  	s3 =	rddreg [dreg:$0x2];
	[bflag:$0x3] =	sbarrier.arrive $0xFFFF;
	s2 =	simm.s32 @!p0 $0x1C05  }
0xde: {  	[timem:s3], [sflag:s2] =	dma.local @!p0 [hbm:s0], s1  }
0xdf: {  	s0 =	simm.s32 @!p0 $0x5  }
0xe0: {  	_ =	swait.ge @!p0 [sflag:s0], s1  }
0xe1: {  	s1 =	ssub.s32 @!p0 $0x0, s1;
	[sflag:s0] =	ssyncset.done @!p0 $0x0  }
0xe2: {  	[sflag:s0] =	ssyncadd.s32 @!p0 s1  }
0xe3: {  	[bflag:$0x3] =	sbarrier.arrive $0xFFFF  }
0xe4: {  	_ =	shalt  }

// kernel: kernel.21.cloned.1.call-start
scs
__scs_entry_jumppad:
0x0: {  	(pc) =	sbr.rel $0x88, $3  }
0x1: {  	(tag) =	ssettag $0x0;
	lr =	simm.s32 $0x1  }
0x2: {  	[smem:$0x3F97] =	sst lr;
	_ =	strace $0xD0000000  }
0x3: {  	_ = 	snop  }
0x4: {  	_ = 	snop  }
0x5: {  	_ = 	snop  }
0x6: {  	_ = 	snop  }
0x7: {  	_ = 	snop  }
__scs_overlays_trampoline_lowered:
0x8: {  	[smem:$0x3FA6] =	sst s0  }
0x9: {  	[smem:$0x3FA7] =	sst s1  }
0xa: {  	[smem:$0x3FA8] =	sst s2  }
0xb: {  	[smem:$0x3FA9] =	sst s3  }
0xc: {  	[smem:$0x3FAA] =	sst s4  }
0xd: {  	[smem:$0x3FAB] =	sst s5  }
0xe: {  	[smem:$0x3FAC] =	sst s6  }
0xf: {  	[smem:$0x3FAD] =	sst s7  }
0x10: {  	[smem:$0x3FAE] =	sst s8  }
0x11: {  	[smem:$0x3FAF] =	sst s9;
	s0 =	simm.s32 @!p0 $0x0  }
0x12: {  	s1 =	sld [smem:$0x3F95];
	s0 =	simm.s32 @p0 $0x1  }
0x13: {  	[smem:$0x3FB0] =	sst s0;
	s0 =	simm.s32 @!p1 $0x0  }
0x14: {  	s2 =	sld [smem:$0x3F94];
	s0 =	simm.s32 @p1 $0x1  }
0x15: {  	[smem:$0x3FB1] =	sst s0;
	s0 =	simm.s32 @!p2 $0x0  }
0x16: {  	s3 =	sld [smem:$0x3FDB];
	s0 =	simm.s32 @p2 $0x1  }
0x17: {  	s4 =	simm.s32 $0x1BF5;
	[smem:$0x3FB3] =	sst s0  }
0x18: {  	s0 =	sld [smem:$0x3F96];
	_ =	swait.ge [sflag:s4], $0x0  }
0x19: {  	s7 =	sld [smem:$0x3F97]  }
0x1a: {  	s8 =	sadd.s32 $0xFFFFE003, lr  }
0x1b: {  	s9 =	sadd.s32 $0xFFFFFEF7, lr;
	s5 =	simm.s32 $0xFFFFFFFF;
	p2 =	slt.u32 s8, $0xFFFFF086  }
0x1c: {  	p1 =	slt.u32 s9, $0xF7A;
	s5 =	simm.s32 @!p2 $0x0  }
0x1d: {  	s5 =	simm.s32 @p1 $0x1;
	p0 =	seq.s32 s7, s2  }
0x1e: {  	s7 =	smul.u32 @!p0 $0xF7A, s2;
	p2 =	seq.s32 @!p0 s5, $0x0  }
0x1f: {  	s9 =	smul.u32 $0xF7A, s1;
	s8 =	simm.s32 @!p0 $0x1BF5;
	p2 =	por !p2, p0  }
0x20: {  	[sflag:s8] =	ssyncset.s32 @!p0 $0xFFFFF086;
	s6 =	sadd.s32 @!p0 s3, s7;
	s7 =	simm.s32 @!p0 $0x108  }
0x21: {  	s3 =	sadd.s32 s3, s9;
	s6 =	sadd.s32 @!p0 $0x88, s6;
	s7 =	simm.s32 @p2 $0x1082  }
0x22: {  	[simem:s7], [sflag:s8] =	dma.local @!p0 [hbm:s6], $0xF7A  }
0x23: {  	s9 =	sor.u32 $0xD0000000, s2;
	s6 =	simm.s32 $0x108;
	_ =	swait.ge @!p0 [sflag:s8], $0x0  }
0x24: {  	s3 =	sadd.s32 $0x88, s3;
	s6 =	simm.s32 @!p1 $0x1082;
	[sflag:s4] =	ssyncset.s32 $0xFFFFF086  }
0x25: {  	[simem:s6], [sflag:s4] =	dma.local [hbm:s3], $0xF7A  }
0x26: {  	[smem:$0x3F97] =	sst s1;
	(tag) =	ssettag s2;
	_ =	strace s9  }
0x27: {  	s1 =	sld [smem:$0x3FA7]  }
0x28: {  	s2 =	sld [smem:$0x3FA8]  }
0x29: {  	s4 =	sld [smem:$0x3FAA]  }
0x2a: {  	p0 =	seq.s32 s5, $0x0;
	s5 =	sld [smem:$0x3FAB]  }
0x2b: {  	s6 =	sld [smem:$0x3FAC]  }
0x2c: {  	s7 =	sld [smem:$0x3FAD]  }
0x2d: {  	s3 =	simm.s32 $0x108;
	s8 =	sld [smem:$0x3FAE]  }
0x2e: {  	s3 =	simm.s32 @!p0 $0x1082;
	s9 =	sld [smem:$0x3FAF]  }
0x2f: {  	lr =	sadd.s32 s0, s3;
	s0 =	sld [smem:$0x3FA6]  }
0x30: {  	s3 =	sld [smem:$0x3FA9]  }
0x31: {  	[smem:$0x3FB2] =	sst s10  }
0x32: {  	s10 =	sld [smem:$0x3FB0];
	_ =	sdelay $0x3  }
0x33: {  	p0 =	seq.s32 s10, $0x1;
	s10 =	sld [smem:$0x3FB2];
	_ =	sdelay $0x3  }
0x34: {  	[smem:$0x3FB2] =	sst s10  }
0x35: {  	s10 =	sld [smem:$0x3FB1];
	_ =	sdelay $0x3  }
0x36: {  	p1 =	seq.s32 s10, $0x1;
	s10 =	sld [smem:$0x3FB2];
	_ =	sdelay $0x3  }
0x37: {  	[smem:$0x3FB2] =	sst s10  }
0x38: {  	s10 =	sld [smem:$0x3FB3]  }
0x39: {  	_ = 	snop;
	(pc) =	sbr.ind lr, $3  }
0x3a: {  	_ = 	snop  }
0x3b: {  	_ = 	snop  }
0x3c: {  	p2 =	seq.s32 s10, $0x1;
	s10 =	sld [smem:$0x3FB2]  }
0x3d: {  	_ =	shalt  }
0x3e: {  	_ =	shalt  }
0x3f: {  	_ =	shalt  }
0x40: {  	_ =	shalt  }
0x41: {  	_ =	shalt  }
0x42: {  	_ =	shalt  }
0x43: {  	_ =	shalt  }
0x44: {  	_ =	shalt  }
0x45: {  	_ =	shalt  }
0x46: {  	_ =	shalt  }
0x47: {  	_ =	shalt  }
0x48: {  	_ =	shalt  }
0x49: {  	_ =	shalt  }
0x4a: {  	_ =	shalt  }
0x4b: {  	_ =	shalt  }
0x4c: {  	_ =	shalt  }
0x4d: {  	_ =	shalt  }
0x4e: {  	_ =	shalt  }
0x4f: {  	_ =	shalt  }
0x50: {  	_ =	shalt  }
0x51: {  	_ =	shalt  }
0x52: {  	_ =	shalt  }
0x53: {  	_ =	shalt  }
0x54: {  	_ =	shalt  }
0x55: {  	_ =	shalt  }
0x56: {  	_ =	shalt  }
0x57: {  	_ =	shalt  }
0x58: {  	_ =	shalt  }
0x59: {  	_ =	shalt  }
0x5a: {  	_ =	shalt  }
0x5b: {  	_ =	shalt  }
0x5c: {  	_ =	shalt  }
0x5d: {  	_ =	shalt  }
0x5e: {  	_ =	shalt  }
0x5f: {  	_ =	shalt  }
0x60: {  	_ =	shalt  }
0x61: {  	_ =	shalt  }
0x62: {  	_ =	shalt  }
0x63: {  	_ =	shalt  }
0x64: {  	_ =	shalt  }
0x65: {  	_ =	shalt  }
0x66: {  	_ =	shalt  }
0x67: {  	_ =	shalt  }
0x68: {  	_ =	shalt  }
0x69: {  	_ =	shalt  }
0x6a: {  	_ =	shalt  }
0x6b: {  	_ =	shalt  }
0x6c: {  	_ =	shalt  }
0x6d: {  	_ =	shalt  }
0x6e: {  	_ =	shalt  }
0x6f: {  	_ =	shalt  }
0x70: {  	_ =	shalt  }
0x71: {  	_ =	shalt  }
0x72: {  	_ =	shalt  }
0x73: {  	_ =	shalt  }
0x74: {  	_ =	shalt  }
0x75: {  	_ =	shalt  }
0x76: {  	_ =	shalt  }
0x77: {  	_ =	shalt  }
0x78: {  	_ =	shalt  }
0x79: {  	_ =	shalt  }
0x7a: {  	_ =	shalt  }
0x7b: {  	_ =	shalt  }
0x7c: {  	_ =	shalt  }
0x7d: {  	_ =	shalt  }
0x7e: {  	_ =	shalt  }
0x7f: {  	_ =	shalt  }
0x80: {  	_ =	shalt  }
0x81: {  	_ =	shalt  }
0x82: {  	_ =	shalt  }
0x83: {  	_ =	shalt  }
0x84: {  	_ =	shalt  }
0x85: {  	_ =	shalt  }
0x86: {  	_ =	shalt  }
0x87: {  	_ =	shalt  }
.Lfunc_end0:
.L_simem_size_0:
called_computation.3_lowered:
.L_overlay_start_0:
0x88: {  	s2 =	sld [smem:$0x3FD9]  }
0x89: {  	s3 =	sld [smem:$0x3FFE];
	_ =	sdelay $0x1  }
0x8a: {  	s1 =	srdreg.scid  }
0x8b: {  	s0 =	sand.u32 $0x1, s1  }
0x8c: {  	s17 =	sshll.u32 s0, $0xA;
	s2 =	sadd.s32 s3, s2  }
0x8d: {  	s2 =	sadd.s32 s2, s17  }
0x8e: {  	[smem:$0x3FBE] =	sst s2  }
0x8f: {  	_ = 	snop  }
0x90: {  	s2 =	sld [smem:$0x3FC6];
	(tm) =	ssettm $0x1  }
0x91: {  	s18 =	sld [smem:$0x3FFB];
	_ =	sdelay $0x3  }
0x92: {  	_ =	strace s18  }
0x93: {  	s3 =	sld [smem:$0x3FFC];
	_ =	sdelay $0x3  }
0x94: {  	_ =	strace s3  }
0x95: {  	s3 =	sld [smem:$0x3FFD];
	_ =	sdelay $0x3  }
0x96: {  	_ =	strace s3  }
0x97: {  	_ =	strace $0x8FFFFFFF  }
0x98: {  	s19 =	sld [smem:$0x3FDB];
	_ =	sdelay $0x1  }
0x99: {  	s4 =	simm.s32 $_scs_section_size  }
0x9a: {  	s5 =	simm.s32 $_size__tile_overlayer_lowered;
	s6 =	simm.s32 $_tile_overlayer_lowered  }
0x9b: {  	s22 =	simm.s32 $0x1BFF;
	s21 =	sshll.u32 s6, $0x1;
	s3 =	sadd.s32 s4, s19  }
0x9c: {  	s7 =	simm.s32 $0x0;
	s20 =	sshll.u32 s5, $0x1;
	s5 =	sadd.s32 s21, s3  }
0x9d: {  	[timem:s7], [sflag:s22] =	dma.local [hbm:s5], s20  }
0x9e: {  	_ =	swait.ge [sflag:s22], s20  }
0x9f: {  	s4 =	ssub.s32 $0x0, s20;
	[sflag:s22] =	ssyncset.done $0x0  }
0xa0: {  	[sflag:s22] =	ssyncadd.s32 s4;
	_ =	sdelay $0x1  }
0xa1: {  	s23 =	simm.s32 $0x1B8B  }
0xa2: {  	_ =	swait.ge [sflag:s23], $0x1  }
0xa3: {  	[sflag:s23] =	ssyncset.done $0x0  }
0xa4: {  	s25 =	simm.s32 $0x1B8E;
	s24 =	sld [smem:$0x3FFE];
	[sflag:s23] =	ssyncadd.s32 $0xFFFFFFFF  }
0xa5: {  	s26 =	simm.s32 $execute0_lowered;
	[smem:$0x3FD2] =	sst s25  }
0xa6: {  	s5 =	sshll.u32 s26, $0x1;
	_ =	strace $0x8000004C;
	[dreg:$0x1] =	wrdreg $0xFFFFFFFF  }
0xa7: {  	s28 =	simm.s32 $_size_execute0_lowered;
	s3 =	sadd.s32 s3, s5;
	[dreg:$0x0] =	wrdreg $0x0  }
0xa8: {  	s5 =	sshll.u32 s28, $0x1;
	[dreg:$0x2] =	wrdreg s3  }
0xa9: {  	[dreg:$0x3] =	wrdreg s5  }
0xaa: {  	[dreg:$0x4] =	wrdreg $0xC0  }
0xab: {  	_ =	task [dreg:s7], $0x5FFFF  }
0xac: {  	[dreg:$0x1] =	wrdreg $0xFFFFFFFF  }
0xad: {  	[dreg:$0x0] =	wrdreg $0x60  }
0xae: {  	[dreg:$0x2] =	wrdreg s24  }
0xaf: {  	[dreg:$0x3] =	wrdreg s2  }
0xb0: {  	[dreg:$0x4] =	wrdreg $0x8D000  }
0xb1: {  	[dreg:$0x5] =	wrdreg $0xA  }
0xb2: {  	_ =	task.clear_ibuf [dreg:s7], $0x6FFFF;
	_ =	strace $0x9000004C  }
0xb3: {  	s29 =	simm.s32 $0xA;
	_ =	strace $0x8000004E  }
0xb4: {  	_ =	swait.ge [sflag:s29], $0x1  }
0xb5: {  	[sflag:s29] =	ssyncadd.s32 $0xFFFFFFFF  }
0xb6: {  	_ =	strace $0x9000004E  }
0xb7: {  	_ =	sfence  }
0xb8: {  	s30 =	sld [smem:$0x0];
	_ =	sdelay $0x2  }
0xb9: {  	s31 =	sshll.u32 s1, $0xD;
	s1 =	sshrl.u32 s1, $0x2  }
0xba: {  	s3 =	sand.u32 $0x4000, s31;
	s1 =	sadd.s32 s1, s30  }
0xbb: {  	s0 =	sor.u32 s3, s0;
	s1 =	sshll.u32 s1, $0x11  }
0xbc: {  	s0 =	sor.u32 s1, s0  }
0xbd: {  	s0 =	sadd.s32 $0x8F2B, s0  }
0xbe: {  	[sflag:s0] =	ssyncadd.remote.s32 $0x1  }
0xbf: {  	_ =	sfence.sel $0xFFFF  }
0xc0: {  	[dreg:$0x0] =	wrdreg $0xFFFFFFFF;
	(pc) =	sbr.abs _section_cstart, $3  }
0xc1: {  	[dreg:$0x1] =	wrdreg $0xFFFFFFFF  }
0xc2: {  	_ =	task.clear_ibuf [dreg:s7], $0x2FFFF;
	_ =	strace $0x9FFFFFFF  }
0xc3: {  	(tm) =	ssettm $0x7FFFFFFF  }
tec
execute0_lowered:
.L_overlay_start_1:
0x0: {  	(tag) =	ssettag $0x1  }
0x1: {  	s0 =	rddreg [dreg:$0x0];
	s13 =	stileid.u32  }
0x2: {  	s1 =	rddreg [dreg:$0x1];
	s18 =	smul.u32 $0x7D000, s13  }
0x3: {  	s4 =	srdreg.scid;
	s21 =	smul.u32 $0x27100, s13  }
0x4: {  	s2 =	rddreg [dreg:$0x2];
	s4 =	sand.u32 $0x1, s4;
	s24 =	smul.u32 $0x2710, s13  }
0x5: {  	s3 =	simm.s32 $0x0;
	s29 =	simm.s32 $0x100;
	s6 =	smul.u32 $0x27100, s4  }
0x6: {  	s30 =	simm.s32 $0x1500;
	s5 =	sshll.u32 s13, $0x1;
	s25 =	smul.u32 $0x1388, s4  }
0x7: {  	s5 =	sor.u32 s4, s5;
	s7 =	ssub.s32 $0x2, s4;
	s4 =	smul.u32 $0x13880, s4  }
0x8: {  	s31 =	simm.s32 $0x80;
	[smem:$0x7FF] =	sst s3;
	s8 =	smul.u32 $0x1388, s5  }
0x9: {  	s10 =	sadd.s32 $0xED2600, s0;
	p0 =	sgt.u32 s13, $0x9;
	s11 =	smul.u32 $0x13880, s5  }
0xa: {  	_ =	strace $0x8000004D;
	s9 =	sshrl.u32 s7, $0x1;
	s5 =	smul.u32 $0x9C400, s5  }
0xb: {  	s20 =	sshrl.u32 s18, $0x2;
	s0 =	sadd.s32 s6, s0;
	s16 =	ssub.s32 s7, s9  }
0xc: {  	s7 =	smul.u32 $0x3E8, s13;
	s9 =	sadd.s32 s20, s2;
	s28 =	sadd.s32 s10, s11  }
0xd: {  	s17 =	sshrl.u32 s8, $0x3;
	s5 =	sshrl.u32 s5, $0x3;
	s8 =	sadd.s32 $0x27128, s8  }
0xe: {  	s0 =	sadd.s32 $0x5400, s0;
	s6 =	smax.u32 s16, $0x1;
	s22 =	sadd.s32 $0x6400, s9  }
0xf: {  	s23 =	sadd.s32 $0xC800, s9;
	s11 =	sadd.s32 s1, s17;
	[dreg:$0x7] =	wrdreg s6  }
0x10: {  	s5 =	sadd.s32 s10, s5;
	s8 =	sshrl.u32 s8, $0x3;
	[dreg:$0x8] =	wrdreg s22  }
0x11: {  	[dreg:$0x9] =	wrdreg s23;
	s14 =	sadd.s32 $0xC8, s7;
	s22 =	sadd.s32 $0x190, s7  }
0x12: {  	s26 =	sadd.s32 $0x258, s7;
	s6 =	sadd.s32 s25, s24;
	s7 =	sadd.s32 $0x320, s7  }
0x13: {  	s12 =	sadd.s32 $0x4E20, s11;
	s5 =	sadd.s32 $0x280, s5;
	s19 =	sadd.s32 s1, s8  }
0x14: {  	s8 =	smul.u32 $0x3E80, s13;
	s15 =	sshll.u32 s14, $0x4;
	s16 =	sshll.u32 s22, $0x4  }
0x15: {  	s17 =	sshll.u32 s26, $0x4;
	s20 =	sadd.s32 $0x27178, s6;
	s6 =	sadd.s32 $0x27150, s6  }
0x16: {  	s23 =	sshll.u32 s14, $0x7;
	s24 =	sshll.u32 s22, $0x7;
	[dreg:$0x4] =	wrdreg s12  }
0x17: {  	s25 =	sshll.u32 s26, $0x7;
	s26 =	sshll.u32 s7, $0x7;
	[dreg:$0x5] =	wrdreg s5  }
0x18: {  	[dreg:$0x6] =	wrdreg s19;
	s5 =	sadd.s32 s21, s10;
	s21 =	sshrl.u32 s6, $0x3  }
0x19: {  	s17 =	sadd.s32 @!p0 s17, s0;
	s19 =	sadd.s32 $0x12C00, s9;
	s22 =	sadd.s32 s24, s2  }
0x1a: {  	s24 =	sadd.s32 s26, s2;
	s26 =	sadd.s32 $0x19000, s9;
	s6 =	simm.s32 $0x5  }
0x1b: {  	s4 =	sadd.s32 s4, s5;
	s5 =	sshrl.u32 s20, $0x3;
	s13 =	sadd.s32 s21, s1  }
0x1c: {  	s20 =	sadd.s32 $0x508C, s11;
	s21 =	sadd.s32 s23, s2;
	s23 =	sadd.s32 s25, s2  }
0x1d: {  	s12 =	sadd.s32 s5, s1;
	s1 =	sshll.u32 s7, $0x4;
	s5 =	sadd.s32 @!p0 s8, s0  }
0x1e: {  	s25 =	sadd.s32 $0x780, s4;
	s4 =	simm.s32 $0x2;
	s7 =	simm.s32 $0x4  }
0x1f: {  	s8 =	simm.s32 $0x0;
	[dreg:$0xa] =	wrdreg s5;
	s5 =	sadd.s32 @!p0 s15, s0  }
0x20: {  	s18 =	sadd.s32 @!p0 s1, s0;
	s1 =	simm.s32 $0x3;
	[dreg:$0xb] =	wrdreg s5  }
0x21: {  	s5 =	sadd.s32 @!p0 s16, s0;
	s16 =	smov.u32 s28;
	s28 =	sadd.s32 $0x13600, s28  }
0x22: {  	v0 =	vimm.f32 $0.0e+00;
	s0 =	simm.s32 $0x1;
	[dreg:$0xc] =	wrdreg s5;
	s5 =	simm.s32 $0x28  }
.LBB2_1:
0x23: {  	s10 =	simm.s32 $0x0;
	s11 =	simm.s32 $0x200  }
.LBB2_2:
0x24: {  	p1 =	sne.s32 s11, $0x18E00;
	[tilespmem:s10+$0x2970] =	vst v0  }
0x25: {  	[tilespmem:s10+$0x2900] =	vst v0  }
0x26: {  	[tilespmem:s10+$0x2910] =	vst v0  }
.Ltmp0:
0x27: {  	[tilespmem:s10+$0x2920] =	vst v0;
	(pc) =	sbr.rel @p1 .LBB2_2-.Ltmp0, $4  }
0x28: {  	[tilespmem:s10+$0x2930] =	vst v0  }
0x29: {  	[tilespmem:s10+$0x2940] =	vst v0  }
0x2a: {  	[tilespmem:s10+$0x2950] =	vst v0  }
0x2b: {  	[tilespmem:s10+$0x2960] =	vst v0;
	s10 =	sshra.s32 s11, $0x2;
	s11 =	sadd.s32 $0x200, s11  }
0x2c: {  	[tilespmem:s10+$0x2970] =	vst v0  }
0x2d: {  	[tilespmem:s10+$0x2900] =	vst v0  }
0x2e: {  	[tilespmem:s10+$0x2910] =	vst v0  }
0x2f: {  	[tilespmem:s10+$0x2920] =	vst v0  }
0x30: {  	[tilespmem:s10+$0x2930] =	vst v0  }
0x31: {  	[tilespmem:s10+$0x2940] =	vst v0  }
0x32: {  	[tilespmem:s10+$0x2950] =	vst v0  }
0x33: {  	[tilespmem:s10+$0x2960] =	vst v0;
	s10 =	simm.s32 @!p0 $0x2900;
	s11 =	simm.s32 @!p0 $0x5  }
0x34: {  	[spmem:s9] =	stream.linear.scatter @!p0 [tilespmem:s10], [sflag:$0x5], $0x6400, $0x38;
	[tilespmem:$0x1C580] =	vst v63  }
0x35: {  	_ =	swait.ge @!p0 [sflag:s11], $0x6400  }
0x36: {  	[sflag:s11] =	ssyncset.done @!p0 $0x0  }
0x37: {  	s14 =	rddreg [dreg:$0x8];
	[sflag:s11] =	ssyncadd.s32 @!p0 $0xFFFF9C00  }
0x38: {  	[spmem:s14] =	stream.linear.scatter @!p0 [tilespmem:s10], [sflag:$0x5], $0x6400, $0x38;
	[tilespmem:$0x1C580] =	vst v63  }
0x39: {  	_ =	swait.ge @!p0 [sflag:s11], $0x6400  }
0x3a: {  	[sflag:s11] =	ssyncset.done @!p0 $0x0  }
0x3b: {  	s14 =	rddreg [dreg:$0x9];
	[sflag:s11] =	ssyncadd.s32 @!p0 $0xFFFF9C00  }
0x3c: {  	[spmem:s14] =	stream.linear.scatter @!p0 [tilespmem:s10], [sflag:$0x5], $0x6400, $0x38;
	[tilespmem:$0x1C580] =	vst v63  }
0x3d: {  	_ =	swait.ge @!p0 [sflag:s11], $0x6400  }
0x3e: {  	[sflag:s11] =	ssyncset.done @!p0 $0x0  }
0x3f: {  	[sflag:s11] =	ssyncadd.s32 @!p0 $0xFFFF9C00  }
0x40: {  	[spmem:s19] =	stream.linear.scatter @!p0 [tilespmem:s10], [sflag:$0x5], $0x6400, $0x38;
	[tilespmem:$0x1C580] =	vst v63  }
0x41: {  	_ =	swait.ge @!p0 [sflag:s11], $0x6400  }
0x42: {  	[sflag:s11] =	ssyncset.done @!p0 $0x0  }
0x43: {  	[sflag:s11] =	ssyncadd.s32 @!p0 $0xFFFF9C00  }
0x44: {  	[spmem:s26] =	stream.linear.scatter @!p0 [tilespmem:s10], [sflag:$0x5], $0x6400, $0x38;
	[tilespmem:$0x1C580] =	vst v63  }
0x45: {  	_ =	swait.ge @!p0 [sflag:s11], $0x6400  }
0x46: {  	[sflag:s11] =	ssyncset.done @!p0 $0x0  }
0x47: {  	[sflag:s11] =	ssyncadd.s32 @!p0 $0xFFFF9C00  }
0x48: {  	s10 =	simm.s32 $0x0;
	[bflag:$0x0] =	sbarrier.arrive $0xFFFF  }
0x49: {  	[tilespmem:s29], [sflag:$0x1] =	stream.linear.gather [hbm4b:s16+s10], $0x1400, $0x38;
	[tilespmem:$0x1C580] =	vst v63  }
0x4a: {  	s15 =	rddreg [dreg:$0x4]  }
0x4b: {  	[tilespmem:s10], [sflag:$0x3] =	stream.linear.gather [hbm4b:s15+s10], $0x28, $0x38;
	[tilespmem:$0x1C580] =	vst v63  }
0x4c: {  	s14 =	rddreg [dreg:$0x5]  }
0x4d: {  	[tilespmem:s30], [sflag:$0x2] =	stream.linear.gather [hbm4b:s14+s10], $0x1400, $0x38;
	[tilespmem:$0x1C580] =	vst v63  }
0x4e: {  	s15 =	rddreg [dreg:$0x6]  }
0x4f: {  	[tilespmem:s31], [sflag:$0x4] =	stream.linear.gather [hbm4b:s15+s10], $0x28, $0x38;
	[tilespmem:$0x1C580] =	vst v63  }
0x50: {  	_ =	swait.ge [sflag:s0], $0x1400  }
0x51: {  	[sflag:s0] =	ssyncset.done $0x0  }
0x52: {  	[sflag:s0] =	ssyncadd.s32 $0xFFFFEC00  }
0x53: {  	_ =	swait.ge [sflag:s1], $0x28  }
0x54: {  	[sflag:s1] =	ssyncset.done $0x0  }
0x55: {  	[sflag:s1] =	ssyncadd.s32 $0xFFFFFFD8  }
0x56: {  	[spmem:s2] =	stream.indirect.scatter.add.f32 [tilespmem:s29], [sflag:$0x5], $0x80, s3, s5, $0xb8;
	[tilespmem:$0x1C580] =	vst v63  }
0x57: {  	_ =	swait.ge [sflag:s6], $0x1400  }
0x58: {  	[sflag:s6] =	ssyncset.done $0x0  }
0x59: {  	s14 =	sadd.s32 $0xFFFFFD80, s25;
	[sflag:s6] =	ssyncadd.s32 $0xFFFFEC00  }
0x5a: {  	[tilespmem:s29], [sflag:$0x1] =	stream.linear.gather [hbm4b:s14+s3], $0x1400, $0x38;
	[tilespmem:$0x1C580] =	vst v63  }
0x5b: {  	s15 =	sadd.s32 $0x0, s13  }
0x5c: {  	[tilespmem:s3], [sflag:$0x3] =	stream.linear.gather [hbm4b:s15+s3], $0x28, $0x38;
	[tilespmem:$0x1C580] =	vst v63  }
0x5d: {  	_ =	swait.ge [sflag:s4], $0x1400  }
0x5e: {  	[sflag:s4] =	ssyncset.done $0x0  }
0x5f: {  	[sflag:s4] =	ssyncadd.s32 $0xFFFFEC00  }
0x60: {  	_ =	swait.ge [sflag:s7], $0x28  }
0x61: {  	[sflag:s7] =	ssyncset.done $0x0  }
0x62: {  	[sflag:s7] =	ssyncadd.s32 $0xFFFFFFD8  }
0x63: {  	[spmem:s2] =	stream.indirect.scatter.add.f32 [tilespmem:s30], [sflag:$0x5], $0x80, s31, s5, $0xb8;
	[tilespmem:$0x1C580] =	vst v63  }
0x64: {  	_ =	swait.ge [sflag:s6], $0x1400  }
0x65: {  	s11 =	sadd.s32 $0x500, s25;
	[sflag:s6] =	ssyncset.done $0x0  }
0x66: {  	s10 =	simm.s32 $0xA;
	s14 =	sadd.s32 $0x0, s12;
	[sflag:s6] =	ssyncadd.s32 $0xFFFFEC00  }
0x67: {  	[tilespmem:s30], [sflag:$0x2] =	stream.linear.gather [hbm4b:s25+s3], $0x1400, $0x38;
	[tilespmem:$0x1C580] =	vst v63  }
.LBB2_4:
0x68: {  	[tilespmem:s31], [sflag:$0x4] =	stream.linear.gather [hbm4b:s14+s3], $0x28, $0x38;
	[tilespmem:$0x1C580] =	vst v63  }
0x69: {  	s14 =	smov.u32 s10  }
0x6a: {  	p1 =	sne.s32 s10, $0x258;
	s10 =	sadd.s32 $0xA, s10;
	_ =	swait.ge [sflag:s0], $0x1400  }
0x6b: {  	[sflag:s0] =	ssyncset.done $0x0  }
0x6c: {  	[sflag:s0] =	ssyncadd.s32 $0xFFFFEC00  }
0x6d: {  	_ =	swait.ge [sflag:s1], $0x28  }
0x6e: {  	[sflag:s1] =	ssyncset.done $0x0  }
0x6f: {  	[sflag:s1] =	ssyncadd.s32 $0xFFFFFFD8  }
0x70: {  	[spmem:s2] =	stream.indirect.scatter.add.f32 [tilespmem:s29], [sflag:$0x5], $0x80, s3, s5, $0xb8;
	[tilespmem:$0x1C580] =	vst v63  }
0x71: {  	_ =	swait.ge [sflag:s6], $0x1400  }
0x72: {  	[sflag:s6] =	ssyncset.done $0x0  }
0x73: {  	s15 =	sadd.s32 $0xFFFFFD80, s11;
	[sflag:s6] =	ssyncadd.s32 $0xFFFFEC00  }
0x74: {  	[tilespmem:s29], [sflag:$0x1] =	stream.linear.gather [hbm4b:s15+s3], $0x1400, $0x38;
	[tilespmem:$0x1C580] =	vst v63  }
0x75: {  	s15 =	sadd.s32 s14, s13  }
0x76: {  	[tilespmem:s3], [sflag:$0x3] =	stream.linear.gather [hbm4b:s15+s3], $0x28, $0x38;
	[tilespmem:$0x1C580] =	vst v63  }
0x77: {  	_ =	swait.ge [sflag:s4], $0x1400  }
0x78: {  	[sflag:s4] =	ssyncset.done $0x0  }
0x79: {  	[sflag:s4] =	ssyncadd.s32 $0xFFFFEC00  }
0x7a: {  	_ =	swait.ge [sflag:s7], $0x28  }
0x7b: {  	[sflag:s7] =	ssyncset.done $0x0  }
0x7c: {  	[sflag:s7] =	ssyncadd.s32 $0xFFFFFFD8  }
0x7d: {  	[spmem:s2] =	stream.indirect.scatter.add.f32 [tilespmem:s30], [sflag:$0x5], $0x80, s31, s5, $0xb8;
	[tilespmem:$0x1C580] =	vst v63  }
.Ltmp1:
0x7e: {  	_ =	swait.ge [sflag:s6], $0x1400;
	(pc) =	sbr.rel @p1 .LBB2_4-.Ltmp1, $4  }
0x7f: {  	[sflag:s6] =	ssyncset.done $0x0  }
0x80: {  	[sflag:s6] =	ssyncadd.s32 $0xFFFFEC00  }
0x81: {  	[tilespmem:s30], [sflag:$0x2] =	stream.linear.gather [hbm4b:s11+s3], $0x1400, $0x38;
	[tilespmem:$0x1C580] =	vst v63  }
0x82: {  	s14 =	sadd.s32 s14, s12;
	s11 =	sadd.s32 $0x500, s11  }
0x83: {  	[tilespmem:s31], [sflag:$0x4] =	stream.linear.gather [hbm4b:s14+s3], $0x28, $0x38;
	[tilespmem:$0x1C580] =	vst v63  }
0x84: {  	_ =	swait.ge [sflag:s0], $0x1400  }
0x85: {  	[sflag:s0] =	ssyncset.done $0x0  }
0x86: {  	[sflag:s0] =	ssyncadd.s32 $0xFFFFEC00  }
0x87: {  	_ =	swait.ge [sflag:s1], $0x28  }
0x88: {  	[sflag:s1] =	ssyncset.done $0x0  }
0x89: {  	[sflag:s1] =	ssyncadd.s32 $0xFFFFFFD8  }
0x8a: {  	[spmem:s2] =	stream.indirect.scatter.add.f32 [tilespmem:s29], [sflag:$0x5], $0x80, s3, s5, $0xb8;
	[tilespmem:$0x1C580] =	vst v63  }
0x8b: {  	_ =	swait.ge [sflag:s6], $0x1400  }
0x8c: {  	[sflag:s6] =	ssyncset.done $0x0  }
0x8d: {  	[sflag:s6] =	ssyncadd.s32 $0xFFFFEC00  }
0x8e: {  	[tilespmem:s29], [sflag:$0x1] =	stream.linear.gather [hbm4b:s28+s3], $0x1400, $0x38;
	[tilespmem:$0x1C580] =	vst v63  }
0x8f: {  	_ = 	snop  }
0x90: {  	[tilespmem:s3], [sflag:$0x3] =	stream.linear.gather [hbm4b:s20+s3], $0x28, $0x38;
	[tilespmem:$0x1C580] =	vst v63  }
0x91: {  	_ =	swait.ge [sflag:s4], $0x1400  }
0x92: {  	[sflag:s4] =	ssyncset.done $0x0  }
0x93: {  	[sflag:s4] =	ssyncadd.s32 $0xFFFFEC00  }
0x94: {  	_ =	swait.ge [sflag:s7], $0x28  }
0x95: {  	[sflag:s7] =	ssyncset.done $0x0  }
0x96: {  	[sflag:s7] =	ssyncadd.s32 $0xFFFFFFD8  }
0x97: {  	[spmem:s2] =	stream.indirect.scatter.add.f32 [tilespmem:s30], [sflag:$0x5], $0x80, s31, s5, $0xb8;
	[tilespmem:$0x1C580] =	vst v63  }
0x98: {  	_ =	swait.ge [sflag:s6], $0x1400  }
0x99: {  	[sflag:s6] =	ssyncset.done $0x0  }
0x9a: {  	[sflag:s6] =	ssyncadd.s32 $0xFFFFEC00  }
0x9b: {  	_ =	swait.ge [sflag:s0], $0x1400  }
0x9c: {  	[sflag:s0] =	ssyncset.done $0x0  }
0x9d: {  	[sflag:s0] =	ssyncadd.s32 $0xFFFFEC00  }
0x9e: {  	_ =	swait.ge [sflag:s1], $0x28  }
0x9f: {  	[sflag:s1] =	ssyncset.done $0x0  }
0xa0: {  	[sflag:s1] =	ssyncadd.s32 $0xFFFFFFD8  }
0xa1: {  	[spmem:s2] =	stream.indirect.scatter.add.f32 [tilespmem:s29], [sflag:$0x5], $0x80, s3, s5, $0xb8;
	[tilespmem:$0x1C580] =	vst v63  }
0xa2: {  	_ =	swait.ge [sflag:s6], $0x1400  }
0xa3: {  	[sflag:s6] =	ssyncset.done $0x0  }
0xa4: {  	[sflag:s6] =	ssyncadd.s32 $0xFFFFEC00  }
0xa5: {  	s10 =	simm.s32 @!p0 $0x2900;
	s11 =	simm.s32 @!p0 $0x5;
	[bflag:$0x0] =	sbarrier.arrive $0xFFFF  }
0xa6: {  	[tilespmem:s10], [sflag:$0x5] =	stream.linear.gather @!p0 [spmem:s9], $0x6400, $0x38;
	[tilespmem:$0x1C580] =	vst v63  }
0xa7: {  	_ =	swait.ge @!p0 [sflag:s11], $0x6400  }
0xa8: {  	[sflag:s11] =	ssyncset.done @!p0 $0x0  }
0xa9: {  	s14 =	simm.s32 @!p0 $0x0;
	s15 =	rddreg [dreg:$0xa];
	[sflag:s11] =	ssyncadd.s32 @!p0 $0xFFFF9C00  }
0xaa: {  	[hbm4b:s15+s14] =	stream.linear.scatter @!p0 [tilespmem:s10], [sflag:$0x5], $0x6400, $0x38;
	[tilespmem:$0x1C580] =	vst v63  }
0xab: {  	_ =	swait.ge @!p0 [sflag:s11], $0x6400  }
0xac: {  	[sflag:s11] =	ssyncset.done @!p0 $0x0  }
0xad: {  	[sflag:s11] =	ssyncadd.s32 @!p0 $0xFFFF9C00  }
0xae: {  	[tilespmem:s10], [sflag:$0x5] =	stream.linear.gather @!p0 [spmem:s21], $0x6400, $0x38;
	[tilespmem:$0x1C580] =	vst v63  }
0xaf: {  	_ =	swait.ge @!p0 [sflag:s11], $0x6400  }
0xb0: {  	[sflag:s11] =	ssyncset.done @!p0 $0x0  }
0xb1: {  	s15 =	rddreg [dreg:$0xb];
	[sflag:s11] =	ssyncadd.s32 @!p0 $0xFFFF9C00  }
0xb2: {  	[hbm4b:s15+s14] =	stream.linear.scatter @!p0 [tilespmem:s10], [sflag:$0x5], $0x6400, $0x38;
	[tilespmem:$0x1C580] =	vst v63  }
0xb3: {  	_ =	swait.ge @!p0 [sflag:s11], $0x6400  }
0xb4: {  	[sflag:s11] =	ssyncset.done @!p0 $0x0  }
0xb5: {  	[sflag:s11] =	ssyncadd.s32 @!p0 $0xFFFF9C00  }
0xb6: {  	[tilespmem:s10], [sflag:$0x5] =	stream.linear.gather @!p0 [spmem:s22], $0x6400, $0x38;
	[tilespmem:$0x1C580] =	vst v63  }
0xb7: {  	_ =	swait.ge @!p0 [sflag:s11], $0x6400  }
0xb8: {  	[sflag:s11] =	ssyncset.done @!p0 $0x0  }
0xb9: {  	s15 =	rddreg [dreg:$0xc];
	[sflag:s11] =	ssyncadd.s32 @!p0 $0xFFFF9C00  }
0xba: {  	[hbm4b:s15+s14] =	stream.linear.scatter @!p0 [tilespmem:s10], [sflag:$0x5], $0x6400, $0x38;
	[tilespmem:$0x1C580] =	vst v63  }
0xbb: {  	_ =	swait.ge @!p0 [sflag:s11], $0x6400  }
0xbc: {  	[sflag:s11] =	ssyncset.done @!p0 $0x0  }
0xbd: {  	[sflag:s11] =	ssyncadd.s32 @!p0 $0xFFFF9C00  }
0xbe: {  	[tilespmem:s10], [sflag:$0x5] =	stream.linear.gather @!p0 [spmem:s23], $0x6400, $0x38;
	[tilespmem:$0x1C580] =	vst v63  }
0xbf: {  	_ =	swait.ge @!p0 [sflag:s11], $0x6400  }
0xc0: {  	[sflag:s11] =	ssyncset.done @!p0 $0x0  }
0xc1: {  	[sflag:s11] =	ssyncadd.s32 @!p0 $0xFFFF9C00  }
0xc2: {  	[hbm4b:s17+s14] =	stream.linear.scatter @!p0 [tilespmem:s10], [sflag:$0x5], $0x6400, $0x38;
	[tilespmem:$0x1C580] =	vst v63  }
0xc3: {  	_ =	swait.ge @!p0 [sflag:s11], $0x6400  }
0xc4: {  	[sflag:s11] =	ssyncset.done @!p0 $0x0  }
0xc5: {  	[sflag:s11] =	ssyncadd.s32 @!p0 $0xFFFF9C00  }
0xc6: {  	[tilespmem:s10], [sflag:$0x5] =	stream.linear.gather @!p0 [spmem:s24], $0x6400, $0x38;
	[tilespmem:$0x1C580] =	vst v63  }
0xc7: {  	_ =	swait.ge @!p0 [sflag:s11], $0x6400  }
0xc8: {  	[sflag:s11] =	ssyncset.done @!p0 $0x0  }
0xc9: {  	[sflag:s11] =	ssyncadd.s32 @!p0 $0xFFFF9C00  }
0xca: {  	[hbm4b:s18+s14] =	stream.linear.scatter @!p0 [tilespmem:s10], [sflag:$0x5], $0x6400, $0x38;
	[tilespmem:$0x1C580] =	vst v63  }
0xcb: {  	_ =	swait.ge @!p0 [sflag:s11], $0x6400  }
0xcc: {  	s8 =	sadd.s32 $0x1, s8;
	s15 =	rddreg [dreg:$0x7]  }
0xcd: {  	p1 =	sne.s32 s8, s15  }
.Ltmp2:
0xce: {  	_ = 	snop;
	(pc) =	sbr.rel @p1 .LBB2_1-.Ltmp2, $3  }
0xcf: {  	_ =	sdelay $0x1  }
0xd0: {  	[sflag:s11] =	ssyncset.done @!p0 $0x0  }
0xd1: {  	[sflag:s11] =	ssyncadd.s32 @!p0 $0xFFFF9C00  }
0xd2: {  	_ =	sfence.sel $0x180000  }
0xd3: {  	[bflag:$0x0] =	sbarrier.arrive $0xFFFF  }
0xd4: {  	_ =	strace $0x9000004D  }
0xd5: {  	s0 =	stileid.u32;
	[bflag:$0x2] =	sbarrier.arrive $0xFFFF  }
0xd6: {  	p0 =	sne.s32 s0, $0x0;
	s0 =	rddreg [dreg:$0x3]  }
0xd7: {  	s0 =	sadd.s32 @!p0 $0x100000, s0  }
0xd8: {  	[sflag:s0] =	ssyncadd.tile.s32 @!p0 $0x1;
	_ =	shalt  }
.Lfunc_end2:
_tile_overlayer_lowered:
.L_overlay_start_2:
0xd9: {  	(tag) =	ssettag $0x2  }
0xda: {  	s0 =	rddreg [dreg:$0x0];
	s2 =	stileid.u32  }
0xdb: {  	s1 =	rddreg [dreg:$0x1];
	p0 =	sne.s32 s2, $0x0  }
0xdc: {  	s3 =	rddreg [dreg:$0x2];
	[bflag:$0x3] =	sbarrier.arrive $0xFFFF;
	s2 =	simm.s32 @!p0 $0x1C05  }
0xdd: {  	[timem:s3], [sflag:s2] =	dma.local @!p0 [hbm:s0], s1  }
0xde: {  	s0 =	simm.s32 @!p0 $0x5  }
0xdf: {  	_ =	swait.ge @!p0 [sflag:s0], s1  }
0xe0: {  	s1 =	ssub.s32 @!p0 $0x0, s1;
	[sflag:s0] =	ssyncset.done @!p0 $0x0  }
0xe1: {  	[sflag:s0] =	ssyncadd.s32 @!p0 s1  }
0xe2: {  	[bflag:$0x3] =	sbarrier.arrive $0xFFFF  }
0xe3: {  	_ =	shalt  }

</sc_bundles>
